<compile_context>
chip_gen: v7x
topology: tpu7x:2x2x1
jax: 0.10.2.dev20260603
libtpu: 0.0.44.dev20260713+nightly
codegen_flags: <defaults>
</compile_context>

<pallas_src>
import jax
import jax.numpy as jnp
from jax import lax
from jax.experimental import pallas as pl
from jax.experimental.pallas import tpu as pltpu
from jax.experimental.pallas import tpu_sc as plsc

T0, T1, D = 512, 512, 64
NC, NS, L = 2, 16, 16
NW = NC * NS
K = 2
C = K * 128
G = 128
NI, NJ = 4096, 200
NIT = NI // 128
NB2 = NJ * NIT // K
PER_W = NB2 // NW
R = 4


def _sc_embed_body(xf_hbm, tab_hbm, out_hbm, xv0, xv1, xv2, xv3, idx0, idx1,
                   idx2, idx3, rows0, rows1, rows2, rows3, tr0, tr1, sem_x,
                   sem_g, sem_o):
    wid = lax.axis_index("s") * NC + lax.axis_index("c")
    lane = lax.iota(jnp.int32, L)
    xvs, idxs = (xv0, xv1, xv2, xv3), (idx0, idx1, idx2, idx3)
    rowss, trs = (rows0, rows1, rows2, rows3), (tr0, tr1)
    base = wid * PER_W

    def quantize(v):
        t = (v * 0.5 + 0.5) * 512.0
        t = jnp.minimum(t, 511.0)
        t = jnp.maximum(t, 0.0)
        return t.astype(jnp.int32)

    def fire_x(b, xv):
        bid2 = jnp.minimum(base + b, NB2 - 1)
        pltpu.async_copy(xf_hbm.at[pl.ds(bid2 * (2 * C), 2 * C)], xv, sem_x)

    def wait_x():
        pltpu.make_async_copy(xf_hbm.at[pl.ds(0, 2 * C)], xv0, sem_x).wait()

    def comp_idx(xv, idx_v):
        @plsc.parallel_loop(0, C // L, 1, unroll=4)
        def comp(m):
            itp = m // (128 // L)
            mm = m % (128 // L)
            x0 = xv[pl.ds(itp * 256 + mm * L, L)]
            x1 = xv[pl.ds(itp * 256 + 128 + mm * L, L)]
            idx_v[pl.ds(m * L, L)] = quantize(x0) * 512 + quantize(x1)

    def fire_gathers(idx_v, rows):
        for g in range(C // G):
            pltpu.async_copy(
                tab_hbm.at[idx_v.at[pl.ds(g * G, G)]],
                rows.at[pl.ds(g * G, G)],
                sem_g,
            )

    def wait_gathers():
        for g in range(C // G):
            pltpu.make_async_copy(
                tab_hbm.at[idx0.at[pl.ds(0, G)]], rows0.at[pl.ds(0, G)], sem_g
            ).wait()

    def transpose(rows, tr):
        @plsc.parallel_loop(0, 64 * (C // L), 1, unroll=16)
        def tbody(u):
            k = u // (C // L)
            m = u % (C // L)
            t0 = m * L
            v = plsc.load_gather(rows, [t0 + lane, jnp.broadcast_to(k, (L,))])
            inner = (t0 // 128) * 1024 + (k % 8) * 128 + (t0 % 128)
            tr[k // 8, pl.ds(inner, L)] = v

    def fire_out(b, tr):
        bid2 = base + b
        j = bid2 // (NIT // K)
        itp = bid2 % (NIT // K)
        pltpu.async_copy(tr, out_hbm.at[j, :, itp, :], sem_o)

    def wait_out():
        pltpu.make_async_copy(tr0, out_hbm.at[0, :, 0, :], sem_o).wait()

    fire_x(0, xvs[0])
    fire_x(1, xvs[1])
    wait_x()
    comp_idx(xvs[0], idxs[0])
    fire_gathers(idxs[0], rowss[0])
    fire_x(2, xvs[2])
    wait_x()
    comp_idx(xvs[1], idxs[1])
    fire_gathers(idxs[1], rowss[1])
    fire_x(3, xvs[3])
    wait_x()
    comp_idx(xvs[2], idxs[2])
    fire_gathers(idxs[2], rowss[2])
    wait_gathers()
    transpose(rowss[0], trs[0])
    fire_out(0, trs[0])
    fire_x(4, xvs[0])
    wait_x()
    comp_idx(xvs[3], idxs[3])
    fire_gathers(idxs[3], rowss[3])
    wait_gathers()
    transpose(rowss[1], trs[1])
    fire_out(1, trs[1])

    def body4(kk, carry):
        for q in range(R):
            b = 4 + R * kk + q
            fire_x(b + 1, xvs[(q + 1) % R])
            wait_x()
            comp_idx(xvs[q], idxs[q])
            fire_gathers(idxs[q], rowss[q])
            wait_gathers()
            wait_out()
            transpose(rowss[(q + 2) % R], trs[q % 2])
            fire_out(b - 2, trs[q % 2])
        return carry

    lax.fori_loop(0, (PER_W - 4) // R, body4, 0)

    wait_x()
    wait_gathers()
    wait_out()
    transpose(rowss[98 % R], trs[0])
    fire_out(98, trs[0])
    wait_gathers()
    wait_out()
    transpose(rowss[99 % R], trs[1])
    fire_out(99, trs[1])
    wait_out()
    wait_out()


@jax.jit
def _sc_embed(xf, tab):
    mesh = plsc.VectorSubcoreMesh(core_axis_name="c", subcore_axis_name="s")
    return pl.kernel(
        _sc_embed_body,
        out_type=jax.ShapeDtypeStruct((NJ, 8, NIT // K, K * 1024),
                                      jnp.float32),
        mesh=mesh,
        compiler_params=pltpu.CompilerParams(
            needs_layout_passes=False, use_tc_tiling_on_sc=False
        ),
        scratch_types=[
            pltpu.VMEM((2 * C,), jnp.float32),
            pltpu.VMEM((2 * C,), jnp.float32),
            pltpu.VMEM((2 * C,), jnp.float32),
            pltpu.VMEM((2 * C,), jnp.float32),
            pltpu.VMEM((C,), jnp.int32),
            pltpu.VMEM((C,), jnp.int32),
            pltpu.VMEM((C,), jnp.int32),
            pltpu.VMEM((C,), jnp.int32),
            pltpu.VMEM((C, D), jnp.float32),
            pltpu.VMEM((C, D), jnp.float32),
            pltpu.VMEM((C, D), jnp.float32),
            pltpu.VMEM((C, D), jnp.float32),
            pltpu.VMEM((8, K * 1024), jnp.float32),
            pltpu.VMEM((8, K * 1024), jnp.float32),
            pltpu.SemaphoreType.DMA,
            pltpu.SemaphoreType.DMA,
            pltpu.SemaphoreType.DMA,
        ],
    )(xf, tab)


def kernel(x, table):
    xf = x.reshape(NIT, 128, NJ, 2).transpose(2, 0, 3, 1).reshape(-1)
    tab = table.reshape(T0 * T1, D)
    out = _sc_embed(xf, tab)
    return (
        out.reshape(NJ, 8, NIT, 8, 128)
        .transpose(2, 4, 0, 1, 3)
        .reshape(NI, NJ, D)
    )

# --- scband reference (transcript-rebuilt; emitter-appended) ---
"""Pipeline reference for scband-table-embed-22840636080897 (READ-ONLY COPY).

The authoritative reference and input builder live on the scoring server;
editing this copy changes nothing except your own understanding.
"""

import jax, jax.numpy as jnp
import numpy as np

TABLE_SIZE = (512, 512)
D_EMBED = 64


def setup_inputs(seed: int = 0) -> dict:
    key = jax.random.key(seed)
    k1, k2 = jax.random.split(key)
    x = jax.random.normal(k1, (4096, 200, 2), dtype=jnp.float32)
    # learned table parameter [*table_size, d_embed]; original init is a
    # zero-mean gaussian-bump table -- random zero-mean init is equivalent for
    # benchmarking the forward gather.
    table = jax.random.normal(k2, (TABLE_SIZE[0], TABLE_SIZE[1], D_EMBED), dtype=jnp.float32) * 0.05
    return {"x": x, "table": table}


def reference(x, table):
    # identity input_mapping
    ts = jnp.asarray(TABLE_SIZE, dtype=jnp.float32)
    loc = (x * 0.5 + 0.5) * ts
    loc = jnp.minimum(loc, ts - 1.0)
    loc = jnp.maximum(loc, 0.0)
    loc = jnp.floor(loc).astype(jnp.int32)
    # table[loc0, loc1] -> gather of d_embed vectors
    return table[loc[..., 0], loc[..., 1]]

if __name__ == "__main__":
    import jax
    _d = setup_inputs()
    print(jax.jit(kernel)(*tuple(_d.values())))

</pallas_src>

<mosaic_0001>
#map = affine_map<(d0, d1) -> (0)>
#map1 = affine_map<(d0, d1) -> (0, 0)>
#map2 = affine_map<(d0, d1) -> (0, 0, 0, 0)>
module attributes {stable_mosaic.version = 14 : i64} {
  func.func @_sc_embed_body(%arg0: i32, %arg1: i32, %arg2: memref<1638400xf32, #tpu.memory_space<hbm>>, %arg3: memref<262144x64xf32, #tpu.memory_space<hbm>>, %arg4: memref<200x8x16x2048xf32, #tpu.memory_space<hbm>>, %arg5: memref<512xf32, #tpu.memory_space<vmem>>, %arg6: memref<512xf32, #tpu.memory_space<vmem>>, %arg7: memref<512xf32, #tpu.memory_space<vmem>>, %arg8: memref<512xf32, #tpu.memory_space<vmem>>, %arg9: memref<256xi32, #tpu.memory_space<vmem>>, %arg10: memref<256xi32, #tpu.memory_space<vmem>>, %arg11: memref<256xi32, #tpu.memory_space<vmem>>, %arg12: memref<256xi32, #tpu.memory_space<vmem>>, %arg13: memref<256x64xf32, #tpu.memory_space<vmem>>, %arg14: memref<256x64xf32, #tpu.memory_space<vmem>>, %arg15: memref<256x64xf32, #tpu.memory_space<vmem>>, %arg16: memref<256x64xf32, #tpu.memory_space<vmem>>, %arg17: memref<8x2048xf32, #tpu.memory_space<vmem>>, %arg18: memref<8x2048xf32, #tpu.memory_space<vmem>>, %arg19: memref<!tpu.dma_semaphore, #tpu.memory_space<semaphore_mem>>, %arg20: memref<!tpu.dma_semaphore, #tpu.memory_space<semaphore_mem>>, %arg21: memref<!tpu.dma_semaphore, #tpu.memory_space<semaphore_mem>>) attributes {dimension_semantics = [#tpu.dimension_semantics<core_parallel>, #tpu.dimension_semantics<subcore_parallel>], iteration_bounds = array<i64: 2, 16>, scalar_prefetch = 0 : i64, scratch_operands = 17 : i64, tpu.core_type = #tpu.core_type<sc_vector_subcore>, window_params = [{transform_indices = #map}, {transform_indices = #map1}, {transform_indices = #map2}]} {
    %mul3A = arith.constant 2 : i32
    %mul3A_0 = arith.muli %arg1, %mul3A : i32
    %add3A = arith.addi %mul3A_0, %arg0 : i32
    %iota3A = tpu.iota {dimensions = array<i32: 0>} : vector<16xi32>
    %mul3A_1 = arith.constant 100 : i32
    %mul3A_2 = arith.muli %add3A, %mul3A_1 : i32
    %add3A_3 = arith.constant 0 : i32
    %add3A_4 = arith.addi %mul3A_2, %add3A_3 : i32
    %min3A = arith.constant 3199 : i32
    %min3A_5 = arith.minsi %add3A_4, %min3A : i32
    %mul3A_6 = arith.constant 512 : i32
    %mul3A_7 = arith.muli %min3A_5, %mul3A_6 : i32
    %dma_start3A = tpu.memref_slice %arg2[%mul3A_7] : memref<1638400xf32, #tpu.memory_space<hbm>> -> memref<512xf32, #tpu.memory_space<hbm>>
    %dma_start3A_8 = tpu.memref_slice %arg2[%mul3A_7] : memref<1638400xf32, #tpu.memory_space<hbm>> -> memref<512xf32, #tpu.memory_space<hbm>>
    tpu.enqueue_dma source(%dma_start3A_8 : memref<512xf32, #tpu.memory_space<hbm>>) target(%arg5 : memref<512xf32, #tpu.memory_space<vmem>>) target_semaphore(%arg19 : memref<!tpu.dma_semaphore, #tpu.memory_space<semaphore_mem>>)
    %add3A_9 = arith.constant 1 : i32
    %add3A_10 = arith.addi %mul3A_2, %add3A_9 : i32
    %min3A_11 = arith.constant 3199 : i32
    %min3A_12 = arith.minsi %add3A_10, %min3A_11 : i32
    %mul3A_13 = arith.constant 512 : i32
    %mul3A_14 = arith.muli %min3A_12, %mul3A_13 : i32
    %dma_start3A_15 = tpu.memref_slice %arg2[%mul3A_14] : memref<1638400xf32, #tpu.memory_space<hbm>> -> memref<512xf32, #tpu.memory_space<hbm>>
    %dma_start3A_16 = tpu.memref_slice %arg2[%mul3A_14] : memref<1638400xf32, #tpu.memory_space<hbm>> -> memref<512xf32, #tpu.memory_space<hbm>>
    tpu.enqueue_dma source(%dma_start3A_16 : memref<512xf32, #tpu.memory_space<hbm>>) target(%arg6 : memref<512xf32, #tpu.memory_space<vmem>>) target_semaphore(%arg19 : memref<!tpu.dma_semaphore, #tpu.memory_space<semaphore_mem>>)
    %dma_wait3A = arith.constant 0 : i32
    %dma_wait3A_17 = tpu.memref_slice %arg2[%dma_wait3A] : memref<1638400xf32, #tpu.memory_space<hbm>> -> memref<512xf32, #tpu.memory_space<hbm>>
    %dma_wait3A_18 = arith.constant 0 : i32
    %dma_wait3A_19 = tpu.memref_slice %arg2[%dma_wait3A_18] : memref<1638400xf32, #tpu.memory_space<hbm>> -> memref<512xf32, #tpu.memory_space<hbm>>
    tpu.wait_dma2 semaphore(%arg19 : memref<!tpu.dma_semaphore, #tpu.memory_space<semaphore_mem>>) src(%dma_wait3A_19 : memref<512xf32, #tpu.memory_space<hbm>>) dst(%arg5 : memref<512xf32, #tpu.memory_space<vmem>>)
    %parallel_loop3A = arith.constant 0 : i32
    %parallel_loop3A_20 = arith.constant 16 : i32
    %parallel_loop3A_21 = arith.constant 1 : i32
    scf.for %parallel_loop3A_446 = %parallel_loop3A to %parallel_loop3A_20 step %parallel_loop3A_21  : i32 {
      %parallel_loop3A_447 = arith.constant 8 : i32
      %parallel_loop3A_448 = arith.divsi %parallel_loop3A_446, %parallel_loop3A_447 : i32
      %parallel_loop3A_449 = arith.constant 0 : i32
      %parallel_loop3A_450 = arith.cmpi sgt, %parallel_loop3A_446, %parallel_loop3A_449 : i32
      %parallel_loop3A_451 = arith.extui %parallel_loop3A_450 : i1 to i32
      %parallel_loop3A_452 = arith.constant 0 : i32
      %parallel_loop3A_453 = arith.cmpi slt, %parallel_loop3A_446, %parallel_loop3A_452 : i32
      %parallel_loop3A_454 = arith.extui %parallel_loop3A_453 : i1 to i32
      %parallel_loop3A_455 = arith.subi %parallel_loop3A_451, %parallel_loop3A_454 : i32
      %parallel_loop3A_456 = arith.constant 0 : i32
      %parallel_loop3A_457 = arith.cmpi sgt, %parallel_loop3A_447, %parallel_loop3A_456 : i32
      %parallel_loop3A_458 = arith.extui %parallel_loop3A_457 : i1 to i32
      %parallel_loop3A_459 = arith.constant 0 : i32
      %parallel_loop3A_460 = arith.cmpi slt, %parallel_loop3A_447, %parallel_loop3A_459 : i32
      %parallel_loop3A_461 = arith.extui %parallel_loop3A_460 : i1 to i32
      %parallel_loop3A_462 = arith.subi %parallel_loop3A_458, %parallel_loop3A_461 : i32
      %parallel_loop3A_463 = arith.cmpi ne, %parallel_loop3A_455, %parallel_loop3A_462 : i32
      %parallel_loop3A_464 = arith.remsi %parallel_loop3A_446, %parallel_loop3A_447 : i32
      %parallel_loop3A_465 = arith.constant 0 : i32
      %parallel_loop3A_466 = arith.cmpi ne, %parallel_loop3A_464, %parallel_loop3A_465 : i32
      %parallel_loop3A_467 = arith.andi %parallel_loop3A_463, %parallel_loop3A_466 : i1
      %parallel_loop3A_468 = arith.constant 1 : i32
      %parallel_loop3A_469 = arith.subi %parallel_loop3A_448, %parallel_loop3A_468 : i32
      %parallel_loop3A_470 = arith.select %parallel_loop3A_467, %parallel_loop3A_469, %parallel_loop3A_448 : i32
      %parallel_loop3A_471 = arith.constant 8 : i32
      %parallel_loop3A_472 = arith.constant 0 : i32
      %parallel_loop3A_473 = arith.cmpi eq, %parallel_loop3A_471, %parallel_loop3A_472 : i32
      %parallel_loop3A_474 = arith.constant 1 : i32
      %parallel_loop3A_475 = arith.select %parallel_loop3A_473, %parallel_loop3A_474, %parallel_loop3A_471 : i32
      %parallel_loop3A_476 = arith.remsi %parallel_loop3A_446, %parallel_loop3A_475 : i32
      %parallel_loop3A_477 = arith.constant 0 : i32
      %parallel_loop3A_478 = arith.cmpi ne, %parallel_loop3A_476, %parallel_loop3A_477 : i32
      %parallel_loop3A_479 = arith.constant 0 : i32
      %parallel_loop3A_480 = arith.cmpi slt, %parallel_loop3A_476, %parallel_loop3A_479 : i32
      %parallel_loop3A_481 = arith.constant 0 : i32
      %parallel_loop3A_482 = arith.cmpi slt, %parallel_loop3A_475, %parallel_loop3A_481 : i32
      %parallel_loop3A_483 = arith.xori %parallel_loop3A_480, %parallel_loop3A_482 : i1
      %parallel_loop3A_484 = arith.andi %parallel_loop3A_483, %parallel_loop3A_478 : i1
      %parallel_loop3A_485 = arith.addi %parallel_loop3A_476, %parallel_loop3A_475 : i32
      %parallel_loop3A_486 = arith.select %parallel_loop3A_484, %parallel_loop3A_485, %parallel_loop3A_476 : i32
      %parallel_loop3A_487 = arith.constant 256 : i32
      %parallel_loop3A_488 = arith.muli %parallel_loop3A_470, %parallel_loop3A_487 : i32
      %parallel_loop3A_489 = arith.constant 16 : i32
      %parallel_loop3A_490 = arith.muli %parallel_loop3A_486, %parallel_loop3A_489 : i32
      %parallel_loop3A_491 = arith.addi %parallel_loop3A_488, %parallel_loop3A_490 : i32
      %parallel_loop3A_492 = arith.index_cast %parallel_loop3A_491 : i32 to index
      %parallel_loop3A_493 = tpu.vector_load %arg5[%parallel_loop3A_492] {strides = array<i32>} : memref<512xf32, #tpu.memory_space<vmem>>, vector<16xf32>,
      %parallel_loop3A_494 = arith.constant 256 : i32
      %parallel_loop3A_495 = arith.muli %parallel_loop3A_470, %parallel_loop3A_494 : i32
      %parallel_loop3A_496 = arith.constant 128 : i32
      %parallel_loop3A_497 = arith.addi %parallel_loop3A_495, %parallel_loop3A_496 : i32
      %parallel_loop3A_498 = arith.constant 16 : i32
      %parallel_loop3A_499 = arith.muli %parallel_loop3A_486, %parallel_loop3A_498 : i32
      %parallel_loop3A_500 = arith.addi %parallel_loop3A_497, %parallel_loop3A_499 : i32
      %parallel_loop3A_501 = arith.index_cast %parallel_loop3A_500 : i32 to index
      %parallel_loop3A_502 = tpu.vector_load %arg5[%parallel_loop3A_501] {strides = array<i32>} : memref<512xf32, #tpu.memory_space<vmem>>, vector<16xf32>,
      %parallel_loop3A_503 = arith.constant 5.000000e-01 : f32
      %parallel_loop3A_504 = vector.broadcast %parallel_loop3A_503 : f32 to vector<16xf32>
      %parallel_loop3A_505 = arith.mulf %parallel_loop3A_493, %parallel_loop3A_504 : vector<16xf32>
      %parallel_loop3A_506 = arith.constant 5.000000e-01 : f32
      %parallel_loop3A_507 = vector.broadcast %parallel_loop3A_506 : f32 to vector<16xf32>
      %parallel_loop3A_508 = arith.addf %parallel_loop3A_505, %parallel_loop3A_507 : vector<16xf32>
      %parallel_loop3A_509 = arith.constant 5.120000e+02 : f32
      %parallel_loop3A_510 = vector.broadcast %parallel_loop3A_509 : f32 to vector<16xf32>
      %parallel_loop3A_511 = arith.mulf %parallel_loop3A_508, %parallel_loop3A_510 : vector<16xf32>
      %parallel_loop3A_512 = arith.constant 5.110000e+02 : f32
      %parallel_loop3A_513 = vector.broadcast %parallel_loop3A_512 : f32 to vector<16xf32>
      %parallel_loop3A_514 = arith.minimumf %parallel_loop3A_511, %parallel_loop3A_513 : vector<16xf32>
      %parallel_loop3A_515 = arith.constant 0.000000e+00 : f32
      %parallel_loop3A_516 = vector.broadcast %parallel_loop3A_515 : f32 to vector<16xf32>
      %parallel_loop3A_517 = arith.maximumf %parallel_loop3A_514, %parallel_loop3A_516 : vector<16xf32>
      %parallel_loop3A_518 = arith.fptosi %parallel_loop3A_517 : vector<16xf32> to vector<16xi32>
      %parallel_loop3A_519 = arith.constant 512 : i32
      %parallel_loop3A_520 = vector.broadcast %parallel_loop3A_519 : i32 to vector<16xi32>
      %parallel_loop3A_521 = arith.muli %parallel_loop3A_518, %parallel_loop3A_520 : vector<16xi32>
      %parallel_loop3A_522 = arith.constant 5.000000e-01 : f32
      %parallel_loop3A_523 = vector.broadcast %parallel_loop3A_522 : f32 to vector<16xf32>
      %parallel_loop3A_524 = arith.mulf %parallel_loop3A_502, %parallel_loop3A_523 : vector<16xf32>
      %parallel_loop3A_525 = arith.constant 5.000000e-01 : f32
      %parallel_loop3A_526 = vector.broadcast %parallel_loop3A_525 : f32 to vector<16xf32>
      %parallel_loop3A_527 = arith.addf %parallel_loop3A_524, %parallel_loop3A_526 : vector<16xf32>
      %parallel_loop3A_528 = arith.constant 5.120000e+02 : f32
      %parallel_loop3A_529 = vector.broadcast %parallel_loop3A_528 : f32 to vector<16xf32>
      %parallel_loop3A_530 = arith.mulf %parallel_loop3A_527, %parallel_loop3A_529 : vector<16xf32>
      %parallel_loop3A_531 = arith.constant 5.110000e+02 : f32
      %parallel_loop3A_532 = vector.broadcast %parallel_loop3A_531 : f32 to vector<16xf32>
      %parallel_loop3A_533 = arith.minimumf %parallel_loop3A_530, %parallel_loop3A_532 : vector<16xf32>
      %parallel_loop3A_534 = arith.constant 0.000000e+00 : f32
      %parallel_loop3A_535 = vector.broadcast %parallel_loop3A_534 : f32 to vector<16xf32>
      %parallel_loop3A_536 = arith.maximumf %parallel_loop3A_533, %parallel_loop3A_535 : vector<16xf32>
      %parallel_loop3A_537 = arith.fptosi %parallel_loop3A_536 : vector<16xf32> to vector<16xi32>
      %parallel_loop3A_538 = arith.addi %parallel_loop3A_521, %parallel_loop3A_537 : vector<16xi32>
      %parallel_loop3A_539 = arith.constant 16 : i32
      %parallel_loop3A_540 = arith.muli %parallel_loop3A_446, %parallel_loop3A_539 : i32
      %parallel_loop3A_541 = arith.index_cast %parallel_loop3A_540 : i32 to index
      %parallel_loop3A_542 = tpu.vector_load %arg9[%parallel_loop3A_541] {strides = array<i32>} : memref<256xi32, #tpu.memory_space<vmem>>, vector<16xi32>,
      tpu.vector_store %arg9[%parallel_loop3A_541], %parallel_loop3A_538 {strides = array<i32>} : memref<256xi32, #tpu.memory_space<vmem>>, vector<16xi32>,
    } {sc.loop_unroll_factor = 4 : i64, sc.parallel_access}
    %dma_start3A_22 = arith.constant 0 : i32
    %dma_start3A_23 = arith.constant 0 : i32
    %dma_start3A_24 = tpu.memref_slice %arg13[%dma_start3A_22, %dma_start3A_23] : memref<256x64xf32, #tpu.memory_space<vmem>> -> memref<128x64xf32, #tpu.memory_space<vmem>>
    %dma_start3A_25 = arith.constant 0 : i32
    %dma_start3A_26 = tpu.memref_slice %arg9[%dma_start3A_25] : memref<256xi32, #tpu.memory_space<vmem>> -> memref<128xi32, #tpu.memory_space<vmem>>
    %dma_start3A_27 = arith.constant 0 : i32
    %dma_start3A_28 = arith.constant 0 : i32
    %dma_start3A_29 = tpu.memref_slice %arg3[%dma_start3A_27, %dma_start3A_28] : memref<262144x64xf32, #tpu.memory_space<hbm>> -> memref<262144x64xf32, #tpu.memory_space<hbm>>
    tpu.enqueue_indirect_dma source(%dma_start3A_29 : memref<262144x64xf32, #tpu.memory_space<hbm>>) target(%dma_start3A_24 : memref<128x64xf32, #tpu.memory_space<vmem>>) offsets(%dma_start3A_26 : memref<128xi32, #tpu.memory_space<vmem>>) semaphore(%arg20 : memref<!tpu.dma_semaphore, #tpu.memory_space<semaphore_mem>>)
    %dma_start3A_30 = arith.constant 128 : i32
    %dma_start3A_31 = arith.constant 0 : i32
    %dma_start3A_32 = tpu.memref_slice %arg13[%dma_start3A_30, %dma_start3A_31] : memref<256x64xf32, #tpu.memory_space<vmem>> -> memref<128x64xf32, #tpu.memory_space<vmem>>
    %dma_start3A_33 = arith.constant 128 : i32
    %dma_start3A_34 = tpu.memref_slice %arg9[%dma_start3A_33] : memref<256xi32, #tpu.memory_space<vmem>> -> memref<128xi32, #tpu.memory_space<vmem>>
    %dma_start3A_35 = arith.constant 0 : i32
    %dma_start3A_36 = arith.constant 0 : i32
    %dma_start3A_37 = tpu.memref_slice %arg3[%dma_start3A_35, %dma_start3A_36] : memref<262144x64xf32, #tpu.memory_space<hbm>> -> memref<262144x64xf32, #tpu.memory_space<hbm>>
    tpu.enqueue_indirect_dma source(%dma_start3A_37 : memref<262144x64xf32, #tpu.memory_space<hbm>>) target(%dma_start3A_32 : memref<128x64xf32, #tpu.memory_space<vmem>>) offsets(%dma_start3A_34 : memref<128xi32, #tpu.memory_space<vmem>>) semaphore(%arg20 : memref<!tpu.dma_semaphore, #tpu.memory_space<semaphore_mem>>)
    %add3A_38 = arith.constant 2 : i32
    %add3A_39 = arith.addi %mul3A_2, %add3A_38 : i32
    %min3A_40 = arith.constant 3199 : i32
    %min3A_41 = arith.minsi %add3A_39, %min3A_40 : i32
    %mul3A_42 = arith.constant 512 : i32
    %mul3A_43 = arith.muli %min3A_41, %mul3A_42 : i32
    %dma_start3A_44 = tpu.memref_slice %arg2[%mul3A_43] : memref<1638400xf32, #tpu.memory_space<hbm>> -> memref<512xf32, #tpu.memory_space<hbm>>
    %dma_start3A_45 = tpu.memref_slice %arg2[%mul3A_43] : memref<1638400xf32, #tpu.memory_space<hbm>> -> memref<512xf32, #tpu.memory_space<hbm>>
    tpu.enqueue_dma source(%dma_start3A_45 : memref<512xf32, #tpu.memory_space<hbm>>) target(%arg7 : memref<512xf32, #tpu.memory_space<vmem>>) target_semaphore(%arg19 : memref<!tpu.dma_semaphore, #tpu.memory_space<semaphore_mem>>)
    %dma_wait3A_46 = arith.constant 0 : i32
    %dma_wait3A_47 = tpu.memref_slice %arg2[%dma_wait3A_46] : memref<1638400xf32, #tpu.memory_space<hbm>> -> memref<512xf32, #tpu.memory_space<hbm>>
    %dma_wait3A_48 = arith.constant 0 : i32
    %dma_wait3A_49 = tpu.memref_slice %arg2[%dma_wait3A_48] : memref<1638400xf32, #tpu.memory_space<hbm>> -> memref<512xf32, #tpu.memory_space<hbm>>
    tpu.wait_dma2 semaphore(%arg19 : memref<!tpu.dma_semaphore, #tpu.memory_space<semaphore_mem>>) src(%dma_wait3A_49 : memref<512xf32, #tpu.memory_space<hbm>>) dst(%arg5 : memref<512xf32, #tpu.memory_space<vmem>>)
    %parallel_loop3A_50 = arith.constant 0 : i32
    %parallel_loop3A_51 = arith.constant 16 : i32
    %parallel_loop3A_52 = arith.constant 1 : i32
    scf.for %parallel_loop3A_446 = %parallel_loop3A_50 to %parallel_loop3A_51 step %parallel_loop3A_52  : i32 {
      %parallel_loop3A_447 = arith.constant 8 : i32
      %parallel_loop3A_448 = arith.divsi %parallel_loop3A_446, %parallel_loop3A_447 : i32
      %parallel_loop3A_449 = arith.constant 0 : i32
      %parallel_loop3A_450 = arith.cmpi sgt, %parallel_loop3A_446, %parallel_loop3A_449 : i32
      %parallel_loop3A_451 = arith.extui %parallel_loop3A_450 : i1 to i32
      %parallel_loop3A_452 = arith.constant 0 : i32
      %parallel_loop3A_453 = arith.cmpi slt, %parallel_loop3A_446, %parallel_loop3A_452 : i32
      %parallel_loop3A_454 = arith.extui %parallel_loop3A_453 : i1 to i32
      %parallel_loop3A_455 = arith.subi %parallel_loop3A_451, %parallel_loop3A_454 : i32
      %parallel_loop3A_456 = arith.constant 0 : i32
      %parallel_loop3A_457 = arith.cmpi sgt, %parallel_loop3A_447, %parallel_loop3A_456 : i32
      %parallel_loop3A_458 = arith.extui %parallel_loop3A_457 : i1 to i32
      %parallel_loop3A_459 = arith.constant 0 : i32
      %parallel_loop3A_460 = arith.cmpi slt, %parallel_loop3A_447, %parallel_loop3A_459 : i32
      %parallel_loop3A_461 = arith.extui %parallel_loop3A_460 : i1 to i32
      %parallel_loop3A_462 = arith.subi %parallel_loop3A_458, %parallel_loop3A_461 : i32
      %parallel_loop3A_463 = arith.cmpi ne, %parallel_loop3A_455, %parallel_loop3A_462 : i32
      %parallel_loop3A_464 = arith.remsi %parallel_loop3A_446, %parallel_loop3A_447 : i32
      %parallel_loop3A_465 = arith.constant 0 : i32
      %parallel_loop3A_466 = arith.cmpi ne, %parallel_loop3A_464, %parallel_loop3A_465 : i32
      %parallel_loop3A_467 = arith.andi %parallel_loop3A_463, %parallel_loop3A_466 : i1
      %parallel_loop3A_468 = arith.constant 1 : i32
      %parallel_loop3A_469 = arith.subi %parallel_loop3A_448, %parallel_loop3A_468 : i32
      %parallel_loop3A_470 = arith.select %parallel_loop3A_467, %parallel_loop3A_469, %parallel_loop3A_448 : i32
      %parallel_loop3A_471 = arith.constant 8 : i32
      %parallel_loop3A_472 = arith.constant 0 : i32
      %parallel_loop3A_473 = arith.cmpi eq, %parallel_loop3A_471, %parallel_loop3A_472 : i32
      %parallel_loop3A_474 = arith.constant 1 : i32
      %parallel_loop3A_475 = arith.select %parallel_loop3A_473, %parallel_loop3A_474, %parallel_loop3A_471 : i32
      %parallel_loop3A_476 = arith.remsi %parallel_loop3A_446, %parallel_loop3A_475 : i32
      %parallel_loop3A_477 = arith.constant 0 : i32
      %parallel_loop3A_478 = arith.cmpi ne, %parallel_loop3A_476, %parallel_loop3A_477 : i32
      %parallel_loop3A_479 = arith.constant 0 : i32
      %parallel_loop3A_480 = arith.cmpi slt, %parallel_loop3A_476, %parallel_loop3A_479 : i32
      %parallel_loop3A_481 = arith.constant 0 : i32
      %parallel_loop3A_482 = arith.cmpi slt, %parallel_loop3A_475, %parallel_loop3A_481 : i32
      %parallel_loop3A_483 = arith.xori %parallel_loop3A_480, %parallel_loop3A_482 : i1
      %parallel_loop3A_484 = arith.andi %parallel_loop3A_483, %parallel_loop3A_478 : i1
      %parallel_loop3A_485 = arith.addi %parallel_loop3A_476, %parallel_loop3A_475 : i32
      %parallel_loop3A_486 = arith.select %parallel_loop3A_484, %parallel_loop3A_485, %parallel_loop3A_476 : i32
      %parallel_loop3A_487 = arith.constant 256 : i32
      %parallel_loop3A_488 = arith.muli %parallel_loop3A_470, %parallel_loop3A_487 : i32
      %parallel_loop3A_489 = arith.constant 16 : i32
      %parallel_loop3A_490 = arith.muli %parallel_loop3A_486, %parallel_loop3A_489 : i32
      %parallel_loop3A_491 = arith.addi %parallel_loop3A_488, %parallel_loop3A_490 : i32
      %parallel_loop3A_492 = arith.index_cast %parallel_loop3A_491 : i32 to index
      %parallel_loop3A_493 = tpu.vector_load %arg6[%parallel_loop3A_492] {strides = array<i32>} : memref<512xf32, #tpu.memory_space<vmem>>, vector<16xf32>,
      %parallel_loop3A_494 = arith.constant 256 : i32
      %parallel_loop3A_495 = arith.muli %parallel_loop3A_470, %parallel_loop3A_494 : i32
      %parallel_loop3A_496 = arith.constant 128 : i32
      %parallel_loop3A_497 = arith.addi %parallel_loop3A_495, %parallel_loop3A_496 : i32
      %parallel_loop3A_498 = arith.constant 16 : i32
      %parallel_loop3A_499 = arith.muli %parallel_loop3A_486, %parallel_loop3A_498 : i32
      %parallel_loop3A_500 = arith.addi %parallel_loop3A_497, %parallel_loop3A_499 : i32
      %parallel_loop3A_501 = arith.index_cast %parallel_loop3A_500 : i32 to index
      %parallel_loop3A_502 = tpu.vector_load %arg6[%parallel_loop3A_501] {strides = array<i32>} : memref<512xf32, #tpu.memory_space<vmem>>, vector<16xf32>,
      %parallel_loop3A_503 = arith.constant 5.000000e-01 : f32
      %parallel_loop3A_504 = vector.broadcast %parallel_loop3A_503 : f32 to vector<16xf32>
      %parallel_loop3A_505 = arith.mulf %parallel_loop3A_493, %parallel_loop3A_504 : vector<16xf32>
      %parallel_loop3A_506 = arith.constant 5.000000e-01 : f32
      %parallel_loop3A_507 = vector.broadcast %parallel_loop3A_506 : f32 to vector<16xf32>
      %parallel_loop3A_508 = arith.addf %parallel_loop3A_505, %parallel_loop3A_507 : vector<16xf32>
      %parallel_loop3A_509 = arith.constant 5.120000e+02 : f32
      %parallel_loop3A_510 = vector.broadcast %parallel_loop3A_509 : f32 to vector<16xf32>
      %parallel_loop3A_511 = arith.mulf %parallel_loop3A_508, %parallel_loop3A_510 : vector<16xf32>
      %parallel_loop3A_512 = arith.constant 5.110000e+02 : f32
      %parallel_loop3A_513 = vector.broadcast %parallel_loop3A_512 : f32 to vector<16xf32>
      %parallel_loop3A_514 = arith.minimumf %parallel_loop3A_511, %parallel_loop3A_513 : vector<16xf32>
      %parallel_loop3A_515 = arith.constant 0.000000e+00 : f32
      %parallel_loop3A_516 = vector.broadcast %parallel_loop3A_515 : f32 to vector<16xf32>
      %parallel_loop3A_517 = arith.maximumf %parallel_loop3A_514, %parallel_loop3A_516 : vector<16xf32>
      %parallel_loop3A_518 = arith.fptosi %parallel_loop3A_517 : vector<16xf32> to vector<16xi32>
      %parallel_loop3A_519 = arith.constant 512 : i32
      %parallel_loop3A_520 = vector.broadcast %parallel_loop3A_519 : i32 to vector<16xi32>
      %parallel_loop3A_521 = arith.muli %parallel_loop3A_518, %parallel_loop3A_520 : vector<16xi32>
      %parallel_loop3A_522 = arith.constant 5.000000e-01 : f32
      %parallel_loop3A_523 = vector.broadcast %parallel_loop3A_522 : f32 to vector<16xf32>
      %parallel_loop3A_524 = arith.mulf %parallel_loop3A_502, %parallel_loop3A_523 : vector<16xf32>
      %parallel_loop3A_525 = arith.constant 5.000000e-01 : f32
      %parallel_loop3A_526 = vector.broadcast %parallel_loop3A_525 : f32 to vector<16xf32>
      %parallel_loop3A_527 = arith.addf %parallel_loop3A_524, %parallel_loop3A_526 : vector<16xf32>
      %parallel_loop3A_528 = arith.constant 5.120000e+02 : f32
      %parallel_loop3A_529 = vector.broadcast %parallel_loop3A_528 : f32 to vector<16xf32>
      %parallel_loop3A_530 = arith.mulf %parallel_loop3A_527, %parallel_loop3A_529 : vector<16xf32>
      %parallel_loop3A_531 = arith.constant 5.110000e+02 : f32
      %parallel_loop3A_532 = vector.broadcast %parallel_loop3A_531 : f32 to vector<16xf32>
      %parallel_loop3A_533 = arith.minimumf %parallel_loop3A_530, %parallel_loop3A_532 : vector<16xf32>
      %parallel_loop3A_534 = arith.constant 0.000000e+00 : f32
      %parallel_loop3A_535 = vector.broadcast %parallel_loop3A_534 : f32 to vector<16xf32>
      %parallel_loop3A_536 = arith.maximumf %parallel_loop3A_533, %parallel_loop3A_535 : vector<16xf32>
      %parallel_loop3A_537 = arith.fptosi %parallel_loop3A_536 : vector<16xf32> to vector<16xi32>
      %parallel_loop3A_538 = arith.addi %parallel_loop3A_521, %parallel_loop3A_537 : vector<16xi32>
      %parallel_loop3A_539 = arith.constant 16 : i32
      %parallel_loop3A_540 = arith.muli %parallel_loop3A_446, %parallel_loop3A_539 : i32
      %parallel_loop3A_541 = arith.index_cast %parallel_loop3A_540 : i32 to index
      %parallel_loop3A_542 = tpu.vector_load %arg10[%parallel_loop3A_541] {strides = array<i32>} : memref<256xi32, #tpu.memory_space<vmem>>, vector<16xi32>,
      tpu.vector_store %arg10[%parallel_loop3A_541], %parallel_loop3A_538 {strides = array<i32>} : memref<256xi32, #tpu.memory_space<vmem>>, vector<16xi32>,
    } {sc.loop_unroll_factor = 4 : i64, sc.parallel_access}
    %dma_start3A_53 = arith.constant 0 : i32
    %dma_start3A_54 = arith.constant 0 : i32
    %dma_start3A_55 = tpu.memref_slice %arg14[%dma_start3A_53, %dma_start3A_54] : memref<256x64xf32, #tpu.memory_space<vmem>> -> memref<128x64xf32, #tpu.memory_space<vmem>>
    %dma_start3A_56 = arith.constant 0 : i32
    %dma_start3A_57 = tpu.memref_slice %arg10[%dma_start3A_56] : memref<256xi32, #tpu.memory_space<vmem>> -> memref<128xi32, #tpu.memory_space<vmem>>
    %dma_start3A_58 = arith.constant 0 : i32
    %dma_start3A_59 = arith.constant 0 : i32
    %dma_start3A_60 = tpu.memref_slice %arg3[%dma_start3A_58, %dma_start3A_59] : memref<262144x64xf32, #tpu.memory_space<hbm>> -> memref<262144x64xf32, #tpu.memory_space<hbm>>
    tpu.enqueue_indirect_dma source(%dma_start3A_60 : memref<262144x64xf32, #tpu.memory_space<hbm>>) target(%dma_start3A_55 : memref<128x64xf32, #tpu.memory_space<vmem>>) offsets(%dma_start3A_57 : memref<128xi32, #tpu.memory_space<vmem>>) semaphore(%arg20 : memref<!tpu.dma_semaphore, #tpu.memory_space<semaphore_mem>>)
    %dma_start3A_61 = arith.constant 128 : i32
    %dma_start3A_62 = arith.constant 0 : i32
    %dma_start3A_63 = tpu.memref_slice %arg14[%dma_start3A_61, %dma_start3A_62] : memref<256x64xf32, #tpu.memory_space<vmem>> -> memref<128x64xf32, #tpu.memory_space<vmem>>
    %dma_start3A_64 = arith.constant 128 : i32
    %dma_start3A_65 = tpu.memref_slice %arg10[%dma_start3A_64] : memref<256xi32, #tpu.memory_space<vmem>> -> memref<128xi32, #tpu.memory_space<vmem>>
    %dma_start3A_66 = arith.constant 0 : i32
    %dma_start3A_67 = arith.constant 0 : i32
    %dma_start3A_68 = tpu.memref_slice %arg3[%dma_start3A_66, %dma_start3A_67] : memref<262144x64xf32, #tpu.memory_space<hbm>> -> memref<262144x64xf32, #tpu.memory_space<hbm>>
    tpu.enqueue_indirect_dma source(%dma_start3A_68 : memref<262144x64xf32, #tpu.memory_space<hbm>>) target(%dma_start3A_63 : memref<128x64xf32, #tpu.memory_space<vmem>>) offsets(%dma_start3A_65 : memref<128xi32, #tpu.memory_space<vmem>>) semaphore(%arg20 : memref<!tpu.dma_semaphore, #tpu.memory_space<semaphore_mem>>)
    %add3A_69 = arith.constant 3 : i32
    %add3A_70 = arith.addi %mul3A_2, %add3A_69 : i32
    %min3A_71 = arith.constant 3199 : i32
    %min3A_72 = arith.minsi %add3A_70, %min3A_71 : i32
    %mul3A_73 = arith.constant 512 : i32
    %mul3A_74 = arith.muli %min3A_72, %mul3A_73 : i32
    %dma_start3A_75 = tpu.memref_slice %arg2[%mul3A_74] : memref<1638400xf32, #tpu.memory_space<hbm>> -> memref<512xf32, #tpu.memory_space<hbm>>
    %dma_start3A_76 = tpu.memref_slice %arg2[%mul3A_74] : memref<1638400xf32, #tpu.memory_space<hbm>> -> memref<512xf32, #tpu.memory_space<hbm>>
    tpu.enqueue_dma source(%dma_start3A_76 : memref<512xf32, #tpu.memory_space<hbm>>) target(%arg8 : memref<512xf32, #tpu.memory_space<vmem>>) target_semaphore(%arg19 : memref<!tpu.dma_semaphore, #tpu.memory_space<semaphore_mem>>)
    %dma_wait3A_77 = arith.constant 0 : i32
    %dma_wait3A_78 = tpu.memref_slice %arg2[%dma_wait3A_77] : memref<1638400xf32, #tpu.memory_space<hbm>> -> memref<512xf32, #tpu.memory_space<hbm>>
    %dma_wait3A_79 = arith.constant 0 : i32
    %dma_wait3A_80 = tpu.memref_slice %arg2[%dma_wait3A_79] : memref<1638400xf32, #tpu.memory_space<hbm>> -> memref<512xf32, #tpu.memory_space<hbm>>
    tpu.wait_dma2 semaphore(%arg19 : memref<!tpu.dma_semaphore, #tpu.memory_space<semaphore_mem>>) src(%dma_wait3A_80 : memref<512xf32, #tpu.memory_space<hbm>>) dst(%arg5 : memref<512xf32, #tpu.memory_space<vmem>>)
    %parallel_loop3A_81 = arith.constant 0 : i32
    %parallel_loop3A_82 = arith.constant 16 : i32
    %parallel_loop3A_83 = arith.constant 1 : i32
    scf.for %parallel_loop3A_446 = %parallel_loop3A_81 to %parallel_loop3A_82 step %parallel_loop3A_83  : i32 {
      %parallel_loop3A_447 = arith.constant 8 : i32
      %parallel_loop3A_448 = arith.divsi %parallel_loop3A_446, %parallel_loop3A_447 : i32
      %parallel_loop3A_449 = arith.constant 0 : i32
      %parallel_loop3A_450 = arith.cmpi sgt, %parallel_loop3A_446, %parallel_loop3A_449 : i32
      %parallel_loop3A_451 = arith.extui %parallel_loop3A_450 : i1 to i32
      %parallel_loop3A_452 = arith.constant 0 : i32
      %parallel_loop3A_453 = arith.cmpi slt, %parallel_loop3A_446, %parallel_loop3A_452 : i32
      %parallel_loop3A_454 = arith.extui %parallel_loop3A_453 : i1 to i32
      %parallel_loop3A_455 = arith.subi %parallel_loop3A_451, %parallel_loop3A_454 : i32
      %parallel_loop3A_456 = arith.constant 0 : i32
      %parallel_loop3A_457 = arith.cmpi sgt, %parallel_loop3A_447, %parallel_loop3A_456 : i32
      %parallel_loop3A_458 = arith.extui %parallel_loop3A_457 : i1 to i32
      %parallel_loop3A_459 = arith.constant 0 : i32
      %parallel_loop3A_460 = arith.cmpi slt, %parallel_loop3A_447, %parallel_loop3A_459 : i32
      %parallel_loop3A_461 = arith.extui %parallel_loop3A_460 : i1 to i32
      %parallel_loop3A_462 = arith.subi %parallel_loop3A_458, %parallel_loop3A_461 : i32
      %parallel_loop3A_463 = arith.cmpi ne, %parallel_loop3A_455, %parallel_loop3A_462 : i32
      %parallel_loop3A_464 = arith.remsi %parallel_loop3A_446, %parallel_loop3A_447 : i32
      %parallel_loop3A_465 = arith.constant 0 : i32
      %parallel_loop3A_466 = arith.cmpi ne, %parallel_loop3A_464, %parallel_loop3A_465 : i32
      %parallel_loop3A_467 = arith.andi %parallel_loop3A_463, %parallel_loop3A_466 : i1
      %parallel_loop3A_468 = arith.constant 1 : i32
      %parallel_loop3A_469 = arith.subi %parallel_loop3A_448, %parallel_loop3A_468 : i32
      %parallel_loop3A_470 = arith.select %parallel_loop3A_467, %parallel_loop3A_469, %parallel_loop3A_448 : i32
      %parallel_loop3A_471 = arith.constant 8 : i32
      %parallel_loop3A_472 = arith.constant 0 : i32
      %parallel_loop3A_473 = arith.cmpi eq, %parallel_loop3A_471, %parallel_loop3A_472 : i32
      %parallel_loop3A_474 = arith.constant 1 : i32
      %parallel_loop3A_475 = arith.select %parallel_loop3A_473, %parallel_loop3A_474, %parallel_loop3A_471 : i32
      %parallel_loop3A_476 = arith.remsi %parallel_loop3A_446, %parallel_loop3A_475 : i32
      %parallel_loop3A_477 = arith.constant 0 : i32
      %parallel_loop3A_478 = arith.cmpi ne, %parallel_loop3A_476, %parallel_loop3A_477 : i32
      %parallel_loop3A_479 = arith.constant 0 : i32
      %parallel_loop3A_480 = arith.cmpi slt, %parallel_loop3A_476, %parallel_loop3A_479 : i32
      %parallel_loop3A_481 = arith.constant 0 : i32
      %parallel_loop3A_482 = arith.cmpi slt, %parallel_loop3A_475, %parallel_loop3A_481 : i32
      %parallel_loop3A_483 = arith.xori %parallel_loop3A_480, %parallel_loop3A_482 : i1
      %parallel_loop3A_484 = arith.andi %parallel_loop3A_483, %parallel_loop3A_478 : i1
      %parallel_loop3A_485 = arith.addi %parallel_loop3A_476, %parallel_loop3A_475 : i32
      %parallel_loop3A_486 = arith.select %parallel_loop3A_484, %parallel_loop3A_485, %parallel_loop3A_476 : i32
      %parallel_loop3A_487 = arith.constant 256 : i32
      %parallel_loop3A_488 = arith.muli %parallel_loop3A_470, %parallel_loop3A_487 : i32
      %parallel_loop3A_489 = arith.constant 16 : i32
      %parallel_loop3A_490 = arith.muli %parallel_loop3A_486, %parallel_loop3A_489 : i32
      %parallel_loop3A_491 = arith.addi %parallel_loop3A_488, %parallel_loop3A_490 : i32
      %parallel_loop3A_492 = arith.index_cast %parallel_loop3A_491 : i32 to index
      %parallel_loop3A_493 = tpu.vector_load %arg7[%parallel_loop3A_492] {strides = array<i32>} : memref<512xf32, #tpu.memory_space<vmem>>, vector<16xf32>,
      %parallel_loop3A_494 = arith.constant 256 : i32
      %parallel_loop3A_495 = arith.muli %parallel_loop3A_470, %parallel_loop3A_494 : i32
      %parallel_loop3A_496 = arith.constant 128 : i32
      %parallel_loop3A_497 = arith.addi %parallel_loop3A_495, %parallel_loop3A_496 : i32
      %parallel_loop3A_498 = arith.constant 16 : i32
      %parallel_loop3A_499 = arith.muli %parallel_loop3A_486, %parallel_loop3A_498 : i32
      %parallel_loop3A_500 = arith.addi %parallel_loop3A_497, %parallel_loop3A_499 : i32
      %parallel_loop3A_501 = arith.index_cast %parallel_loop3A_500 : i32 to index
      %parallel_loop3A_502 = tpu.vector_load %arg7[%parallel_loop3A_501] {strides = array<i32>} : memref<512xf32, #tpu.memory_space<vmem>>, vector<16xf32>,
      %parallel_loop3A_503 = arith.constant 5.000000e-01 : f32
      %parallel_loop3A_504 = vector.broadcast %parallel_loop3A_503 : f32 to vector<16xf32>
      %parallel_loop3A_505 = arith.mulf %parallel_loop3A_493, %parallel_loop3A_504 : vector<16xf32>
      %parallel_loop3A_506 = arith.constant 5.000000e-01 : f32
      %parallel_loop3A_507 = vector.broadcast %parallel_loop3A_506 : f32 to vector<16xf32>
      %parallel_loop3A_508 = arith.addf %parallel_loop3A_505, %parallel_loop3A_507 : vector<16xf32>
      %parallel_loop3A_509 = arith.constant 5.120000e+02 : f32
      %parallel_loop3A_510 = vector.broadcast %parallel_loop3A_509 : f32 to vector<16xf32>
      %parallel_loop3A_511 = arith.mulf %parallel_loop3A_508, %parallel_loop3A_510 : vector<16xf32>
      %parallel_loop3A_512 = arith.constant 5.110000e+02 : f32
      %parallel_loop3A_513 = vector.broadcast %parallel_loop3A_512 : f32 to vector<16xf32>
      %parallel_loop3A_514 = arith.minimumf %parallel_loop3A_511, %parallel_loop3A_513 : vector<16xf32>
      %parallel_loop3A_515 = arith.constant 0.000000e+00 : f32
      %parallel_loop3A_516 = vector.broadcast %parallel_loop3A_515 : f32 to vector<16xf32>
      %parallel_loop3A_517 = arith.maximumf %parallel_loop3A_514, %parallel_loop3A_516 : vector<16xf32>
      %parallel_loop3A_518 = arith.fptosi %parallel_loop3A_517 : vector<16xf32> to vector<16xi32>
      %parallel_loop3A_519 = arith.constant 512 : i32
      %parallel_loop3A_520 = vector.broadcast %parallel_loop3A_519 : i32 to vector<16xi32>
      %parallel_loop3A_521 = arith.muli %parallel_loop3A_518, %parallel_loop3A_520 : vector<16xi32>
      %parallel_loop3A_522 = arith.constant 5.000000e-01 : f32
      %parallel_loop3A_523 = vector.broadcast %parallel_loop3A_522 : f32 to vector<16xf32>
      %parallel_loop3A_524 = arith.mulf %parallel_loop3A_502, %parallel_loop3A_523 : vector<16xf32>
      %parallel_loop3A_525 = arith.constant 5.000000e-01 : f32
      %parallel_loop3A_526 = vector.broadcast %parallel_loop3A_525 : f32 to vector<16xf32>
      %parallel_loop3A_527 = arith.addf %parallel_loop3A_524, %parallel_loop3A_526 : vector<16xf32>
      %parallel_loop3A_528 = arith.constant 5.120000e+02 : f32
      %parallel_loop3A_529 = vector.broadcast %parallel_loop3A_528 : f32 to vector<16xf32>
      %parallel_loop3A_530 = arith.mulf %parallel_loop3A_527, %parallel_loop3A_529 : vector<16xf32>
      %parallel_loop3A_531 = arith.constant 5.110000e+02 : f32
      %parallel_loop3A_532 = vector.broadcast %parallel_loop3A_531 : f32 to vector<16xf32>
      %parallel_loop3A_533 = arith.minimumf %parallel_loop3A_530, %parallel_loop3A_532 : vector<16xf32>
      %parallel_loop3A_534 = arith.constant 0.000000e+00 : f32
      %parallel_loop3A_535 = vector.broadcast %parallel_loop3A_534 : f32 to vector<16xf32>
      %parallel_loop3A_536 = arith.maximumf %parallel_loop3A_533, %parallel_loop3A_535 : vector<16xf32>
      %parallel_loop3A_537 = arith.fptosi %parallel_loop3A_536 : vector<16xf32> to vector<16xi32>
      %parallel_loop3A_538 = arith.addi %parallel_loop3A_521, %parallel_loop3A_537 : vector<16xi32>
      %parallel_loop3A_539 = arith.constant 16 : i32
      %parallel_loop3A_540 = arith.muli %parallel_loop3A_446, %parallel_loop3A_539 : i32
      %parallel_loop3A_541 = arith.index_cast %parallel_loop3A_540 : i32 to index
      %parallel_loop3A_542 = tpu.vector_load %arg11[%parallel_loop3A_541] {strides = array<i32>} : memref<256xi32, #tpu.memory_space<vmem>>, vector<16xi32>,
      tpu.vector_store %arg11[%parallel_loop3A_541], %parallel_loop3A_538 {strides = array<i32>} : memref<256xi32, #tpu.memory_space<vmem>>, vector<16xi32>,
    } {sc.loop_unroll_factor = 4 : i64, sc.parallel_access}
    %dma_start3A_84 = arith.constant 0 : i32
    %dma_start3A_85 = arith.constant 0 : i32
    %dma_start3A_86 = tpu.memref_slice %arg15[%dma_start3A_84, %dma_start3A_85] : memref<256x64xf32, #tpu.memory_space<vmem>> -> memref<128x64xf32, #tpu.memory_space<vmem>>
    %dma_start3A_87 = arith.constant 0 : i32
    %dma_start3A_88 = tpu.memref_slice %arg11[%dma_start3A_87] : memref<256xi32, #tpu.memory_space<vmem>> -> memref<128xi32, #tpu.memory_space<vmem>>
    %dma_start3A_89 = arith.constant 0 : i32
    %dma_start3A_90 = arith.constant 0 : i32
    %dma_start3A_91 = tpu.memref_slice %arg3[%dma_start3A_89, %dma_start3A_90] : memref<262144x64xf32, #tpu.memory_space<hbm>> -> memref<262144x64xf32, #tpu.memory_space<hbm>>
    tpu.enqueue_indirect_dma source(%dma_start3A_91 : memref<262144x64xf32, #tpu.memory_space<hbm>>) target(%dma_start3A_86 : memref<128x64xf32, #tpu.memory_space<vmem>>) offsets(%dma_start3A_88 : memref<128xi32, #tpu.memory_space<vmem>>) semaphore(%arg20 : memref<!tpu.dma_semaphore, #tpu.memory_space<semaphore_mem>>)
    %dma_start3A_92 = arith.constant 128 : i32
    %dma_start3A_93 = arith.constant 0 : i32
    %dma_start3A_94 = tpu.memref_slice %arg15[%dma_start3A_92, %dma_start3A_93] : memref<256x64xf32, #tpu.memory_space<vmem>> -> memref<128x64xf32, #tpu.memory_space<vmem>>
    %dma_start3A_95 = arith.constant 128 : i32
    %dma_start3A_96 = tpu.memref_slice %arg11[%dma_start3A_95] : memref<256xi32, #tpu.memory_space<vmem>> -> memref<128xi32, #tpu.memory_space<vmem>>
    %dma_start3A_97 = arith.constant 0 : i32
    %dma_start3A_98 = arith.constant 0 : i32
    %dma_start3A_99 = tpu.memref_slice %arg3[%dma_start3A_97, %dma_start3A_98] : memref<262144x64xf32, #tpu.memory_space<hbm>> -> memref<262144x64xf32, #tpu.memory_space<hbm>>
    tpu.enqueue_indirect_dma source(%dma_start3A_99 : memref<262144x64xf32, #tpu.memory_space<hbm>>) target(%dma_start3A_94 : memref<128x64xf32, #tpu.memory_space<vmem>>) offsets(%dma_start3A_96 : memref<128xi32, #tpu.memory_space<vmem>>) semaphore(%arg20 : memref<!tpu.dma_semaphore, #tpu.memory_space<semaphore_mem>>)
    %dma_wait3A_100 = arith.constant 0 : i32
    %dma_wait3A_101 = arith.constant 0 : i32
    %dma_wait3A_102 = tpu.memref_slice %arg13[%dma_wait3A_100, %dma_wait3A_101] : memref<256x64xf32, #tpu.memory_space<vmem>> -> memref<128x64xf32, #tpu.memory_space<vmem>>
    %dma_wait3A_103 = arith.constant 0 : i32
    %dma_wait3A_104 = tpu.memref_slice %arg9[%dma_wait3A_103] : memref<256xi32, #tpu.memory_space<vmem>> -> memref<128xi32, #tpu.memory_space<vmem>>
    %dma_wait3A_105 = arith.constant 0 : i32
    %dma_wait3A_106 = arith.constant 0 : i32
    %dma_wait3A_107 = tpu.memref_slice %arg3[%dma_wait3A_105, %dma_wait3A_106] : memref<262144x64xf32, #tpu.memory_space<hbm>> -> memref<262144x64xf32, #tpu.memory_space<hbm>>
    tpu.wait_indirect_dma semaphore(%arg20 : memref<!tpu.dma_semaphore, #tpu.memory_space<semaphore_mem>>) src(%dma_wait3A_107 : memref<262144x64xf32, #tpu.memory_space<hbm>>) dst(%dma_wait3A_102 : memref<128x64xf32, #tpu.memory_space<vmem>>)
    %dma_wait3A_108 = arith.constant 0 : i32
    %dma_wait3A_109 = arith.constant 0 : i32
    %dma_wait3A_110 = tpu.memref_slice %arg13[%dma_wait3A_108, %dma_wait3A_109] : memref<256x64xf32, #tpu.memory_space<vmem>> -> memref<128x64xf32, #tpu.memory_space<vmem>>
    %dma_wait3A_111 = arith.constant 0 : i32
    %dma_wait3A_112 = tpu.memref_slice %arg9[%dma_wait3A_111] : memref<256xi32, #tpu.memory_space<vmem>> -> memref<128xi32, #tpu.memory_space<vmem>>
    %dma_wait3A_113 = arith.constant 0 : i32
    %dma_wait3A_114 = arith.constant 0 : i32
    %dma_wait3A_115 = tpu.memref_slice %arg3[%dma_wait3A_113, %dma_wait3A_114] : memref<262144x64xf32, #tpu.memory_space<hbm>> -> memref<262144x64xf32, #tpu.memory_space<hbm>>
    tpu.wait_indirect_dma semaphore(%arg20 : memref<!tpu.dma_semaphore, #tpu.memory_space<semaphore_mem>>) src(%dma_wait3A_115 : memref<262144x64xf32, #tpu.memory_space<hbm>>) dst(%dma_wait3A_110 : memref<128x64xf32, #tpu.memory_space<vmem>>)
    %parallel_loop3A_116 = arith.constant 0 : i32
    %parallel_loop3A_117 = arith.constant 1024 : i32
    %parallel_loop3A_118 = arith.constant 1 : i32
    scf.for %parallel_loop3A_446 = %parallel_loop3A_116 to %parallel_loop3A_117 step %parallel_loop3A_118  : i32 {
      %parallel_loop3A_447 = arith.constant 16 : i32
      %parallel_loop3A_448 = arith.divsi %parallel_loop3A_446, %parallel_loop3A_447 : i32
      %parallel_loop3A_449 = arith.constant 0 : i32
      %parallel_loop3A_450 = arith.cmpi sgt, %parallel_loop3A_446, %parallel_loop3A_449 : i32
      %parallel_loop3A_451 = arith.extui %parallel_loop3A_450 : i1 to i32
      %parallel_loop3A_452 = arith.constant 0 : i32
      %parallel_loop3A_453 = arith.cmpi slt, %parallel_loop3A_446, %parallel_loop3A_452 : i32
      %parallel_loop3A_454 = arith.extui %parallel_loop3A_453 : i1 to i32
      %parallel_loop3A_455 = arith.subi %parallel_loop3A_451, %parallel_loop3A_454 : i32
      %parallel_loop3A_456 = arith.constant 0 : i32
      %parallel_loop3A_457 = arith.cmpi sgt, %parallel_loop3A_447, %parallel_loop3A_456 : i32
      %parallel_loop3A_458 = arith.extui %parallel_loop3A_457 : i1 to i32
      %parallel_loop3A_459 = arith.constant 0 : i32
      %parallel_loop3A_460 = arith.cmpi slt, %parallel_loop3A_447, %parallel_loop3A_459 : i32
      %parallel_loop3A_461 = arith.extui %parallel_loop3A_460 : i1 to i32
      %parallel_loop3A_462 = arith.subi %parallel_loop3A_458, %parallel_loop3A_461 : i32
      %parallel_loop3A_463 = arith.cmpi ne, %parallel_loop3A_455, %parallel_loop3A_462 : i32
      %parallel_loop3A_464 = arith.remsi %parallel_loop3A_446, %parallel_loop3A_447 : i32
      %parallel_loop3A_465 = arith.constant 0 : i32
      %parallel_loop3A_466 = arith.cmpi ne, %parallel_loop3A_464, %parallel_loop3A_465 : i32
      %parallel_loop3A_467 = arith.andi %parallel_loop3A_463, %parallel_loop3A_466 : i1
      %parallel_loop3A_468 = arith.constant 1 : i32
      %parallel_loop3A_469 = arith.subi %parallel_loop3A_448, %parallel_loop3A_468 : i32
      %parallel_loop3A_470 = arith.select %parallel_loop3A_467, %parallel_loop3A_469, %parallel_loop3A_448 : i32
      %parallel_loop3A_471 = arith.constant 16 : i32
      %parallel_loop3A_472 = arith.constant 0 : i32
      %parallel_loop3A_473 = arith.cmpi eq, %parallel_loop3A_471, %parallel_loop3A_472 : i32
      %parallel_loop3A_474 = arith.constant 1 : i32
      %parallel_loop3A_475 = arith.select %parallel_loop3A_473, %parallel_loop3A_474, %parallel_loop3A_471 : i32
      %parallel_loop3A_476 = arith.remsi %parallel_loop3A_446, %parallel_loop3A_475 : i32
      %parallel_loop3A_477 = arith.constant 0 : i32
      %parallel_loop3A_478 = arith.cmpi ne, %parallel_loop3A_476, %parallel_loop3A_477 : i32
      %parallel_loop3A_479 = arith.constant 0 : i32
      %parallel_loop3A_480 = arith.cmpi slt, %parallel_loop3A_476, %parallel_loop3A_479 : i32
      %parallel_loop3A_481 = arith.constant 0 : i32
      %parallel_loop3A_482 = arith.cmpi slt, %parallel_loop3A_475, %parallel_loop3A_481 : i32
      %parallel_loop3A_483 = arith.xori %parallel_loop3A_480, %parallel_loop3A_482 : i1
      %parallel_loop3A_484 = arith.andi %parallel_loop3A_483, %parallel_loop3A_478 : i1
      %parallel_loop3A_485 = arith.addi %parallel_loop3A_476, %parallel_loop3A_475 : i32
      %parallel_loop3A_486 = arith.select %parallel_loop3A_484, %parallel_loop3A_485, %parallel_loop3A_476 : i32
      %parallel_loop3A_487 = arith.constant 16 : i32
      %parallel_loop3A_488 = arith.muli %parallel_loop3A_486, %parallel_loop3A_487 : i32
      %parallel_loop3A_489 = vector.broadcast %parallel_loop3A_488 : i32 to vector<16xi32>
      %parallel_loop3A_490 = arith.addi %parallel_loop3A_489, %iota3A : vector<16xi32>
      %parallel_loop3A_491 = vector.broadcast %parallel_loop3A_470 : i32 to vector<16xi32>
      %parallel_loop3A_492 = tpu.vector_load_idx %arg13[%parallel_loop3A_490, %parallel_loop3A_491] : memref<256x64xf32, #tpu.memory_space<vmem>>[vector<16xi32>, vector<16xi32>], vector<16xf32>,
      %parallel_loop3A_493 = arith.constant 128 : i32
      %parallel_loop3A_494 = arith.divsi %parallel_loop3A_488, %parallel_loop3A_493 : i32
      %parallel_loop3A_495 = arith.constant 0 : i32
      %parallel_loop3A_496 = arith.cmpi sgt, %parallel_loop3A_488, %parallel_loop3A_495 : i32
      %parallel_loop3A_497 = arith.extui %parallel_loop3A_496 : i1 to i32
      %parallel_loop3A_498 = arith.constant 0 : i32
      %parallel_loop3A_499 = arith.cmpi slt, %parallel_loop3A_488, %parallel_loop3A_498 : i32
      %parallel_loop3A_500 = arith.extui %parallel_loop3A_499 : i1 to i32
      %parallel_loop3A_501 = arith.subi %parallel_loop3A_497, %parallel_loop3A_500 : i32
      %parallel_loop3A_502 = arith.constant 0 : i32
      %parallel_loop3A_503 = arith.cmpi sgt, %parallel_loop3A_493, %parallel_loop3A_502 : i32
      %parallel_loop3A_504 = arith.extui %parallel_loop3A_503 : i1 to i32
      %parallel_loop3A_505 = arith.constant 0 : i32
      %parallel_loop3A_506 = arith.cmpi slt, %parallel_loop3A_493, %parallel_loop3A_505 : i32
      %parallel_loop3A_507 = arith.extui %parallel_loop3A_506 : i1 to i32
      %parallel_loop3A_508 = arith.subi %parallel_loop3A_504, %parallel_loop3A_507 : i32
      %parallel_loop3A_509 = arith.cmpi ne, %parallel_loop3A_501, %parallel_loop3A_508 : i32
      %parallel_loop3A_510 = arith.remsi %parallel_loop3A_488, %parallel_loop3A_493 : i32
      %parallel_loop3A_511 = arith.constant 0 : i32
      %parallel_loop3A_512 = arith.cmpi ne, %parallel_loop3A_510, %parallel_loop3A_511 : i32
      %parallel_loop3A_513 = arith.andi %parallel_loop3A_509, %parallel_loop3A_512 : i1
      %parallel_loop3A_514 = arith.constant 1 : i32
      %parallel_loop3A_515 = arith.subi %parallel_loop3A_494, %parallel_loop3A_514 : i32
      %parallel_loop3A_516 = arith.select %parallel_loop3A_513, %parallel_loop3A_515, %parallel_loop3A_494 : i32
      %parallel_loop3A_517 = arith.constant 1024 : i32
      %parallel_loop3A_518 = arith.muli %parallel_loop3A_516, %parallel_loop3A_517 : i32
      %parallel_loop3A_519 = arith.constant 8 : i32
      %parallel_loop3A_520 = arith.constant 0 : i32
      %parallel_loop3A_521 = arith.cmpi eq, %parallel_loop3A_519, %parallel_loop3A_520 : i32
      %parallel_loop3A_522 = arith.constant 1 : i32
      %parallel_loop3A_523 = arith.select %parallel_loop3A_521, %parallel_loop3A_522, %parallel_loop3A_519 : i32
      %parallel_loop3A_524 = arith.remsi %parallel_loop3A_470, %parallel_loop3A_523 : i32
      %parallel_loop3A_525 = arith.constant 0 : i32
      %parallel_loop3A_526 = arith.cmpi ne, %parallel_loop3A_524, %parallel_loop3A_525 : i32
      %parallel_loop3A_527 = arith.constant 0 : i32
      %parallel_loop3A_528 = arith.cmpi slt, %parallel_loop3A_524, %parallel_loop3A_527 : i32
      %parallel_loop3A_529 = arith.constant 0 : i32
      %parallel_loop3A_530 = arith.cmpi slt, %parallel_loop3A_523, %parallel_loop3A_529 : i32
      %parallel_loop3A_531 = arith.xori %parallel_loop3A_528, %parallel_loop3A_530 : i1
      %parallel_loop3A_532 = arith.andi %parallel_loop3A_531, %parallel_loop3A_526 : i1
      %parallel_loop3A_533 = arith.addi %parallel_loop3A_524, %parallel_loop3A_523 : i32
      %parallel_loop3A_534 = arith.select %parallel_loop3A_532, %parallel_loop3A_533, %parallel_loop3A_524 : i32
      %parallel_loop3A_535 = arith.constant 128 : i32
      %parallel_loop3A_536 = arith.muli %parallel_loop3A_534, %parallel_loop3A_535 : i32
      %parallel_loop3A_537 = arith.addi %parallel_loop3A_518, %parallel_loop3A_536 : i32
      %parallel_loop3A_538 = arith.constant 128 : i32
      %parallel_loop3A_539 = arith.constant 0 : i32
      %parallel_loop3A_540 = arith.cmpi eq, %parallel_loop3A_538, %parallel_loop3A_539 : i32
      %parallel_loop3A_541 = arith.constant 1 : i32
      %parallel_loop3A_542 = arith.select %parallel_loop3A_540, %parallel_loop3A_541, %parallel_loop3A_538 : i32
      %parallel_loop3A_543 = arith.remsi %parallel_loop3A_488, %parallel_loop3A_542 : i32
      %parallel_loop3A_544 = arith.constant 0 : i32
      %parallel_loop3A_545 = arith.cmpi ne, %parallel_loop3A_543, %parallel_loop3A_544 : i32
      %parallel_loop3A_546 = arith.constant 0 : i32
      %parallel_loop3A_547 = arith.cmpi slt, %parallel_loop3A_543, %parallel_loop3A_546 : i32
      %parallel_loop3A_548 = arith.constant 0 : i32
      %parallel_loop3A_549 = arith.cmpi slt, %parallel_loop3A_542, %parallel_loop3A_548 : i32
      %parallel_loop3A_550 = arith.xori %parallel_loop3A_547, %parallel_loop3A_549 : i1
      %parallel_loop3A_551 = arith.andi %parallel_loop3A_550, %parallel_loop3A_545 : i1
      %parallel_loop3A_552 = arith.addi %parallel_loop3A_543, %parallel_loop3A_542 : i32
      %parallel_loop3A_553 = arith.select %parallel_loop3A_551, %parallel_loop3A_552, %parallel_loop3A_543 : i32
      %parallel_loop3A_554 = arith.addi %parallel_loop3A_537, %parallel_loop3A_553 : i32
      %parallel_loop3A_555 = arith.constant 8 : i32
      %parallel_loop3A_556 = arith.divsi %parallel_loop3A_470, %parallel_loop3A_555 : i32
      %parallel_loop3A_557 = arith.constant 0 : i32
      %parallel_loop3A_558 = arith.cmpi sgt, %parallel_loop3A_470, %parallel_loop3A_557 : i32
      %parallel_loop3A_559 = arith.extui %parallel_loop3A_558 : i1 to i32
      %parallel_loop3A_560 = arith.constant 0 : i32
      %parallel_loop3A_561 = arith.cmpi slt, %parallel_loop3A_470, %parallel_loop3A_560 : i32
      %parallel_loop3A_562 = arith.extui %parallel_loop3A_561 : i1 to i32
      %parallel_loop3A_563 = arith.subi %parallel_loop3A_559, %parallel_loop3A_562 : i32
      %parallel_loop3A_564 = arith.constant 0 : i32
      %parallel_loop3A_565 = arith.cmpi sgt, %parallel_loop3A_555, %parallel_loop3A_564 : i32
      %parallel_loop3A_566 = arith.extui %parallel_loop3A_565 : i1 to i32
      %parallel_loop3A_567 = arith.constant 0 : i32
      %parallel_loop3A_568 = arith.cmpi slt, %parallel_loop3A_555, %parallel_loop3A_567 : i32
      %parallel_loop3A_569 = arith.extui %parallel_loop3A_568 : i1 to i32
      %parallel_loop3A_570 = arith.subi %parallel_loop3A_566, %parallel_loop3A_569 : i32
      %parallel_loop3A_571 = arith.cmpi ne, %parallel_loop3A_563, %parallel_loop3A_570 : i32
      %parallel_loop3A_572 = arith.remsi %parallel_loop3A_470, %parallel_loop3A_555 : i32
      %parallel_loop3A_573 = arith.constant 0 : i32
      %parallel_loop3A_574 = arith.cmpi ne, %parallel_loop3A_572, %parallel_loop3A_573 : i32
      %parallel_loop3A_575 = arith.andi %parallel_loop3A_571, %parallel_loop3A_574 : i1
      %parallel_loop3A_576 = arith.constant 1 : i32
      %parallel_loop3A_577 = arith.subi %parallel_loop3A_556, %parallel_loop3A_576 : i32
      %parallel_loop3A_578 = arith.select %parallel_loop3A_575, %parallel_loop3A_577, %parallel_loop3A_556 : i32
      %parallel_loop3A_579 = arith.index_cast %parallel_loop3A_578 : i32 to index
      %parallel_loop3A_580 = arith.index_cast %parallel_loop3A_554 : i32 to index
      %parallel_loop3A_581 = tpu.vector_load %arg17[%parallel_loop3A_579, %parallel_loop3A_580] {strides = array<i32>} : memref<8x2048xf32, #tpu.memory_space<vmem>>, vector<16xf32>,
      tpu.vector_store %arg17[%parallel_loop3A_579, %parallel_loop3A_580], %parallel_loop3A_492 {strides = array<i32>} : memref<8x2048xf32, #tpu.memory_space<vmem>>, vector<16xf32>,
    } {sc.loop_unroll_factor = 16 : i64, sc.parallel_access}
    %add3A_119 = arith.constant 0 : i32
    %add3A_120 = arith.addi %mul3A_2, %add3A_119 : i32
    %jit3A = arith.constant 16 : i32
    %div3A = arith.divsi %add3A_120, %jit3A : i32
    %sign3A = arith.constant 0 : i32
    %sign3A_121 = arith.cmpi sgt, %add3A_120, %sign3A : i32
    %sign3A_122 = arith.extui %sign3A_121 : i1 to i32
    %sign3A_123 = arith.constant 0 : i32
    %sign3A_124 = arith.cmpi slt, %add3A_120, %sign3A_123 : i32
    %sign3A_125 = arith.extui %sign3A_124 : i1 to i32
    %sign3A_126 = arith.subi %sign3A_122, %sign3A_125 : i32
    %sign3A_127 = arith.constant 0 : i32
    %sign3A_128 = arith.cmpi sgt, %jit3A, %sign3A_127 : i32
    %sign3A_129 = arith.extui %sign3A_128 : i1 to i32
    %sign3A_130 = arith.constant 0 : i32
    %sign3A_131 = arith.cmpi slt, %jit3A, %sign3A_130 : i32
    %sign3A_132 = arith.extui %sign3A_131 : i1 to i32
    %sign3A_133 = arith.subi %sign3A_129, %sign3A_132 : i32
    %ne3A = arith.cmpi ne, %sign3A_126, %sign3A_133 : i32
    %rem3A = arith.remsi %add3A_120, %jit3A : i32
    %ne3A_134 = arith.constant 0 : i32
    %ne3A_135 = arith.cmpi ne, %rem3A, %ne3A_134 : i32
    %and3A = arith.andi %ne3A, %ne3A_135 : i1
    %sub3A = arith.constant 1 : i32
    %sub3A_136 = arith.subi %div3A, %sub3A : i32
    %select_n3A = arith.select %and3A, %sub3A_136, %div3A : i32
    %jit3A_137 = arith.constant 16 : i32
    %eq3A = arith.constant 0 : i32
    %eq3A_138 = arith.cmpi eq, %jit3A_137, %eq3A : i32
    %jit3A_139 = arith.constant 1 : i32
    %select_n3A_140 = arith.select %eq3A_138, %jit3A_139, %jit3A_137 : i32
    %rem3A_141 = arith.remsi %add3A_120, %select_n3A_140 : i32
    %ne3A_142 = arith.constant 0 : i32
    %ne3A_143 = arith.cmpi ne, %rem3A_141, %ne3A_142 : i32
    %lt3A = arith.constant 0 : i32
    %lt3A_144 = arith.cmpi slt, %rem3A_141, %lt3A : i32
    %lt3A_145 = arith.constant 0 : i32
    %lt3A_146 = arith.cmpi slt, %select_n3A_140, %lt3A_145 : i32
    %ne3A_147 = arith.xori %lt3A_144, %lt3A_146 : i1
    %and3A_148 = arith.andi %ne3A_147, %ne3A_143 : i1
    %add3A_149 = arith.addi %rem3A_141, %select_n3A_140 : i32
    %select_n3A_150 = arith.select %and3A_148, %add3A_149, %rem3A_141 : i32
    %dma_start3A_151 = arith.constant 0 : i32
    %dma_start3A_152 = arith.constant 0 : i32
    %dma_start3A_153 = tpu.memref_slice %arg4[%select_n3A, %dma_start3A_151, %select_n3A_150, %dma_start3A_152] : memref<200x8x16x2048xf32, #tpu.memory_space<hbm>> -> memref<1x8x1x2048xf32, #tpu.memory_space<hbm>>
    %dma_start3A_154 = tpu.memref_squeeze %dma_start3A_153 : memref<1x8x1x2048xf32, #tpu.memory_space<hbm>> -> memref<8x2048xf32, #tpu.memory_space<hbm>>
    %dma_start3A_155 = arith.constant 0 : i32
    %dma_start3A_156 = arith.constant 0 : i32
    %dma_start3A_157 = tpu.memref_slice %arg4[%select_n3A, %dma_start3A_155, %select_n3A_150, %dma_start3A_156] : memref<200x8x16x2048xf32, #tpu.memory_space<hbm>> -> memref<1x8x1x2048xf32, #tpu.memory_space<hbm>>
    %dma_start3A_158 = tpu.memref_squeeze %dma_start3A_157 : memref<1x8x1x2048xf32, #tpu.memory_space<hbm>> -> memref<8x2048xf32, #tpu.memory_space<hbm>>
    tpu.enqueue_dma source(%arg17 : memref<8x2048xf32, #tpu.memory_space<vmem>>) target(%dma_start3A_158 : memref<8x2048xf32, #tpu.memory_space<hbm>>) target_semaphore(%arg21 : memref<!tpu.dma_semaphore, #tpu.memory_space<semaphore_mem>>)
    %add3A_159 = arith.constant 4 : i32
    %add3A_160 = arith.addi %mul3A_2, %add3A_159 : i32
    %min3A_161 = arith.constant 3199 : i32
    %min3A_162 = arith.minsi %add3A_160, %min3A_161 : i32
    %mul3A_163 = arith.constant 512 : i32
    %mul3A_164 = arith.muli %min3A_162, %mul3A_163 : i32
    %dma_start3A_165 = tpu.memref_slice %arg2[%mul3A_164] : memref<1638400xf32, #tpu.memory_space<hbm>> -> memref<512xf32, #tpu.memory_space<hbm>>
    %dma_start3A_166 = tpu.memref_slice %arg2[%mul3A_164] : memref<1638400xf32, #tpu.memory_space<hbm>> -> memref<512xf32, #tpu.memory_space<hbm>>
    tpu.enqueue_dma source(%dma_start3A_166 : memref<512xf32, #tpu.memory_space<hbm>>) target(%arg5 : memref<512xf32, #tpu.memory_space<vmem>>) target_semaphore(%arg19 : memref<!tpu.dma_semaphore, #tpu.memory_space<semaphore_mem>>)
    %dma_wait3A_167 = arith.constant 0 : i32
    %dma_wait3A_168 = tpu.memref_slice %arg2[%dma_wait3A_167] : memref<1638400xf32, #tpu.memory_space<hbm>> -> memref<512xf32, #tpu.memory_space<hbm>>
    %dma_wait3A_169 = arith.constant 0 : i32
    %dma_wait3A_170 = tpu.memref_slice %arg2[%dma_wait3A_169] : memref<1638400xf32, #tpu.memory_space<hbm>> -> memref<512xf32, #tpu.memory_space<hbm>>
    tpu.wait_dma2 semaphore(%arg19 : memref<!tpu.dma_semaphore, #tpu.memory_space<semaphore_mem>>) src(%dma_wait3A_170 : memref<512xf32, #tpu.memory_space<hbm>>) dst(%arg5 : memref<512xf32, #tpu.memory_space<vmem>>)
    %parallel_loop3A_171 = arith.constant 0 : i32
    %parallel_loop3A_172 = arith.constant 16 : i32
    %parallel_loop3A_173 = arith.constant 1 : i32
    scf.for %parallel_loop3A_446 = %parallel_loop3A_171 to %parallel_loop3A_172 step %parallel_loop3A_173  : i32 {
      %parallel_loop3A_447 = arith.constant 8 : i32
      %parallel_loop3A_448 = arith.divsi %parallel_loop3A_446, %parallel_loop3A_447 : i32
      %parallel_loop3A_449 = arith.constant 0 : i32
      %parallel_loop3A_450 = arith.cmpi sgt, %parallel_loop3A_446, %parallel_loop3A_449 : i32
      %parallel_loop3A_451 = arith.extui %parallel_loop3A_450 : i1 to i32
      %parallel_loop3A_452 = arith.constant 0 : i32
      %parallel_loop3A_453 = arith.cmpi slt, %parallel_loop3A_446, %parallel_loop3A_452 : i32
      %parallel_loop3A_454 = arith.extui %parallel_loop3A_453 : i1 to i32
      %parallel_loop3A_455 = arith.subi %parallel_loop3A_451, %parallel_loop3A_454 : i32
      %parallel_loop3A_456 = arith.constant 0 : i32
      %parallel_loop3A_457 = arith.cmpi sgt, %parallel_loop3A_447, %parallel_loop3A_456 : i32
      %parallel_loop3A_458 = arith.extui %parallel_loop3A_457 : i1 to i32
      %parallel_loop3A_459 = arith.constant 0 : i32
      %parallel_loop3A_460 = arith.cmpi slt, %parallel_loop3A_447, %parallel_loop3A_459 : i32
      %parallel_loop3A_461 = arith.extui %parallel_loop3A_460 : i1 to i32
      %parallel_loop3A_462 = arith.subi %parallel_loop3A_458, %parallel_loop3A_461 : i32
      %parallel_loop3A_463 = arith.cmpi ne, %parallel_loop3A_455, %parallel_loop3A_462 : i32
      %parallel_loop3A_464 = arith.remsi %parallel_loop3A_446, %parallel_loop3A_447 : i32
      %parallel_loop3A_465 = arith.constant 0 : i32
      %parallel_loop3A_466 = arith.cmpi ne, %parallel_loop3A_464, %parallel_loop3A_465 : i32
      %parallel_loop3A_467 = arith.andi %parallel_loop3A_463, %parallel_loop3A_466 : i1
      %parallel_loop3A_468 = arith.constant 1 : i32
      %parallel_loop3A_469 = arith.subi %parallel_loop3A_448, %parallel_loop3A_468 : i32
      %parallel_loop3A_470 = arith.select %parallel_loop3A_467, %parallel_loop3A_469, %parallel_loop3A_448 : i32
      %parallel_loop3A_471 = arith.constant 8 : i32
      %parallel_loop3A_472 = arith.constant 0 : i32
      %parallel_loop3A_473 = arith.cmpi eq, %parallel_loop3A_471, %parallel_loop3A_472 : i32
      %parallel_loop3A_474 = arith.constant 1 : i32
      %parallel_loop3A_475 = arith.select %parallel_loop3A_473, %parallel_loop3A_474, %parallel_loop3A_471 : i32
      %parallel_loop3A_476 = arith.remsi %parallel_loop3A_446, %parallel_loop3A_475 : i32
      %parallel_loop3A_477 = arith.constant 0 : i32
      %parallel_loop3A_478 = arith.cmpi ne, %parallel_loop3A_476, %parallel_loop3A_477 : i32
      %parallel_loop3A_479 = arith.constant 0 : i32
      %parallel_loop3A_480 = arith.cmpi slt, %parallel_loop3A_476, %parallel_loop3A_479 : i32
      %parallel_loop3A_481 = arith.constant 0 : i32
      %parallel_loop3A_482 = arith.cmpi slt, %parallel_loop3A_475, %parallel_loop3A_481 : i32
      %parallel_loop3A_483 = arith.xori %parallel_loop3A_480, %parallel_loop3A_482 : i1
      %parallel_loop3A_484 = arith.andi %parallel_loop3A_483, %parallel_loop3A_478 : i1
      %parallel_loop3A_485 = arith.addi %parallel_loop3A_476, %parallel_loop3A_475 : i32
      %parallel_loop3A_486 = arith.select %parallel_loop3A_484, %parallel_loop3A_485, %parallel_loop3A_476 : i32
      %parallel_loop3A_487 = arith.constant 256 : i32
      %parallel_loop3A_488 = arith.muli %parallel_loop3A_470, %parallel_loop3A_487 : i32
      %parallel_loop3A_489 = arith.constant 16 : i32
      %parallel_loop3A_490 = arith.muli %parallel_loop3A_486, %parallel_loop3A_489 : i32
      %parallel_loop3A_491 = arith.addi %parallel_loop3A_488, %parallel_loop3A_490 : i32
      %parallel_loop3A_492 = arith.index_cast %parallel_loop3A_491 : i32 to index
      %parallel_loop3A_493 = tpu.vector_load %arg8[%parallel_loop3A_492] {strides = array<i32>} : memref<512xf32, #tpu.memory_space<vmem>>, vector<16xf32>,
      %parallel_loop3A_494 = arith.constant 256 : i32
      %parallel_loop3A_495 = arith.muli %parallel_loop3A_470, %parallel_loop3A_494 : i32
      %parallel_loop3A_496 = arith.constant 128 : i32
      %parallel_loop3A_497 = arith.addi %parallel_loop3A_495, %parallel_loop3A_496 : i32
      %parallel_loop3A_498 = arith.constant 16 : i32
      %parallel_loop3A_499 = arith.muli %parallel_loop3A_486, %parallel_loop3A_498 : i32
      %parallel_loop3A_500 = arith.addi %parallel_loop3A_497, %parallel_loop3A_499 : i32
      %parallel_loop3A_501 = arith.index_cast %parallel_loop3A_500 : i32 to index
      %parallel_loop3A_502 = tpu.vector_load %arg8[%parallel_loop3A_501] {strides = array<i32>} : memref<512xf32, #tpu.memory_space<vmem>>, vector<16xf32>,
      %parallel_loop3A_503 = arith.constant 5.000000e-01 : f32
      %parallel_loop3A_504 = vector.broadcast %parallel_loop3A_503 : f32 to vector<16xf32>
      %parallel_loop3A_505 = arith.mulf %parallel_loop3A_493, %parallel_loop3A_504 : vector<16xf32>
      %parallel_loop3A_506 = arith.constant 5.000000e-01 : f32
      %parallel_loop3A_507 = vector.broadcast %parallel_loop3A_506 : f32 to vector<16xf32>
      %parallel_loop3A_508 = arith.addf %parallel_loop3A_505, %parallel_loop3A_507 : vector<16xf32>
      %parallel_loop3A_509 = arith.constant 5.120000e+02 : f32
      %parallel_loop3A_510 = vector.broadcast %parallel_loop3A_509 : f32 to vector<16xf32>
      %parallel_loop3A_511 = arith.mulf %parallel_loop3A_508, %parallel_loop3A_510 : vector<16xf32>
      %parallel_loop3A_512 = arith.constant 5.110000e+02 : f32
      %parallel_loop3A_513 = vector.broadcast %parallel_loop3A_512 : f32 to vector<16xf32>
      %parallel_loop3A_514 = arith.minimumf %parallel_loop3A_511, %parallel_loop3A_513 : vector<16xf32>
      %parallel_loop3A_515 = arith.constant 0.000000e+00 : f32
      %parallel_loop3A_516 = vector.broadcast %parallel_loop3A_515 : f32 to vector<16xf32>
      %parallel_loop3A_517 = arith.maximumf %parallel_loop3A_514, %parallel_loop3A_516 : vector<16xf32>
      %parallel_loop3A_518 = arith.fptosi %parallel_loop3A_517 : vector<16xf32> to vector<16xi32>
      %parallel_loop3A_519 = arith.constant 512 : i32
      %parallel_loop3A_520 = vector.broadcast %parallel_loop3A_519 : i32 to vector<16xi32>
      %parallel_loop3A_521 = arith.muli %parallel_loop3A_518, %parallel_loop3A_520 : vector<16xi32>
      %parallel_loop3A_522 = arith.constant 5.000000e-01 : f32
      %parallel_loop3A_523 = vector.broadcast %parallel_loop3A_522 : f32 to vector<16xf32>
      %parallel_loop3A_524 = arith.mulf %parallel_loop3A_502, %parallel_loop3A_523 : vector<16xf32>
      %parallel_loop3A_525 = arith.constant 5.000000e-01 : f32
      %parallel_loop3A_526 = vector.broadcast %parallel_loop3A_525 : f32 to vector<16xf32>
      %parallel_loop3A_527 = arith.addf %parallel_loop3A_524, %parallel_loop3A_526 : vector<16xf32>
      %parallel_loop3A_528 = arith.constant 5.120000e+02 : f32
      %parallel_loop3A_529 = vector.broadcast %parallel_loop3A_528 : f32 to vector<16xf32>
      %parallel_loop3A_530 = arith.mulf %parallel_loop3A_527, %parallel_loop3A_529 : vector<16xf32>
      %parallel_loop3A_531 = arith.constant 5.110000e+02 : f32
      %parallel_loop3A_532 = vector.broadcast %parallel_loop3A_531 : f32 to vector<16xf32>
      %parallel_loop3A_533 = arith.minimumf %parallel_loop3A_530, %parallel_loop3A_532 : vector<16xf32>
      %parallel_loop3A_534 = arith.constant 0.000000e+00 : f32
      %parallel_loop3A_535 = vector.broadcast %parallel_loop3A_534 : f32 to vector<16xf32>
      %parallel_loop3A_536 = arith.maximumf %parallel_loop3A_533, %parallel_loop3A_535 : vector<16xf32>
      %parallel_loop3A_537 = arith.fptosi %parallel_loop3A_536 : vector<16xf32> to vector<16xi32>
      %parallel_loop3A_538 = arith.addi %parallel_loop3A_521, %parallel_loop3A_537 : vector<16xi32>
      %parallel_loop3A_539 = arith.constant 16 : i32
      %parallel_loop3A_540 = arith.muli %parallel_loop3A_446, %parallel_loop3A_539 : i32
      %parallel_loop3A_541 = arith.index_cast %parallel_loop3A_540 : i32 to index
      %parallel_loop3A_542 = tpu.vector_load %arg12[%parallel_loop3A_541] {strides = array<i32>} : memref<256xi32, #tpu.memory_space<vmem>>, vector<16xi32>,
      tpu.vector_store %arg12[%parallel_loop3A_541], %parallel_loop3A_538 {strides = array<i32>} : memref<256xi32, #tpu.memory_space<vmem>>, vector<16xi32>,
    } {sc.loop_unroll_factor = 4 : i64, sc.parallel_access}
    %dma_start3A_174 = arith.constant 0 : i32
    %dma_start3A_175 = arith.constant 0 : i32
    %dma_start3A_176 = tpu.memref_slice %arg16[%dma_start3A_174, %dma_start3A_175] : memref<256x64xf32, #tpu.memory_space<vmem>> -> memref<128x64xf32, #tpu.memory_space<vmem>>
    %dma_start3A_177 = arith.constant 0 : i32
    %dma_start3A_178 = tpu.memref_slice %arg12[%dma_start3A_177] : memref<256xi32, #tpu.memory_space<vmem>> -> memref<128xi32, #tpu.memory_space<vmem>>
    %dma_start3A_179 = arith.constant 0 : i32
    %dma_start3A_180 = arith.constant 0 : i32
    %dma_start3A_181 = tpu.memref_slice %arg3[%dma_start3A_179, %dma_start3A_180] : memref<262144x64xf32, #tpu.memory_space<hbm>> -> memref<262144x64xf32, #tpu.memory_space<hbm>>
    tpu.enqueue_indirect_dma source(%dma_start3A_181 : memref<262144x64xf32, #tpu.memory_space<hbm>>) target(%dma_start3A_176 : memref<128x64xf32, #tpu.memory_space<vmem>>) offsets(%dma_start3A_178 : memref<128xi32, #tpu.memory_space<vmem>>) semaphore(%arg20 : memref<!tpu.dma_semaphore, #tpu.memory_space<semaphore_mem>>)
    %dma_start3A_182 = arith.constant 128 : i32
    %dma_start3A_183 = arith.constant 0 : i32
    %dma_start3A_184 = tpu.memref_slice %arg16[%dma_start3A_182, %dma_start3A_183] : memref<256x64xf32, #tpu.memory_space<vmem>> -> memref<128x64xf32, #tpu.memory_space<vmem>>
    %dma_start3A_185 = arith.constant 128 : i32
    %dma_start3A_186 = tpu.memref_slice %arg12[%dma_start3A_185] : memref<256xi32, #tpu.memory_space<vmem>> -> memref<128xi32, #tpu.memory_space<vmem>>
    %dma_start3A_187 = arith.constant 0 : i32
    %dma_start3A_188 = arith.constant 0 : i32
    %dma_start3A_189 = tpu.memref_slice %arg3[%dma_start3A_187, %dma_start3A_188] : memref<262144x64xf32, #tpu.memory_space<hbm>> -> memref<262144x64xf32, #tpu.memory_space<hbm>>
    tpu.enqueue_indirect_dma source(%dma_start3A_189 : memref<262144x64xf32, #tpu.memory_space<hbm>>) target(%dma_start3A_184 : memref<128x64xf32, #tpu.memory_space<vmem>>) offsets(%dma_start3A_186 : memref<128xi32, #tpu.memory_space<vmem>>) semaphore(%arg20 : memref<!tpu.dma_semaphore, #tpu.memory_space<semaphore_mem>>)
    %dma_wait3A_190 = arith.constant 0 : i32
    %dma_wait3A_191 = arith.constant 0 : i32
    %dma_wait3A_192 = tpu.memref_slice %arg13[%dma_wait3A_190, %dma_wait3A_191] : memref<256x64xf32, #tpu.memory_space<vmem>> -> memref<128x64xf32, #tpu.memory_space<vmem>>
    %dma_wait3A_193 = arith.constant 0 : i32
    %dma_wait3A_194 = tpu.memref_slice %arg9[%dma_wait3A_193] : memref<256xi32, #tpu.memory_space<vmem>> -> memref<128xi32, #tpu.memory_space<vmem>>
    %dma_wait3A_195 = arith.constant 0 : i32
    %dma_wait3A_196 = arith.constant 0 : i32
    %dma_wait3A_197 = tpu.memref_slice %arg3[%dma_wait3A_195, %dma_wait3A_196] : memref<262144x64xf32, #tpu.memory_space<hbm>> -> memref<262144x64xf32, #tpu.memory_space<hbm>>
    tpu.wait_indirect_dma semaphore(%arg20 : memref<!tpu.dma_semaphore, #tpu.memory_space<semaphore_mem>>) src(%dma_wait3A_197 : memref<262144x64xf32, #tpu.memory_space<hbm>>) dst(%dma_wait3A_192 : memref<128x64xf32, #tpu.memory_space<vmem>>)
    %dma_wait3A_198 = arith.constant 0 : i32
    %dma_wait3A_199 = arith.constant 0 : i32
    %dma_wait3A_200 = tpu.memref_slice %arg13[%dma_wait3A_198, %dma_wait3A_199] : memref<256x64xf32, #tpu.memory_space<vmem>> -> memref<128x64xf32, #tpu.memory_space<vmem>>
    %dma_wait3A_201 = arith.constant 0 : i32
    %dma_wait3A_202 = tpu.memref_slice %arg9[%dma_wait3A_201] : memref<256xi32, #tpu.memory_space<vmem>> -> memref<128xi32, #tpu.memory_space<vmem>>
    %dma_wait3A_203 = arith.constant 0 : i32
    %dma_wait3A_204 = arith.constant 0 : i32
    %dma_wait3A_205 = tpu.memref_slice %arg3[%dma_wait3A_203, %dma_wait3A_204] : memref<262144x64xf32, #tpu.memory_space<hbm>> -> memref<262144x64xf32, #tpu.memory_space<hbm>>
    tpu.wait_indirect_dma semaphore(%arg20 : memref<!tpu.dma_semaphore, #tpu.memory_space<semaphore_mem>>) src(%dma_wait3A_205 : memref<262144x64xf32, #tpu.memory_space<hbm>>) dst(%dma_wait3A_200 : memref<128x64xf32, #tpu.memory_space<vmem>>)
    %parallel_loop3A_206 = arith.constant 0 : i32
    %parallel_loop3A_207 = arith.constant 1024 : i32
    %parallel_loop3A_208 = arith.constant 1 : i32
    scf.for %parallel_loop3A_446 = %parallel_loop3A_206 to %parallel_loop3A_207 step %parallel_loop3A_208  : i32 {
      %parallel_loop3A_447 = arith.constant 16 : i32
      %parallel_loop3A_448 = arith.divsi %parallel_loop3A_446, %parallel_loop3A_447 : i32
      %parallel_loop3A_449 = arith.constant 0 : i32
      %parallel_loop3A_450 = arith.cmpi sgt, %parallel_loop3A_446, %parallel_loop3A_449 : i32
      %parallel_loop3A_451 = arith.extui %parallel_loop3A_450 : i1 to i32
      %parallel_loop3A_452 = arith.constant 0 : i32
      %parallel_loop3A_453 = arith.cmpi slt, %parallel_loop3A_446, %parallel_loop3A_452 : i32
      %parallel_loop3A_454 = arith.extui %parallel_loop3A_453 : i1 to i32
      %parallel_loop3A_455 = arith.subi %parallel_loop3A_451, %parallel_loop3A_454 : i32
      %parallel_loop3A_456 = arith.constant 0 : i32
      %parallel_loop3A_457 = arith.cmpi sgt, %parallel_loop3A_447, %parallel_loop3A_456 : i32
      %parallel_loop3A_458 = arith.extui %parallel_loop3A_457 : i1 to i32
      %parallel_loop3A_459 = arith.constant 0 : i32
      %parallel_loop3A_460 = arith.cmpi slt, %parallel_loop3A_447, %parallel_loop3A_459 : i32
      %parallel_loop3A_461 = arith.extui %parallel_loop3A_460 : i1 to i32
      %parallel_loop3A_462 = arith.subi %parallel_loop3A_458, %parallel_loop3A_461 : i32
      %parallel_loop3A_463 = arith.cmpi ne, %parallel_loop3A_455, %parallel_loop3A_462 : i32
      %parallel_loop3A_464 = arith.remsi %parallel_loop3A_446, %parallel_loop3A_447 : i32
      %parallel_loop3A_465 = arith.constant 0 : i32
      %parallel_loop3A_466 = arith.cmpi ne, %parallel_loop3A_464, %parallel_loop3A_465 : i32
      %parallel_loop3A_467 = arith.andi %parallel_loop3A_463, %parallel_loop3A_466 : i1
      %parallel_loop3A_468 = arith.constant 1 : i32
      %parallel_loop3A_469 = arith.subi %parallel_loop3A_448, %parallel_loop3A_468 : i32
      %parallel_loop3A_470 = arith.select %parallel_loop3A_467, %parallel_loop3A_469, %parallel_loop3A_448 : i32
      %parallel_loop3A_471 = arith.constant 16 : i32
      %parallel_loop3A_472 = arith.constant 0 : i32
      %parallel_loop3A_473 = arith.cmpi eq, %parallel_loop3A_471, %parallel_loop3A_472 : i32
      %parallel_loop3A_474 = arith.constant 1 : i32
      %parallel_loop3A_475 = arith.select %parallel_loop3A_473, %parallel_loop3A_474, %parallel_loop3A_471 : i32
      %parallel_loop3A_476 = arith.remsi %parallel_loop3A_446, %parallel_loop3A_475 : i32
      %parallel_loop3A_477 = arith.constant 0 : i32
      %parallel_loop3A_478 = arith.cmpi ne, %parallel_loop3A_476, %parallel_loop3A_477 : i32
      %parallel_loop3A_479 = arith.constant 0 : i32
      %parallel_loop3A_480 = arith.cmpi slt, %parallel_loop3A_476, %parallel_loop3A_479 : i32
      %parallel_loop3A_481 = arith.constant 0 : i32
      %parallel_loop3A_482 = arith.cmpi slt, %parallel_loop3A_475, %parallel_loop3A_481 : i32
      %parallel_loop3A_483 = arith.xori %parallel_loop3A_480, %parallel_loop3A_482 : i1
      %parallel_loop3A_484 = arith.andi %parallel_loop3A_483, %parallel_loop3A_478 : i1
      %parallel_loop3A_485 = arith.addi %parallel_loop3A_476, %parallel_loop3A_475 : i32
      %parallel_loop3A_486 = arith.select %parallel_loop3A_484, %parallel_loop3A_485, %parallel_loop3A_476 : i32
      %parallel_loop3A_487 = arith.constant 16 : i32
      %parallel_loop3A_488 = arith.muli %parallel_loop3A_486, %parallel_loop3A_487 : i32
      %parallel_loop3A_489 = vector.broadcast %parallel_loop3A_488 : i32 to vector<16xi32>
      %parallel_loop3A_490 = arith.addi %parallel_loop3A_489, %iota3A : vector<16xi32>
      %parallel_loop3A_491 = vector.broadcast %parallel_loop3A_470 : i32 to vector<16xi32>
      %parallel_loop3A_492 = tpu.vector_load_idx %arg14[%parallel_loop3A_490, %parallel_loop3A_491] : memref<256x64xf32, #tpu.memory_space<vmem>>[vector<16xi32>, vector<16xi32>], vector<16xf32>,
      %parallel_loop3A_493 = arith.constant 128 : i32
      %parallel_loop3A_494 = arith.divsi %parallel_loop3A_488, %parallel_loop3A_493 : i32
      %parallel_loop3A_495 = arith.constant 0 : i32
      %parallel_loop3A_496 = arith.cmpi sgt, %parallel_loop3A_488, %parallel_loop3A_495 : i32
      %parallel_loop3A_497 = arith.extui %parallel_loop3A_496 : i1 to i32
      %parallel_loop3A_498 = arith.constant 0 : i32
      %parallel_loop3A_499 = arith.cmpi slt, %parallel_loop3A_488, %parallel_loop3A_498 : i32
      %parallel_loop3A_500 = arith.extui %parallel_loop3A_499 : i1 to i32
      %parallel_loop3A_501 = arith.subi %parallel_loop3A_497, %parallel_loop3A_500 : i32
      %parallel_loop3A_502 = arith.constant 0 : i32
      %parallel_loop3A_503 = arith.cmpi sgt, %parallel_loop3A_493, %parallel_loop3A_502 : i32
      %parallel_loop3A_504 = arith.extui %parallel_loop3A_503 : i1 to i32
      %parallel_loop3A_505 = arith.constant 0 : i32
      %parallel_loop3A_506 = arith.cmpi slt, %parallel_loop3A_493, %parallel_loop3A_505 : i32
      %parallel_loop3A_507 = arith.extui %parallel_loop3A_506 : i1 to i32
      %parallel_loop3A_508 = arith.subi %parallel_loop3A_504, %parallel_loop3A_507 : i32
      %parallel_loop3A_509 = arith.cmpi ne, %parallel_loop3A_501, %parallel_loop3A_508 : i32
      %parallel_loop3A_510 = arith.remsi %parallel_loop3A_488, %parallel_loop3A_493 : i32
      %parallel_loop3A_511 = arith.constant 0 : i32
      %parallel_loop3A_512 = arith.cmpi ne, %parallel_loop3A_510, %parallel_loop3A_511 : i32
      %parallel_loop3A_513 = arith.andi %parallel_loop3A_509, %parallel_loop3A_512 : i1
      %parallel_loop3A_514 = arith.constant 1 : i32
      %parallel_loop3A_515 = arith.subi %parallel_loop3A_494, %parallel_loop3A_514 : i32
      %parallel_loop3A_516 = arith.select %parallel_loop3A_513, %parallel_loop3A_515, %parallel_loop3A_494 : i32
      %parallel_loop3A_517 = arith.constant 1024 : i32
      %parallel_loop3A_518 = arith.muli %parallel_loop3A_516, %parallel_loop3A_517 : i32
      %parallel_loop3A_519 = arith.constant 8 : i32
      %parallel_loop3A_520 = arith.constant 0 : i32
      %parallel_loop3A_521 = arith.cmpi eq, %parallel_loop3A_519, %parallel_loop3A_520 : i32
      %parallel_loop3A_522 = arith.constant 1 : i32
      %parallel_loop3A_523 = arith.select %parallel_loop3A_521, %parallel_loop3A_522, %parallel_loop3A_519 : i32
      %parallel_loop3A_524 = arith.remsi %parallel_loop3A_470, %parallel_loop3A_523 : i32
      %parallel_loop3A_525 = arith.constant 0 : i32
      %parallel_loop3A_526 = arith.cmpi ne, %parallel_loop3A_524, %parallel_loop3A_525 : i32
      %parallel_loop3A_527 = arith.constant 0 : i32
      %parallel_loop3A_528 = arith.cmpi slt, %parallel_loop3A_524, %parallel_loop3A_527 : i32
      %parallel_loop3A_529 = arith.constant 0 : i32
      %parallel_loop3A_530 = arith.cmpi slt, %parallel_loop3A_523, %parallel_loop3A_529 : i32
      %parallel_loop3A_531 = arith.xori %parallel_loop3A_528, %parallel_loop3A_530 : i1
      %parallel_loop3A_532 = arith.andi %parallel_loop3A_531, %parallel_loop3A_526 : i1
      %parallel_loop3A_533 = arith.addi %parallel_loop3A_524, %parallel_loop3A_523 : i32
      %parallel_loop3A_534 = arith.select %parallel_loop3A_532, %parallel_loop3A_533, %parallel_loop3A_524 : i32
      %parallel_loop3A_535 = arith.constant 128 : i32
      %parallel_loop3A_536 = arith.muli %parallel_loop3A_534, %parallel_loop3A_535 : i32
      %parallel_loop3A_537 = arith.addi %parallel_loop3A_518, %parallel_loop3A_536 : i32
      %parallel_loop3A_538 = arith.constant 128 : i32
      %parallel_loop3A_539 = arith.constant 0 : i32
      %parallel_loop3A_540 = arith.cmpi eq, %parallel_loop3A_538, %parallel_loop3A_539 : i32
      %parallel_loop3A_541 = arith.constant 1 : i32
      %parallel_loop3A_542 = arith.select %parallel_loop3A_540, %parallel_loop3A_541, %parallel_loop3A_538 : i32
      %parallel_loop3A_543 = arith.remsi %parallel_loop3A_488, %parallel_loop3A_542 : i32
      %parallel_loop3A_544 = arith.constant 0 : i32
      %parallel_loop3A_545 = arith.cmpi ne, %parallel_loop3A_543, %parallel_loop3A_544 : i32
      %parallel_loop3A_546 = arith.constant 0 : i32
      %parallel_loop3A_547 = arith.cmpi slt, %parallel_loop3A_543, %parallel_loop3A_546 : i32
      %parallel_loop3A_548 = arith.constant 0 : i32
      %parallel_loop3A_549 = arith.cmpi slt, %parallel_loop3A_542, %parallel_loop3A_548 : i32
      %parallel_loop3A_550 = arith.xori %parallel_loop3A_547, %parallel_loop3A_549 : i1
      %parallel_loop3A_551 = arith.andi %parallel_loop3A_550, %parallel_loop3A_545 : i1
      %parallel_loop3A_552 = arith.addi %parallel_loop3A_543, %parallel_loop3A_542 : i32
      %parallel_loop3A_553 = arith.select %parallel_loop3A_551, %parallel_loop3A_552, %parallel_loop3A_543 : i32
      %parallel_loop3A_554 = arith.addi %parallel_loop3A_537, %parallel_loop3A_553 : i32
      %parallel_loop3A_555 = arith.constant 8 : i32
      %parallel_loop3A_556 = arith.divsi %parallel_loop3A_470, %parallel_loop3A_555 : i32
      %parallel_loop3A_557 = arith.constant 0 : i32
      %parallel_loop3A_558 = arith.cmpi sgt, %parallel_loop3A_470, %parallel_loop3A_557 : i32
      %parallel_loop3A_559 = arith.extui %parallel_loop3A_558 : i1 to i32
      %parallel_loop3A_560 = arith.constant 0 : i32
      %parallel_loop3A_561 = arith.cmpi slt, %parallel_loop3A_470, %parallel_loop3A_560 : i32
      %parallel_loop3A_562 = arith.extui %parallel_loop3A_561 : i1 to i32
      %parallel_loop3A_563 = arith.subi %parallel_loop3A_559, %parallel_loop3A_562 : i32
      %parallel_loop3A_564 = arith.constant 0 : i32
      %parallel_loop3A_565 = arith.cmpi sgt, %parallel_loop3A_555, %parallel_loop3A_564 : i32
      %parallel_loop3A_566 = arith.extui %parallel_loop3A_565 : i1 to i32
      %parallel_loop3A_567 = arith.constant 0 : i32
      %parallel_loop3A_568 = arith.cmpi slt, %parallel_loop3A_555, %parallel_loop3A_567 : i32
      %parallel_loop3A_569 = arith.extui %parallel_loop3A_568 : i1 to i32
      %parallel_loop3A_570 = arith.subi %parallel_loop3A_566, %parallel_loop3A_569 : i32
      %parallel_loop3A_571 = arith.cmpi ne, %parallel_loop3A_563, %parallel_loop3A_570 : i32
      %parallel_loop3A_572 = arith.remsi %parallel_loop3A_470, %parallel_loop3A_555 : i32
      %parallel_loop3A_573 = arith.constant 0 : i32
      %parallel_loop3A_574 = arith.cmpi ne, %parallel_loop3A_572, %parallel_loop3A_573 : i32
      %parallel_loop3A_575 = arith.andi %parallel_loop3A_571, %parallel_loop3A_574 : i1
      %parallel_loop3A_576 = arith.constant 1 : i32
      %parallel_loop3A_577 = arith.subi %parallel_loop3A_556, %parallel_loop3A_576 : i32
      %parallel_loop3A_578 = arith.select %parallel_loop3A_575, %parallel_loop3A_577, %parallel_loop3A_556 : i32
      %parallel_loop3A_579 = arith.index_cast %parallel_loop3A_578 : i32 to index
      %parallel_loop3A_580 = arith.index_cast %parallel_loop3A_554 : i32 to index
      %parallel_loop3A_581 = tpu.vector_load %arg18[%parallel_loop3A_579, %parallel_loop3A_580] {strides = array<i32>} : memref<8x2048xf32, #tpu.memory_space<vmem>>, vector<16xf32>,
      tpu.vector_store %arg18[%parallel_loop3A_579, %parallel_loop3A_580], %parallel_loop3A_492 {strides = array<i32>} : memref<8x2048xf32, #tpu.memory_space<vmem>>, vector<16xf32>,
    } {sc.loop_unroll_factor = 16 : i64, sc.parallel_access}
    %add3A_209 = arith.constant 1 : i32
    %add3A_210 = arith.addi %mul3A_2, %add3A_209 : i32
    %jit3A_211 = arith.constant 16 : i32
    %div3A_212 = arith.divsi %add3A_210, %jit3A_211 : i32
    %sign3A_213 = arith.constant 0 : i32
    %sign3A_214 = arith.cmpi sgt, %add3A_210, %sign3A_213 : i32
    %sign3A_215 = arith.extui %sign3A_214 : i1 to i32
    %sign3A_216 = arith.constant 0 : i32
    %sign3A_217 = arith.cmpi slt, %add3A_210, %sign3A_216 : i32
    %sign3A_218 = arith.extui %sign3A_217 : i1 to i32
    %sign3A_219 = arith.subi %sign3A_215, %sign3A_218 : i32
    %sign3A_220 = arith.constant 0 : i32
    %sign3A_221 = arith.cmpi sgt, %jit3A_211, %sign3A_220 : i32
    %sign3A_222 = arith.extui %sign3A_221 : i1 to i32
    %sign3A_223 = arith.constant 0 : i32
    %sign3A_224 = arith.cmpi slt, %jit3A_211, %sign3A_223 : i32
    %sign3A_225 = arith.extui %sign3A_224 : i1 to i32
    %sign3A_226 = arith.subi %sign3A_222, %sign3A_225 : i32
    %ne3A_227 = arith.cmpi ne, %sign3A_219, %sign3A_226 : i32
    %rem3A_228 = arith.remsi %add3A_210, %jit3A_211 : i32
    %ne3A_229 = arith.constant 0 : i32
    %ne3A_230 = arith.cmpi ne, %rem3A_228, %ne3A_229 : i32
    %and3A_231 = arith.andi %ne3A_227, %ne3A_230 : i1
    %sub3A_232 = arith.constant 1 : i32
    %sub3A_233 = arith.subi %div3A_212, %sub3A_232 : i32
    %select_n3A_234 = arith.select %and3A_231, %sub3A_233, %div3A_212 : i32
    %jit3A_235 = arith.constant 16 : i32
    %eq3A_236 = arith.constant 0 : i32
    %eq3A_237 = arith.cmpi eq, %jit3A_235, %eq3A_236 : i32
    %jit3A_238 = arith.constant 1 : i32
    %select_n3A_239 = arith.select %eq3A_237, %jit3A_238, %jit3A_235 : i32
    %rem3A_240 = arith.remsi %add3A_210, %select_n3A_239 : i32
    %ne3A_241 = arith.constant 0 : i32
    %ne3A_242 = arith.cmpi ne, %rem3A_240, %ne3A_241 : i32
    %lt3A_243 = arith.constant 0 : i32
    %lt3A_244 = arith.cmpi slt, %rem3A_240, %lt3A_243 : i32
    %lt3A_245 = arith.constant 0 : i32
    %lt3A_246 = arith.cmpi slt, %select_n3A_239, %lt3A_245 : i32
    %ne3A_247 = arith.xori %lt3A_244, %lt3A_246 : i1
    %and3A_248 = arith.andi %ne3A_247, %ne3A_242 : i1
    %add3A_249 = arith.addi %rem3A_240, %select_n3A_239 : i32
    %select_n3A_250 = arith.select %and3A_248, %add3A_249, %rem3A_240 : i32
    %dma_start3A_251 = arith.constant 0 : i32
    %dma_start3A_252 = arith.constant 0 : i32
    %dma_start3A_253 = tpu.memref_slice %arg4[%select_n3A_234, %dma_start3A_251, %select_n3A_250, %dma_start3A_252] : memref<200x8x16x2048xf32, #tpu.memory_space<hbm>> -> memref<1x8x1x2048xf32, #tpu.memory_space<hbm>>
    %dma_start3A_254 = tpu.memref_squeeze %dma_start3A_253 : memref<1x8x1x2048xf32, #tpu.memory_space<hbm>> -> memref<8x2048xf32, #tpu.memory_space<hbm>>
    %dma_start3A_255 = arith.constant 0 : i32
    %dma_start3A_256 = arith.constant 0 : i32
    %dma_start3A_257 = tpu.memref_slice %arg4[%select_n3A_234, %dma_start3A_255, %select_n3A_250, %dma_start3A_256] : memref<200x8x16x2048xf32, #tpu.memory_space<hbm>> -> memref<1x8x1x2048xf32, #tpu.memory_space<hbm>>
    %dma_start3A_258 = tpu.memref_squeeze %dma_start3A_257 : memref<1x8x1x2048xf32, #tpu.memory_space<hbm>> -> memref<8x2048xf32, #tpu.memory_space<hbm>>
    tpu.enqueue_dma source(%arg18 : memref<8x2048xf32, #tpu.memory_space<vmem>>) target(%dma_start3A_258 : memref<8x2048xf32, #tpu.memory_space<hbm>>) target_semaphore(%arg21 : memref<!tpu.dma_semaphore, #tpu.memory_space<semaphore_mem>>)
    %scan3A = arith.constant 0 : i32
    %scan3A_259 = arith.constant 0 : i32
    %scan3A_260 = arith.constant 24 : i32
    %scan3A_261 = arith.addi %scan3A_259, %scan3A_260 : i32
    %scan3A_262 = arith.constant 1 : i32
    scf.for %scan3A_446 = %scan3A_259 to %scan3A_261 step %scan3A_262  : i32 {
      %mul3A_447 = arith.constant 4 : i32
      %mul3A_448 = arith.muli %mul3A_447, %scan3A_446 : i32
      %add3A_449 = arith.constant 4 : i32
      %add3A_450 = arith.addi %add3A_449, %mul3A_448 : i32
      %add3A_451 = arith.constant 0 : i32
      %add3A_452 = arith.addi %add3A_450, %add3A_451 : i32
      %add3A_453 = arith.constant 1 : i32
      %add3A_454 = arith.addi %add3A_452, %add3A_453 : i32
      %add3A_455 = arith.addi %mul3A_2, %add3A_454 : i32
      %min3A_456 = arith.constant 3199 : i32
      %min3A_457 = arith.minsi %add3A_455, %min3A_456 : i32
      %mul3A_458 = arith.constant 512 : i32
      %mul3A_459 = arith.muli %min3A_457, %mul3A_458 : i32
      %dma_start3A_460 = tpu.memref_slice %arg2[%mul3A_459] : memref<1638400xf32, #tpu.memory_space<hbm>> -> memref<512xf32, #tpu.memory_space<hbm>>
      %dma_start3A_461 = tpu.memref_slice %arg2[%mul3A_459] : memref<1638400xf32, #tpu.memory_space<hbm>> -> memref<512xf32, #tpu.memory_space<hbm>>
      tpu.enqueue_dma source(%dma_start3A_461 : memref<512xf32, #tpu.memory_space<hbm>>) target(%arg6 : memref<512xf32, #tpu.memory_space<vmem>>) target_semaphore(%arg19 : memref<!tpu.dma_semaphore, #tpu.memory_space<semaphore_mem>>)
      %dma_wait3A_462 = arith.constant 0 : i32
      %dma_wait3A_463 = tpu.memref_slice %arg2[%dma_wait3A_462] : memref<1638400xf32, #tpu.memory_space<hbm>> -> memref<512xf32, #tpu.memory_space<hbm>>
      %dma_wait3A_464 = arith.constant 0 : i32
      %dma_wait3A_465 = tpu.memref_slice %arg2[%dma_wait3A_464] : memref<1638400xf32, #tpu.memory_space<hbm>> -> memref<512xf32, #tpu.memory_space<hbm>>
      tpu.wait_dma2 semaphore(%arg19 : memref<!tpu.dma_semaphore, #tpu.memory_space<semaphore_mem>>) src(%dma_wait3A_465 : memref<512xf32, #tpu.memory_space<hbm>>) dst(%arg5 : memref<512xf32, #tpu.memory_space<vmem>>)
      %parallel_loop3A_466 = arith.constant 0 : i32
      %parallel_loop3A_467 = arith.constant 16 : i32
      %parallel_loop3A_468 = arith.constant 1 : i32
      scf.for %parallel_loop3A_919 = %parallel_loop3A_466 to %parallel_loop3A_467 step %parallel_loop3A_468  : i32 {
        %parallel_loop3A_920 = arith.constant 8 : i32
        %parallel_loop3A_921 = arith.divsi %parallel_loop3A_919, %parallel_loop3A_920 : i32
        %parallel_loop3A_922 = arith.constant 0 : i32
        %parallel_loop3A_923 = arith.cmpi sgt, %parallel_loop3A_919, %parallel_loop3A_922 : i32
        %parallel_loop3A_924 = arith.extui %parallel_loop3A_923 : i1 to i32
        %parallel_loop3A_925 = arith.constant 0 : i32
        %parallel_loop3A_926 = arith.cmpi slt, %parallel_loop3A_919, %parallel_loop3A_925 : i32
        %parallel_loop3A_927 = arith.extui %parallel_loop3A_926 : i1 to i32
        %parallel_loop3A_928 = arith.subi %parallel_loop3A_924, %parallel_loop3A_927 : i32
        %parallel_loop3A_929 = arith.constant 0 : i32
        %parallel_loop3A_930 = arith.cmpi sgt, %parallel_loop3A_920, %parallel_loop3A_929 : i32
        %parallel_loop3A_931 = arith.extui %parallel_loop3A_930 : i1 to i32
        %parallel_loop3A_932 = arith.constant 0 : i32
        %parallel_loop3A_933 = arith.cmpi slt, %parallel_loop3A_920, %parallel_loop3A_932 : i32
        %parallel_loop3A_934 = arith.extui %parallel_loop3A_933 : i1 to i32
        %parallel_loop3A_935 = arith.subi %parallel_loop3A_931, %parallel_loop3A_934 : i32
        %parallel_loop3A_936 = arith.cmpi ne, %parallel_loop3A_928, %parallel_loop3A_935 : i32
        %parallel_loop3A_937 = arith.remsi %parallel_loop3A_919, %parallel_loop3A_920 : i32
        %parallel_loop3A_938 = arith.constant 0 : i32
        %parallel_loop3A_939 = arith.cmpi ne, %parallel_loop3A_937, %parallel_loop3A_938 : i32
        %parallel_loop3A_940 = arith.andi %parallel_loop3A_936, %parallel_loop3A_939 : i1
        %parallel_loop3A_941 = arith.constant 1 : i32
        %parallel_loop3A_942 = arith.subi %parallel_loop3A_921, %parallel_loop3A_941 : i32
        %parallel_loop3A_943 = arith.select %parallel_loop3A_940, %parallel_loop3A_942, %parallel_loop3A_921 : i32
        %parallel_loop3A_944 = arith.constant 8 : i32
        %parallel_loop3A_945 = arith.constant 0 : i32
        %parallel_loop3A_946 = arith.cmpi eq, %parallel_loop3A_944, %parallel_loop3A_945 : i32
        %parallel_loop3A_947 = arith.constant 1 : i32
        %parallel_loop3A_948 = arith.select %parallel_loop3A_946, %parallel_loop3A_947, %parallel_loop3A_944 : i32
        %parallel_loop3A_949 = arith.remsi %parallel_loop3A_919, %parallel_loop3A_948 : i32
        %parallel_loop3A_950 = arith.constant 0 : i32
        %parallel_loop3A_951 = arith.cmpi ne, %parallel_loop3A_949, %parallel_loop3A_950 : i32
        %parallel_loop3A_952 = arith.constant 0 : i32
        %parallel_loop3A_953 = arith.cmpi slt, %parallel_loop3A_949, %parallel_loop3A_952 : i32
        %parallel_loop3A_954 = arith.constant 0 : i32
        %parallel_loop3A_955 = arith.cmpi slt, %parallel_loop3A_948, %parallel_loop3A_954 : i32
        %parallel_loop3A_956 = arith.xori %parallel_loop3A_953, %parallel_loop3A_955 : i1
        %parallel_loop3A_957 = arith.andi %parallel_loop3A_956, %parallel_loop3A_951 : i1
        %parallel_loop3A_958 = arith.addi %parallel_loop3A_949, %parallel_loop3A_948 : i32
        %parallel_loop3A_959 = arith.select %parallel_loop3A_957, %parallel_loop3A_958, %parallel_loop3A_949 : i32
        %parallel_loop3A_960 = arith.constant 256 : i32
        %parallel_loop3A_961 = arith.muli %parallel_loop3A_943, %parallel_loop3A_960 : i32
        %parallel_loop3A_962 = arith.constant 16 : i32
        %parallel_loop3A_963 = arith.muli %parallel_loop3A_959, %parallel_loop3A_962 : i32
        %parallel_loop3A_964 = arith.addi %parallel_loop3A_961, %parallel_loop3A_963 : i32
        %parallel_loop3A_965 = arith.index_cast %parallel_loop3A_964 : i32 to index
        %parallel_loop3A_966 = tpu.vector_load %arg5[%parallel_loop3A_965] {strides = array<i32>} : memref<512xf32, #tpu.memory_space<vmem>>, vector<16xf32>,
        %parallel_loop3A_967 = arith.constant 256 : i32
        %parallel_loop3A_968 = arith.muli %parallel_loop3A_943, %parallel_loop3A_967 : i32
        %parallel_loop3A_969 = arith.constant 128 : i32
        %parallel_loop3A_970 = arith.addi %parallel_loop3A_968, %parallel_loop3A_969 : i32
        %parallel_loop3A_971 = arith.constant 16 : i32
        %parallel_loop3A_972 = arith.muli %parallel_loop3A_959, %parallel_loop3A_971 : i32
        %parallel_loop3A_973 = arith.addi %parallel_loop3A_970, %parallel_loop3A_972 : i32
        %parallel_loop3A_974 = arith.index_cast %parallel_loop3A_973 : i32 to index
        %parallel_loop3A_975 = tpu.vector_load %arg5[%parallel_loop3A_974] {strides = array<i32>} : memref<512xf32, #tpu.memory_space<vmem>>, vector<16xf32>,
        %parallel_loop3A_976 = arith.constant 5.000000e-01 : f32
        %parallel_loop3A_977 = vector.broadcast %parallel_loop3A_976 : f32 to vector<16xf32>
        %parallel_loop3A_978 = arith.mulf %parallel_loop3A_966, %parallel_loop3A_977 : vector<16xf32>
        %parallel_loop3A_979 = arith.constant 5.000000e-01 : f32
        %parallel_loop3A_980 = vector.broadcast %parallel_loop3A_979 : f32 to vector<16xf32>
        %parallel_loop3A_981 = arith.addf %parallel_loop3A_978, %parallel_loop3A_980 : vector<16xf32>
        %parallel_loop3A_982 = arith.constant 5.120000e+02 : f32
        %parallel_loop3A_983 = vector.broadcast %parallel_loop3A_982 : f32 to vector<16xf32>
        %parallel_loop3A_984 = arith.mulf %parallel_loop3A_981, %parallel_loop3A_983 : vector<16xf32>
        %parallel_loop3A_985 = arith.constant 5.110000e+02 : f32
        %parallel_loop3A_986 = vector.broadcast %parallel_loop3A_985 : f32 to vector<16xf32>
        %parallel_loop3A_987 = arith.minimumf %parallel_loop3A_984, %parallel_loop3A_986 : vector<16xf32>
        %parallel_loop3A_988 = arith.constant 0.000000e+00 : f32
        %parallel_loop3A_989 = vector.broadcast %parallel_loop3A_988 : f32 to vector<16xf32>
        %parallel_loop3A_990 = arith.maximumf %parallel_loop3A_987, %parallel_loop3A_989 : vector<16xf32>
        %parallel_loop3A_991 = arith.fptosi %parallel_loop3A_990 : vector<16xf32> to vector<16xi32>
        %parallel_loop3A_992 = arith.constant 512 : i32
        %parallel_loop3A_993 = vector.broadcast %parallel_loop3A_992 : i32 to vector<16xi32>
        %parallel_loop3A_994 = arith.muli %parallel_loop3A_991, %parallel_loop3A_993 : vector<16xi32>
        %parallel_loop3A_995 = arith.constant 5.000000e-01 : f32
        %parallel_loop3A_996 = vector.broadcast %parallel_loop3A_995 : f32 to vector<16xf32>
        %parallel_loop3A_997 = arith.mulf %parallel_loop3A_975, %parallel_loop3A_996 : vector<16xf32>
        %parallel_loop3A_998 = arith.constant 5.000000e-01 : f32
        %parallel_loop3A_999 = vector.broadcast %parallel_loop3A_998 : f32 to vector<16xf32>
        %parallel_loop3A_1000 = arith.addf %parallel_loop3A_997, %parallel_loop3A_999 : vector<16xf32>
        %parallel_loop3A_1001 = arith.constant 5.120000e+02 : f32
        %parallel_loop3A_1002 = vector.broadcast %parallel_loop3A_1001 : f32 to vector<16xf32>
        %parallel_loop3A_1003 = arith.mulf %parallel_loop3A_1000, %parallel_loop3A_1002 : vector<16xf32>
        %parallel_loop3A_1004 = arith.constant 5.110000e+02 : f32
        %parallel_loop3A_1005 = vector.broadcast %parallel_loop3A_1004 : f32 to vector<16xf32>
        %parallel_loop3A_1006 = arith.minimumf %parallel_loop3A_1003, %parallel_loop3A_1005 : vector<16xf32>
        %parallel_loop3A_1007 = arith.constant 0.000000e+00 : f32
        %parallel_loop3A_1008 = vector.broadcast %parallel_loop3A_1007 : f32 to vector<16xf32>
        %parallel_loop3A_1009 = arith.maximumf %parallel_loop3A_1006, %parallel_loop3A_1008 : vector<16xf32>
        %parallel_loop3A_1010 = arith.fptosi %parallel_loop3A_1009 : vector<16xf32> to vector<16xi32>
        %parallel_loop3A_1011 = arith.addi %parallel_loop3A_994, %parallel_loop3A_1010 : vector<16xi32>
        %parallel_loop3A_1012 = arith.constant 16 : i32
        %parallel_loop3A_1013 = arith.muli %parallel_loop3A_919, %parallel_loop3A_1012 : i32
        %parallel_loop3A_1014 = arith.index_cast %parallel_loop3A_1013 : i32 to index
        %parallel_loop3A_1015 = tpu.vector_load %arg9[%parallel_loop3A_1014] {strides = array<i32>} : memref<256xi32, #tpu.memory_space<vmem>>, vector<16xi32>,
        tpu.vector_store %arg9[%parallel_loop3A_1014], %parallel_loop3A_1011 {strides = array<i32>} : memref<256xi32, #tpu.memory_space<vmem>>, vector<16xi32>,
      } {sc.loop_unroll_factor = 4 : i64, sc.parallel_access}
      %dma_start3A_469 = arith.constant 0 : i32
      %dma_start3A_470 = arith.constant 0 : i32
      %dma_start3A_471 = tpu.memref_slice %arg13[%dma_start3A_469, %dma_start3A_470] : memref<256x64xf32, #tpu.memory_space<vmem>> -> memref<128x64xf32, #tpu.memory_space<vmem>>
      %dma_start3A_472 = arith.constant 0 : i32
      %dma_start3A_473 = tpu.memref_slice %arg9[%dma_start3A_472] : memref<256xi32, #tpu.memory_space<vmem>> -> memref<128xi32, #tpu.memory_space<vmem>>
      %dma_start3A_474 = arith.constant 0 : i32
      %dma_start3A_475 = arith.constant 0 : i32
      %dma_start3A_476 = tpu.memref_slice %arg3[%dma_start3A_474, %dma_start3A_475] : memref<262144x64xf32, #tpu.memory_space<hbm>> -> memref<262144x64xf32, #tpu.memory_space<hbm>>
      tpu.enqueue_indirect_dma source(%dma_start3A_476 : memref<262144x64xf32, #tpu.memory_space<hbm>>) target(%dma_start3A_471 : memref<128x64xf32, #tpu.memory_space<vmem>>) offsets(%dma_start3A_473 : memref<128xi32, #tpu.memory_space<vmem>>) semaphore(%arg20 : memref<!tpu.dma_semaphore, #tpu.memory_space<semaphore_mem>>)
      %dma_start3A_477 = arith.constant 128 : i32
      %dma_start3A_478 = arith.constant 0 : i32
      %dma_start3A_479 = tpu.memref_slice %arg13[%dma_start3A_477, %dma_start3A_478] : memref<256x64xf32, #tpu.memory_space<vmem>> -> memref<128x64xf32, #tpu.memory_space<vmem>>
      %dma_start3A_480 = arith.constant 128 : i32
      %dma_start3A_481 = tpu.memref_slice %arg9[%dma_start3A_480] : memref<256xi32, #tpu.memory_space<vmem>> -> memref<128xi32, #tpu.memory_space<vmem>>
      %dma_start3A_482 = arith.constant 0 : i32
      %dma_start3A_483 = arith.constant 0 : i32
      %dma_start3A_484 = tpu.memref_slice %arg3[%dma_start3A_482, %dma_start3A_483] : memref<262144x64xf32, #tpu.memory_space<hbm>> -> memref<262144x64xf32, #tpu.memory_space<hbm>>
      tpu.enqueue_indirect_dma source(%dma_start3A_484 : memref<262144x64xf32, #tpu.memory_space<hbm>>) target(%dma_start3A_479 : memref<128x64xf32, #tpu.memory_space<vmem>>) offsets(%dma_start3A_481 : memref<128xi32, #tpu.memory_space<vmem>>) semaphore(%arg20 : memref<!tpu.dma_semaphore, #tpu.memory_space<semaphore_mem>>)
      %dma_wait3A_485 = arith.constant 0 : i32
      %dma_wait3A_486 = arith.constant 0 : i32
      %dma_wait3A_487 = tpu.memref_slice %arg13[%dma_wait3A_485, %dma_wait3A_486] : memref<256x64xf32, #tpu.memory_space<vmem>> -> memref<128x64xf32, #tpu.memory_space<vmem>>
      %dma_wait3A_488 = arith.constant 0 : i32
      %dma_wait3A_489 = tpu.memref_slice %arg9[%dma_wait3A_488] : memref<256xi32, #tpu.memory_space<vmem>> -> memref<128xi32, #tpu.memory_space<vmem>>
      %dma_wait3A_490 = arith.constant 0 : i32
      %dma_wait3A_491 = arith.constant 0 : i32
      %dma_wait3A_492 = tpu.memref_slice %arg3[%dma_wait3A_490, %dma_wait3A_491] : memref<262144x64xf32, #tpu.memory_space<hbm>> -> memref<262144x64xf32, #tpu.memory_space<hbm>>
      tpu.wait_indirect_dma semaphore(%arg20 : memref<!tpu.dma_semaphore, #tpu.memory_space<semaphore_mem>>) src(%dma_wait3A_492 : memref<262144x64xf32, #tpu.memory_space<hbm>>) dst(%dma_wait3A_487 : memref<128x64xf32, #tpu.memory_space<vmem>>)
      %dma_wait3A_493 = arith.constant 0 : i32
      %dma_wait3A_494 = arith.constant 0 : i32
      %dma_wait3A_495 = tpu.memref_slice %arg13[%dma_wait3A_493, %dma_wait3A_494] : memref<256x64xf32, #tpu.memory_space<vmem>> -> memref<128x64xf32, #tpu.memory_space<vmem>>
      %dma_wait3A_496 = arith.constant 0 : i32
      %dma_wait3A_497 = tpu.memref_slice %arg9[%dma_wait3A_496] : memref<256xi32, #tpu.memory_space<vmem>> -> memref<128xi32, #tpu.memory_space<vmem>>
      %dma_wait3A_498 = arith.constant 0 : i32
      %dma_wait3A_499 = arith.constant 0 : i32
      %dma_wait3A_500 = tpu.memref_slice %arg3[%dma_wait3A_498, %dma_wait3A_499] : memref<262144x64xf32, #tpu.memory_space<hbm>> -> memref<262144x64xf32, #tpu.memory_space<hbm>>
      tpu.wait_indirect_dma semaphore(%arg20 : memref<!tpu.dma_semaphore, #tpu.memory_space<semaphore_mem>>) src(%dma_wait3A_500 : memref<262144x64xf32, #tpu.memory_space<hbm>>) dst(%dma_wait3A_495 : memref<128x64xf32, #tpu.memory_space<vmem>>)
      %dma_wait3A_501 = arith.constant 0 : i32
      %dma_wait3A_502 = arith.constant 0 : i32
      %dma_wait3A_503 = arith.constant 0 : i32
      %dma_wait3A_504 = arith.constant 0 : i32
      %dma_wait3A_505 = tpu.memref_slice %arg4[%dma_wait3A_501, %dma_wait3A_503, %dma_wait3A_502, %dma_wait3A_504] : memref<200x8x16x2048xf32, #tpu.memory_space<hbm>> -> memref<1x8x1x2048xf32, #tpu.memory_space<hbm>>
      %dma_wait3A_506 = tpu.memref_squeeze %dma_wait3A_505 : memref<1x8x1x2048xf32, #tpu.memory_space<hbm>> -> memref<8x2048xf32, #tpu.memory_space<hbm>>
      %dma_wait3A_507 = arith.constant 0 : i32
      %dma_wait3A_508 = arith.constant 0 : i32
      %dma_wait3A_509 = tpu.memref_slice %arg4[%dma_wait3A_501, %dma_wait3A_507, %dma_wait3A_502, %dma_wait3A_508] : memref<200x8x16x2048xf32, #tpu.memory_space<hbm>> -> memref<1x8x1x2048xf32, #tpu.memory_space<hbm>>
      %dma_wait3A_510 = tpu.memref_squeeze %dma_wait3A_509 : memref<1x8x1x2048xf32, #tpu.memory_space<hbm>> -> memref<8x2048xf32, #tpu.memory_space<hbm>>
      tpu.wait_dma2 semaphore(%arg21 : memref<!tpu.dma_semaphore, #tpu.memory_space<semaphore_mem>>) src(%arg17 : memref<8x2048xf32, #tpu.memory_space<vmem>>) dst(%dma_wait3A_510 : memref<8x2048xf32, #tpu.memory_space<hbm>>)
      %parallel_loop3A_511 = arith.constant 0 : i32
      %parallel_loop3A_512 = arith.constant 1024 : i32
      %parallel_loop3A_513 = arith.constant 1 : i32
      scf.for %parallel_loop3A_919 = %parallel_loop3A_511 to %parallel_loop3A_512 step %parallel_loop3A_513  : i32 {
        %parallel_loop3A_920 = arith.constant 16 : i32
        %parallel_loop3A_921 = arith.divsi %parallel_loop3A_919, %parallel_loop3A_920 : i32
        %parallel_loop3A_922 = arith.constant 0 : i32
        %parallel_loop3A_923 = arith.cmpi sgt, %parallel_loop3A_919, %parallel_loop3A_922 : i32
        %parallel_loop3A_924 = arith.extui %parallel_loop3A_923 : i1 to i32
        %parallel_loop3A_925 = arith.constant 0 : i32
        %parallel_loop3A_926 = arith.cmpi slt, %parallel_loop3A_919, %parallel_loop3A_925 : i32
        %parallel_loop3A_927 = arith.extui %parallel_loop3A_926 : i1 to i32
        %parallel_loop3A_928 = arith.subi %parallel_loop3A_924, %parallel_loop3A_927 : i32
        %parallel_loop3A_929 = arith.constant 0 : i32
        %parallel_loop3A_930 = arith.cmpi sgt, %parallel_loop3A_920, %parallel_loop3A_929 : i32
        %parallel_loop3A_931 = arith.extui %parallel_loop3A_930 : i1 to i32
        %parallel_loop3A_932 = arith.constant 0 : i32
        %parallel_loop3A_933 = arith.cmpi slt, %parallel_loop3A_920, %parallel_loop3A_932 : i32
        %parallel_loop3A_934 = arith.extui %parallel_loop3A_933 : i1 to i32
        %parallel_loop3A_935 = arith.subi %parallel_loop3A_931, %parallel_loop3A_934 : i32
        %parallel_loop3A_936 = arith.cmpi ne, %parallel_loop3A_928, %parallel_loop3A_935 : i32
        %parallel_loop3A_937 = arith.remsi %parallel_loop3A_919, %parallel_loop3A_920 : i32
        %parallel_loop3A_938 = arith.constant 0 : i32
        %parallel_loop3A_939 = arith.cmpi ne, %parallel_loop3A_937, %parallel_loop3A_938 : i32
        %parallel_loop3A_940 = arith.andi %parallel_loop3A_936, %parallel_loop3A_939 : i1
        %parallel_loop3A_941 = arith.constant 1 : i32
        %parallel_loop3A_942 = arith.subi %parallel_loop3A_921, %parallel_loop3A_941 : i32
        %parallel_loop3A_943 = arith.select %parallel_loop3A_940, %parallel_loop3A_942, %parallel_loop3A_921 : i32
        %parallel_loop3A_944 = arith.constant 16 : i32
        %parallel_loop3A_945 = arith.constant 0 : i32
        %parallel_loop3A_946 = arith.cmpi eq, %parallel_loop3A_944, %parallel_loop3A_945 : i32
        %parallel_loop3A_947 = arith.constant 1 : i32
        %parallel_loop3A_948 = arith.select %parallel_loop3A_946, %parallel_loop3A_947, %parallel_loop3A_944 : i32
        %parallel_loop3A_949 = arith.remsi %parallel_loop3A_919, %parallel_loop3A_948 : i32
        %parallel_loop3A_950 = arith.constant 0 : i32
        %parallel_loop3A_951 = arith.cmpi ne, %parallel_loop3A_949, %parallel_loop3A_950 : i32
        %parallel_loop3A_952 = arith.constant 0 : i32
        %parallel_loop3A_953 = arith.cmpi slt, %parallel_loop3A_949, %parallel_loop3A_952 : i32
        %parallel_loop3A_954 = arith.constant 0 : i32
        %parallel_loop3A_955 = arith.cmpi slt, %parallel_loop3A_948, %parallel_loop3A_954 : i32
        %parallel_loop3A_956 = arith.xori %parallel_loop3A_953, %parallel_loop3A_955 : i1
        %parallel_loop3A_957 = arith.andi %parallel_loop3A_956, %parallel_loop3A_951 : i1
        %parallel_loop3A_958 = arith.addi %parallel_loop3A_949, %parallel_loop3A_948 : i32
        %parallel_loop3A_959 = arith.select %parallel_loop3A_957, %parallel_loop3A_958, %parallel_loop3A_949 : i32
        %parallel_loop3A_960 = arith.constant 16 : i32
        %parallel_loop3A_961 = arith.muli %parallel_loop3A_959, %parallel_loop3A_960 : i32
        %parallel_loop3A_962 = vector.broadcast %parallel_loop3A_961 : i32 to vector<16xi32>
        %parallel_loop3A_963 = arith.addi %parallel_loop3A_962, %iota3A : vector<16xi32>
        %parallel_loop3A_964 = vector.broadcast %parallel_loop3A_943 : i32 to vector<16xi32>
        %parallel_loop3A_965 = tpu.vector_load_idx %arg15[%parallel_loop3A_963, %parallel_loop3A_964] : memref<256x64xf32, #tpu.memory_space<vmem>>[vector<16xi32>, vector<16xi32>], vector<16xf32>,
        %parallel_loop3A_966 = arith.constant 128 : i32
        %parallel_loop3A_967 = arith.divsi %parallel_loop3A_961, %parallel_loop3A_966 : i32
        %parallel_loop3A_968 = arith.constant 0 : i32
        %parallel_loop3A_969 = arith.cmpi sgt, %parallel_loop3A_961, %parallel_loop3A_968 : i32
        %parallel_loop3A_970 = arith.extui %parallel_loop3A_969 : i1 to i32
        %parallel_loop3A_971 = arith.constant 0 : i32
        %parallel_loop3A_972 = arith.cmpi slt, %parallel_loop3A_961, %parallel_loop3A_971 : i32
        %parallel_loop3A_973 = arith.extui %parallel_loop3A_972 : i1 to i32
        %parallel_loop3A_974 = arith.subi %parallel_loop3A_970, %parallel_loop3A_973 : i32
        %parallel_loop3A_975 = arith.constant 0 : i32
        %parallel_loop3A_976 = arith.cmpi sgt, %parallel_loop3A_966, %parallel_loop3A_975 : i32
        %parallel_loop3A_977 = arith.extui %parallel_loop3A_976 : i1 to i32
        %parallel_loop3A_978 = arith.constant 0 : i32
        %parallel_loop3A_979 = arith.cmpi slt, %parallel_loop3A_966, %parallel_loop3A_978 : i32
        %parallel_loop3A_980 = arith.extui %parallel_loop3A_979 : i1 to i32
        %parallel_loop3A_981 = arith.subi %parallel_loop3A_977, %parallel_loop3A_980 : i32
        %parallel_loop3A_982 = arith.cmpi ne, %parallel_loop3A_974, %parallel_loop3A_981 : i32
        %parallel_loop3A_983 = arith.remsi %parallel_loop3A_961, %parallel_loop3A_966 : i32
        %parallel_loop3A_984 = arith.constant 0 : i32
        %parallel_loop3A_985 = arith.cmpi ne, %parallel_loop3A_983, %parallel_loop3A_984 : i32
        %parallel_loop3A_986 = arith.andi %parallel_loop3A_982, %parallel_loop3A_985 : i1
        %parallel_loop3A_987 = arith.constant 1 : i32
        %parallel_loop3A_988 = arith.subi %parallel_loop3A_967, %parallel_loop3A_987 : i32
        %parallel_loop3A_989 = arith.select %parallel_loop3A_986, %parallel_loop3A_988, %parallel_loop3A_967 : i32
        %parallel_loop3A_990 = arith.constant 1024 : i32
        %parallel_loop3A_991 = arith.muli %parallel_loop3A_989, %parallel_loop3A_990 : i32
        %parallel_loop3A_992 = arith.constant 8 : i32
        %parallel_loop3A_993 = arith.constant 0 : i32
        %parallel_loop3A_994 = arith.cmpi eq, %parallel_loop3A_992, %parallel_loop3A_993 : i32
        %parallel_loop3A_995 = arith.constant 1 : i32
        %parallel_loop3A_996 = arith.select %parallel_loop3A_994, %parallel_loop3A_995, %parallel_loop3A_992 : i32
        %parallel_loop3A_997 = arith.remsi %parallel_loop3A_943, %parallel_loop3A_996 : i32
        %parallel_loop3A_998 = arith.constant 0 : i32
        %parallel_loop3A_999 = arith.cmpi ne, %parallel_loop3A_997, %parallel_loop3A_998 : i32
        %parallel_loop3A_1000 = arith.constant 0 : i32
        %parallel_loop3A_1001 = arith.cmpi slt, %parallel_loop3A_997, %parallel_loop3A_1000 : i32
        %parallel_loop3A_1002 = arith.constant 0 : i32
        %parallel_loop3A_1003 = arith.cmpi slt, %parallel_loop3A_996, %parallel_loop3A_1002 : i32
        %parallel_loop3A_1004 = arith.xori %parallel_loop3A_1001, %parallel_loop3A_1003 : i1
        %parallel_loop3A_1005 = arith.andi %parallel_loop3A_1004, %parallel_loop3A_999 : i1
        %parallel_loop3A_1006 = arith.addi %parallel_loop3A_997, %parallel_loop3A_996 : i32
        %parallel_loop3A_1007 = arith.select %parallel_loop3A_1005, %parallel_loop3A_1006, %parallel_loop3A_997 : i32
        %parallel_loop3A_1008 = arith.constant 128 : i32
        %parallel_loop3A_1009 = arith.muli %parallel_loop3A_1007, %parallel_loop3A_1008 : i32
        %parallel_loop3A_1010 = arith.addi %parallel_loop3A_991, %parallel_loop3A_1009 : i32
        %parallel_loop3A_1011 = arith.constant 128 : i32
        %parallel_loop3A_1012 = arith.constant 0 : i32
        %parallel_loop3A_1013 = arith.cmpi eq, %parallel_loop3A_1011, %parallel_loop3A_1012 : i32
        %parallel_loop3A_1014 = arith.constant 1 : i32
        %parallel_loop3A_1015 = arith.select %parallel_loop3A_1013, %parallel_loop3A_1014, %parallel_loop3A_1011 : i32
        %parallel_loop3A_1016 = arith.remsi %parallel_loop3A_961, %parallel_loop3A_1015 : i32
        %parallel_loop3A_1017 = arith.constant 0 : i32
        %parallel_loop3A_1018 = arith.cmpi ne, %parallel_loop3A_1016, %parallel_loop3A_1017 : i32
        %parallel_loop3A_1019 = arith.constant 0 : i32
        %parallel_loop3A_1020 = arith.cmpi slt, %parallel_loop3A_1016, %parallel_loop3A_1019 : i32
        %parallel_loop3A_1021 = arith.constant 0 : i32
        %parallel_loop3A_1022 = arith.cmpi slt, %parallel_loop3A_1015, %parallel_loop3A_1021 : i32
        %parallel_loop3A_1023 = arith.xori %parallel_loop3A_1020, %parallel_loop3A_1022 : i1
        %parallel_loop3A_1024 = arith.andi %parallel_loop3A_1023, %parallel_loop3A_1018 : i1
        %parallel_loop3A_1025 = arith.addi %parallel_loop3A_1016, %parallel_loop3A_1015 : i32
        %parallel_loop3A_1026 = arith.select %parallel_loop3A_1024, %parallel_loop3A_1025, %parallel_loop3A_1016 : i32
        %parallel_loop3A_1027 = arith.addi %parallel_loop3A_1010, %parallel_loop3A_1026 : i32
        %parallel_loop3A_1028 = arith.constant 8 : i32
        %parallel_loop3A_1029 = arith.divsi %parallel_loop3A_943, %parallel_loop3A_1028 : i32
        %parallel_loop3A_1030 = arith.constant 0 : i32
        %parallel_loop3A_1031 = arith.cmpi sgt, %parallel_loop3A_943, %parallel_loop3A_1030 : i32
        %parallel_loop3A_1032 = arith.extui %parallel_loop3A_1031 : i1 to i32
        %parallel_loop3A_1033 = arith.constant 0 : i32
        %parallel_loop3A_1034 = arith.cmpi slt, %parallel_loop3A_943, %parallel_loop3A_1033 : i32
        %parallel_loop3A_1035 = arith.extui %parallel_loop3A_1034 : i1 to i32
        %parallel_loop3A_1036 = arith.subi %parallel_loop3A_1032, %parallel_loop3A_1035 : i32
        %parallel_loop3A_1037 = arith.constant 0 : i32
        %parallel_loop3A_1038 = arith.cmpi sgt, %parallel_loop3A_1028, %parallel_loop3A_1037 : i32
        %parallel_loop3A_1039 = arith.extui %parallel_loop3A_1038 : i1 to i32
        %parallel_loop3A_1040 = arith.constant 0 : i32
        %parallel_loop3A_1041 = arith.cmpi slt, %parallel_loop3A_1028, %parallel_loop3A_1040 : i32
        %parallel_loop3A_1042 = arith.extui %parallel_loop3A_1041 : i1 to i32
        %parallel_loop3A_1043 = arith.subi %parallel_loop3A_1039, %parallel_loop3A_1042 : i32
        %parallel_loop3A_1044 = arith.cmpi ne, %parallel_loop3A_1036, %parallel_loop3A_1043 : i32
        %parallel_loop3A_1045 = arith.remsi %parallel_loop3A_943, %parallel_loop3A_1028 : i32
        %parallel_loop3A_1046 = arith.constant 0 : i32
        %parallel_loop3A_1047 = arith.cmpi ne, %parallel_loop3A_1045, %parallel_loop3A_1046 : i32
        %parallel_loop3A_1048 = arith.andi %parallel_loop3A_1044, %parallel_loop3A_1047 : i1
        %parallel_loop3A_1049 = arith.constant 1 : i32
        %parallel_loop3A_1050 = arith.subi %parallel_loop3A_1029, %parallel_loop3A_1049 : i32
        %parallel_loop3A_1051 = arith.select %parallel_loop3A_1048, %parallel_loop3A_1050, %parallel_loop3A_1029 : i32
        %parallel_loop3A_1052 = arith.index_cast %parallel_loop3A_1051 : i32 to index
        %parallel_loop3A_1053 = arith.index_cast %parallel_loop3A_1027 : i32 to index
        %parallel_loop3A_1054 = tpu.vector_load %arg17[%parallel_loop3A_1052, %parallel_loop3A_1053] {strides = array<i32>} : memref<8x2048xf32, #tpu.memory_space<vmem>>, vector<16xf32>,
        tpu.vector_store %arg17[%parallel_loop3A_1052, %parallel_loop3A_1053], %parallel_loop3A_965 {strides = array<i32>} : memref<8x2048xf32, #tpu.memory_space<vmem>>, vector<16xf32>,
      } {sc.loop_unroll_factor = 16 : i64, sc.parallel_access}
      %sub3A_514 = arith.constant 2 : i32
      %sub3A_515 = arith.subi %add3A_452, %sub3A_514 : i32
      %add3A_516 = arith.addi %mul3A_2, %sub3A_515 : i32
      %jit3A_517 = arith.constant 16 : i32
      %div3A_518 = arith.divsi %add3A_516, %jit3A_517 : i32
      %sign3A_519 = arith.constant 0 : i32
      %sign3A_520 = arith.cmpi sgt, %add3A_516, %sign3A_519 : i32
      %sign3A_521 = arith.extui %sign3A_520 : i1 to i32
      %sign3A_522 = arith.constant 0 : i32
      %sign3A_523 = arith.cmpi slt, %add3A_516, %sign3A_522 : i32
      %sign3A_524 = arith.extui %sign3A_523 : i1 to i32
      %sign3A_525 = arith.subi %sign3A_521, %sign3A_524 : i32
      %sign3A_526 = arith.constant 0 : i32
      %sign3A_527 = arith.cmpi sgt, %jit3A_517, %sign3A_526 : i32
      %sign3A_528 = arith.extui %sign3A_527 : i1 to i32
      %sign3A_529 = arith.constant 0 : i32
      %sign3A_530 = arith.cmpi slt, %jit3A_517, %sign3A_529 : i32
      %sign3A_531 = arith.extui %sign3A_530 : i1 to i32
      %sign3A_532 = arith.subi %sign3A_528, %sign3A_531 : i32
      %ne3A_533 = arith.cmpi ne, %sign3A_525, %sign3A_532 : i32
      %rem3A_534 = arith.remsi %add3A_516, %jit3A_517 : i32
      %ne3A_535 = arith.constant 0 : i32
      %ne3A_536 = arith.cmpi ne, %rem3A_534, %ne3A_535 : i32
      %and3A_537 = arith.andi %ne3A_533, %ne3A_536 : i1
      %sub3A_538 = arith.constant 1 : i32
      %sub3A_539 = arith.subi %div3A_518, %sub3A_538 : i32
      %select_n3A_540 = arith.select %and3A_537, %sub3A_539, %div3A_518 : i32
      %jit3A_541 = arith.constant 16 : i32
      %eq3A_542 = arith.constant 0 : i32
      %eq3A_543 = arith.cmpi eq, %jit3A_541, %eq3A_542 : i32
      %jit3A_544 = arith.constant 1 : i32
      %select_n3A_545 = arith.select %eq3A_543, %jit3A_544, %jit3A_541 : i32
      %rem3A_546 = arith.remsi %add3A_516, %select_n3A_545 : i32
      %ne3A_547 = arith.constant 0 : i32
      %ne3A_548 = arith.cmpi ne, %rem3A_546, %ne3A_547 : i32
      %lt3A_549 = arith.constant 0 : i32
      %lt3A_550 = arith.cmpi slt, %rem3A_546, %lt3A_549 : i32
      %lt3A_551 = arith.constant 0 : i32
      %lt3A_552 = arith.cmpi slt, %select_n3A_545, %lt3A_551 : i32
      %ne3A_553 = arith.xori %lt3A_550, %lt3A_552 : i1
      %and3A_554 = arith.andi %ne3A_553, %ne3A_548 : i1
      %add3A_555 = arith.addi %rem3A_546, %select_n3A_545 : i32
      %select_n3A_556 = arith.select %and3A_554, %add3A_555, %rem3A_546 : i32
      %dma_start3A_557 = arith.constant 0 : i32
      %dma_start3A_558 = arith.constant 0 : i32
      %dma_start3A_559 = tpu.memref_slice %arg4[%select_n3A_540, %dma_start3A_557, %select_n3A_556, %dma_start3A_558] : memref<200x8x16x2048xf32, #tpu.memory_space<hbm>> -> memref<1x8x1x2048xf32, #tpu.memory_space<hbm>>
      %dma_start3A_560 = tpu.memref_squeeze %dma_start3A_559 : memref<1x8x1x2048xf32, #tpu.memory_space<hbm>> -> memref<8x2048xf32, #tpu.memory_space<hbm>>
      %dma_start3A_561 = arith.constant 0 : i32
      %dma_start3A_562 = arith.constant 0 : i32
      %dma_start3A_563 = tpu.memref_slice %arg4[%select_n3A_540, %dma_start3A_561, %select_n3A_556, %dma_start3A_562] : memref<200x8x16x2048xf32, #tpu.memory_space<hbm>> -> memref<1x8x1x2048xf32, #tpu.memory_space<hbm>>
      %dma_start3A_564 = tpu.memref_squeeze %dma_start3A_563 : memref<1x8x1x2048xf32, #tpu.memory_space<hbm>> -> memref<8x2048xf32, #tpu.memory_space<hbm>>
      tpu.enqueue_dma source(%arg17 : memref<8x2048xf32, #tpu.memory_space<vmem>>) target(%dma_start3A_564 : memref<8x2048xf32, #tpu.memory_space<hbm>>) target_semaphore(%arg21 : memref<!tpu.dma_semaphore, #tpu.memory_space<semaphore_mem>>)
      %mul3A_565 = arith.constant 4 : i32
      %mul3A_566 = arith.muli %mul3A_565, %scan3A_446 : i32
      %add3A_567 = arith.constant 4 : i32
      %add3A_568 = arith.addi %add3A_567, %mul3A_566 : i32
      %add3A_569 = arith.constant 1 : i32
      %add3A_570 = arith.addi %add3A_568, %add3A_569 : i32
      %add3A_571 = arith.constant 1 : i32
      %add3A_572 = arith.addi %add3A_570, %add3A_571 : i32
      %add3A_573 = arith.addi %mul3A_2, %add3A_572 : i32
      %min3A_574 = arith.constant 3199 : i32
      %min3A_575 = arith.minsi %add3A_573, %min3A_574 : i32
      %mul3A_576 = arith.constant 512 : i32
      %mul3A_577 = arith.muli %min3A_575, %mul3A_576 : i32
      %dma_start3A_578 = tpu.memref_slice %arg2[%mul3A_577] : memref<1638400xf32, #tpu.memory_space<hbm>> -> memref<512xf32, #tpu.memory_space<hbm>>
      %dma_start3A_579 = tpu.memref_slice %arg2[%mul3A_577] : memref<1638400xf32, #tpu.memory_space<hbm>> -> memref<512xf32, #tpu.memory_space<hbm>>
      tpu.enqueue_dma source(%dma_start3A_579 : memref<512xf32, #tpu.memory_space<hbm>>) target(%arg7 : memref<512xf32, #tpu.memory_space<vmem>>) target_semaphore(%arg19 : memref<!tpu.dma_semaphore, #tpu.memory_space<semaphore_mem>>)
      %dma_wait3A_580 = arith.constant 0 : i32
      %dma_wait3A_581 = tpu.memref_slice %arg2[%dma_wait3A_580] : memref<1638400xf32, #tpu.memory_space<hbm>> -> memref<512xf32, #tpu.memory_space<hbm>>
      %dma_wait3A_582 = arith.constant 0 : i32
      %dma_wait3A_583 = tpu.memref_slice %arg2[%dma_wait3A_582] : memref<1638400xf32, #tpu.memory_space<hbm>> -> memref<512xf32, #tpu.memory_space<hbm>>
      tpu.wait_dma2 semaphore(%arg19 : memref<!tpu.dma_semaphore, #tpu.memory_space<semaphore_mem>>) src(%dma_wait3A_583 : memref<512xf32, #tpu.memory_space<hbm>>) dst(%arg5 : memref<512xf32, #tpu.memory_space<vmem>>)
      %parallel_loop3A_584 = arith.constant 0 : i32
      %parallel_loop3A_585 = arith.constant 16 : i32
      %parallel_loop3A_586 = arith.constant 1 : i32
      scf.for %parallel_loop3A_919 = %parallel_loop3A_584 to %parallel_loop3A_585 step %parallel_loop3A_586  : i32 {
        %parallel_loop3A_920 = arith.constant 8 : i32
        %parallel_loop3A_921 = arith.divsi %parallel_loop3A_919, %parallel_loop3A_920 : i32
        %parallel_loop3A_922 = arith.constant 0 : i32
        %parallel_loop3A_923 = arith.cmpi sgt, %parallel_loop3A_919, %parallel_loop3A_922 : i32
        %parallel_loop3A_924 = arith.extui %parallel_loop3A_923 : i1 to i32
        %parallel_loop3A_925 = arith.constant 0 : i32
        %parallel_loop3A_926 = arith.cmpi slt, %parallel_loop3A_919, %parallel_loop3A_925 : i32
        %parallel_loop3A_927 = arith.extui %parallel_loop3A_926 : i1 to i32
        %parallel_loop3A_928 = arith.subi %parallel_loop3A_924, %parallel_loop3A_927 : i32
        %parallel_loop3A_929 = arith.constant 0 : i32
        %parallel_loop3A_930 = arith.cmpi sgt, %parallel_loop3A_920, %parallel_loop3A_929 : i32
        %parallel_loop3A_931 = arith.extui %parallel_loop3A_930 : i1 to i32
        %parallel_loop3A_932 = arith.constant 0 : i32
        %parallel_loop3A_933 = arith.cmpi slt, %parallel_loop3A_920, %parallel_loop3A_932 : i32
        %parallel_loop3A_934 = arith.extui %parallel_loop3A_933 : i1 to i32
        %parallel_loop3A_935 = arith.subi %parallel_loop3A_931, %parallel_loop3A_934 : i32
        %parallel_loop3A_936 = arith.cmpi ne, %parallel_loop3A_928, %parallel_loop3A_935 : i32
        %parallel_loop3A_937 = arith.remsi %parallel_loop3A_919, %parallel_loop3A_920 : i32
        %parallel_loop3A_938 = arith.constant 0 : i32
        %parallel_loop3A_939 = arith.cmpi ne, %parallel_loop3A_937, %parallel_loop3A_938 : i32
        %parallel_loop3A_940 = arith.andi %parallel_loop3A_936, %parallel_loop3A_939 : i1
        %parallel_loop3A_941 = arith.constant 1 : i32
        %parallel_loop3A_942 = arith.subi %parallel_loop3A_921, %parallel_loop3A_941 : i32
        %parallel_loop3A_943 = arith.select %parallel_loop3A_940, %parallel_loop3A_942, %parallel_loop3A_921 : i32
        %parallel_loop3A_944 = arith.constant 8 : i32
        %parallel_loop3A_945 = arith.constant 0 : i32
        %parallel_loop3A_946 = arith.cmpi eq, %parallel_loop3A_944, %parallel_loop3A_945 : i32
        %parallel_loop3A_947 = arith.constant 1 : i32
        %parallel_loop3A_948 = arith.select %parallel_loop3A_946, %parallel_loop3A_947, %parallel_loop3A_944 : i32
        %parallel_loop3A_949 = arith.remsi %parallel_loop3A_919, %parallel_loop3A_948 : i32
        %parallel_loop3A_950 = arith.constant 0 : i32
        %parallel_loop3A_951 = arith.cmpi ne, %parallel_loop3A_949, %parallel_loop3A_950 : i32
        %parallel_loop3A_952 = arith.constant 0 : i32
        %parallel_loop3A_953 = arith.cmpi slt, %parallel_loop3A_949, %parallel_loop3A_952 : i32
        %parallel_loop3A_954 = arith.constant 0 : i32
        %parallel_loop3A_955 = arith.cmpi slt, %parallel_loop3A_948, %parallel_loop3A_954 : i32
        %parallel_loop3A_956 = arith.xori %parallel_loop3A_953, %parallel_loop3A_955 : i1
        %parallel_loop3A_957 = arith.andi %parallel_loop3A_956, %parallel_loop3A_951 : i1
        %parallel_loop3A_958 = arith.addi %parallel_loop3A_949, %parallel_loop3A_948 : i32
        %parallel_loop3A_959 = arith.select %parallel_loop3A_957, %parallel_loop3A_958, %parallel_loop3A_949 : i32
        %parallel_loop3A_960 = arith.constant 256 : i32
        %parallel_loop3A_961 = arith.muli %parallel_loop3A_943, %parallel_loop3A_960 : i32
        %parallel_loop3A_962 = arith.constant 16 : i32
        %parallel_loop3A_963 = arith.muli %parallel_loop3A_959, %parallel_loop3A_962 : i32
        %parallel_loop3A_964 = arith.addi %parallel_loop3A_961, %parallel_loop3A_963 : i32
        %parallel_loop3A_965 = arith.index_cast %parallel_loop3A_964 : i32 to index
        %parallel_loop3A_966 = tpu.vector_load %arg6[%parallel_loop3A_965] {strides = array<i32>} : memref<512xf32, #tpu.memory_space<vmem>>, vector<16xf32>,
        %parallel_loop3A_967 = arith.constant 256 : i32
        %parallel_loop3A_968 = arith.muli %parallel_loop3A_943, %parallel_loop3A_967 : i32
        %parallel_loop3A_969 = arith.constant 128 : i32
        %parallel_loop3A_970 = arith.addi %parallel_loop3A_968, %parallel_loop3A_969 : i32
        %parallel_loop3A_971 = arith.constant 16 : i32
        %parallel_loop3A_972 = arith.muli %parallel_loop3A_959, %parallel_loop3A_971 : i32
        %parallel_loop3A_973 = arith.addi %parallel_loop3A_970, %parallel_loop3A_972 : i32
        %parallel_loop3A_974 = arith.index_cast %parallel_loop3A_973 : i32 to index
        %parallel_loop3A_975 = tpu.vector_load %arg6[%parallel_loop3A_974] {strides = array<i32>} : memref<512xf32, #tpu.memory_space<vmem>>, vector<16xf32>,
        %parallel_loop3A_976 = arith.constant 5.000000e-01 : f32
        %parallel_loop3A_977 = vector.broadcast %parallel_loop3A_976 : f32 to vector<16xf32>
        %parallel_loop3A_978 = arith.mulf %parallel_loop3A_966, %parallel_loop3A_977 : vector<16xf32>
        %parallel_loop3A_979 = arith.constant 5.000000e-01 : f32
        %parallel_loop3A_980 = vector.broadcast %parallel_loop3A_979 : f32 to vector<16xf32>
        %parallel_loop3A_981 = arith.addf %parallel_loop3A_978, %parallel_loop3A_980 : vector<16xf32>
        %parallel_loop3A_982 = arith.constant 5.120000e+02 : f32
        %parallel_loop3A_983 = vector.broadcast %parallel_loop3A_982 : f32 to vector<16xf32>
        %parallel_loop3A_984 = arith.mulf %parallel_loop3A_981, %parallel_loop3A_983 : vector<16xf32>
        %parallel_loop3A_985 = arith.constant 5.110000e+02 : f32
        %parallel_loop3A_986 = vector.broadcast %parallel_loop3A_985 : f32 to vector<16xf32>
        %parallel_loop3A_987 = arith.minimumf %parallel_loop3A_984, %parallel_loop3A_986 : vector<16xf32>
        %parallel_loop3A_988 = arith.constant 0.000000e+00 : f32
        %parallel_loop3A_989 = vector.broadcast %parallel_loop3A_988 : f32 to vector<16xf32>
        %parallel_loop3A_990 = arith.maximumf %parallel_loop3A_987, %parallel_loop3A_989 : vector<16xf32>
        %parallel_loop3A_991 = arith.fptosi %parallel_loop3A_990 : vector<16xf32> to vector<16xi32>
        %parallel_loop3A_992 = arith.constant 512 : i32
        %parallel_loop3A_993 = vector.broadcast %parallel_loop3A_992 : i32 to vector<16xi32>
        %parallel_loop3A_994 = arith.muli %parallel_loop3A_991, %parallel_loop3A_993 : vector<16xi32>
        %parallel_loop3A_995 = arith.constant 5.000000e-01 : f32
        %parallel_loop3A_996 = vector.broadcast %parallel_loop3A_995 : f32 to vector<16xf32>
        %parallel_loop3A_997 = arith.mulf %parallel_loop3A_975, %parallel_loop3A_996 : vector<16xf32>
        %parallel_loop3A_998 = arith.constant 5.000000e-01 : f32
        %parallel_loop3A_999 = vector.broadcast %parallel_loop3A_998 : f32 to vector<16xf32>
        %parallel_loop3A_1000 = arith.addf %parallel_loop3A_997, %parallel_loop3A_999 : vector<16xf32>
        %parallel_loop3A_1001 = arith.constant 5.120000e+02 : f32
        %parallel_loop3A_1002 = vector.broadcast %parallel_loop3A_1001 : f32 to vector<16xf32>
        %parallel_loop3A_1003 = arith.mulf %parallel_loop3A_1000, %parallel_loop3A_1002 : vector<16xf32>
        %parallel_loop3A_1004 = arith.constant 5.110000e+02 : f32
        %parallel_loop3A_1005 = vector.broadcast %parallel_loop3A_1004 : f32 to vector<16xf32>
        %parallel_loop3A_1006 = arith.minimumf %parallel_loop3A_1003, %parallel_loop3A_1005 : vector<16xf32>
        %parallel_loop3A_1007 = arith.constant 0.000000e+00 : f32
        %parallel_loop3A_1008 = vector.broadcast %parallel_loop3A_1007 : f32 to vector<16xf32>
        %parallel_loop3A_1009 = arith.maximumf %parallel_loop3A_1006, %parallel_loop3A_1008 : vector<16xf32>
        %parallel_loop3A_1010 = arith.fptosi %parallel_loop3A_1009 : vector<16xf32> to vector<16xi32>
        %parallel_loop3A_1011 = arith.addi %parallel_loop3A_994, %parallel_loop3A_1010 : vector<16xi32>
        %parallel_loop3A_1012 = arith.constant 16 : i32
        %parallel_loop3A_1013 = arith.muli %parallel_loop3A_919, %parallel_loop3A_1012 : i32
        %parallel_loop3A_1014 = arith.index_cast %parallel_loop3A_1013 : i32 to index
        %parallel_loop3A_1015 = tpu.vector_load %arg10[%parallel_loop3A_1014] {strides = array<i32>} : memref<256xi32, #tpu.memory_space<vmem>>, vector<16xi32>,
        tpu.vector_store %arg10[%parallel_loop3A_1014], %parallel_loop3A_1011 {strides = array<i32>} : memref<256xi32, #tpu.memory_space<vmem>>, vector<16xi32>,
      } {sc.loop_unroll_factor = 4 : i64, sc.parallel_access}
      %dma_start3A_587 = arith.constant 0 : i32
      %dma_start3A_588 = arith.constant 0 : i32
      %dma_start3A_589 = tpu.memref_slice %arg14[%dma_start3A_587, %dma_start3A_588] : memref<256x64xf32, #tpu.memory_space<vmem>> -> memref<128x64xf32, #tpu.memory_space<vmem>>
      %dma_start3A_590 = arith.constant 0 : i32
      %dma_start3A_591 = tpu.memref_slice %arg10[%dma_start3A_590] : memref<256xi32, #tpu.memory_space<vmem>> -> memref<128xi32, #tpu.memory_space<vmem>>
      %dma_start3A_592 = arith.constant 0 : i32
      %dma_start3A_593 = arith.constant 0 : i32
      %dma_start3A_594 = tpu.memref_slice %arg3[%dma_start3A_592, %dma_start3A_593] : memref<262144x64xf32, #tpu.memory_space<hbm>> -> memref<262144x64xf32, #tpu.memory_space<hbm>>
      tpu.enqueue_indirect_dma source(%dma_start3A_594 : memref<262144x64xf32, #tpu.memory_space<hbm>>) target(%dma_start3A_589 : memref<128x64xf32, #tpu.memory_space<vmem>>) offsets(%dma_start3A_591 : memref<128xi32, #tpu.memory_space<vmem>>) semaphore(%arg20 : memref<!tpu.dma_semaphore, #tpu.memory_space<semaphore_mem>>)
      %dma_start3A_595 = arith.constant 128 : i32
      %dma_start3A_596 = arith.constant 0 : i32
      %dma_start3A_597 = tpu.memref_slice %arg14[%dma_start3A_595, %dma_start3A_596] : memref<256x64xf32, #tpu.memory_space<vmem>> -> memref<128x64xf32, #tpu.memory_space<vmem>>
      %dma_start3A_598 = arith.constant 128 : i32
      %dma_start3A_599 = tpu.memref_slice %arg10[%dma_start3A_598] : memref<256xi32, #tpu.memory_space<vmem>> -> memref<128xi32, #tpu.memory_space<vmem>>
      %dma_start3A_600 = arith.constant 0 : i32
      %dma_start3A_601 = arith.constant 0 : i32
      %dma_start3A_602 = tpu.memref_slice %arg3[%dma_start3A_600, %dma_start3A_601] : memref<262144x64xf32, #tpu.memory_space<hbm>> -> memref<262144x64xf32, #tpu.memory_space<hbm>>
      tpu.enqueue_indirect_dma source(%dma_start3A_602 : memref<262144x64xf32, #tpu.memory_space<hbm>>) target(%dma_start3A_597 : memref<128x64xf32, #tpu.memory_space<vmem>>) offsets(%dma_start3A_599 : memref<128xi32, #tpu.memory_space<vmem>>) semaphore(%arg20 : memref<!tpu.dma_semaphore, #tpu.memory_space<semaphore_mem>>)
      %dma_wait3A_603 = arith.constant 0 : i32
      %dma_wait3A_604 = arith.constant 0 : i32
      %dma_wait3A_605 = tpu.memref_slice %arg13[%dma_wait3A_603, %dma_wait3A_604] : memref<256x64xf32, #tpu.memory_space<vmem>> -> memref<128x64xf32, #tpu.memory_space<vmem>>
      %dma_wait3A_606 = arith.constant 0 : i32
      %dma_wait3A_607 = tpu.memref_slice %arg9[%dma_wait3A_606] : memref<256xi32, #tpu.memory_space<vmem>> -> memref<128xi32, #tpu.memory_space<vmem>>
      %dma_wait3A_608 = arith.constant 0 : i32
      %dma_wait3A_609 = arith.constant 0 : i32
      %dma_wait3A_610 = tpu.memref_slice %arg3[%dma_wait3A_608, %dma_wait3A_609] : memref<262144x64xf32, #tpu.memory_space<hbm>> -> memref<262144x64xf32, #tpu.memory_space<hbm>>
      tpu.wait_indirect_dma semaphore(%arg20 : memref<!tpu.dma_semaphore, #tpu.memory_space<semaphore_mem>>) src(%dma_wait3A_610 : memref<262144x64xf32, #tpu.memory_space<hbm>>) dst(%dma_wait3A_605 : memref<128x64xf32, #tpu.memory_space<vmem>>)
      %dma_wait3A_611 = arith.constant 0 : i32
      %dma_wait3A_612 = arith.constant 0 : i32
      %dma_wait3A_613 = tpu.memref_slice %arg13[%dma_wait3A_611, %dma_wait3A_612] : memref<256x64xf32, #tpu.memory_space<vmem>> -> memref<128x64xf32, #tpu.memory_space<vmem>>
      %dma_wait3A_614 = arith.constant 0 : i32
      %dma_wait3A_615 = tpu.memref_slice %arg9[%dma_wait3A_614] : memref<256xi32, #tpu.memory_space<vmem>> -> memref<128xi32, #tpu.memory_space<vmem>>
      %dma_wait3A_616 = arith.constant 0 : i32
      %dma_wait3A_617 = arith.constant 0 : i32
      %dma_wait3A_618 = tpu.memref_slice %arg3[%dma_wait3A_616, %dma_wait3A_617] : memref<262144x64xf32, #tpu.memory_space<hbm>> -> memref<262144x64xf32, #tpu.memory_space<hbm>>
      tpu.wait_indirect_dma semaphore(%arg20 : memref<!tpu.dma_semaphore, #tpu.memory_space<semaphore_mem>>) src(%dma_wait3A_618 : memref<262144x64xf32, #tpu.memory_space<hbm>>) dst(%dma_wait3A_613 : memref<128x64xf32, #tpu.memory_space<vmem>>)
      %dma_wait3A_619 = arith.constant 0 : i32
      %dma_wait3A_620 = arith.constant 0 : i32
      %dma_wait3A_621 = arith.constant 0 : i32
      %dma_wait3A_622 = arith.constant 0 : i32
      %dma_wait3A_623 = tpu.memref_slice %arg4[%dma_wait3A_619, %dma_wait3A_621, %dma_wait3A_620, %dma_wait3A_622] : memref<200x8x16x2048xf32, #tpu.memory_space<hbm>> -> memref<1x8x1x2048xf32, #tpu.memory_space<hbm>>
      %dma_wait3A_624 = tpu.memref_squeeze %dma_wait3A_623 : memref<1x8x1x2048xf32, #tpu.memory_space<hbm>> -> memref<8x2048xf32, #tpu.memory_space<hbm>>
      %dma_wait3A_625 = arith.constant 0 : i32
      %dma_wait3A_626 = arith.constant 0 : i32
      %dma_wait3A_627 = tpu.memref_slice %arg4[%dma_wait3A_619, %dma_wait3A_625, %dma_wait3A_620, %dma_wait3A_626] : memref<200x8x16x2048xf32, #tpu.memory_space<hbm>> -> memref<1x8x1x2048xf32, #tpu.memory_space<hbm>>
      %dma_wait3A_628 = tpu.memref_squeeze %dma_wait3A_627 : memref<1x8x1x2048xf32, #tpu.memory_space<hbm>> -> memref<8x2048xf32, #tpu.memory_space<hbm>>
      tpu.wait_dma2 semaphore(%arg21 : memref<!tpu.dma_semaphore, #tpu.memory_space<semaphore_mem>>) src(%arg17 : memref<8x2048xf32, #tpu.memory_space<vmem>>) dst(%dma_wait3A_628 : memref<8x2048xf32, #tpu.memory_space<hbm>>)
      %parallel_loop3A_629 = arith.constant 0 : i32
      %parallel_loop3A_630 = arith.constant 1024 : i32
      %parallel_loop3A_631 = arith.constant 1 : i32
      scf.for %parallel_loop3A_919 = %parallel_loop3A_629 to %parallel_loop3A_630 step %parallel_loop3A_631  : i32 {
        %parallel_loop3A_920 = arith.constant 16 : i32
        %parallel_loop3A_921 = arith.divsi %parallel_loop3A_919, %parallel_loop3A_920 : i32
        %parallel_loop3A_922 = arith.constant 0 : i32
        %parallel_loop3A_923 = arith.cmpi sgt, %parallel_loop3A_919, %parallel_loop3A_922 : i32
        %parallel_loop3A_924 = arith.extui %parallel_loop3A_923 : i1 to i32
        %parallel_loop3A_925 = arith.constant 0 : i32
        %parallel_loop3A_926 = arith.cmpi slt, %parallel_loop3A_919, %parallel_loop3A_925 : i32
        %parallel_loop3A_927 = arith.extui %parallel_loop3A_926 : i1 to i32
        %parallel_loop3A_928 = arith.subi %parallel_loop3A_924, %parallel_loop3A_927 : i32
        %parallel_loop3A_929 = arith.constant 0 : i32
        %parallel_loop3A_930 = arith.cmpi sgt, %parallel_loop3A_920, %parallel_loop3A_929 : i32
        %parallel_loop3A_931 = arith.extui %parallel_loop3A_930 : i1 to i32
        %parallel_loop3A_932 = arith.constant 0 : i32
        %parallel_loop3A_933 = arith.cmpi slt, %parallel_loop3A_920, %parallel_loop3A_932 : i32
        %parallel_loop3A_934 = arith.extui %parallel_loop3A_933 : i1 to i32
        %parallel_loop3A_935 = arith.subi %parallel_loop3A_931, %parallel_loop3A_934 : i32
        %parallel_loop3A_936 = arith.cmpi ne, %parallel_loop3A_928, %parallel_loop3A_935 : i32
        %parallel_loop3A_937 = arith.remsi %parallel_loop3A_919, %parallel_loop3A_920 : i32
        %parallel_loop3A_938 = arith.constant 0 : i32
        %parallel_loop3A_939 = arith.cmpi ne, %parallel_loop3A_937, %parallel_loop3A_938 : i32
        %parallel_loop3A_940 = arith.andi %parallel_loop3A_936, %parallel_loop3A_939 : i1
        %parallel_loop3A_941 = arith.constant 1 : i32
        %parallel_loop3A_942 = arith.subi %parallel_loop3A_921, %parallel_loop3A_941 : i32
        %parallel_loop3A_943 = arith.select %parallel_loop3A_940, %parallel_loop3A_942, %parallel_loop3A_921 : i32
        %parallel_loop3A_944 = arith.constant 16 : i32
        %parallel_loop3A_945 = arith.constant 0 : i32
        %parallel_loop3A_946 = arith.cmpi eq, %parallel_loop3A_944, %parallel_loop3A_945 : i32
        %parallel_loop3A_947 = arith.constant 1 : i32
        %parallel_loop3A_948 = arith.select %parallel_loop3A_946, %parallel_loop3A_947, %parallel_loop3A_944 : i32
        %parallel_loop3A_949 = arith.remsi %parallel_loop3A_919, %parallel_loop3A_948 : i32
        %parallel_loop3A_950 = arith.constant 0 : i32
        %parallel_loop3A_951 = arith.cmpi ne, %parallel_loop3A_949, %parallel_loop3A_950 : i32
        %parallel_loop3A_952 = arith.constant 0 : i32
        %parallel_loop3A_953 = arith.cmpi slt, %parallel_loop3A_949, %parallel_loop3A_952 : i32
        %parallel_loop3A_954 = arith.constant 0 : i32
        %parallel_loop3A_955 = arith.cmpi slt, %parallel_loop3A_948, %parallel_loop3A_954 : i32
        %parallel_loop3A_956 = arith.xori %parallel_loop3A_953, %parallel_loop3A_955 : i1
        %parallel_loop3A_957 = arith.andi %parallel_loop3A_956, %parallel_loop3A_951 : i1
        %parallel_loop3A_958 = arith.addi %parallel_loop3A_949, %parallel_loop3A_948 : i32
        %parallel_loop3A_959 = arith.select %parallel_loop3A_957, %parallel_loop3A_958, %parallel_loop3A_949 : i32
        %parallel_loop3A_960 = arith.constant 16 : i32
        %parallel_loop3A_961 = arith.muli %parallel_loop3A_959, %parallel_loop3A_960 : i32
        %parallel_loop3A_962 = vector.broadcast %parallel_loop3A_961 : i32 to vector<16xi32>
        %parallel_loop3A_963 = arith.addi %parallel_loop3A_962, %iota3A : vector<16xi32>
        %parallel_loop3A_964 = vector.broadcast %parallel_loop3A_943 : i32 to vector<16xi32>
        %parallel_loop3A_965 = tpu.vector_load_idx %arg16[%parallel_loop3A_963, %parallel_loop3A_964] : memref<256x64xf32, #tpu.memory_space<vmem>>[vector<16xi32>, vector<16xi32>], vector<16xf32>,
        %parallel_loop3A_966 = arith.constant 128 : i32
        %parallel_loop3A_967 = arith.divsi %parallel_loop3A_961, %parallel_loop3A_966 : i32
        %parallel_loop3A_968 = arith.constant 0 : i32
        %parallel_loop3A_969 = arith.cmpi sgt, %parallel_loop3A_961, %parallel_loop3A_968 : i32
        %parallel_loop3A_970 = arith.extui %parallel_loop3A_969 : i1 to i32
        %parallel_loop3A_971 = arith.constant 0 : i32
        %parallel_loop3A_972 = arith.cmpi slt, %parallel_loop3A_961, %parallel_loop3A_971 : i32
        %parallel_loop3A_973 = arith.extui %parallel_loop3A_972 : i1 to i32
        %parallel_loop3A_974 = arith.subi %parallel_loop3A_970, %parallel_loop3A_973 : i32
        %parallel_loop3A_975 = arith.constant 0 : i32
        %parallel_loop3A_976 = arith.cmpi sgt, %parallel_loop3A_966, %parallel_loop3A_975 : i32
        %parallel_loop3A_977 = arith.extui %parallel_loop3A_976 : i1 to i32
        %parallel_loop3A_978 = arith.constant 0 : i32
        %parallel_loop3A_979 = arith.cmpi slt, %parallel_loop3A_966, %parallel_loop3A_978 : i32
        %parallel_loop3A_980 = arith.extui %parallel_loop3A_979 : i1 to i32
        %parallel_loop3A_981 = arith.subi %parallel_loop3A_977, %parallel_loop3A_980 : i32
        %parallel_loop3A_982 = arith.cmpi ne, %parallel_loop3A_974, %parallel_loop3A_981 : i32
        %parallel_loop3A_983 = arith.remsi %parallel_loop3A_961, %parallel_loop3A_966 : i32
        %parallel_loop3A_984 = arith.constant 0 : i32
        %parallel_loop3A_985 = arith.cmpi ne, %parallel_loop3A_983, %parallel_loop3A_984 : i32
        %parallel_loop3A_986 = arith.andi %parallel_loop3A_982, %parallel_loop3A_985 : i1
        %parallel_loop3A_987 = arith.constant 1 : i32
        %parallel_loop3A_988 = arith.subi %parallel_loop3A_967, %parallel_loop3A_987 : i32
        %parallel_loop3A_989 = arith.select %parallel_loop3A_986, %parallel_loop3A_988, %parallel_loop3A_967 : i32
        %parallel_loop3A_990 = arith.constant 1024 : i32
        %parallel_loop3A_991 = arith.muli %parallel_loop3A_989, %parallel_loop3A_990 : i32
        %parallel_loop3A_992 = arith.constant 8 : i32
        %parallel_loop3A_993 = arith.constant 0 : i32
        %parallel_loop3A_994 = arith.cmpi eq, %parallel_loop3A_992, %parallel_loop3A_993 : i32
        %parallel_loop3A_995 = arith.constant 1 : i32
        %parallel_loop3A_996 = arith.select %parallel_loop3A_994, %parallel_loop3A_995, %parallel_loop3A_992 : i32
        %parallel_loop3A_997 = arith.remsi %parallel_loop3A_943, %parallel_loop3A_996 : i32
        %parallel_loop3A_998 = arith.constant 0 : i32
        %parallel_loop3A_999 = arith.cmpi ne, %parallel_loop3A_997, %parallel_loop3A_998 : i32
        %parallel_loop3A_1000 = arith.constant 0 : i32
        %parallel_loop3A_1001 = arith.cmpi slt, %parallel_loop3A_997, %parallel_loop3A_1000 : i32
        %parallel_loop3A_1002 = arith.constant 0 : i32
        %parallel_loop3A_1003 = arith.cmpi slt, %parallel_loop3A_996, %parallel_loop3A_1002 : i32
        %parallel_loop3A_1004 = arith.xori %parallel_loop3A_1001, %parallel_loop3A_1003 : i1
        %parallel_loop3A_1005 = arith.andi %parallel_loop3A_1004, %parallel_loop3A_999 : i1
        %parallel_loop3A_1006 = arith.addi %parallel_loop3A_997, %parallel_loop3A_996 : i32
        %parallel_loop3A_1007 = arith.select %parallel_loop3A_1005, %parallel_loop3A_1006, %parallel_loop3A_997 : i32
        %parallel_loop3A_1008 = arith.constant 128 : i32
        %parallel_loop3A_1009 = arith.muli %parallel_loop3A_1007, %parallel_loop3A_1008 : i32
        %parallel_loop3A_1010 = arith.addi %parallel_loop3A_991, %parallel_loop3A_1009 : i32
        %parallel_loop3A_1011 = arith.constant 128 : i32
        %parallel_loop3A_1012 = arith.constant 0 : i32
        %parallel_loop3A_1013 = arith.cmpi eq, %parallel_loop3A_1011, %parallel_loop3A_1012 : i32
        %parallel_loop3A_1014 = arith.constant 1 : i32
        %parallel_loop3A_1015 = arith.select %parallel_loop3A_1013, %parallel_loop3A_1014, %parallel_loop3A_1011 : i32
        %parallel_loop3A_1016 = arith.remsi %parallel_loop3A_961, %parallel_loop3A_1015 : i32
        %parallel_loop3A_1017 = arith.constant 0 : i32
        %parallel_loop3A_1018 = arith.cmpi ne, %parallel_loop3A_1016, %parallel_loop3A_1017 : i32
        %parallel_loop3A_1019 = arith.constant 0 : i32
        %parallel_loop3A_1020 = arith.cmpi slt, %parallel_loop3A_1016, %parallel_loop3A_1019 : i32
        %parallel_loop3A_1021 = arith.constant 0 : i32
        %parallel_loop3A_1022 = arith.cmpi slt, %parallel_loop3A_1015, %parallel_loop3A_1021 : i32
        %parallel_loop3A_1023 = arith.xori %parallel_loop3A_1020, %parallel_loop3A_1022 : i1
        %parallel_loop3A_1024 = arith.andi %parallel_loop3A_1023, %parallel_loop3A_1018 : i1
        %parallel_loop3A_1025 = arith.addi %parallel_loop3A_1016, %parallel_loop3A_1015 : i32
        %parallel_loop3A_1026 = arith.select %parallel_loop3A_1024, %parallel_loop3A_1025, %parallel_loop3A_1016 : i32
        %parallel_loop3A_1027 = arith.addi %parallel_loop3A_1010, %parallel_loop3A_1026 : i32
        %parallel_loop3A_1028 = arith.constant 8 : i32
        %parallel_loop3A_1029 = arith.divsi %parallel_loop3A_943, %parallel_loop3A_1028 : i32
        %parallel_loop3A_1030 = arith.constant 0 : i32
        %parallel_loop3A_1031 = arith.cmpi sgt, %parallel_loop3A_943, %parallel_loop3A_1030 : i32
        %parallel_loop3A_1032 = arith.extui %parallel_loop3A_1031 : i1 to i32
        %parallel_loop3A_1033 = arith.constant 0 : i32
        %parallel_loop3A_1034 = arith.cmpi slt, %parallel_loop3A_943, %parallel_loop3A_1033 : i32
        %parallel_loop3A_1035 = arith.extui %parallel_loop3A_1034 : i1 to i32
        %parallel_loop3A_1036 = arith.subi %parallel_loop3A_1032, %parallel_loop3A_1035 : i32
        %parallel_loop3A_1037 = arith.constant 0 : i32
        %parallel_loop3A_1038 = arith.cmpi sgt, %parallel_loop3A_1028, %parallel_loop3A_1037 : i32
        %parallel_loop3A_1039 = arith.extui %parallel_loop3A_1038 : i1 to i32
        %parallel_loop3A_1040 = arith.constant 0 : i32
        %parallel_loop3A_1041 = arith.cmpi slt, %parallel_loop3A_1028, %parallel_loop3A_1040 : i32
        %parallel_loop3A_1042 = arith.extui %parallel_loop3A_1041 : i1 to i32
        %parallel_loop3A_1043 = arith.subi %parallel_loop3A_1039, %parallel_loop3A_1042 : i32
        %parallel_loop3A_1044 = arith.cmpi ne, %parallel_loop3A_1036, %parallel_loop3A_1043 : i32
        %parallel_loop3A_1045 = arith.remsi %parallel_loop3A_943, %parallel_loop3A_1028 : i32
        %parallel_loop3A_1046 = arith.constant 0 : i32
        %parallel_loop3A_1047 = arith.cmpi ne, %parallel_loop3A_1045, %parallel_loop3A_1046 : i32
        %parallel_loop3A_1048 = arith.andi %parallel_loop3A_1044, %parallel_loop3A_1047 : i1
        %parallel_loop3A_1049 = arith.constant 1 : i32
        %parallel_loop3A_1050 = arith.subi %parallel_loop3A_1029, %parallel_loop3A_1049 : i32
        %parallel_loop3A_1051 = arith.select %parallel_loop3A_1048, %parallel_loop3A_1050, %parallel_loop3A_1029 : i32
        %parallel_loop3A_1052 = arith.index_cast %parallel_loop3A_1051 : i32 to index
        %parallel_loop3A_1053 = arith.index_cast %parallel_loop3A_1027 : i32 to index
        %parallel_loop3A_1054 = tpu.vector_load %arg18[%parallel_loop3A_1052, %parallel_loop3A_1053] {strides = array<i32>} : memref<8x2048xf32, #tpu.memory_space<vmem>>, vector<16xf32>,
        tpu.vector_store %arg18[%parallel_loop3A_1052, %parallel_loop3A_1053], %parallel_loop3A_965 {strides = array<i32>} : memref<8x2048xf32, #tpu.memory_space<vmem>>, vector<16xf32>,
      } {sc.loop_unroll_factor = 16 : i64, sc.parallel_access}
      %sub3A_632 = arith.constant 2 : i32
      %sub3A_633 = arith.subi %add3A_570, %sub3A_632 : i32
      %add3A_634 = arith.addi %mul3A_2, %sub3A_633 : i32
      %jit3A_635 = arith.constant 16 : i32
      %div3A_636 = arith.divsi %add3A_634, %jit3A_635 : i32
      %sign3A_637 = arith.constant 0 : i32
      %sign3A_638 = arith.cmpi sgt, %add3A_634, %sign3A_637 : i32
      %sign3A_639 = arith.extui %sign3A_638 : i1 to i32
      %sign3A_640 = arith.constant 0 : i32
      %sign3A_641 = arith.cmpi slt, %add3A_634, %sign3A_640 : i32
      %sign3A_642 = arith.extui %sign3A_641 : i1 to i32
      %sign3A_643 = arith.subi %sign3A_639, %sign3A_642 : i32
      %sign3A_644 = arith.constant 0 : i32
      %sign3A_645 = arith.cmpi sgt, %jit3A_635, %sign3A_644 : i32
      %sign3A_646 = arith.extui %sign3A_645 : i1 to i32
      %sign3A_647 = arith.constant 0 : i32
      %sign3A_648 = arith.cmpi slt, %jit3A_635, %sign3A_647 : i32
      %sign3A_649 = arith.extui %sign3A_648 : i1 to i32
      %sign3A_650 = arith.subi %sign3A_646, %sign3A_649 : i32
      %ne3A_651 = arith.cmpi ne, %sign3A_643, %sign3A_650 : i32
      %rem3A_652 = arith.remsi %add3A_634, %jit3A_635 : i32
      %ne3A_653 = arith.constant 0 : i32
      %ne3A_654 = arith.cmpi ne, %rem3A_652, %ne3A_653 : i32
      %and3A_655 = arith.andi %ne3A_651, %ne3A_654 : i1
      %sub3A_656 = arith.constant 1 : i32
      %sub3A_657 = arith.subi %div3A_636, %sub3A_656 : i32
      %select_n3A_658 = arith.select %and3A_655, %sub3A_657, %div3A_636 : i32
      %jit3A_659 = arith.constant 16 : i32
      %eq3A_660 = arith.constant 0 : i32
      %eq3A_661 = arith.cmpi eq, %jit3A_659, %eq3A_660 : i32
      %jit3A_662 = arith.constant 1 : i32
      %select_n3A_663 = arith.select %eq3A_661, %jit3A_662, %jit3A_659 : i32
      %rem3A_664 = arith.remsi %add3A_634, %select_n3A_663 : i32
      %ne3A_665 = arith.constant 0 : i32
      %ne3A_666 = arith.cmpi ne, %rem3A_664, %ne3A_665 : i32
      %lt3A_667 = arith.constant 0 : i32
      %lt3A_668 = arith.cmpi slt, %rem3A_664, %lt3A_667 : i32
      %lt3A_669 = arith.constant 0 : i32
      %lt3A_670 = arith.cmpi slt, %select_n3A_663, %lt3A_669 : i32
      %ne3A_671 = arith.xori %lt3A_668, %lt3A_670 : i1
      %and3A_672 = arith.andi %ne3A_671, %ne3A_666 : i1
      %add3A_673 = arith.addi %rem3A_664, %select_n3A_663 : i32
      %select_n3A_674 = arith.select %and3A_672, %add3A_673, %rem3A_664 : i32
      %dma_start3A_675 = arith.constant 0 : i32
      %dma_start3A_676 = arith.constant 0 : i32
      %dma_start3A_677 = tpu.memref_slice %arg4[%select_n3A_658, %dma_start3A_675, %select_n3A_674, %dma_start3A_676] : memref<200x8x16x2048xf32, #tpu.memory_space<hbm>> -> memref<1x8x1x2048xf32, #tpu.memory_space<hbm>>
      %dma_start3A_678 = tpu.memref_squeeze %dma_start3A_677 : memref<1x8x1x2048xf32, #tpu.memory_space<hbm>> -> memref<8x2048xf32, #tpu.memory_space<hbm>>
      %dma_start3A_679 = arith.constant 0 : i32
      %dma_start3A_680 = arith.constant 0 : i32
      %dma_start3A_681 = tpu.memref_slice %arg4[%select_n3A_658, %dma_start3A_679, %select_n3A_674, %dma_start3A_680] : memref<200x8x16x2048xf32, #tpu.memory_space<hbm>> -> memref<1x8x1x2048xf32, #tpu.memory_space<hbm>>
      %dma_start3A_682 = tpu.memref_squeeze %dma_start3A_681 : memref<1x8x1x2048xf32, #tpu.memory_space<hbm>> -> memref<8x2048xf32, #tpu.memory_space<hbm>>
      tpu.enqueue_dma source(%arg18 : memref<8x2048xf32, #tpu.memory_space<vmem>>) target(%dma_start3A_682 : memref<8x2048xf32, #tpu.memory_space<hbm>>) target_semaphore(%arg21 : memref<!tpu.dma_semaphore, #tpu.memory_space<semaphore_mem>>)
      %mul3A_683 = arith.constant 4 : i32
      %mul3A_684 = arith.muli %mul3A_683, %scan3A_446 : i32
      %add3A_685 = arith.constant 4 : i32
      %add3A_686 = arith.addi %add3A_685, %mul3A_684 : i32
      %add3A_687 = arith.constant 2 : i32
      %add3A_688 = arith.addi %add3A_686, %add3A_687 : i32
      %add3A_689 = arith.constant 1 : i32
      %add3A_690 = arith.addi %add3A_688, %add3A_689 : i32
      %add3A_691 = arith.addi %mul3A_2, %add3A_690 : i32
      %min3A_692 = arith.constant 3199 : i32
      %min3A_693 = arith.minsi %add3A_691, %min3A_692 : i32
      %mul3A_694 = arith.constant 512 : i32
      %mul3A_695 = arith.muli %min3A_693, %mul3A_694 : i32
      %dma_start3A_696 = tpu.memref_slice %arg2[%mul3A_695] : memref<1638400xf32, #tpu.memory_space<hbm>> -> memref<512xf32, #tpu.memory_space<hbm>>
      %dma_start3A_697 = tpu.memref_slice %arg2[%mul3A_695] : memref<1638400xf32, #tpu.memory_space<hbm>> -> memref<512xf32, #tpu.memory_space<hbm>>
      tpu.enqueue_dma source(%dma_start3A_697 : memref<512xf32, #tpu.memory_space<hbm>>) target(%arg8 : memref<512xf32, #tpu.memory_space<vmem>>) target_semaphore(%arg19 : memref<!tpu.dma_semaphore, #tpu.memory_space<semaphore_mem>>)
      %dma_wait3A_698 = arith.constant 0 : i32
      %dma_wait3A_699 = tpu.memref_slice %arg2[%dma_wait3A_698] : memref<1638400xf32, #tpu.memory_space<hbm>> -> memref<512xf32, #tpu.memory_space<hbm>>
      %dma_wait3A_700 = arith.constant 0 : i32
      %dma_wait3A_701 = tpu.memref_slice %arg2[%dma_wait3A_700] : memref<1638400xf32, #tpu.memory_space<hbm>> -> memref<512xf32, #tpu.memory_space<hbm>>
      tpu.wait_dma2 semaphore(%arg19 : memref<!tpu.dma_semaphore, #tpu.memory_space<semaphore_mem>>) src(%dma_wait3A_701 : memref<512xf32, #tpu.memory_space<hbm>>) dst(%arg5 : memref<512xf32, #tpu.memory_space<vmem>>)
      %parallel_loop3A_702 = arith.constant 0 : i32
      %parallel_loop3A_703 = arith.constant 16 : i32
      %parallel_loop3A_704 = arith.constant 1 : i32
      scf.for %parallel_loop3A_919 = %parallel_loop3A_702 to %parallel_loop3A_703 step %parallel_loop3A_704  : i32 {
        %parallel_loop3A_920 = arith.constant 8 : i32
        %parallel_loop3A_921 = arith.divsi %parallel_loop3A_919, %parallel_loop3A_920 : i32
        %parallel_loop3A_922 = arith.constant 0 : i32
        %parallel_loop3A_923 = arith.cmpi sgt, %parallel_loop3A_919, %parallel_loop3A_922 : i32
        %parallel_loop3A_924 = arith.extui %parallel_loop3A_923 : i1 to i32
        %parallel_loop3A_925 = arith.constant 0 : i32
        %parallel_loop3A_926 = arith.cmpi slt, %parallel_loop3A_919, %parallel_loop3A_925 : i32
        %parallel_loop3A_927 = arith.extui %parallel_loop3A_926 : i1 to i32
        %parallel_loop3A_928 = arith.subi %parallel_loop3A_924, %parallel_loop3A_927 : i32
        %parallel_loop3A_929 = arith.constant 0 : i32
        %parallel_loop3A_930 = arith.cmpi sgt, %parallel_loop3A_920, %parallel_loop3A_929 : i32
        %parallel_loop3A_931 = arith.extui %parallel_loop3A_930 : i1 to i32
        %parallel_loop3A_932 = arith.constant 0 : i32
        %parallel_loop3A_933 = arith.cmpi slt, %parallel_loop3A_920, %parallel_loop3A_932 : i32
        %parallel_loop3A_934 = arith.extui %parallel_loop3A_933 : i1 to i32
        %parallel_loop3A_935 = arith.subi %parallel_loop3A_931, %parallel_loop3A_934 : i32
        %parallel_loop3A_936 = arith.cmpi ne, %parallel_loop3A_928, %parallel_loop3A_935 : i32
        %parallel_loop3A_937 = arith.remsi %parallel_loop3A_919, %parallel_loop3A_920 : i32
        %parallel_loop3A_938 = arith.constant 0 : i32
        %parallel_loop3A_939 = arith.cmpi ne, %parallel_loop3A_937, %parallel_loop3A_938 : i32
        %parallel_loop3A_940 = arith.andi %parallel_loop3A_936, %parallel_loop3A_939 : i1
        %parallel_loop3A_941 = arith.constant 1 : i32
        %parallel_loop3A_942 = arith.subi %parallel_loop3A_921, %parallel_loop3A_941 : i32
        %parallel_loop3A_943 = arith.select %parallel_loop3A_940, %parallel_loop3A_942, %parallel_loop3A_921 : i32
        %parallel_loop3A_944 = arith.constant 8 : i32
        %parallel_loop3A_945 = arith.constant 0 : i32
        %parallel_loop3A_946 = arith.cmpi eq, %parallel_loop3A_944, %parallel_loop3A_945 : i32
        %parallel_loop3A_947 = arith.constant 1 : i32
        %parallel_loop3A_948 = arith.select %parallel_loop3A_946, %parallel_loop3A_947, %parallel_loop3A_944 : i32
        %parallel_loop3A_949 = arith.remsi %parallel_loop3A_919, %parallel_loop3A_948 : i32
        %parallel_loop3A_950 = arith.constant 0 : i32
        %parallel_loop3A_951 = arith.cmpi ne, %parallel_loop3A_949, %parallel_loop3A_950 : i32
        %parallel_loop3A_952 = arith.constant 0 : i32
        %parallel_loop3A_953 = arith.cmpi slt, %parallel_loop3A_949, %parallel_loop3A_952 : i32
        %parallel_loop3A_954 = arith.constant 0 : i32
        %parallel_loop3A_955 = arith.cmpi slt, %parallel_loop3A_948, %parallel_loop3A_954 : i32
        %parallel_loop3A_956 = arith.xori %parallel_loop3A_953, %parallel_loop3A_955 : i1
        %parallel_loop3A_957 = arith.andi %parallel_loop3A_956, %parallel_loop3A_951 : i1
        %parallel_loop3A_958 = arith.addi %parallel_loop3A_949, %parallel_loop3A_948 : i32
        %parallel_loop3A_959 = arith.select %parallel_loop3A_957, %parallel_loop3A_958, %parallel_loop3A_949 : i32
        %parallel_loop3A_960 = arith.constant 256 : i32
        %parallel_loop3A_961 = arith.muli %parallel_loop3A_943, %parallel_loop3A_960 : i32
        %parallel_loop3A_962 = arith.constant 16 : i32
        %parallel_loop3A_963 = arith.muli %parallel_loop3A_959, %parallel_loop3A_962 : i32
        %parallel_loop3A_964 = arith.addi %parallel_loop3A_961, %parallel_loop3A_963 : i32
        %parallel_loop3A_965 = arith.index_cast %parallel_loop3A_964 : i32 to index
        %parallel_loop3A_966 = tpu.vector_load %arg7[%parallel_loop3A_965] {strides = array<i32>} : memref<512xf32, #tpu.memory_space<vmem>>, vector<16xf32>,
        %parallel_loop3A_967 = arith.constant 256 : i32
        %parallel_loop3A_968 = arith.muli %parallel_loop3A_943, %parallel_loop3A_967 : i32
        %parallel_loop3A_969 = arith.constant 128 : i32
        %parallel_loop3A_970 = arith.addi %parallel_loop3A_968, %parallel_loop3A_969 : i32
        %parallel_loop3A_971 = arith.constant 16 : i32
        %parallel_loop3A_972 = arith.muli %parallel_loop3A_959, %parallel_loop3A_971 : i32
        %parallel_loop3A_973 = arith.addi %parallel_loop3A_970, %parallel_loop3A_972 : i32
        %parallel_loop3A_974 = arith.index_cast %parallel_loop3A_973 : i32 to index
        %parallel_loop3A_975 = tpu.vector_load %arg7[%parallel_loop3A_974] {strides = array<i32>} : memref<512xf32, #tpu.memory_space<vmem>>, vector<16xf32>,
        %parallel_loop3A_976 = arith.constant 5.000000e-01 : f32
        %parallel_loop3A_977 = vector.broadcast %parallel_loop3A_976 : f32 to vector<16xf32>
        %parallel_loop3A_978 = arith.mulf %parallel_loop3A_966, %parallel_loop3A_977 : vector<16xf32>
        %parallel_loop3A_979 = arith.constant 5.000000e-01 : f32
        %parallel_loop3A_980 = vector.broadcast %parallel_loop3A_979 : f32 to vector<16xf32>
        %parallel_loop3A_981 = arith.addf %parallel_loop3A_978, %parallel_loop3A_980 : vector<16xf32>
        %parallel_loop3A_982 = arith.constant 5.120000e+02 : f32
        %parallel_loop3A_983 = vector.broadcast %parallel_loop3A_982 : f32 to vector<16xf32>
        %parallel_loop3A_984 = arith.mulf %parallel_loop3A_981, %parallel_loop3A_983 : vector<16xf32>
        %parallel_loop3A_985 = arith.constant 5.110000e+02 : f32
        %parallel_loop3A_986 = vector.broadcast %parallel_loop3A_985 : f32 to vector<16xf32>
        %parallel_loop3A_987 = arith.minimumf %parallel_loop3A_984, %parallel_loop3A_986 : vector<16xf32>
        %parallel_loop3A_988 = arith.constant 0.000000e+00 : f32
        %parallel_loop3A_989 = vector.broadcast %parallel_loop3A_988 : f32 to vector<16xf32>
        %parallel_loop3A_990 = arith.maximumf %parallel_loop3A_987, %parallel_loop3A_989 : vector<16xf32>
        %parallel_loop3A_991 = arith.fptosi %parallel_loop3A_990 : vector<16xf32> to vector<16xi32>
        %parallel_loop3A_992 = arith.constant 512 : i32
        %parallel_loop3A_993 = vector.broadcast %parallel_loop3A_992 : i32 to vector<16xi32>
        %parallel_loop3A_994 = arith.muli %parallel_loop3A_991, %parallel_loop3A_993 : vector<16xi32>
        %parallel_loop3A_995 = arith.constant 5.000000e-01 : f32
        %parallel_loop3A_996 = vector.broadcast %parallel_loop3A_995 : f32 to vector<16xf32>
        %parallel_loop3A_997 = arith.mulf %parallel_loop3A_975, %parallel_loop3A_996 : vector<16xf32>
        %parallel_loop3A_998 = arith.constant 5.000000e-01 : f32
        %parallel_loop3A_999 = vector.broadcast %parallel_loop3A_998 : f32 to vector<16xf32>
        %parallel_loop3A_1000 = arith.addf %parallel_loop3A_997, %parallel_loop3A_999 : vector<16xf32>
        %parallel_loop3A_1001 = arith.constant 5.120000e+02 : f32
        %parallel_loop3A_1002 = vector.broadcast %parallel_loop3A_1001 : f32 to vector<16xf32>
        %parallel_loop3A_1003 = arith.mulf %parallel_loop3A_1000, %parallel_loop3A_1002 : vector<16xf32>
        %parallel_loop3A_1004 = arith.constant 5.110000e+02 : f32
        %parallel_loop3A_1005 = vector.broadcast %parallel_loop3A_1004 : f32 to vector<16xf32>
        %parallel_loop3A_1006 = arith.minimumf %parallel_loop3A_1003, %parallel_loop3A_1005 : vector<16xf32>
        %parallel_loop3A_1007 = arith.constant 0.000000e+00 : f32
        %parallel_loop3A_1008 = vector.broadcast %parallel_loop3A_1007 : f32 to vector<16xf32>
        %parallel_loop3A_1009 = arith.maximumf %parallel_loop3A_1006, %parallel_loop3A_1008 : vector<16xf32>
        %parallel_loop3A_1010 = arith.fptosi %parallel_loop3A_1009 : vector<16xf32> to vector<16xi32>
        %parallel_loop3A_1011 = arith.addi %parallel_loop3A_994, %parallel_loop3A_1010 : vector<16xi32>
        %parallel_loop3A_1012 = arith.constant 16 : i32
        %parallel_loop3A_1013 = arith.muli %parallel_loop3A_919, %parallel_loop3A_1012 : i32
        %parallel_loop3A_1014 = arith.index_cast %parallel_loop3A_1013 : i32 to index
        %parallel_loop3A_1015 = tpu.vector_load %arg11[%parallel_loop3A_1014] {strides = array<i32>} : memref<256xi32, #tpu.memory_space<vmem>>, vector<16xi32>,
        tpu.vector_store %arg11[%parallel_loop3A_1014], %parallel_loop3A_1011 {strides = array<i32>} : memref<256xi32, #tpu.memory_space<vmem>>, vector<16xi32>,
      } {sc.loop_unroll_factor = 4 : i64, sc.parallel_access}
      %dma_start3A_705 = arith.constant 0 : i32
      %dma_start3A_706 = arith.constant 0 : i32
      %dma_start3A_707 = tpu.memref_slice %arg15[%dma_start3A_705, %dma_start3A_706] : memref<256x64xf32, #tpu.memory_space<vmem>> -> memref<128x64xf32, #tpu.memory_space<vmem>>
      %dma_start3A_708 = arith.constant 0 : i32
      %dma_start3A_709 = tpu.memref_slice %arg11[%dma_start3A_708] : memref<256xi32, #tpu.memory_space<vmem>> -> memref<128xi32, #tpu.memory_space<vmem>>
      %dma_start3A_710 = arith.constant 0 : i32
      %dma_start3A_711 = arith.constant 0 : i32
      %dma_start3A_712 = tpu.memref_slice %arg3[%dma_start3A_710, %dma_start3A_711] : memref<262144x64xf32, #tpu.memory_space<hbm>> -> memref<262144x64xf32, #tpu.memory_space<hbm>>
      tpu.enqueue_indirect_dma source(%dma_start3A_712 : memref<262144x64xf32, #tpu.memory_space<hbm>>) target(%dma_start3A_707 : memref<128x64xf32, #tpu.memory_space<vmem>>) offsets(%dma_start3A_709 : memref<128xi32, #tpu.memory_space<vmem>>) semaphore(%arg20 : memref<!tpu.dma_semaphore, #tpu.memory_space<semaphore_mem>>)
      %dma_start3A_713 = arith.constant 128 : i32
      %dma_start3A_714 = arith.constant 0 : i32
      %dma_start3A_715 = tpu.memref_slice %arg15[%dma_start3A_713, %dma_start3A_714] : memref<256x64xf32, #tpu.memory_space<vmem>> -> memref<128x64xf32, #tpu.memory_space<vmem>>
      %dma_start3A_716 = arith.constant 128 : i32
      %dma_start3A_717 = tpu.memref_slice %arg11[%dma_start3A_716] : memref<256xi32, #tpu.memory_space<vmem>> -> memref<128xi32, #tpu.memory_space<vmem>>
      %dma_start3A_718 = arith.constant 0 : i32
      %dma_start3A_719 = arith.constant 0 : i32
      %dma_start3A_720 = tpu.memref_slice %arg3[%dma_start3A_718, %dma_start3A_719] : memref<262144x64xf32, #tpu.memory_space<hbm>> -> memref<262144x64xf32, #tpu.memory_space<hbm>>
      tpu.enqueue_indirect_dma source(%dma_start3A_720 : memref<262144x64xf32, #tpu.memory_space<hbm>>) target(%dma_start3A_715 : memref<128x64xf32, #tpu.memory_space<vmem>>) offsets(%dma_start3A_717 : memref<128xi32, #tpu.memory_space<vmem>>) semaphore(%arg20 : memref<!tpu.dma_semaphore, #tpu.memory_space<semaphore_mem>>)
      %dma_wait3A_721 = arith.constant 0 : i32
      %dma_wait3A_722 = arith.constant 0 : i32
      %dma_wait3A_723 = tpu.memref_slice %arg13[%dma_wait3A_721, %dma_wait3A_722] : memref<256x64xf32, #tpu.memory_space<vmem>> -> memref<128x64xf32, #tpu.memory_space<vmem>>
      %dma_wait3A_724 = arith.constant 0 : i32
      %dma_wait3A_725 = tpu.memref_slice %arg9[%dma_wait3A_724] : memref<256xi32, #tpu.memory_space<vmem>> -> memref<128xi32, #tpu.memory_space<vmem>>
      %dma_wait3A_726 = arith.constant 0 : i32
      %dma_wait3A_727 = arith.constant 0 : i32
      %dma_wait3A_728 = tpu.memref_slice %arg3[%dma_wait3A_726, %dma_wait3A_727] : memref<262144x64xf32, #tpu.memory_space<hbm>> -> memref<262144x64xf32, #tpu.memory_space<hbm>>
      tpu.wait_indirect_dma semaphore(%arg20 : memref<!tpu.dma_semaphore, #tpu.memory_space<semaphore_mem>>) src(%dma_wait3A_728 : memref<262144x64xf32, #tpu.memory_space<hbm>>) dst(%dma_wait3A_723 : memref<128x64xf32, #tpu.memory_space<vmem>>)
      %dma_wait3A_729 = arith.constant 0 : i32
      %dma_wait3A_730 = arith.constant 0 : i32
      %dma_wait3A_731 = tpu.memref_slice %arg13[%dma_wait3A_729, %dma_wait3A_730] : memref<256x64xf32, #tpu.memory_space<vmem>> -> memref<128x64xf32, #tpu.memory_space<vmem>>
      %dma_wait3A_732 = arith.constant 0 : i32
      %dma_wait3A_733 = tpu.memref_slice %arg9[%dma_wait3A_732] : memref<256xi32, #tpu.memory_space<vmem>> -> memref<128xi32, #tpu.memory_space<vmem>>
      %dma_wait3A_734 = arith.constant 0 : i32
      %dma_wait3A_735 = arith.constant 0 : i32
      %dma_wait3A_736 = tpu.memref_slice %arg3[%dma_wait3A_734, %dma_wait3A_735] : memref<262144x64xf32, #tpu.memory_space<hbm>> -> memref<262144x64xf32, #tpu.memory_space<hbm>>
      tpu.wait_indirect_dma semaphore(%arg20 : memref<!tpu.dma_semaphore, #tpu.memory_space<semaphore_mem>>) src(%dma_wait3A_736 : memref<262144x64xf32, #tpu.memory_space<hbm>>) dst(%dma_wait3A_731 : memref<128x64xf32, #tpu.memory_space<vmem>>)
      %dma_wait3A_737 = arith.constant 0 : i32
      %dma_wait3A_738 = arith.constant 0 : i32
      %dma_wait3A_739 = arith.constant 0 : i32
      %dma_wait3A_740 = arith.constant 0 : i32
      %dma_wait3A_741 = tpu.memref_slice %arg4[%dma_wait3A_737, %dma_wait3A_739, %dma_wait3A_738, %dma_wait3A_740] : memref<200x8x16x2048xf32, #tpu.memory_space<hbm>> -> memref<1x8x1x2048xf32, #tpu.memory_space<hbm>>
      %dma_wait3A_742 = tpu.memref_squeeze %dma_wait3A_741 : memref<1x8x1x2048xf32, #tpu.memory_space<hbm>> -> memref<8x2048xf32, #tpu.memory_space<hbm>>
      %dma_wait3A_743 = arith.constant 0 : i32
      %dma_wait3A_744 = arith.constant 0 : i32
      %dma_wait3A_745 = tpu.memref_slice %arg4[%dma_wait3A_737, %dma_wait3A_743, %dma_wait3A_738, %dma_wait3A_744] : memref<200x8x16x2048xf32, #tpu.memory_space<hbm>> -> memref<1x8x1x2048xf32, #tpu.memory_space<hbm>>
      %dma_wait3A_746 = tpu.memref_squeeze %dma_wait3A_745 : memref<1x8x1x2048xf32, #tpu.memory_space<hbm>> -> memref<8x2048xf32, #tpu.memory_space<hbm>>
      tpu.wait_dma2 semaphore(%arg21 : memref<!tpu.dma_semaphore, #tpu.memory_space<semaphore_mem>>) src(%arg17 : memref<8x2048xf32, #tpu.memory_space<vmem>>) dst(%dma_wait3A_746 : memref<8x2048xf32, #tpu.memory_space<hbm>>)
      %parallel_loop3A_747 = arith.constant 0 : i32
      %parallel_loop3A_748 = arith.constant 1024 : i32
      %parallel_loop3A_749 = arith.constant 1 : i32
      scf.for %parallel_loop3A_919 = %parallel_loop3A_747 to %parallel_loop3A_748 step %parallel_loop3A_749  : i32 {
        %parallel_loop3A_920 = arith.constant 16 : i32
        %parallel_loop3A_921 = arith.divsi %parallel_loop3A_919, %parallel_loop3A_920 : i32
        %parallel_loop3A_922 = arith.constant 0 : i32
        %parallel_loop3A_923 = arith.cmpi sgt, %parallel_loop3A_919, %parallel_loop3A_922 : i32
        %parallel_loop3A_924 = arith.extui %parallel_loop3A_923 : i1 to i32
        %parallel_loop3A_925 = arith.constant 0 : i32
        %parallel_loop3A_926 = arith.cmpi slt, %parallel_loop3A_919, %parallel_loop3A_925 : i32
        %parallel_loop3A_927 = arith.extui %parallel_loop3A_926 : i1 to i32
        %parallel_loop3A_928 = arith.subi %parallel_loop3A_924, %parallel_loop3A_927 : i32
        %parallel_loop3A_929 = arith.constant 0 : i32
        %parallel_loop3A_930 = arith.cmpi sgt, %parallel_loop3A_920, %parallel_loop3A_929 : i32
        %parallel_loop3A_931 = arith.extui %parallel_loop3A_930 : i1 to i32
        %parallel_loop3A_932 = arith.constant 0 : i32
        %parallel_loop3A_933 = arith.cmpi slt, %parallel_loop3A_920, %parallel_loop3A_932 : i32
        %parallel_loop3A_934 = arith.extui %parallel_loop3A_933 : i1 to i32
        %parallel_loop3A_935 = arith.subi %parallel_loop3A_931, %parallel_loop3A_934 : i32
        %parallel_loop3A_936 = arith.cmpi ne, %parallel_loop3A_928, %parallel_loop3A_935 : i32
        %parallel_loop3A_937 = arith.remsi %parallel_loop3A_919, %parallel_loop3A_920 : i32
        %parallel_loop3A_938 = arith.constant 0 : i32
        %parallel_loop3A_939 = arith.cmpi ne, %parallel_loop3A_937, %parallel_loop3A_938 : i32
        %parallel_loop3A_940 = arith.andi %parallel_loop3A_936, %parallel_loop3A_939 : i1
        %parallel_loop3A_941 = arith.constant 1 : i32
        %parallel_loop3A_942 = arith.subi %parallel_loop3A_921, %parallel_loop3A_941 : i32
        %parallel_loop3A_943 = arith.select %parallel_loop3A_940, %parallel_loop3A_942, %parallel_loop3A_921 : i32
        %parallel_loop3A_944 = arith.constant 16 : i32
        %parallel_loop3A_945 = arith.constant 0 : i32
        %parallel_loop3A_946 = arith.cmpi eq, %parallel_loop3A_944, %parallel_loop3A_945 : i32
        %parallel_loop3A_947 = arith.constant 1 : i32
        %parallel_loop3A_948 = arith.select %parallel_loop3A_946, %parallel_loop3A_947, %parallel_loop3A_944 : i32
        %parallel_loop3A_949 = arith.remsi %parallel_loop3A_919, %parallel_loop3A_948 : i32
        %parallel_loop3A_950 = arith.constant 0 : i32
        %parallel_loop3A_951 = arith.cmpi ne, %parallel_loop3A_949, %parallel_loop3A_950 : i32
        %parallel_loop3A_952 = arith.constant 0 : i32
        %parallel_loop3A_953 = arith.cmpi slt, %parallel_loop3A_949, %parallel_loop3A_952 : i32
        %parallel_loop3A_954 = arith.constant 0 : i32
        %parallel_loop3A_955 = arith.cmpi slt, %parallel_loop3A_948, %parallel_loop3A_954 : i32
        %parallel_loop3A_956 = arith.xori %parallel_loop3A_953, %parallel_loop3A_955 : i1
        %parallel_loop3A_957 = arith.andi %parallel_loop3A_956, %parallel_loop3A_951 : i1
        %parallel_loop3A_958 = arith.addi %parallel_loop3A_949, %parallel_loop3A_948 : i32
        %parallel_loop3A_959 = arith.select %parallel_loop3A_957, %parallel_loop3A_958, %parallel_loop3A_949 : i32
        %parallel_loop3A_960 = arith.constant 16 : i32
        %parallel_loop3A_961 = arith.muli %parallel_loop3A_959, %parallel_loop3A_960 : i32
        %parallel_loop3A_962 = vector.broadcast %parallel_loop3A_961 : i32 to vector<16xi32>
        %parallel_loop3A_963 = arith.addi %parallel_loop3A_962, %iota3A : vector<16xi32>
        %parallel_loop3A_964 = vector.broadcast %parallel_loop3A_943 : i32 to vector<16xi32>
        %parallel_loop3A_965 = tpu.vector_load_idx %arg13[%parallel_loop3A_963, %parallel_loop3A_964] : memref<256x64xf32, #tpu.memory_space<vmem>>[vector<16xi32>, vector<16xi32>], vector<16xf32>,
        %parallel_loop3A_966 = arith.constant 128 : i32
        %parallel_loop3A_967 = arith.divsi %parallel_loop3A_961, %parallel_loop3A_966 : i32
        %parallel_loop3A_968 = arith.constant 0 : i32
        %parallel_loop3A_969 = arith.cmpi sgt, %parallel_loop3A_961, %parallel_loop3A_968 : i32
        %parallel_loop3A_970 = arith.extui %parallel_loop3A_969 : i1 to i32
        %parallel_loop3A_971 = arith.constant 0 : i32
        %parallel_loop3A_972 = arith.cmpi slt, %parallel_loop3A_961, %parallel_loop3A_971 : i32
        %parallel_loop3A_973 = arith.extui %parallel_loop3A_972 : i1 to i32
        %parallel_loop3A_974 = arith.subi %parallel_loop3A_970, %parallel_loop3A_973 : i32
        %parallel_loop3A_975 = arith.constant 0 : i32
        %parallel_loop3A_976 = arith.cmpi sgt, %parallel_loop3A_966, %parallel_loop3A_975 : i32
        %parallel_loop3A_977 = arith.extui %parallel_loop3A_976 : i1 to i32
        %parallel_loop3A_978 = arith.constant 0 : i32
        %parallel_loop3A_979 = arith.cmpi slt, %parallel_loop3A_966, %parallel_loop3A_978 : i32
        %parallel_loop3A_980 = arith.extui %parallel_loop3A_979 : i1 to i32
        %parallel_loop3A_981 = arith.subi %parallel_loop3A_977, %parallel_loop3A_980 : i32
        %parallel_loop3A_982 = arith.cmpi ne, %parallel_loop3A_974, %parallel_loop3A_981 : i32
        %parallel_loop3A_983 = arith.remsi %parallel_loop3A_961, %parallel_loop3A_966 : i32
        %parallel_loop3A_984 = arith.constant 0 : i32
        %parallel_loop3A_985 = arith.cmpi ne, %parallel_loop3A_983, %parallel_loop3A_984 : i32
        %parallel_loop3A_986 = arith.andi %parallel_loop3A_982, %parallel_loop3A_985 : i1
        %parallel_loop3A_987 = arith.constant 1 : i32
        %parallel_loop3A_988 = arith.subi %parallel_loop3A_967, %parallel_loop3A_987 : i32
        %parallel_loop3A_989 = arith.select %parallel_loop3A_986, %parallel_loop3A_988, %parallel_loop3A_967 : i32
        %parallel_loop3A_990 = arith.constant 1024 : i32
        %parallel_loop3A_991 = arith.muli %parallel_loop3A_989, %parallel_loop3A_990 : i32
        %parallel_loop3A_992 = arith.constant 8 : i32
        %parallel_loop3A_993 = arith.constant 0 : i32
        %parallel_loop3A_994 = arith.cmpi eq, %parallel_loop3A_992, %parallel_loop3A_993 : i32
        %parallel_loop3A_995 = arith.constant 1 : i32
        %parallel_loop3A_996 = arith.select %parallel_loop3A_994, %parallel_loop3A_995, %parallel_loop3A_992 : i32
        %parallel_loop3A_997 = arith.remsi %parallel_loop3A_943, %parallel_loop3A_996 : i32
        %parallel_loop3A_998 = arith.constant 0 : i32
        %parallel_loop3A_999 = arith.cmpi ne, %parallel_loop3A_997, %parallel_loop3A_998 : i32
        %parallel_loop3A_1000 = arith.constant 0 : i32
        %parallel_loop3A_1001 = arith.cmpi slt, %parallel_loop3A_997, %parallel_loop3A_1000 : i32
        %parallel_loop3A_1002 = arith.constant 0 : i32
        %parallel_loop3A_1003 = arith.cmpi slt, %parallel_loop3A_996, %parallel_loop3A_1002 : i32
        %parallel_loop3A_1004 = arith.xori %parallel_loop3A_1001, %parallel_loop3A_1003 : i1
        %parallel_loop3A_1005 = arith.andi %parallel_loop3A_1004, %parallel_loop3A_999 : i1
        %parallel_loop3A_1006 = arith.addi %parallel_loop3A_997, %parallel_loop3A_996 : i32
        %parallel_loop3A_1007 = arith.select %parallel_loop3A_1005, %parallel_loop3A_1006, %parallel_loop3A_997 : i32
        %parallel_loop3A_1008 = arith.constant 128 : i32
        %parallel_loop3A_1009 = arith.muli %parallel_loop3A_1007, %parallel_loop3A_1008 : i32
        %parallel_loop3A_1010 = arith.addi %parallel_loop3A_991, %parallel_loop3A_1009 : i32
        %parallel_loop3A_1011 = arith.constant 128 : i32
        %parallel_loop3A_1012 = arith.constant 0 : i32
        %parallel_loop3A_1013 = arith.cmpi eq, %parallel_loop3A_1011, %parallel_loop3A_1012 : i32
        %parallel_loop3A_1014 = arith.constant 1 : i32
        %parallel_loop3A_1015 = arith.select %parallel_loop3A_1013, %parallel_loop3A_1014, %parallel_loop3A_1011 : i32
        %parallel_loop3A_1016 = arith.remsi %parallel_loop3A_961, %parallel_loop3A_1015 : i32
        %parallel_loop3A_1017 = arith.constant 0 : i32
        %parallel_loop3A_1018 = arith.cmpi ne, %parallel_loop3A_1016, %parallel_loop3A_1017 : i32
        %parallel_loop3A_1019 = arith.constant 0 : i32
        %parallel_loop3A_1020 = arith.cmpi slt, %parallel_loop3A_1016, %parallel_loop3A_1019 : i32
        %parallel_loop3A_1021 = arith.constant 0 : i32
        %parallel_loop3A_1022 = arith.cmpi slt, %parallel_loop3A_1015, %parallel_loop3A_1021 : i32
        %parallel_loop3A_1023 = arith.xori %parallel_loop3A_1020, %parallel_loop3A_1022 : i1
        %parallel_loop3A_1024 = arith.andi %parallel_loop3A_1023, %parallel_loop3A_1018 : i1
        %parallel_loop3A_1025 = arith.addi %parallel_loop3A_1016, %parallel_loop3A_1015 : i32
        %parallel_loop3A_1026 = arith.select %parallel_loop3A_1024, %parallel_loop3A_1025, %parallel_loop3A_1016 : i32
        %parallel_loop3A_1027 = arith.addi %parallel_loop3A_1010, %parallel_loop3A_1026 : i32
        %parallel_loop3A_1028 = arith.constant 8 : i32
        %parallel_loop3A_1029 = arith.divsi %parallel_loop3A_943, %parallel_loop3A_1028 : i32
        %parallel_loop3A_1030 = arith.constant 0 : i32
        %parallel_loop3A_1031 = arith.cmpi sgt, %parallel_loop3A_943, %parallel_loop3A_1030 : i32
        %parallel_loop3A_1032 = arith.extui %parallel_loop3A_1031 : i1 to i32
        %parallel_loop3A_1033 = arith.constant 0 : i32
        %parallel_loop3A_1034 = arith.cmpi slt, %parallel_loop3A_943, %parallel_loop3A_1033 : i32
        %parallel_loop3A_1035 = arith.extui %parallel_loop3A_1034 : i1 to i32
        %parallel_loop3A_1036 = arith.subi %parallel_loop3A_1032, %parallel_loop3A_1035 : i32
        %parallel_loop3A_1037 = arith.constant 0 : i32
        %parallel_loop3A_1038 = arith.cmpi sgt, %parallel_loop3A_1028, %parallel_loop3A_1037 : i32
        %parallel_loop3A_1039 = arith.extui %parallel_loop3A_1038 : i1 to i32
        %parallel_loop3A_1040 = arith.constant 0 : i32
        %parallel_loop3A_1041 = arith.cmpi slt, %parallel_loop3A_1028, %parallel_loop3A_1040 : i32
        %parallel_loop3A_1042 = arith.extui %parallel_loop3A_1041 : i1 to i32
        %parallel_loop3A_1043 = arith.subi %parallel_loop3A_1039, %parallel_loop3A_1042 : i32
        %parallel_loop3A_1044 = arith.cmpi ne, %parallel_loop3A_1036, %parallel_loop3A_1043 : i32
        %parallel_loop3A_1045 = arith.remsi %parallel_loop3A_943, %parallel_loop3A_1028 : i32
        %parallel_loop3A_1046 = arith.constant 0 : i32
        %parallel_loop3A_1047 = arith.cmpi ne, %parallel_loop3A_1045, %parallel_loop3A_1046 : i32
        %parallel_loop3A_1048 = arith.andi %parallel_loop3A_1044, %parallel_loop3A_1047 : i1
        %parallel_loop3A_1049 = arith.constant 1 : i32
        %parallel_loop3A_1050 = arith.subi %parallel_loop3A_1029, %parallel_loop3A_1049 : i32
        %parallel_loop3A_1051 = arith.select %parallel_loop3A_1048, %parallel_loop3A_1050, %parallel_loop3A_1029 : i32
        %parallel_loop3A_1052 = arith.index_cast %parallel_loop3A_1051 : i32 to index
        %parallel_loop3A_1053 = arith.index_cast %parallel_loop3A_1027 : i32 to index
        %parallel_loop3A_1054 = tpu.vector_load %arg17[%parallel_loop3A_1052, %parallel_loop3A_1053] {strides = array<i32>} : memref<8x2048xf32, #tpu.memory_space<vmem>>, vector<16xf32>,
        tpu.vector_store %arg17[%parallel_loop3A_1052, %parallel_loop3A_1053], %parallel_loop3A_965 {strides = array<i32>} : memref<8x2048xf32, #tpu.memory_space<vmem>>, vector<16xf32>,
      } {sc.loop_unroll_factor = 16 : i64, sc.parallel_access}
      %sub3A_750 = arith.constant 2 : i32
      %sub3A_751 = arith.subi %add3A_688, %sub3A_750 : i32
      %add3A_752 = arith.addi %mul3A_2, %sub3A_751 : i32
      %jit3A_753 = arith.constant 16 : i32
      %div3A_754 = arith.divsi %add3A_752, %jit3A_753 : i32
      %sign3A_755 = arith.constant 0 : i32
      %sign3A_756 = arith.cmpi sgt, %add3A_752, %sign3A_755 : i32
      %sign3A_757 = arith.extui %sign3A_756 : i1 to i32
      %sign3A_758 = arith.constant 0 : i32
      %sign3A_759 = arith.cmpi slt, %add3A_752, %sign3A_758 : i32
      %sign3A_760 = arith.extui %sign3A_759 : i1 to i32
      %sign3A_761 = arith.subi %sign3A_757, %sign3A_760 : i32
      %sign3A_762 = arith.constant 0 : i32
      %sign3A_763 = arith.cmpi sgt, %jit3A_753, %sign3A_762 : i32
      %sign3A_764 = arith.extui %sign3A_763 : i1 to i32
      %sign3A_765 = arith.constant 0 : i32
      %sign3A_766 = arith.cmpi slt, %jit3A_753, %sign3A_765 : i32
      %sign3A_767 = arith.extui %sign3A_766 : i1 to i32
      %sign3A_768 = arith.subi %sign3A_764, %sign3A_767 : i32
      %ne3A_769 = arith.cmpi ne, %sign3A_761, %sign3A_768 : i32
      %rem3A_770 = arith.remsi %add3A_752, %jit3A_753 : i32
      %ne3A_771 = arith.constant 0 : i32
      %ne3A_772 = arith.cmpi ne, %rem3A_770, %ne3A_771 : i32
      %and3A_773 = arith.andi %ne3A_769, %ne3A_772 : i1
      %sub3A_774 = arith.constant 1 : i32
      %sub3A_775 = arith.subi %div3A_754, %sub3A_774 : i32
      %select_n3A_776 = arith.select %and3A_773, %sub3A_775, %div3A_754 : i32
      %jit3A_777 = arith.constant 16 : i32
      %eq3A_778 = arith.constant 0 : i32
      %eq3A_779 = arith.cmpi eq, %jit3A_777, %eq3A_778 : i32
      %jit3A_780 = arith.constant 1 : i32
      %select_n3A_781 = arith.select %eq3A_779, %jit3A_780, %jit3A_777 : i32
      %rem3A_782 = arith.remsi %add3A_752, %select_n3A_781 : i32
      %ne3A_783 = arith.constant 0 : i32
      %ne3A_784 = arith.cmpi ne, %rem3A_782, %ne3A_783 : i32
      %lt3A_785 = arith.constant 0 : i32
      %lt3A_786 = arith.cmpi slt, %rem3A_782, %lt3A_785 : i32
      %lt3A_787 = arith.constant 0 : i32
      %lt3A_788 = arith.cmpi slt, %select_n3A_781, %lt3A_787 : i32
      %ne3A_789 = arith.xori %lt3A_786, %lt3A_788 : i1
      %and3A_790 = arith.andi %ne3A_789, %ne3A_784 : i1
      %add3A_791 = arith.addi %rem3A_782, %select_n3A_781 : i32
      %select_n3A_792 = arith.select %and3A_790, %add3A_791, %rem3A_782 : i32
      %dma_start3A_793 = arith.constant 0 : i32
      %dma_start3A_794 = arith.constant 0 : i32
      %dma_start3A_795 = tpu.memref_slice %arg4[%select_n3A_776, %dma_start3A_793, %select_n3A_792, %dma_start3A_794] : memref<200x8x16x2048xf32, #tpu.memory_space<hbm>> -> memref<1x8x1x2048xf32, #tpu.memory_space<hbm>>
      %dma_start3A_796 = tpu.memref_squeeze %dma_start3A_795 : memref<1x8x1x2048xf32, #tpu.memory_space<hbm>> -> memref<8x2048xf32, #tpu.memory_space<hbm>>
      %dma_start3A_797 = arith.constant 0 : i32
      %dma_start3A_798 = arith.constant 0 : i32
      %dma_start3A_799 = tpu.memref_slice %arg4[%select_n3A_776, %dma_start3A_797, %select_n3A_792, %dma_start3A_798] : memref<200x8x16x2048xf32, #tpu.memory_space<hbm>> -> memref<1x8x1x2048xf32, #tpu.memory_space<hbm>>
      %dma_start3A_800 = tpu.memref_squeeze %dma_start3A_799 : memref<1x8x1x2048xf32, #tpu.memory_space<hbm>> -> memref<8x2048xf32, #tpu.memory_space<hbm>>
      tpu.enqueue_dma source(%arg17 : memref<8x2048xf32, #tpu.memory_space<vmem>>) target(%dma_start3A_800 : memref<8x2048xf32, #tpu.memory_space<hbm>>) target_semaphore(%arg21 : memref<!tpu.dma_semaphore, #tpu.memory_space<semaphore_mem>>)
      %mul3A_801 = arith.constant 4 : i32
      %mul3A_802 = arith.muli %mul3A_801, %scan3A_446 : i32
      %add3A_803 = arith.constant 4 : i32
      %add3A_804 = arith.addi %add3A_803, %mul3A_802 : i32
      %add3A_805 = arith.constant 3 : i32
      %add3A_806 = arith.addi %add3A_804, %add3A_805 : i32
      %add3A_807 = arith.constant 1 : i32
      %add3A_808 = arith.addi %add3A_806, %add3A_807 : i32
      %add3A_809 = arith.addi %mul3A_2, %add3A_808 : i32
      %min3A_810 = arith.constant 3199 : i32
      %min3A_811 = arith.minsi %add3A_809, %min3A_810 : i32
      %mul3A_812 = arith.constant 512 : i32
      %mul3A_813 = arith.muli %min3A_811, %mul3A_812 : i32
      %dma_start3A_814 = tpu.memref_slice %arg2[%mul3A_813] : memref<1638400xf32, #tpu.memory_space<hbm>> -> memref<512xf32, #tpu.memory_space<hbm>>
      %dma_start3A_815 = tpu.memref_slice %arg2[%mul3A_813] : memref<1638400xf32, #tpu.memory_space<hbm>> -> memref<512xf32, #tpu.memory_space<hbm>>
      tpu.enqueue_dma source(%dma_start3A_815 : memref<512xf32, #tpu.memory_space<hbm>>) target(%arg5 : memref<512xf32, #tpu.memory_space<vmem>>) target_semaphore(%arg19 : memref<!tpu.dma_semaphore, #tpu.memory_space<semaphore_mem>>)
      %dma_wait3A_816 = arith.constant 0 : i32
      %dma_wait3A_817 = tpu.memref_slice %arg2[%dma_wait3A_816] : memref<1638400xf32, #tpu.memory_space<hbm>> -> memref<512xf32, #tpu.memory_space<hbm>>
      %dma_wait3A_818 = arith.constant 0 : i32
      %dma_wait3A_819 = tpu.memref_slice %arg2[%dma_wait3A_818] : memref<1638400xf32, #tpu.memory_space<hbm>> -> memref<512xf32, #tpu.memory_space<hbm>>
      tpu.wait_dma2 semaphore(%arg19 : memref<!tpu.dma_semaphore, #tpu.memory_space<semaphore_mem>>) src(%dma_wait3A_819 : memref<512xf32, #tpu.memory_space<hbm>>) dst(%arg5 : memref<512xf32, #tpu.memory_space<vmem>>)
      %parallel_loop3A_820 = arith.constant 0 : i32
      %parallel_loop3A_821 = arith.constant 16 : i32
      %parallel_loop3A_822 = arith.constant 1 : i32
      scf.for %parallel_loop3A_919 = %parallel_loop3A_820 to %parallel_loop3A_821 step %parallel_loop3A_822  : i32 {
        %parallel_loop3A_920 = arith.constant 8 : i32
        %parallel_loop3A_921 = arith.divsi %parallel_loop3A_919, %parallel_loop3A_920 : i32
        %parallel_loop3A_922 = arith.constant 0 : i32
        %parallel_loop3A_923 = arith.cmpi sgt, %parallel_loop3A_919, %parallel_loop3A_922 : i32
        %parallel_loop3A_924 = arith.extui %parallel_loop3A_923 : i1 to i32
        %parallel_loop3A_925 = arith.constant 0 : i32
        %parallel_loop3A_926 = arith.cmpi slt, %parallel_loop3A_919, %parallel_loop3A_925 : i32
        %parallel_loop3A_927 = arith.extui %parallel_loop3A_926 : i1 to i32
        %parallel_loop3A_928 = arith.subi %parallel_loop3A_924, %parallel_loop3A_927 : i32
        %parallel_loop3A_929 = arith.constant 0 : i32
        %parallel_loop3A_930 = arith.cmpi sgt, %parallel_loop3A_920, %parallel_loop3A_929 : i32
        %parallel_loop3A_931 = arith.extui %parallel_loop3A_930 : i1 to i32
        %parallel_loop3A_932 = arith.constant 0 : i32
        %parallel_loop3A_933 = arith.cmpi slt, %parallel_loop3A_920, %parallel_loop3A_932 : i32
        %parallel_loop3A_934 = arith.extui %parallel_loop3A_933 : i1 to i32
        %parallel_loop3A_935 = arith.subi %parallel_loop3A_931, %parallel_loop3A_934 : i32
        %parallel_loop3A_936 = arith.cmpi ne, %parallel_loop3A_928, %parallel_loop3A_935 : i32
        %parallel_loop3A_937 = arith.remsi %parallel_loop3A_919, %parallel_loop3A_920 : i32
        %parallel_loop3A_938 = arith.constant 0 : i32
        %parallel_loop3A_939 = arith.cmpi ne, %parallel_loop3A_937, %parallel_loop3A_938 : i32
        %parallel_loop3A_940 = arith.andi %parallel_loop3A_936, %parallel_loop3A_939 : i1
        %parallel_loop3A_941 = arith.constant 1 : i32
        %parallel_loop3A_942 = arith.subi %parallel_loop3A_921, %parallel_loop3A_941 : i32
        %parallel_loop3A_943 = arith.select %parallel_loop3A_940, %parallel_loop3A_942, %parallel_loop3A_921 : i32
        %parallel_loop3A_944 = arith.constant 8 : i32
        %parallel_loop3A_945 = arith.constant 0 : i32
        %parallel_loop3A_946 = arith.cmpi eq, %parallel_loop3A_944, %parallel_loop3A_945 : i32
        %parallel_loop3A_947 = arith.constant 1 : i32
        %parallel_loop3A_948 = arith.select %parallel_loop3A_946, %parallel_loop3A_947, %parallel_loop3A_944 : i32
        %parallel_loop3A_949 = arith.remsi %parallel_loop3A_919, %parallel_loop3A_948 : i32
        %parallel_loop3A_950 = arith.constant 0 : i32
        %parallel_loop3A_951 = arith.cmpi ne, %parallel_loop3A_949, %parallel_loop3A_950 : i32
        %parallel_loop3A_952 = arith.constant 0 : i32
        %parallel_loop3A_953 = arith.cmpi slt, %parallel_loop3A_949, %parallel_loop3A_952 : i32
        %parallel_loop3A_954 = arith.constant 0 : i32
        %parallel_loop3A_955 = arith.cmpi slt, %parallel_loop3A_948, %parallel_loop3A_954 : i32
        %parallel_loop3A_956 = arith.xori %parallel_loop3A_953, %parallel_loop3A_955 : i1
        %parallel_loop3A_957 = arith.andi %parallel_loop3A_956, %parallel_loop3A_951 : i1
        %parallel_loop3A_958 = arith.addi %parallel_loop3A_949, %parallel_loop3A_948 : i32
        %parallel_loop3A_959 = arith.select %parallel_loop3A_957, %parallel_loop3A_958, %parallel_loop3A_949 : i32
        %parallel_loop3A_960 = arith.constant 256 : i32
        %parallel_loop3A_961 = arith.muli %parallel_loop3A_943, %parallel_loop3A_960 : i32
        %parallel_loop3A_962 = arith.constant 16 : i32
        %parallel_loop3A_963 = arith.muli %parallel_loop3A_959, %parallel_loop3A_962 : i32
        %parallel_loop3A_964 = arith.addi %parallel_loop3A_961, %parallel_loop3A_963 : i32
        %parallel_loop3A_965 = arith.index_cast %parallel_loop3A_964 : i32 to index
        %parallel_loop3A_966 = tpu.vector_load %arg8[%parallel_loop3A_965] {strides = array<i32>} : memref<512xf32, #tpu.memory_space<vmem>>, vector<16xf32>,
        %parallel_loop3A_967 = arith.constant 256 : i32
        %parallel_loop3A_968 = arith.muli %parallel_loop3A_943, %parallel_loop3A_967 : i32
        %parallel_loop3A_969 = arith.constant 128 : i32
        %parallel_loop3A_970 = arith.addi %parallel_loop3A_968, %parallel_loop3A_969 : i32
        %parallel_loop3A_971 = arith.constant 16 : i32
        %parallel_loop3A_972 = arith.muli %parallel_loop3A_959, %parallel_loop3A_971 : i32
        %parallel_loop3A_973 = arith.addi %parallel_loop3A_970, %parallel_loop3A_972 : i32
        %parallel_loop3A_974 = arith.index_cast %parallel_loop3A_973 : i32 to index
        %parallel_loop3A_975 = tpu.vector_load %arg8[%parallel_loop3A_974] {strides = array<i32>} : memref<512xf32, #tpu.memory_space<vmem>>, vector<16xf32>,
        %parallel_loop3A_976 = arith.constant 5.000000e-01 : f32
        %parallel_loop3A_977 = vector.broadcast %parallel_loop3A_976 : f32 to vector<16xf32>
        %parallel_loop3A_978 = arith.mulf %parallel_loop3A_966, %parallel_loop3A_977 : vector<16xf32>
        %parallel_loop3A_979 = arith.constant 5.000000e-01 : f32
        %parallel_loop3A_980 = vector.broadcast %parallel_loop3A_979 : f32 to vector<16xf32>
        %parallel_loop3A_981 = arith.addf %parallel_loop3A_978, %parallel_loop3A_980 : vector<16xf32>
        %parallel_loop3A_982 = arith.constant 5.120000e+02 : f32
        %parallel_loop3A_983 = vector.broadcast %parallel_loop3A_982 : f32 to vector<16xf32>
        %parallel_loop3A_984 = arith.mulf %parallel_loop3A_981, %parallel_loop3A_983 : vector<16xf32>
        %parallel_loop3A_985 = arith.constant 5.110000e+02 : f32
        %parallel_loop3A_986 = vector.broadcast %parallel_loop3A_985 : f32 to vector<16xf32>
        %parallel_loop3A_987 = arith.minimumf %parallel_loop3A_984, %parallel_loop3A_986 : vector<16xf32>
        %parallel_loop3A_988 = arith.constant 0.000000e+00 : f32
        %parallel_loop3A_989 = vector.broadcast %parallel_loop3A_988 : f32 to vector<16xf32>
        %parallel_loop3A_990 = arith.maximumf %parallel_loop3A_987, %parallel_loop3A_989 : vector<16xf32>
        %parallel_loop3A_991 = arith.fptosi %parallel_loop3A_990 : vector<16xf32> to vector<16xi32>
        %parallel_loop3A_992 = arith.constant 512 : i32
        %parallel_loop3A_993 = vector.broadcast %parallel_loop3A_992 : i32 to vector<16xi32>
        %parallel_loop3A_994 = arith.muli %parallel_loop3A_991, %parallel_loop3A_993 : vector<16xi32>
        %parallel_loop3A_995 = arith.constant 5.000000e-01 : f32
        %parallel_loop3A_996 = vector.broadcast %parallel_loop3A_995 : f32 to vector<16xf32>
        %parallel_loop3A_997 = arith.mulf %parallel_loop3A_975, %parallel_loop3A_996 : vector<16xf32>
        %parallel_loop3A_998 = arith.constant 5.000000e-01 : f32
        %parallel_loop3A_999 = vector.broadcast %parallel_loop3A_998 : f32 to vector<16xf32>
        %parallel_loop3A_1000 = arith.addf %parallel_loop3A_997, %parallel_loop3A_999 : vector<16xf32>
        %parallel_loop3A_1001 = arith.constant 5.120000e+02 : f32
        %parallel_loop3A_1002 = vector.broadcast %parallel_loop3A_1001 : f32 to vector<16xf32>
        %parallel_loop3A_1003 = arith.mulf %parallel_loop3A_1000, %parallel_loop3A_1002 : vector<16xf32>
        %parallel_loop3A_1004 = arith.constant 5.110000e+02 : f32
        %parallel_loop3A_1005 = vector.broadcast %parallel_loop3A_1004 : f32 to vector<16xf32>
        %parallel_loop3A_1006 = arith.minimumf %parallel_loop3A_1003, %parallel_loop3A_1005 : vector<16xf32>
        %parallel_loop3A_1007 = arith.constant 0.000000e+00 : f32
        %parallel_loop3A_1008 = vector.broadcast %parallel_loop3A_1007 : f32 to vector<16xf32>
        %parallel_loop3A_1009 = arith.maximumf %parallel_loop3A_1006, %parallel_loop3A_1008 : vector<16xf32>
        %parallel_loop3A_1010 = arith.fptosi %parallel_loop3A_1009 : vector<16xf32> to vector<16xi32>
        %parallel_loop3A_1011 = arith.addi %parallel_loop3A_994, %parallel_loop3A_1010 : vector<16xi32>
        %parallel_loop3A_1012 = arith.constant 16 : i32
        %parallel_loop3A_1013 = arith.muli %parallel_loop3A_919, %parallel_loop3A_1012 : i32
        %parallel_loop3A_1014 = arith.index_cast %parallel_loop3A_1013 : i32 to index
        %parallel_loop3A_1015 = tpu.vector_load %arg12[%parallel_loop3A_1014] {strides = array<i32>} : memref<256xi32, #tpu.memory_space<vmem>>, vector<16xi32>,
        tpu.vector_store %arg12[%parallel_loop3A_1014], %parallel_loop3A_1011 {strides = array<i32>} : memref<256xi32, #tpu.memory_space<vmem>>, vector<16xi32>,
      } {sc.loop_unroll_factor = 4 : i64, sc.parallel_access}
      %dma_start3A_823 = arith.constant 0 : i32
      %dma_start3A_824 = arith.constant 0 : i32
      %dma_start3A_825 = tpu.memref_slice %arg16[%dma_start3A_823, %dma_start3A_824] : memref<256x64xf32, #tpu.memory_space<vmem>> -> memref<128x64xf32, #tpu.memory_space<vmem>>
      %dma_start3A_826 = arith.constant 0 : i32
      %dma_start3A_827 = tpu.memref_slice %arg12[%dma_start3A_826] : memref<256xi32, #tpu.memory_space<vmem>> -> memref<128xi32, #tpu.memory_space<vmem>>
      %dma_start3A_828 = arith.constant 0 : i32
      %dma_start3A_829 = arith.constant 0 : i32
      %dma_start3A_830 = tpu.memref_slice %arg3[%dma_start3A_828, %dma_start3A_829] : memref<262144x64xf32, #tpu.memory_space<hbm>> -> memref<262144x64xf32, #tpu.memory_space<hbm>>
      tpu.enqueue_indirect_dma source(%dma_start3A_830 : memref<262144x64xf32, #tpu.memory_space<hbm>>) target(%dma_start3A_825 : memref<128x64xf32, #tpu.memory_space<vmem>>) offsets(%dma_start3A_827 : memref<128xi32, #tpu.memory_space<vmem>>) semaphore(%arg20 : memref<!tpu.dma_semaphore, #tpu.memory_space<semaphore_mem>>)
      %dma_start3A_831 = arith.constant 128 : i32
      %dma_start3A_832 = arith.constant 0 : i32
      %dma_start3A_833 = tpu.memref_slice %arg16[%dma_start3A_831, %dma_start3A_832] : memref<256x64xf32, #tpu.memory_space<vmem>> -> memref<128x64xf32, #tpu.memory_space<vmem>>
      %dma_start3A_834 = arith.constant 128 : i32
      %dma_start3A_835 = tpu.memref_slice %arg12[%dma_start3A_834] : memref<256xi32, #tpu.memory_space<vmem>> -> memref<128xi32, #tpu.memory_space<vmem>>
      %dma_start3A_836 = arith.constant 0 : i32
      %dma_start3A_837 = arith.constant 0 : i32
      %dma_start3A_838 = tpu.memref_slice %arg3[%dma_start3A_836, %dma_start3A_837] : memref<262144x64xf32, #tpu.memory_space<hbm>> -> memref<262144x64xf32, #tpu.memory_space<hbm>>
      tpu.enqueue_indirect_dma source(%dma_start3A_838 : memref<262144x64xf32, #tpu.memory_space<hbm>>) target(%dma_start3A_833 : memref<128x64xf32, #tpu.memory_space<vmem>>) offsets(%dma_start3A_835 : memref<128xi32, #tpu.memory_space<vmem>>) semaphore(%arg20 : memref<!tpu.dma_semaphore, #tpu.memory_space<semaphore_mem>>)
      %dma_wait3A_839 = arith.constant 0 : i32
      %dma_wait3A_840 = arith.constant 0 : i32
      %dma_wait3A_841 = tpu.memref_slice %arg13[%dma_wait3A_839, %dma_wait3A_840] : memref<256x64xf32, #tpu.memory_space<vmem>> -> memref<128x64xf32, #tpu.memory_space<vmem>>
      %dma_wait3A_842 = arith.constant 0 : i32
      %dma_wait3A_843 = tpu.memref_slice %arg9[%dma_wait3A_842] : memref<256xi32, #tpu.memory_space<vmem>> -> memref<128xi32, #tpu.memory_space<vmem>>
      %dma_wait3A_844 = arith.constant 0 : i32
      %dma_wait3A_845 = arith.constant 0 : i32
      %dma_wait3A_846 = tpu.memref_slice %arg3[%dma_wait3A_844, %dma_wait3A_845] : memref<262144x64xf32, #tpu.memory_space<hbm>> -> memref<262144x64xf32, #tpu.memory_space<hbm>>
      tpu.wait_indirect_dma semaphore(%arg20 : memref<!tpu.dma_semaphore, #tpu.memory_space<semaphore_mem>>) src(%dma_wait3A_846 : memref<262144x64xf32, #tpu.memory_space<hbm>>) dst(%dma_wait3A_841 : memref<128x64xf32, #tpu.memory_space<vmem>>)
      %dma_wait3A_847 = arith.constant 0 : i32
      %dma_wait3A_848 = arith.constant 0 : i32
      %dma_wait3A_849 = tpu.memref_slice %arg13[%dma_wait3A_847, %dma_wait3A_848] : memref<256x64xf32, #tpu.memory_space<vmem>> -> memref<128x64xf32, #tpu.memory_space<vmem>>
      %dma_wait3A_850 = arith.constant 0 : i32
      %dma_wait3A_851 = tpu.memref_slice %arg9[%dma_wait3A_850] : memref<256xi32, #tpu.memory_space<vmem>> -> memref<128xi32, #tpu.memory_space<vmem>>
      %dma_wait3A_852 = arith.constant 0 : i32
      %dma_wait3A_853 = arith.constant 0 : i32
      %dma_wait3A_854 = tpu.memref_slice %arg3[%dma_wait3A_852, %dma_wait3A_853] : memref<262144x64xf32, #tpu.memory_space<hbm>> -> memref<262144x64xf32, #tpu.memory_space<hbm>>
      tpu.wait_indirect_dma semaphore(%arg20 : memref<!tpu.dma_semaphore, #tpu.memory_space<semaphore_mem>>) src(%dma_wait3A_854 : memref<262144x64xf32, #tpu.memory_space<hbm>>) dst(%dma_wait3A_849 : memref<128x64xf32, #tpu.memory_space<vmem>>)
      %dma_wait3A_855 = arith.constant 0 : i32
      %dma_wait3A_856 = arith.constant 0 : i32
      %dma_wait3A_857 = arith.constant 0 : i32
      %dma_wait3A_858 = arith.constant 0 : i32
      %dma_wait3A_859 = tpu.memref_slice %arg4[%dma_wait3A_855, %dma_wait3A_857, %dma_wait3A_856, %dma_wait3A_858] : memref<200x8x16x2048xf32, #tpu.memory_space<hbm>> -> memref<1x8x1x2048xf32, #tpu.memory_space<hbm>>
      %dma_wait3A_860 = tpu.memref_squeeze %dma_wait3A_859 : memref<1x8x1x2048xf32, #tpu.memory_space<hbm>> -> memref<8x2048xf32, #tpu.memory_space<hbm>>
      %dma_wait3A_861 = arith.constant 0 : i32
      %dma_wait3A_862 = arith.constant 0 : i32
      %dma_wait3A_863 = tpu.memref_slice %arg4[%dma_wait3A_855, %dma_wait3A_861, %dma_wait3A_856, %dma_wait3A_862] : memref<200x8x16x2048xf32, #tpu.memory_space<hbm>> -> memref<1x8x1x2048xf32, #tpu.memory_space<hbm>>
      %dma_wait3A_864 = tpu.memref_squeeze %dma_wait3A_863 : memref<1x8x1x2048xf32, #tpu.memory_space<hbm>> -> memref<8x2048xf32, #tpu.memory_space<hbm>>
      tpu.wait_dma2 semaphore(%arg21 : memref<!tpu.dma_semaphore, #tpu.memory_space<semaphore_mem>>) src(%arg17 : memref<8x2048xf32, #tpu.memory_space<vmem>>) dst(%dma_wait3A_864 : memref<8x2048xf32, #tpu.memory_space<hbm>>)
      %parallel_loop3A_865 = arith.constant 0 : i32
      %parallel_loop3A_866 = arith.constant 1024 : i32
      %parallel_loop3A_867 = arith.constant 1 : i32
      scf.for %parallel_loop3A_919 = %parallel_loop3A_865 to %parallel_loop3A_866 step %parallel_loop3A_867  : i32 {
        %parallel_loop3A_920 = arith.constant 16 : i32
        %parallel_loop3A_921 = arith.divsi %parallel_loop3A_919, %parallel_loop3A_920 : i32
        %parallel_loop3A_922 = arith.constant 0 : i32
        %parallel_loop3A_923 = arith.cmpi sgt, %parallel_loop3A_919, %parallel_loop3A_922 : i32
        %parallel_loop3A_924 = arith.extui %parallel_loop3A_923 : i1 to i32
        %parallel_loop3A_925 = arith.constant 0 : i32
        %parallel_loop3A_926 = arith.cmpi slt, %parallel_loop3A_919, %parallel_loop3A_925 : i32
        %parallel_loop3A_927 = arith.extui %parallel_loop3A_926 : i1 to i32
        %parallel_loop3A_928 = arith.subi %parallel_loop3A_924, %parallel_loop3A_927 : i32
        %parallel_loop3A_929 = arith.constant 0 : i32
        %parallel_loop3A_930 = arith.cmpi sgt, %parallel_loop3A_920, %parallel_loop3A_929 : i32
        %parallel_loop3A_931 = arith.extui %parallel_loop3A_930 : i1 to i32
        %parallel_loop3A_932 = arith.constant 0 : i32
        %parallel_loop3A_933 = arith.cmpi slt, %parallel_loop3A_920, %parallel_loop3A_932 : i32
        %parallel_loop3A_934 = arith.extui %parallel_loop3A_933 : i1 to i32
        %parallel_loop3A_935 = arith.subi %parallel_loop3A_931, %parallel_loop3A_934 : i32
        %parallel_loop3A_936 = arith.cmpi ne, %parallel_loop3A_928, %parallel_loop3A_935 : i32
        %parallel_loop3A_937 = arith.remsi %parallel_loop3A_919, %parallel_loop3A_920 : i32
        %parallel_loop3A_938 = arith.constant 0 : i32
        %parallel_loop3A_939 = arith.cmpi ne, %parallel_loop3A_937, %parallel_loop3A_938 : i32
        %parallel_loop3A_940 = arith.andi %parallel_loop3A_936, %parallel_loop3A_939 : i1
        %parallel_loop3A_941 = arith.constant 1 : i32
        %parallel_loop3A_942 = arith.subi %parallel_loop3A_921, %parallel_loop3A_941 : i32
        %parallel_loop3A_943 = arith.select %parallel_loop3A_940, %parallel_loop3A_942, %parallel_loop3A_921 : i32
        %parallel_loop3A_944 = arith.constant 16 : i32
        %parallel_loop3A_945 = arith.constant 0 : i32
        %parallel_loop3A_946 = arith.cmpi eq, %parallel_loop3A_944, %parallel_loop3A_945 : i32
        %parallel_loop3A_947 = arith.constant 1 : i32
        %parallel_loop3A_948 = arith.select %parallel_loop3A_946, %parallel_loop3A_947, %parallel_loop3A_944 : i32
        %parallel_loop3A_949 = arith.remsi %parallel_loop3A_919, %parallel_loop3A_948 : i32
        %parallel_loop3A_950 = arith.constant 0 : i32
        %parallel_loop3A_951 = arith.cmpi ne, %parallel_loop3A_949, %parallel_loop3A_950 : i32
        %parallel_loop3A_952 = arith.constant 0 : i32
        %parallel_loop3A_953 = arith.cmpi slt, %parallel_loop3A_949, %parallel_loop3A_952 : i32
        %parallel_loop3A_954 = arith.constant 0 : i32
        %parallel_loop3A_955 = arith.cmpi slt, %parallel_loop3A_948, %parallel_loop3A_954 : i32
        %parallel_loop3A_956 = arith.xori %parallel_loop3A_953, %parallel_loop3A_955 : i1
        %parallel_loop3A_957 = arith.andi %parallel_loop3A_956, %parallel_loop3A_951 : i1
        %parallel_loop3A_958 = arith.addi %parallel_loop3A_949, %parallel_loop3A_948 : i32
        %parallel_loop3A_959 = arith.select %parallel_loop3A_957, %parallel_loop3A_958, %parallel_loop3A_949 : i32
        %parallel_loop3A_960 = arith.constant 16 : i32
        %parallel_loop3A_961 = arith.muli %parallel_loop3A_959, %parallel_loop3A_960 : i32
        %parallel_loop3A_962 = vector.broadcast %parallel_loop3A_961 : i32 to vector<16xi32>
        %parallel_loop3A_963 = arith.addi %parallel_loop3A_962, %iota3A : vector<16xi32>
        %parallel_loop3A_964 = vector.broadcast %parallel_loop3A_943 : i32 to vector<16xi32>
        %parallel_loop3A_965 = tpu.vector_load_idx %arg14[%parallel_loop3A_963, %parallel_loop3A_964] : memref<256x64xf32, #tpu.memory_space<vmem>>[vector<16xi32>, vector<16xi32>], vector<16xf32>,
        %parallel_loop3A_966 = arith.constant 128 : i32
        %parallel_loop3A_967 = arith.divsi %parallel_loop3A_961, %parallel_loop3A_966 : i32
        %parallel_loop3A_968 = arith.constant 0 : i32
        %parallel_loop3A_969 = arith.cmpi sgt, %parallel_loop3A_961, %parallel_loop3A_968 : i32
        %parallel_loop3A_970 = arith.extui %parallel_loop3A_969 : i1 to i32
        %parallel_loop3A_971 = arith.constant 0 : i32
        %parallel_loop3A_972 = arith.cmpi slt, %parallel_loop3A_961, %parallel_loop3A_971 : i32
        %parallel_loop3A_973 = arith.extui %parallel_loop3A_972 : i1 to i32
        %parallel_loop3A_974 = arith.subi %parallel_loop3A_970, %parallel_loop3A_973 : i32
        %parallel_loop3A_975 = arith.constant 0 : i32
        %parallel_loop3A_976 = arith.cmpi sgt, %parallel_loop3A_966, %parallel_loop3A_975 : i32
        %parallel_loop3A_977 = arith.extui %parallel_loop3A_976 : i1 to i32
        %parallel_loop3A_978 = arith.constant 0 : i32
        %parallel_loop3A_979 = arith.cmpi slt, %parallel_loop3A_966, %parallel_loop3A_978 : i32
        %parallel_loop3A_980 = arith.extui %parallel_loop3A_979 : i1 to i32
        %parallel_loop3A_981 = arith.subi %parallel_loop3A_977, %parallel_loop3A_980 : i32
        %parallel_loop3A_982 = arith.cmpi ne, %parallel_loop3A_974, %parallel_loop3A_981 : i32
        %parallel_loop3A_983 = arith.remsi %parallel_loop3A_961, %parallel_loop3A_966 : i32
        %parallel_loop3A_984 = arith.constant 0 : i32
        %parallel_loop3A_985 = arith.cmpi ne, %parallel_loop3A_983, %parallel_loop3A_984 : i32
        %parallel_loop3A_986 = arith.andi %parallel_loop3A_982, %parallel_loop3A_985 : i1
        %parallel_loop3A_987 = arith.constant 1 : i32
        %parallel_loop3A_988 = arith.subi %parallel_loop3A_967, %parallel_loop3A_987 : i32
        %parallel_loop3A_989 = arith.select %parallel_loop3A_986, %parallel_loop3A_988, %parallel_loop3A_967 : i32
        %parallel_loop3A_990 = arith.constant 1024 : i32
        %parallel_loop3A_991 = arith.muli %parallel_loop3A_989, %parallel_loop3A_990 : i32
        %parallel_loop3A_992 = arith.constant 8 : i32
        %parallel_loop3A_993 = arith.constant 0 : i32
        %parallel_loop3A_994 = arith.cmpi eq, %parallel_loop3A_992, %parallel_loop3A_993 : i32
        %parallel_loop3A_995 = arith.constant 1 : i32
        %parallel_loop3A_996 = arith.select %parallel_loop3A_994, %parallel_loop3A_995, %parallel_loop3A_992 : i32
        %parallel_loop3A_997 = arith.remsi %parallel_loop3A_943, %parallel_loop3A_996 : i32
        %parallel_loop3A_998 = arith.constant 0 : i32
        %parallel_loop3A_999 = arith.cmpi ne, %parallel_loop3A_997, %parallel_loop3A_998 : i32
        %parallel_loop3A_1000 = arith.constant 0 : i32
        %parallel_loop3A_1001 = arith.cmpi slt, %parallel_loop3A_997, %parallel_loop3A_1000 : i32
        %parallel_loop3A_1002 = arith.constant 0 : i32
        %parallel_loop3A_1003 = arith.cmpi slt, %parallel_loop3A_996, %parallel_loop3A_1002 : i32
        %parallel_loop3A_1004 = arith.xori %parallel_loop3A_1001, %parallel_loop3A_1003 : i1
        %parallel_loop3A_1005 = arith.andi %parallel_loop3A_1004, %parallel_loop3A_999 : i1
        %parallel_loop3A_1006 = arith.addi %parallel_loop3A_997, %parallel_loop3A_996 : i32
        %parallel_loop3A_1007 = arith.select %parallel_loop3A_1005, %parallel_loop3A_1006, %parallel_loop3A_997 : i32
        %parallel_loop3A_1008 = arith.constant 128 : i32
        %parallel_loop3A_1009 = arith.muli %parallel_loop3A_1007, %parallel_loop3A_1008 : i32
        %parallel_loop3A_1010 = arith.addi %parallel_loop3A_991, %parallel_loop3A_1009 : i32
        %parallel_loop3A_1011 = arith.constant 128 : i32
        %parallel_loop3A_1012 = arith.constant 0 : i32
        %parallel_loop3A_1013 = arith.cmpi eq, %parallel_loop3A_1011, %parallel_loop3A_1012 : i32
        %parallel_loop3A_1014 = arith.constant 1 : i32
        %parallel_loop3A_1015 = arith.select %parallel_loop3A_1013, %parallel_loop3A_1014, %parallel_loop3A_1011 : i32
        %parallel_loop3A_1016 = arith.remsi %parallel_loop3A_961, %parallel_loop3A_1015 : i32
        %parallel_loop3A_1017 = arith.constant 0 : i32
        %parallel_loop3A_1018 = arith.cmpi ne, %parallel_loop3A_1016, %parallel_loop3A_1017 : i32
        %parallel_loop3A_1019 = arith.constant 0 : i32
        %parallel_loop3A_1020 = arith.cmpi slt, %parallel_loop3A_1016, %parallel_loop3A_1019 : i32
        %parallel_loop3A_1021 = arith.constant 0 : i32
        %parallel_loop3A_1022 = arith.cmpi slt, %parallel_loop3A_1015, %parallel_loop3A_1021 : i32
        %parallel_loop3A_1023 = arith.xori %parallel_loop3A_1020, %parallel_loop3A_1022 : i1
        %parallel_loop3A_1024 = arith.andi %parallel_loop3A_1023, %parallel_loop3A_1018 : i1
        %parallel_loop3A_1025 = arith.addi %parallel_loop3A_1016, %parallel_loop3A_1015 : i32
        %parallel_loop3A_1026 = arith.select %parallel_loop3A_1024, %parallel_loop3A_1025, %parallel_loop3A_1016 : i32
        %parallel_loop3A_1027 = arith.addi %parallel_loop3A_1010, %parallel_loop3A_1026 : i32
        %parallel_loop3A_1028 = arith.constant 8 : i32
        %parallel_loop3A_1029 = arith.divsi %parallel_loop3A_943, %parallel_loop3A_1028 : i32
        %parallel_loop3A_1030 = arith.constant 0 : i32
        %parallel_loop3A_1031 = arith.cmpi sgt, %parallel_loop3A_943, %parallel_loop3A_1030 : i32
        %parallel_loop3A_1032 = arith.extui %parallel_loop3A_1031 : i1 to i32
        %parallel_loop3A_1033 = arith.constant 0 : i32
        %parallel_loop3A_1034 = arith.cmpi slt, %parallel_loop3A_943, %parallel_loop3A_1033 : i32
        %parallel_loop3A_1035 = arith.extui %parallel_loop3A_1034 : i1 to i32
        %parallel_loop3A_1036 = arith.subi %parallel_loop3A_1032, %parallel_loop3A_1035 : i32
        %parallel_loop3A_1037 = arith.constant 0 : i32
        %parallel_loop3A_1038 = arith.cmpi sgt, %parallel_loop3A_1028, %parallel_loop3A_1037 : i32
        %parallel_loop3A_1039 = arith.extui %parallel_loop3A_1038 : i1 to i32
        %parallel_loop3A_1040 = arith.constant 0 : i32
        %parallel_loop3A_1041 = arith.cmpi slt, %parallel_loop3A_1028, %parallel_loop3A_1040 : i32
        %parallel_loop3A_1042 = arith.extui %parallel_loop3A_1041 : i1 to i32
        %parallel_loop3A_1043 = arith.subi %parallel_loop3A_1039, %parallel_loop3A_1042 : i32
        %parallel_loop3A_1044 = arith.cmpi ne, %parallel_loop3A_1036, %parallel_loop3A_1043 : i32
        %parallel_loop3A_1045 = arith.remsi %parallel_loop3A_943, %parallel_loop3A_1028 : i32
        %parallel_loop3A_1046 = arith.constant 0 : i32
        %parallel_loop3A_1047 = arith.cmpi ne, %parallel_loop3A_1045, %parallel_loop3A_1046 : i32
        %parallel_loop3A_1048 = arith.andi %parallel_loop3A_1044, %parallel_loop3A_1047 : i1
        %parallel_loop3A_1049 = arith.constant 1 : i32
        %parallel_loop3A_1050 = arith.subi %parallel_loop3A_1029, %parallel_loop3A_1049 : i32
        %parallel_loop3A_1051 = arith.select %parallel_loop3A_1048, %parallel_loop3A_1050, %parallel_loop3A_1029 : i32
        %parallel_loop3A_1052 = arith.index_cast %parallel_loop3A_1051 : i32 to index
        %parallel_loop3A_1053 = arith.index_cast %parallel_loop3A_1027 : i32 to index
        %parallel_loop3A_1054 = tpu.vector_load %arg18[%parallel_loop3A_1052, %parallel_loop3A_1053] {strides = array<i32>} : memref<8x2048xf32, #tpu.memory_space<vmem>>, vector<16xf32>,
        tpu.vector_store %arg18[%parallel_loop3A_1052, %parallel_loop3A_1053], %parallel_loop3A_965 {strides = array<i32>} : memref<8x2048xf32, #tpu.memory_space<vmem>>, vector<16xf32>,
      } {sc.loop_unroll_factor = 16 : i64, sc.parallel_access}
      %sub3A_868 = arith.constant 2 : i32
      %sub3A_869 = arith.subi %add3A_806, %sub3A_868 : i32
      %add3A_870 = arith.addi %mul3A_2, %sub3A_869 : i32
      %jit3A_871 = arith.constant 16 : i32
      %div3A_872 = arith.divsi %add3A_870, %jit3A_871 : i32
      %sign3A_873 = arith.constant 0 : i32
      %sign3A_874 = arith.cmpi sgt, %add3A_870, %sign3A_873 : i32
      %sign3A_875 = arith.extui %sign3A_874 : i1 to i32
      %sign3A_876 = arith.constant 0 : i32
      %sign3A_877 = arith.cmpi slt, %add3A_870, %sign3A_876 : i32
      %sign3A_878 = arith.extui %sign3A_877 : i1 to i32
      %sign3A_879 = arith.subi %sign3A_875, %sign3A_878 : i32
      %sign3A_880 = arith.constant 0 : i32
      %sign3A_881 = arith.cmpi sgt, %jit3A_871, %sign3A_880 : i32
      %sign3A_882 = arith.extui %sign3A_881 : i1 to i32
      %sign3A_883 = arith.constant 0 : i32
      %sign3A_884 = arith.cmpi slt, %jit3A_871, %sign3A_883 : i32
      %sign3A_885 = arith.extui %sign3A_884 : i1 to i32
      %sign3A_886 = arith.subi %sign3A_882, %sign3A_885 : i32
      %ne3A_887 = arith.cmpi ne, %sign3A_879, %sign3A_886 : i32
      %rem3A_888 = arith.remsi %add3A_870, %jit3A_871 : i32
      %ne3A_889 = arith.constant 0 : i32
      %ne3A_890 = arith.cmpi ne, %rem3A_888, %ne3A_889 : i32
      %and3A_891 = arith.andi %ne3A_887, %ne3A_890 : i1
      %sub3A_892 = arith.constant 1 : i32
      %sub3A_893 = arith.subi %div3A_872, %sub3A_892 : i32
      %select_n3A_894 = arith.select %and3A_891, %sub3A_893, %div3A_872 : i32
      %jit3A_895 = arith.constant 16 : i32
      %eq3A_896 = arith.constant 0 : i32
      %eq3A_897 = arith.cmpi eq, %jit3A_895, %eq3A_896 : i32
      %jit3A_898 = arith.constant 1 : i32
      %select_n3A_899 = arith.select %eq3A_897, %jit3A_898, %jit3A_895 : i32
      %rem3A_900 = arith.remsi %add3A_870, %select_n3A_899 : i32
      %ne3A_901 = arith.constant 0 : i32
      %ne3A_902 = arith.cmpi ne, %rem3A_900, %ne3A_901 : i32
      %lt3A_903 = arith.constant 0 : i32
      %lt3A_904 = arith.cmpi slt, %rem3A_900, %lt3A_903 : i32
      %lt3A_905 = arith.constant 0 : i32
      %lt3A_906 = arith.cmpi slt, %select_n3A_899, %lt3A_905 : i32
      %ne3A_907 = arith.xori %lt3A_904, %lt3A_906 : i1
      %and3A_908 = arith.andi %ne3A_907, %ne3A_902 : i1
      %add3A_909 = arith.addi %rem3A_900, %select_n3A_899 : i32
      %select_n3A_910 = arith.select %and3A_908, %add3A_909, %rem3A_900 : i32
      %dma_start3A_911 = arith.constant 0 : i32
      %dma_start3A_912 = arith.constant 0 : i32
      %dma_start3A_913 = tpu.memref_slice %arg4[%select_n3A_894, %dma_start3A_911, %select_n3A_910, %dma_start3A_912] : memref<200x8x16x2048xf32, #tpu.memory_space<hbm>> -> memref<1x8x1x2048xf32, #tpu.memory_space<hbm>>
      %dma_start3A_914 = tpu.memref_squeeze %dma_start3A_913 : memref<1x8x1x2048xf32, #tpu.memory_space<hbm>> -> memref<8x2048xf32, #tpu.memory_space<hbm>>
      %dma_start3A_915 = arith.constant 0 : i32
      %dma_start3A_916 = arith.constant 0 : i32
      %dma_start3A_917 = tpu.memref_slice %arg4[%select_n3A_894, %dma_start3A_915, %select_n3A_910, %dma_start3A_916] : memref<200x8x16x2048xf32, #tpu.memory_space<hbm>> -> memref<1x8x1x2048xf32, #tpu.memory_space<hbm>>
      %dma_start3A_918 = tpu.memref_squeeze %dma_start3A_917 : memref<1x8x1x2048xf32, #tpu.memory_space<hbm>> -> memref<8x2048xf32, #tpu.memory_space<hbm>>
      tpu.enqueue_dma source(%arg18 : memref<8x2048xf32, #tpu.memory_space<vmem>>) target(%dma_start3A_918 : memref<8x2048xf32, #tpu.memory_space<hbm>>) target_semaphore(%arg21 : memref<!tpu.dma_semaphore, #tpu.memory_space<semaphore_mem>>)
    }
    %scan3A_263 = arith.constant 24 : i32
    %dma_wait3A_264 = arith.constant 0 : i32
    %dma_wait3A_265 = tpu.memref_slice %arg2[%dma_wait3A_264] : memref<1638400xf32, #tpu.memory_space<hbm>> -> memref<512xf32, #tpu.memory_space<hbm>>
    %dma_wait3A_266 = arith.constant 0 : i32
    %dma_wait3A_267 = tpu.memref_slice %arg2[%dma_wait3A_266] : memref<1638400xf32, #tpu.memory_space<hbm>> -> memref<512xf32, #tpu.memory_space<hbm>>
    tpu.wait_dma2 semaphore(%arg19 : memref<!tpu.dma_semaphore, #tpu.memory_space<semaphore_mem>>) src(%dma_wait3A_267 : memref<512xf32, #tpu.memory_space<hbm>>) dst(%arg5 : memref<512xf32, #tpu.memory_space<vmem>>)
    %dma_wait3A_268 = arith.constant 0 : i32
    %dma_wait3A_269 = arith.constant 0 : i32
    %dma_wait3A_270 = tpu.memref_slice %arg13[%dma_wait3A_268, %dma_wait3A_269] : memref<256x64xf32, #tpu.memory_space<vmem>> -> memref<128x64xf32, #tpu.memory_space<vmem>>
    %dma_wait3A_271 = arith.constant 0 : i32
    %dma_wait3A_272 = tpu.memref_slice %arg9[%dma_wait3A_271] : memref<256xi32, #tpu.memory_space<vmem>> -> memref<128xi32, #tpu.memory_space<vmem>>
    %dma_wait3A_273 = arith.constant 0 : i32
    %dma_wait3A_274 = arith.constant 0 : i32
    %dma_wait3A_275 = tpu.memref_slice %arg3[%dma_wait3A_273, %dma_wait3A_274] : memref<262144x64xf32, #tpu.memory_space<hbm>> -> memref<262144x64xf32, #tpu.memory_space<hbm>>
    tpu.wait_indirect_dma semaphore(%arg20 : memref<!tpu.dma_semaphore, #tpu.memory_space<semaphore_mem>>) src(%dma_wait3A_275 : memref<262144x64xf32, #tpu.memory_space<hbm>>) dst(%dma_wait3A_270 : memref<128x64xf32, #tpu.memory_space<vmem>>)
    %dma_wait3A_276 = arith.constant 0 : i32
    %dma_wait3A_277 = arith.constant 0 : i32
    %dma_wait3A_278 = tpu.memref_slice %arg13[%dma_wait3A_276, %dma_wait3A_277] : memref<256x64xf32, #tpu.memory_space<vmem>> -> memref<128x64xf32, #tpu.memory_space<vmem>>
    %dma_wait3A_279 = arith.constant 0 : i32
    %dma_wait3A_280 = tpu.memref_slice %arg9[%dma_wait3A_279] : memref<256xi32, #tpu.memory_space<vmem>> -> memref<128xi32, #tpu.memory_space<vmem>>
    %dma_wait3A_281 = arith.constant 0 : i32
    %dma_wait3A_282 = arith.constant 0 : i32
    %dma_wait3A_283 = tpu.memref_slice %arg3[%dma_wait3A_281, %dma_wait3A_282] : memref<262144x64xf32, #tpu.memory_space<hbm>> -> memref<262144x64xf32, #tpu.memory_space<hbm>>
    tpu.wait_indirect_dma semaphore(%arg20 : memref<!tpu.dma_semaphore, #tpu.memory_space<semaphore_mem>>) src(%dma_wait3A_283 : memref<262144x64xf32, #tpu.memory_space<hbm>>) dst(%dma_wait3A_278 : memref<128x64xf32, #tpu.memory_space<vmem>>)
    %dma_wait3A_284 = arith.constant 0 : i32
    %dma_wait3A_285 = arith.constant 0 : i32
    %dma_wait3A_286 = arith.constant 0 : i32
    %dma_wait3A_287 = arith.constant 0 : i32
    %dma_wait3A_288 = tpu.memref_slice %arg4[%dma_wait3A_284, %dma_wait3A_286, %dma_wait3A_285, %dma_wait3A_287] : memref<200x8x16x2048xf32, #tpu.memory_space<hbm>> -> memref<1x8x1x2048xf32, #tpu.memory_space<hbm>>
    %dma_wait3A_289 = tpu.memref_squeeze %dma_wait3A_288 : memref<1x8x1x2048xf32, #tpu.memory_space<hbm>> -> memref<8x2048xf32, #tpu.memory_space<hbm>>
    %dma_wait3A_290 = arith.constant 0 : i32
    %dma_wait3A_291 = arith.constant 0 : i32
    %dma_wait3A_292 = tpu.memref_slice %arg4[%dma_wait3A_284, %dma_wait3A_290, %dma_wait3A_285, %dma_wait3A_291] : memref<200x8x16x2048xf32, #tpu.memory_space<hbm>> -> memref<1x8x1x2048xf32, #tpu.memory_space<hbm>>
    %dma_wait3A_293 = tpu.memref_squeeze %dma_wait3A_292 : memref<1x8x1x2048xf32, #tpu.memory_space<hbm>> -> memref<8x2048xf32, #tpu.memory_space<hbm>>
    tpu.wait_dma2 semaphore(%arg21 : memref<!tpu.dma_semaphore, #tpu.memory_space<semaphore_mem>>) src(%arg17 : memref<8x2048xf32, #tpu.memory_space<vmem>>) dst(%dma_wait3A_293 : memref<8x2048xf32, #tpu.memory_space<hbm>>)
    %parallel_loop3A_294 = arith.constant 0 : i32
    %parallel_loop3A_295 = arith.constant 1024 : i32
    %parallel_loop3A_296 = arith.constant 1 : i32
    scf.for %parallel_loop3A_446 = %parallel_loop3A_294 to %parallel_loop3A_295 step %parallel_loop3A_296  : i32 {
      %parallel_loop3A_447 = arith.constant 16 : i32
      %parallel_loop3A_448 = arith.divsi %parallel_loop3A_446, %parallel_loop3A_447 : i32
      %parallel_loop3A_449 = arith.constant 0 : i32
      %parallel_loop3A_450 = arith.cmpi sgt, %parallel_loop3A_446, %parallel_loop3A_449 : i32
      %parallel_loop3A_451 = arith.extui %parallel_loop3A_450 : i1 to i32
      %parallel_loop3A_452 = arith.constant 0 : i32
      %parallel_loop3A_453 = arith.cmpi slt, %parallel_loop3A_446, %parallel_loop3A_452 : i32
      %parallel_loop3A_454 = arith.extui %parallel_loop3A_453 : i1 to i32
      %parallel_loop3A_455 = arith.subi %parallel_loop3A_451, %parallel_loop3A_454 : i32
      %parallel_loop3A_456 = arith.constant 0 : i32
      %parallel_loop3A_457 = arith.cmpi sgt, %parallel_loop3A_447, %parallel_loop3A_456 : i32
      %parallel_loop3A_458 = arith.extui %parallel_loop3A_457 : i1 to i32
      %parallel_loop3A_459 = arith.constant 0 : i32
      %parallel_loop3A_460 = arith.cmpi slt, %parallel_loop3A_447, %parallel_loop3A_459 : i32
      %parallel_loop3A_461 = arith.extui %parallel_loop3A_460 : i1 to i32
      %parallel_loop3A_462 = arith.subi %parallel_loop3A_458, %parallel_loop3A_461 : i32
      %parallel_loop3A_463 = arith.cmpi ne, %parallel_loop3A_455, %parallel_loop3A_462 : i32
      %parallel_loop3A_464 = arith.remsi %parallel_loop3A_446, %parallel_loop3A_447 : i32
      %parallel_loop3A_465 = arith.constant 0 : i32
      %parallel_loop3A_466 = arith.cmpi ne, %parallel_loop3A_464, %parallel_loop3A_465 : i32
      %parallel_loop3A_467 = arith.andi %parallel_loop3A_463, %parallel_loop3A_466 : i1
      %parallel_loop3A_468 = arith.constant 1 : i32
      %parallel_loop3A_469 = arith.subi %parallel_loop3A_448, %parallel_loop3A_468 : i32
      %parallel_loop3A_470 = arith.select %parallel_loop3A_467, %parallel_loop3A_469, %parallel_loop3A_448 : i32
      %parallel_loop3A_471 = arith.constant 16 : i32
      %parallel_loop3A_472 = arith.constant 0 : i32
      %parallel_loop3A_473 = arith.cmpi eq, %parallel_loop3A_471, %parallel_loop3A_472 : i32
      %parallel_loop3A_474 = arith.constant 1 : i32
      %parallel_loop3A_475 = arith.select %parallel_loop3A_473, %parallel_loop3A_474, %parallel_loop3A_471 : i32
      %parallel_loop3A_476 = arith.remsi %parallel_loop3A_446, %parallel_loop3A_475 : i32
      %parallel_loop3A_477 = arith.constant 0 : i32
      %parallel_loop3A_478 = arith.cmpi ne, %parallel_loop3A_476, %parallel_loop3A_477 : i32
      %parallel_loop3A_479 = arith.constant 0 : i32
      %parallel_loop3A_480 = arith.cmpi slt, %parallel_loop3A_476, %parallel_loop3A_479 : i32
      %parallel_loop3A_481 = arith.constant 0 : i32
      %parallel_loop3A_482 = arith.cmpi slt, %parallel_loop3A_475, %parallel_loop3A_481 : i32
      %parallel_loop3A_483 = arith.xori %parallel_loop3A_480, %parallel_loop3A_482 : i1
      %parallel_loop3A_484 = arith.andi %parallel_loop3A_483, %parallel_loop3A_478 : i1
      %parallel_loop3A_485 = arith.addi %parallel_loop3A_476, %parallel_loop3A_475 : i32
      %parallel_loop3A_486 = arith.select %parallel_loop3A_484, %parallel_loop3A_485, %parallel_loop3A_476 : i32
      %parallel_loop3A_487 = arith.constant 16 : i32
      %parallel_loop3A_488 = arith.muli %parallel_loop3A_486, %parallel_loop3A_487 : i32
      %parallel_loop3A_489 = vector.broadcast %parallel_loop3A_488 : i32 to vector<16xi32>
      %parallel_loop3A_490 = arith.addi %parallel_loop3A_489, %iota3A : vector<16xi32>
      %parallel_loop3A_491 = vector.broadcast %parallel_loop3A_470 : i32 to vector<16xi32>
      %parallel_loop3A_492 = tpu.vector_load_idx %arg15[%parallel_loop3A_490, %parallel_loop3A_491] : memref<256x64xf32, #tpu.memory_space<vmem>>[vector<16xi32>, vector<16xi32>], vector<16xf32>,
      %parallel_loop3A_493 = arith.constant 128 : i32
      %parallel_loop3A_494 = arith.divsi %parallel_loop3A_488, %parallel_loop3A_493 : i32
      %parallel_loop3A_495 = arith.constant 0 : i32
      %parallel_loop3A_496 = arith.cmpi sgt, %parallel_loop3A_488, %parallel_loop3A_495 : i32
      %parallel_loop3A_497 = arith.extui %parallel_loop3A_496 : i1 to i32
      %parallel_loop3A_498 = arith.constant 0 : i32
      %parallel_loop3A_499 = arith.cmpi slt, %parallel_loop3A_488, %parallel_loop3A_498 : i32
      %parallel_loop3A_500 = arith.extui %parallel_loop3A_499 : i1 to i32
      %parallel_loop3A_501 = arith.subi %parallel_loop3A_497, %parallel_loop3A_500 : i32
      %parallel_loop3A_502 = arith.constant 0 : i32
      %parallel_loop3A_503 = arith.cmpi sgt, %parallel_loop3A_493, %parallel_loop3A_502 : i32
      %parallel_loop3A_504 = arith.extui %parallel_loop3A_503 : i1 to i32
      %parallel_loop3A_505 = arith.constant 0 : i32
      %parallel_loop3A_506 = arith.cmpi slt, %parallel_loop3A_493, %parallel_loop3A_505 : i32
      %parallel_loop3A_507 = arith.extui %parallel_loop3A_506 : i1 to i32
      %parallel_loop3A_508 = arith.subi %parallel_loop3A_504, %parallel_loop3A_507 : i32
      %parallel_loop3A_509 = arith.cmpi ne, %parallel_loop3A_501, %parallel_loop3A_508 : i32
      %parallel_loop3A_510 = arith.remsi %parallel_loop3A_488, %parallel_loop3A_493 : i32
      %parallel_loop3A_511 = arith.constant 0 : i32
      %parallel_loop3A_512 = arith.cmpi ne, %parallel_loop3A_510, %parallel_loop3A_511 : i32
      %parallel_loop3A_513 = arith.andi %parallel_loop3A_509, %parallel_loop3A_512 : i1
      %parallel_loop3A_514 = arith.constant 1 : i32
      %parallel_loop3A_515 = arith.subi %parallel_loop3A_494, %parallel_loop3A_514 : i32
      %parallel_loop3A_516 = arith.select %parallel_loop3A_513, %parallel_loop3A_515, %parallel_loop3A_494 : i32
      %parallel_loop3A_517 = arith.constant 1024 : i32
      %parallel_loop3A_518 = arith.muli %parallel_loop3A_516, %parallel_loop3A_517 : i32
      %parallel_loop3A_519 = arith.constant 8 : i32
      %parallel_loop3A_520 = arith.constant 0 : i32
      %parallel_loop3A_521 = arith.cmpi eq, %parallel_loop3A_519, %parallel_loop3A_520 : i32
      %parallel_loop3A_522 = arith.constant 1 : i32
      %parallel_loop3A_523 = arith.select %parallel_loop3A_521, %parallel_loop3A_522, %parallel_loop3A_519 : i32
      %parallel_loop3A_524 = arith.remsi %parallel_loop3A_470, %parallel_loop3A_523 : i32
      %parallel_loop3A_525 = arith.constant 0 : i32
      %parallel_loop3A_526 = arith.cmpi ne, %parallel_loop3A_524, %parallel_loop3A_525 : i32
      %parallel_loop3A_527 = arith.constant 0 : i32
      %parallel_loop3A_528 = arith.cmpi slt, %parallel_loop3A_524, %parallel_loop3A_527 : i32
      %parallel_loop3A_529 = arith.constant 0 : i32
      %parallel_loop3A_530 = arith.cmpi slt, %parallel_loop3A_523, %parallel_loop3A_529 : i32
      %parallel_loop3A_531 = arith.xori %parallel_loop3A_528, %parallel_loop3A_530 : i1
      %parallel_loop3A_532 = arith.andi %parallel_loop3A_531, %parallel_loop3A_526 : i1
      %parallel_loop3A_533 = arith.addi %parallel_loop3A_524, %parallel_loop3A_523 : i32
      %parallel_loop3A_534 = arith.select %parallel_loop3A_532, %parallel_loop3A_533, %parallel_loop3A_524 : i32
      %parallel_loop3A_535 = arith.constant 128 : i32
      %parallel_loop3A_536 = arith.muli %parallel_loop3A_534, %parallel_loop3A_535 : i32
      %parallel_loop3A_537 = arith.addi %parallel_loop3A_518, %parallel_loop3A_536 : i32
      %parallel_loop3A_538 = arith.constant 128 : i32
      %parallel_loop3A_539 = arith.constant 0 : i32
      %parallel_loop3A_540 = arith.cmpi eq, %parallel_loop3A_538, %parallel_loop3A_539 : i32
      %parallel_loop3A_541 = arith.constant 1 : i32
      %parallel_loop3A_542 = arith.select %parallel_loop3A_540, %parallel_loop3A_541, %parallel_loop3A_538 : i32
      %parallel_loop3A_543 = arith.remsi %parallel_loop3A_488, %parallel_loop3A_542 : i32
      %parallel_loop3A_544 = arith.constant 0 : i32
      %parallel_loop3A_545 = arith.cmpi ne, %parallel_loop3A_543, %parallel_loop3A_544 : i32
      %parallel_loop3A_546 = arith.constant 0 : i32
      %parallel_loop3A_547 = arith.cmpi slt, %parallel_loop3A_543, %parallel_loop3A_546 : i32
      %parallel_loop3A_548 = arith.constant 0 : i32
      %parallel_loop3A_549 = arith.cmpi slt, %parallel_loop3A_542, %parallel_loop3A_548 : i32
      %parallel_loop3A_550 = arith.xori %parallel_loop3A_547, %parallel_loop3A_549 : i1
      %parallel_loop3A_551 = arith.andi %parallel_loop3A_550, %parallel_loop3A_545 : i1
      %parallel_loop3A_552 = arith.addi %parallel_loop3A_543, %parallel_loop3A_542 : i32
      %parallel_loop3A_553 = arith.select %parallel_loop3A_551, %parallel_loop3A_552, %parallel_loop3A_543 : i32
      %parallel_loop3A_554 = arith.addi %parallel_loop3A_537, %parallel_loop3A_553 : i32
      %parallel_loop3A_555 = arith.constant 8 : i32
      %parallel_loop3A_556 = arith.divsi %parallel_loop3A_470, %parallel_loop3A_555 : i32
      %parallel_loop3A_557 = arith.constant 0 : i32
      %parallel_loop3A_558 = arith.cmpi sgt, %parallel_loop3A_470, %parallel_loop3A_557 : i32
      %parallel_loop3A_559 = arith.extui %parallel_loop3A_558 : i1 to i32
      %parallel_loop3A_560 = arith.constant 0 : i32
      %parallel_loop3A_561 = arith.cmpi slt, %parallel_loop3A_470, %parallel_loop3A_560 : i32
      %parallel_loop3A_562 = arith.extui %parallel_loop3A_561 : i1 to i32
      %parallel_loop3A_563 = arith.subi %parallel_loop3A_559, %parallel_loop3A_562 : i32
      %parallel_loop3A_564 = arith.constant 0 : i32
      %parallel_loop3A_565 = arith.cmpi sgt, %parallel_loop3A_555, %parallel_loop3A_564 : i32
      %parallel_loop3A_566 = arith.extui %parallel_loop3A_565 : i1 to i32
      %parallel_loop3A_567 = arith.constant 0 : i32
      %parallel_loop3A_568 = arith.cmpi slt, %parallel_loop3A_555, %parallel_loop3A_567 : i32
      %parallel_loop3A_569 = arith.extui %parallel_loop3A_568 : i1 to i32
      %parallel_loop3A_570 = arith.subi %parallel_loop3A_566, %parallel_loop3A_569 : i32
      %parallel_loop3A_571 = arith.cmpi ne, %parallel_loop3A_563, %parallel_loop3A_570 : i32
      %parallel_loop3A_572 = arith.remsi %parallel_loop3A_470, %parallel_loop3A_555 : i32
      %parallel_loop3A_573 = arith.constant 0 : i32
      %parallel_loop3A_574 = arith.cmpi ne, %parallel_loop3A_572, %parallel_loop3A_573 : i32
      %parallel_loop3A_575 = arith.andi %parallel_loop3A_571, %parallel_loop3A_574 : i1
      %parallel_loop3A_576 = arith.constant 1 : i32
      %parallel_loop3A_577 = arith.subi %parallel_loop3A_556, %parallel_loop3A_576 : i32
      %parallel_loop3A_578 = arith.select %parallel_loop3A_575, %parallel_loop3A_577, %parallel_loop3A_556 : i32
      %parallel_loop3A_579 = arith.index_cast %parallel_loop3A_578 : i32 to index
      %parallel_loop3A_580 = arith.index_cast %parallel_loop3A_554 : i32 to index
      %parallel_loop3A_581 = tpu.vector_load %arg17[%parallel_loop3A_579, %parallel_loop3A_580] {strides = array<i32>} : memref<8x2048xf32, #tpu.memory_space<vmem>>, vector<16xf32>,
      tpu.vector_store %arg17[%parallel_loop3A_579, %parallel_loop3A_580], %parallel_loop3A_492 {strides = array<i32>} : memref<8x2048xf32, #tpu.memory_space<vmem>>, vector<16xf32>,
    } {sc.loop_unroll_factor = 16 : i64, sc.parallel_access}
    %add3A_297 = arith.constant 98 : i32
    %add3A_298 = arith.addi %mul3A_2, %add3A_297 : i32
    %jit3A_299 = arith.constant 16 : i32
    %div3A_300 = arith.divsi %add3A_298, %jit3A_299 : i32
    %sign3A_301 = arith.constant 0 : i32
    %sign3A_302 = arith.cmpi sgt, %add3A_298, %sign3A_301 : i32
    %sign3A_303 = arith.extui %sign3A_302 : i1 to i32
    %sign3A_304 = arith.constant 0 : i32
    %sign3A_305 = arith.cmpi slt, %add3A_298, %sign3A_304 : i32
    %sign3A_306 = arith.extui %sign3A_305 : i1 to i32
    %sign3A_307 = arith.subi %sign3A_303, %sign3A_306 : i32
    %sign3A_308 = arith.constant 0 : i32
    %sign3A_309 = arith.cmpi sgt, %jit3A_299, %sign3A_308 : i32
    %sign3A_310 = arith.extui %sign3A_309 : i1 to i32
    %sign3A_311 = arith.constant 0 : i32
    %sign3A_312 = arith.cmpi slt, %jit3A_299, %sign3A_311 : i32
    %sign3A_313 = arith.extui %sign3A_312 : i1 to i32
    %sign3A_314 = arith.subi %sign3A_310, %sign3A_313 : i32
    %ne3A_315 = arith.cmpi ne, %sign3A_307, %sign3A_314 : i32
    %rem3A_316 = arith.remsi %add3A_298, %jit3A_299 : i32
    %ne3A_317 = arith.constant 0 : i32
    %ne3A_318 = arith.cmpi ne, %rem3A_316, %ne3A_317 : i32
    %and3A_319 = arith.andi %ne3A_315, %ne3A_318 : i1
    %sub3A_320 = arith.constant 1 : i32
    %sub3A_321 = arith.subi %div3A_300, %sub3A_320 : i32
    %select_n3A_322 = arith.select %and3A_319, %sub3A_321, %div3A_300 : i32
    %jit3A_323 = arith.constant 16 : i32
    %eq3A_324 = arith.constant 0 : i32
    %eq3A_325 = arith.cmpi eq, %jit3A_323, %eq3A_324 : i32
    %jit3A_326 = arith.constant 1 : i32
    %select_n3A_327 = arith.select %eq3A_325, %jit3A_326, %jit3A_323 : i32
    %rem3A_328 = arith.remsi %add3A_298, %select_n3A_327 : i32
    %ne3A_329 = arith.constant 0 : i32
    %ne3A_330 = arith.cmpi ne, %rem3A_328, %ne3A_329 : i32
    %lt3A_331 = arith.constant 0 : i32
    %lt3A_332 = arith.cmpi slt, %rem3A_328, %lt3A_331 : i32
    %lt3A_333 = arith.constant 0 : i32
    %lt3A_334 = arith.cmpi slt, %select_n3A_327, %lt3A_333 : i32
    %ne3A_335 = arith.xori %lt3A_332, %lt3A_334 : i1
    %and3A_336 = arith.andi %ne3A_335, %ne3A_330 : i1
    %add3A_337 = arith.addi %rem3A_328, %select_n3A_327 : i32
    %select_n3A_338 = arith.select %and3A_336, %add3A_337, %rem3A_328 : i32
    %dma_start3A_339 = arith.constant 0 : i32
    %dma_start3A_340 = arith.constant 0 : i32
    %dma_start3A_341 = tpu.memref_slice %arg4[%select_n3A_322, %dma_start3A_339, %select_n3A_338, %dma_start3A_340] : memref<200x8x16x2048xf32, #tpu.memory_space<hbm>> -> memref<1x8x1x2048xf32, #tpu.memory_space<hbm>>
    %dma_start3A_342 = tpu.memref_squeeze %dma_start3A_341 : memref<1x8x1x2048xf32, #tpu.memory_space<hbm>> -> memref<8x2048xf32, #tpu.memory_space<hbm>>
    %dma_start3A_343 = arith.constant 0 : i32
    %dma_start3A_344 = arith.constant 0 : i32
    %dma_start3A_345 = tpu.memref_slice %arg4[%select_n3A_322, %dma_start3A_343, %select_n3A_338, %dma_start3A_344] : memref<200x8x16x2048xf32, #tpu.memory_space<hbm>> -> memref<1x8x1x2048xf32, #tpu.memory_space<hbm>>
    %dma_start3A_346 = tpu.memref_squeeze %dma_start3A_345 : memref<1x8x1x2048xf32, #tpu.memory_space<hbm>> -> memref<8x2048xf32, #tpu.memory_space<hbm>>
    tpu.enqueue_dma source(%arg17 : memref<8x2048xf32, #tpu.memory_space<vmem>>) target(%dma_start3A_346 : memref<8x2048xf32, #tpu.memory_space<hbm>>) target_semaphore(%arg21 : memref<!tpu.dma_semaphore, #tpu.memory_space<semaphore_mem>>)
    %dma_wait3A_347 = arith.constant 0 : i32
    %dma_wait3A_348 = arith.constant 0 : i32
    %dma_wait3A_349 = tpu.memref_slice %arg13[%dma_wait3A_347, %dma_wait3A_348] : memref<256x64xf32, #tpu.memory_space<vmem>> -> memref<128x64xf32, #tpu.memory_space<vmem>>
    %dma_wait3A_350 = arith.constant 0 : i32
    %dma_wait3A_351 = tpu.memref_slice %arg9[%dma_wait3A_350] : memref<256xi32, #tpu.memory_space<vmem>> -> memref<128xi32, #tpu.memory_space<vmem>>
    %dma_wait3A_352 = arith.constant 0 : i32
    %dma_wait3A_353 = arith.constant 0 : i32
    %dma_wait3A_354 = tpu.memref_slice %arg3[%dma_wait3A_352, %dma_wait3A_353] : memref<262144x64xf32, #tpu.memory_space<hbm>> -> memref<262144x64xf32, #tpu.memory_space<hbm>>
    tpu.wait_indirect_dma semaphore(%arg20 : memref<!tpu.dma_semaphore, #tpu.memory_space<semaphore_mem>>) src(%dma_wait3A_354 : memref<262144x64xf32, #tpu.memory_space<hbm>>) dst(%dma_wait3A_349 : memref<128x64xf32, #tpu.memory_space<vmem>>)
    %dma_wait3A_355 = arith.constant 0 : i32
    %dma_wait3A_356 = arith.constant 0 : i32
    %dma_wait3A_357 = tpu.memref_slice %arg13[%dma_wait3A_355, %dma_wait3A_356] : memref<256x64xf32, #tpu.memory_space<vmem>> -> memref<128x64xf32, #tpu.memory_space<vmem>>
    %dma_wait3A_358 = arith.constant 0 : i32
    %dma_wait3A_359 = tpu.memref_slice %arg9[%dma_wait3A_358] : memref<256xi32, #tpu.memory_space<vmem>> -> memref<128xi32, #tpu.memory_space<vmem>>
    %dma_wait3A_360 = arith.constant 0 : i32
    %dma_wait3A_361 = arith.constant 0 : i32
    %dma_wait3A_362 = tpu.memref_slice %arg3[%dma_wait3A_360, %dma_wait3A_361] : memref<262144x64xf32, #tpu.memory_space<hbm>> -> memref<262144x64xf32, #tpu.memory_space<hbm>>
    tpu.wait_indirect_dma semaphore(%arg20 : memref<!tpu.dma_semaphore, #tpu.memory_space<semaphore_mem>>) src(%dma_wait3A_362 : memref<262144x64xf32, #tpu.memory_space<hbm>>) dst(%dma_wait3A_357 : memref<128x64xf32, #tpu.memory_space<vmem>>)
    %dma_wait3A_363 = arith.constant 0 : i32
    %dma_wait3A_364 = arith.constant 0 : i32
    %dma_wait3A_365 = arith.constant 0 : i32
    %dma_wait3A_366 = arith.constant 0 : i32
    %dma_wait3A_367 = tpu.memref_slice %arg4[%dma_wait3A_363, %dma_wait3A_365, %dma_wait3A_364, %dma_wait3A_366] : memref<200x8x16x2048xf32, #tpu.memory_space<hbm>> -> memref<1x8x1x2048xf32, #tpu.memory_space<hbm>>
    %dma_wait3A_368 = tpu.memref_squeeze %dma_wait3A_367 : memref<1x8x1x2048xf32, #tpu.memory_space<hbm>> -> memref<8x2048xf32, #tpu.memory_space<hbm>>
    %dma_wait3A_369 = arith.constant 0 : i32
    %dma_wait3A_370 = arith.constant 0 : i32
    %dma_wait3A_371 = tpu.memref_slice %arg4[%dma_wait3A_363, %dma_wait3A_369, %dma_wait3A_364, %dma_wait3A_370] : memref<200x8x16x2048xf32, #tpu.memory_space<hbm>> -> memref<1x8x1x2048xf32, #tpu.memory_space<hbm>>
    %dma_wait3A_372 = tpu.memref_squeeze %dma_wait3A_371 : memref<1x8x1x2048xf32, #tpu.memory_space<hbm>> -> memref<8x2048xf32, #tpu.memory_space<hbm>>
    tpu.wait_dma2 semaphore(%arg21 : memref<!tpu.dma_semaphore, #tpu.memory_space<semaphore_mem>>) src(%arg17 : memref<8x2048xf32, #tpu.memory_space<vmem>>) dst(%dma_wait3A_372 : memref<8x2048xf32, #tpu.memory_space<hbm>>)
    %parallel_loop3A_373 = arith.constant 0 : i32
    %parallel_loop3A_374 = arith.constant 1024 : i32
    %parallel_loop3A_375 = arith.constant 1 : i32
    scf.for %parallel_loop3A_446 = %parallel_loop3A_373 to %parallel_loop3A_374 step %parallel_loop3A_375  : i32 {
      %parallel_loop3A_447 = arith.constant 16 : i32
      %parallel_loop3A_448 = arith.divsi %parallel_loop3A_446, %parallel_loop3A_447 : i32
      %parallel_loop3A_449 = arith.constant 0 : i32
      %parallel_loop3A_450 = arith.cmpi sgt, %parallel_loop3A_446, %parallel_loop3A_449 : i32
      %parallel_loop3A_451 = arith.extui %parallel_loop3A_450 : i1 to i32
      %parallel_loop3A_452 = arith.constant 0 : i32
      %parallel_loop3A_453 = arith.cmpi slt, %parallel_loop3A_446, %parallel_loop3A_452 : i32
      %parallel_loop3A_454 = arith.extui %parallel_loop3A_453 : i1 to i32
      %parallel_loop3A_455 = arith.subi %parallel_loop3A_451, %parallel_loop3A_454 : i32
      %parallel_loop3A_456 = arith.constant 0 : i32
      %parallel_loop3A_457 = arith.cmpi sgt, %parallel_loop3A_447, %parallel_loop3A_456 : i32
      %parallel_loop3A_458 = arith.extui %parallel_loop3A_457 : i1 to i32
      %parallel_loop3A_459 = arith.constant 0 : i32
      %parallel_loop3A_460 = arith.cmpi slt, %parallel_loop3A_447, %parallel_loop3A_459 : i32
      %parallel_loop3A_461 = arith.extui %parallel_loop3A_460 : i1 to i32
      %parallel_loop3A_462 = arith.subi %parallel_loop3A_458, %parallel_loop3A_461 : i32
      %parallel_loop3A_463 = arith.cmpi ne, %parallel_loop3A_455, %parallel_loop3A_462 : i32
      %parallel_loop3A_464 = arith.remsi %parallel_loop3A_446, %parallel_loop3A_447 : i32
      %parallel_loop3A_465 = arith.constant 0 : i32
      %parallel_loop3A_466 = arith.cmpi ne, %parallel_loop3A_464, %parallel_loop3A_465 : i32
      %parallel_loop3A_467 = arith.andi %parallel_loop3A_463, %parallel_loop3A_466 : i1
      %parallel_loop3A_468 = arith.constant 1 : i32
      %parallel_loop3A_469 = arith.subi %parallel_loop3A_448, %parallel_loop3A_468 : i32
      %parallel_loop3A_470 = arith.select %parallel_loop3A_467, %parallel_loop3A_469, %parallel_loop3A_448 : i32
      %parallel_loop3A_471 = arith.constant 16 : i32
      %parallel_loop3A_472 = arith.constant 0 : i32
      %parallel_loop3A_473 = arith.cmpi eq, %parallel_loop3A_471, %parallel_loop3A_472 : i32
      %parallel_loop3A_474 = arith.constant 1 : i32
      %parallel_loop3A_475 = arith.select %parallel_loop3A_473, %parallel_loop3A_474, %parallel_loop3A_471 : i32
      %parallel_loop3A_476 = arith.remsi %parallel_loop3A_446, %parallel_loop3A_475 : i32
      %parallel_loop3A_477 = arith.constant 0 : i32
      %parallel_loop3A_478 = arith.cmpi ne, %parallel_loop3A_476, %parallel_loop3A_477 : i32
      %parallel_loop3A_479 = arith.constant 0 : i32
      %parallel_loop3A_480 = arith.cmpi slt, %parallel_loop3A_476, %parallel_loop3A_479 : i32
      %parallel_loop3A_481 = arith.constant 0 : i32
      %parallel_loop3A_482 = arith.cmpi slt, %parallel_loop3A_475, %parallel_loop3A_481 : i32
      %parallel_loop3A_483 = arith.xori %parallel_loop3A_480, %parallel_loop3A_482 : i1
      %parallel_loop3A_484 = arith.andi %parallel_loop3A_483, %parallel_loop3A_478 : i1
      %parallel_loop3A_485 = arith.addi %parallel_loop3A_476, %parallel_loop3A_475 : i32
      %parallel_loop3A_486 = arith.select %parallel_loop3A_484, %parallel_loop3A_485, %parallel_loop3A_476 : i32
      %parallel_loop3A_487 = arith.constant 16 : i32
      %parallel_loop3A_488 = arith.muli %parallel_loop3A_486, %parallel_loop3A_487 : i32
      %parallel_loop3A_489 = vector.broadcast %parallel_loop3A_488 : i32 to vector<16xi32>
      %parallel_loop3A_490 = arith.addi %parallel_loop3A_489, %iota3A : vector<16xi32>
      %parallel_loop3A_491 = vector.broadcast %parallel_loop3A_470 : i32 to vector<16xi32>
      %parallel_loop3A_492 = tpu.vector_load_idx %arg16[%parallel_loop3A_490, %parallel_loop3A_491] : memref<256x64xf32, #tpu.memory_space<vmem>>[vector<16xi32>, vector<16xi32>], vector<16xf32>,
      %parallel_loop3A_493 = arith.constant 128 : i32
      %parallel_loop3A_494 = arith.divsi %parallel_loop3A_488, %parallel_loop3A_493 : i32
      %parallel_loop3A_495 = arith.constant 0 : i32
      %parallel_loop3A_496 = arith.cmpi sgt, %parallel_loop3A_488, %parallel_loop3A_495 : i32
      %parallel_loop3A_497 = arith.extui %parallel_loop3A_496 : i1 to i32
      %parallel_loop3A_498 = arith.constant 0 : i32
      %parallel_loop3A_499 = arith.cmpi slt, %parallel_loop3A_488, %parallel_loop3A_498 : i32
      %parallel_loop3A_500 = arith.extui %parallel_loop3A_499 : i1 to i32
      %parallel_loop3A_501 = arith.subi %parallel_loop3A_497, %parallel_loop3A_500 : i32
      %parallel_loop3A_502 = arith.constant 0 : i32
      %parallel_loop3A_503 = arith.cmpi sgt, %parallel_loop3A_493, %parallel_loop3A_502 : i32
      %parallel_loop3A_504 = arith.extui %parallel_loop3A_503 : i1 to i32
      %parallel_loop3A_505 = arith.constant 0 : i32
      %parallel_loop3A_506 = arith.cmpi slt, %parallel_loop3A_493, %parallel_loop3A_505 : i32
      %parallel_loop3A_507 = arith.extui %parallel_loop3A_506 : i1 to i32
      %parallel_loop3A_508 = arith.subi %parallel_loop3A_504, %parallel_loop3A_507 : i32
      %parallel_loop3A_509 = arith.cmpi ne, %parallel_loop3A_501, %parallel_loop3A_508 : i32
      %parallel_loop3A_510 = arith.remsi %parallel_loop3A_488, %parallel_loop3A_493 : i32
      %parallel_loop3A_511 = arith.constant 0 : i32
      %parallel_loop3A_512 = arith.cmpi ne, %parallel_loop3A_510, %parallel_loop3A_511 : i32
      %parallel_loop3A_513 = arith.andi %parallel_loop3A_509, %parallel_loop3A_512 : i1
      %parallel_loop3A_514 = arith.constant 1 : i32
      %parallel_loop3A_515 = arith.subi %parallel_loop3A_494, %parallel_loop3A_514 : i32
      %parallel_loop3A_516 = arith.select %parallel_loop3A_513, %parallel_loop3A_515, %parallel_loop3A_494 : i32
      %parallel_loop3A_517 = arith.constant 1024 : i32
      %parallel_loop3A_518 = arith.muli %parallel_loop3A_516, %parallel_loop3A_517 : i32
      %parallel_loop3A_519 = arith.constant 8 : i32
      %parallel_loop3A_520 = arith.constant 0 : i32
      %parallel_loop3A_521 = arith.cmpi eq, %parallel_loop3A_519, %parallel_loop3A_520 : i32
      %parallel_loop3A_522 = arith.constant 1 : i32
      %parallel_loop3A_523 = arith.select %parallel_loop3A_521, %parallel_loop3A_522, %parallel_loop3A_519 : i32
      %parallel_loop3A_524 = arith.remsi %parallel_loop3A_470, %parallel_loop3A_523 : i32
      %parallel_loop3A_525 = arith.constant 0 : i32
      %parallel_loop3A_526 = arith.cmpi ne, %parallel_loop3A_524, %parallel_loop3A_525 : i32
      %parallel_loop3A_527 = arith.constant 0 : i32
      %parallel_loop3A_528 = arith.cmpi slt, %parallel_loop3A_524, %parallel_loop3A_527 : i32
      %parallel_loop3A_529 = arith.constant 0 : i32
      %parallel_loop3A_530 = arith.cmpi slt, %parallel_loop3A_523, %parallel_loop3A_529 : i32
      %parallel_loop3A_531 = arith.xori %parallel_loop3A_528, %parallel_loop3A_530 : i1
      %parallel_loop3A_532 = arith.andi %parallel_loop3A_531, %parallel_loop3A_526 : i1
      %parallel_loop3A_533 = arith.addi %parallel_loop3A_524, %parallel_loop3A_523 : i32
      %parallel_loop3A_534 = arith.select %parallel_loop3A_532, %parallel_loop3A_533, %parallel_loop3A_524 : i32
      %parallel_loop3A_535 = arith.constant 128 : i32
      %parallel_loop3A_536 = arith.muli %parallel_loop3A_534, %parallel_loop3A_535 : i32
      %parallel_loop3A_537 = arith.addi %parallel_loop3A_518, %parallel_loop3A_536 : i32
      %parallel_loop3A_538 = arith.constant 128 : i32
      %parallel_loop3A_539 = arith.constant 0 : i32
      %parallel_loop3A_540 = arith.cmpi eq, %parallel_loop3A_538, %parallel_loop3A_539 : i32
      %parallel_loop3A_541 = arith.constant 1 : i32
      %parallel_loop3A_542 = arith.select %parallel_loop3A_540, %parallel_loop3A_541, %parallel_loop3A_538 : i32
      %parallel_loop3A_543 = arith.remsi %parallel_loop3A_488, %parallel_loop3A_542 : i32
      %parallel_loop3A_544 = arith.constant 0 : i32
      %parallel_loop3A_545 = arith.cmpi ne, %parallel_loop3A_543, %parallel_loop3A_544 : i32
      %parallel_loop3A_546 = arith.constant 0 : i32
      %parallel_loop3A_547 = arith.cmpi slt, %parallel_loop3A_543, %parallel_loop3A_546 : i32
      %parallel_loop3A_548 = arith.constant 0 : i32
      %parallel_loop3A_549 = arith.cmpi slt, %parallel_loop3A_542, %parallel_loop3A_548 : i32
      %parallel_loop3A_550 = arith.xori %parallel_loop3A_547, %parallel_loop3A_549 : i1
      %parallel_loop3A_551 = arith.andi %parallel_loop3A_550, %parallel_loop3A_545 : i1
      %parallel_loop3A_552 = arith.addi %parallel_loop3A_543, %parallel_loop3A_542 : i32
      %parallel_loop3A_553 = arith.select %parallel_loop3A_551, %parallel_loop3A_552, %parallel_loop3A_543 : i32
      %parallel_loop3A_554 = arith.addi %parallel_loop3A_537, %parallel_loop3A_553 : i32
      %parallel_loop3A_555 = arith.constant 8 : i32
      %parallel_loop3A_556 = arith.divsi %parallel_loop3A_470, %parallel_loop3A_555 : i32
      %parallel_loop3A_557 = arith.constant 0 : i32
      %parallel_loop3A_558 = arith.cmpi sgt, %parallel_loop3A_470, %parallel_loop3A_557 : i32
      %parallel_loop3A_559 = arith.extui %parallel_loop3A_558 : i1 to i32
      %parallel_loop3A_560 = arith.constant 0 : i32
      %parallel_loop3A_561 = arith.cmpi slt, %parallel_loop3A_470, %parallel_loop3A_560 : i32
      %parallel_loop3A_562 = arith.extui %parallel_loop3A_561 : i1 to i32
      %parallel_loop3A_563 = arith.subi %parallel_loop3A_559, %parallel_loop3A_562 : i32
      %parallel_loop3A_564 = arith.constant 0 : i32
      %parallel_loop3A_565 = arith.cmpi sgt, %parallel_loop3A_555, %parallel_loop3A_564 : i32
      %parallel_loop3A_566 = arith.extui %parallel_loop3A_565 : i1 to i32
      %parallel_loop3A_567 = arith.constant 0 : i32
      %parallel_loop3A_568 = arith.cmpi slt, %parallel_loop3A_555, %parallel_loop3A_567 : i32
      %parallel_loop3A_569 = arith.extui %parallel_loop3A_568 : i1 to i32
      %parallel_loop3A_570 = arith.subi %parallel_loop3A_566, %parallel_loop3A_569 : i32
      %parallel_loop3A_571 = arith.cmpi ne, %parallel_loop3A_563, %parallel_loop3A_570 : i32
      %parallel_loop3A_572 = arith.remsi %parallel_loop3A_470, %parallel_loop3A_555 : i32
      %parallel_loop3A_573 = arith.constant 0 : i32
      %parallel_loop3A_574 = arith.cmpi ne, %parallel_loop3A_572, %parallel_loop3A_573 : i32
      %parallel_loop3A_575 = arith.andi %parallel_loop3A_571, %parallel_loop3A_574 : i1
      %parallel_loop3A_576 = arith.constant 1 : i32
      %parallel_loop3A_577 = arith.subi %parallel_loop3A_556, %parallel_loop3A_576 : i32
      %parallel_loop3A_578 = arith.select %parallel_loop3A_575, %parallel_loop3A_577, %parallel_loop3A_556 : i32
      %parallel_loop3A_579 = arith.index_cast %parallel_loop3A_578 : i32 to index
      %parallel_loop3A_580 = arith.index_cast %parallel_loop3A_554 : i32 to index
      %parallel_loop3A_581 = tpu.vector_load %arg18[%parallel_loop3A_579, %parallel_loop3A_580] {strides = array<i32>} : memref<8x2048xf32, #tpu.memory_space<vmem>>, vector<16xf32>,
      tpu.vector_store %arg18[%parallel_loop3A_579, %parallel_loop3A_580], %parallel_loop3A_492 {strides = array<i32>} : memref<8x2048xf32, #tpu.memory_space<vmem>>, vector<16xf32>,
    } {sc.loop_unroll_factor = 16 : i64, sc.parallel_access}
    %add3A_376 = arith.constant 99 : i32
    %add3A_377 = arith.addi %mul3A_2, %add3A_376 : i32
    %jit3A_378 = arith.constant 16 : i32
    %div3A_379 = arith.divsi %add3A_377, %jit3A_378 : i32
    %sign3A_380 = arith.constant 0 : i32
    %sign3A_381 = arith.cmpi sgt, %add3A_377, %sign3A_380 : i32
    %sign3A_382 = arith.extui %sign3A_381 : i1 to i32
    %sign3A_383 = arith.constant 0 : i32
    %sign3A_384 = arith.cmpi slt, %add3A_377, %sign3A_383 : i32
    %sign3A_385 = arith.extui %sign3A_384 : i1 to i32
    %sign3A_386 = arith.subi %sign3A_382, %sign3A_385 : i32
    %sign3A_387 = arith.constant 0 : i32
    %sign3A_388 = arith.cmpi sgt, %jit3A_378, %sign3A_387 : i32
    %sign3A_389 = arith.extui %sign3A_388 : i1 to i32
    %sign3A_390 = arith.constant 0 : i32
    %sign3A_391 = arith.cmpi slt, %jit3A_378, %sign3A_390 : i32
    %sign3A_392 = arith.extui %sign3A_391 : i1 to i32
    %sign3A_393 = arith.subi %sign3A_389, %sign3A_392 : i32
    %ne3A_394 = arith.cmpi ne, %sign3A_386, %sign3A_393 : i32
    %rem3A_395 = arith.remsi %add3A_377, %jit3A_378 : i32
    %ne3A_396 = arith.constant 0 : i32
    %ne3A_397 = arith.cmpi ne, %rem3A_395, %ne3A_396 : i32
    %and3A_398 = arith.andi %ne3A_394, %ne3A_397 : i1
    %sub3A_399 = arith.constant 1 : i32
    %sub3A_400 = arith.subi %div3A_379, %sub3A_399 : i32
    %select_n3A_401 = arith.select %and3A_398, %sub3A_400, %div3A_379 : i32
    %jit3A_402 = arith.constant 16 : i32
    %eq3A_403 = arith.constant 0 : i32
    %eq3A_404 = arith.cmpi eq, %jit3A_402, %eq3A_403 : i32
    %jit3A_405 = arith.constant 1 : i32
    %select_n3A_406 = arith.select %eq3A_404, %jit3A_405, %jit3A_402 : i32
    %rem3A_407 = arith.remsi %add3A_377, %select_n3A_406 : i32
    %ne3A_408 = arith.constant 0 : i32
    %ne3A_409 = arith.cmpi ne, %rem3A_407, %ne3A_408 : i32
    %lt3A_410 = arith.constant 0 : i32
    %lt3A_411 = arith.cmpi slt, %rem3A_407, %lt3A_410 : i32
    %lt3A_412 = arith.constant 0 : i32
    %lt3A_413 = arith.cmpi slt, %select_n3A_406, %lt3A_412 : i32
    %ne3A_414 = arith.xori %lt3A_411, %lt3A_413 : i1
    %and3A_415 = arith.andi %ne3A_414, %ne3A_409 : i1
    %add3A_416 = arith.addi %rem3A_407, %select_n3A_406 : i32
    %select_n3A_417 = arith.select %and3A_415, %add3A_416, %rem3A_407 : i32
    %dma_start3A_418 = arith.constant 0 : i32
    %dma_start3A_419 = arith.constant 0 : i32
    %dma_start3A_420 = tpu.memref_slice %arg4[%select_n3A_401, %dma_start3A_418, %select_n3A_417, %dma_start3A_419] : memref<200x8x16x2048xf32, #tpu.memory_space<hbm>> -> memref<1x8x1x2048xf32, #tpu.memory_space<hbm>>
    %dma_start3A_421 = tpu.memref_squeeze %dma_start3A_420 : memref<1x8x1x2048xf32, #tpu.memory_space<hbm>> -> memref<8x2048xf32, #tpu.memory_space<hbm>>
    %dma_start3A_422 = arith.constant 0 : i32
    %dma_start3A_423 = arith.constant 0 : i32
    %dma_start3A_424 = tpu.memref_slice %arg4[%select_n3A_401, %dma_start3A_422, %select_n3A_417, %dma_start3A_423] : memref<200x8x16x2048xf32, #tpu.memory_space<hbm>> -> memref<1x8x1x2048xf32, #tpu.memory_space<hbm>>
    %dma_start3A_425 = tpu.memref_squeeze %dma_start3A_424 : memref<1x8x1x2048xf32, #tpu.memory_space<hbm>> -> memref<8x2048xf32, #tpu.memory_space<hbm>>
    tpu.enqueue_dma source(%arg18 : memref<8x2048xf32, #tpu.memory_space<vmem>>) target(%dma_start3A_425 : memref<8x2048xf32, #tpu.memory_space<hbm>>) target_semaphore(%arg21 : memref<!tpu.dma_semaphore, #tpu.memory_space<semaphore_mem>>)
    %dma_wait3A_426 = arith.constant 0 : i32
    %dma_wait3A_427 = arith.constant 0 : i32
    %dma_wait3A_428 = arith.constant 0 : i32
    %dma_wait3A_429 = arith.constant 0 : i32
    %dma_wait3A_430 = tpu.memref_slice %arg4[%dma_wait3A_426, %dma_wait3A_428, %dma_wait3A_427, %dma_wait3A_429] : memref<200x8x16x2048xf32, #tpu.memory_space<hbm>> -> memref<1x8x1x2048xf32, #tpu.memory_space<hbm>>
    %dma_wait3A_431 = tpu.memref_squeeze %dma_wait3A_430 : memref<1x8x1x2048xf32, #tpu.memory_space<hbm>> -> memref<8x2048xf32, #tpu.memory_space<hbm>>
    %dma_wait3A_432 = arith.constant 0 : i32
    %dma_wait3A_433 = arith.constant 0 : i32
    %dma_wait3A_434 = tpu.memref_slice %arg4[%dma_wait3A_426, %dma_wait3A_432, %dma_wait3A_427, %dma_wait3A_433] : memref<200x8x16x2048xf32, #tpu.memory_space<hbm>> -> memref<1x8x1x2048xf32, #tpu.memory_space<hbm>>
    %dma_wait3A_435 = tpu.memref_squeeze %dma_wait3A_434 : memref<1x8x1x2048xf32, #tpu.memory_space<hbm>> -> memref<8x2048xf32, #tpu.memory_space<hbm>>
    tpu.wait_dma2 semaphore(%arg21 : memref<!tpu.dma_semaphore, #tpu.memory_space<semaphore_mem>>) src(%arg17 : memref<8x2048xf32, #tpu.memory_space<vmem>>) dst(%dma_wait3A_435 : memref<8x2048xf32, #tpu.memory_space<hbm>>)
    %dma_wait3A_436 = arith.constant 0 : i32
    %dma_wait3A_437 = arith.constant 0 : i32
    %dma_wait3A_438 = arith.constant 0 : i32
    %dma_wait3A_439 = arith.constant 0 : i32
    %dma_wait3A_440 = tpu.memref_slice %arg4[%dma_wait3A_436, %dma_wait3A_438, %dma_wait3A_437, %dma_wait3A_439] : memref<200x8x16x2048xf32, #tpu.memory_space<hbm>> -> memref<1x8x1x2048xf32, #tpu.memory_space<hbm>>
    %dma_wait3A_441 = tpu.memref_squeeze %dma_wait3A_440 : memref<1x8x1x2048xf32, #tpu.memory_space<hbm>> -> memref<8x2048xf32, #tpu.memory_space<hbm>>
    %dma_wait3A_442 = arith.constant 0 : i32
    %dma_wait3A_443 = arith.constant 0 : i32
    %dma_wait3A_444 = tpu.memref_slice %arg4[%dma_wait3A_436, %dma_wait3A_442, %dma_wait3A_437, %dma_wait3A_443] : memref<200x8x16x2048xf32, #tpu.memory_space<hbm>> -> memref<1x8x1x2048xf32, #tpu.memory_space<hbm>>
    %dma_wait3A_445 = tpu.memref_squeeze %dma_wait3A_444 : memref<1x8x1x2048xf32, #tpu.memory_space<hbm>> -> memref<8x2048xf32, #tpu.memory_space<hbm>>
    tpu.wait_dma2 semaphore(%arg21 : memref<!tpu.dma_semaphore, #tpu.memory_space<semaphore_mem>>) src(%arg17 : memref<8x2048xf32, #tpu.memory_space<vmem>>) dst(%dma_wait3A_445 : memref<8x2048xf32, #tpu.memory_space<hbm>>)
    return
  }
}

</mosaic_0001>

<sc_bundles>
// kernel: _sc_embed.3.cloned.1.call-start
scs
__scs_entry_jumppad:
0x0: {  	(pc) =	sbr.rel $0x88, $3  }
0x1: {  	(tag) =	ssettag $0x0;
	lr =	simm.s32 $0x1  }
0x2: {  	[smem:$0x3F9F] =	sst lr;
	_ =	strace $0xD0000000  }
0x3: {  	_ = 	snop  }
0x4: {  	_ = 	snop  }
0x5: {  	_ = 	snop  }
0x6: {  	_ = 	snop  }
0x7: {  	_ = 	snop  }
__scs_overlays_trampoline_lowered:
0x8: {  	[smem:$0x3FAE] =	sst s0  }
0x9: {  	[smem:$0x3FAF] =	sst s1  }
0xa: {  	[smem:$0x3FB0] =	sst s2  }
0xb: {  	[smem:$0x3FB1] =	sst s3  }
0xc: {  	[smem:$0x3FB2] =	sst s4  }
0xd: {  	[smem:$0x3FB3] =	sst s5  }
0xe: {  	[smem:$0x3FB4] =	sst s6  }
0xf: {  	[smem:$0x3FB5] =	sst s7  }
0x10: {  	[smem:$0x3FB6] =	sst s8  }
0x11: {  	[smem:$0x3FB7] =	sst s9;
	s0 =	simm.s32 @!p0 $0x0  }
0x12: {  	s1 =	sld [smem:$0x3F9D];
	s0 =	simm.s32 @p0 $0x1  }
0x13: {  	[smem:$0x3FB8] =	sst s0;
	s0 =	simm.s32 @!p1 $0x0  }
0x14: {  	s2 =	sld [smem:$0x3F9C];
	s0 =	simm.s32 @p1 $0x1  }
0x15: {  	[smem:$0x3FB9] =	sst s0;
	s0 =	simm.s32 @!p2 $0x0  }
0x16: {  	s3 =	sld [smem:$0x3FDB];
	s0 =	simm.s32 @p2 $0x1  }
0x17: {  	s4 =	simm.s32 $0x1BF5;
	[smem:$0x3FBB] =	sst s0  }
0x18: {  	s0 =	sld [smem:$0x3F9E];
	_ =	swait.ge [sflag:s4], $0x0  }
0x19: {  	s7 =	sld [smem:$0x3F9F]  }
0x1a: {  	s8 =	sadd.s32 $0xFFFFE003, lr  }
0x1b: {  	s9 =	sadd.s32 $0xFFFFFEF7, lr;
	s5 =	simm.s32 $0xFFFFFFFF;
	p2 =	slt.u32 s8, $0xFFFFF086  }
0x1c: {  	p1 =	slt.u32 s9, $0xF7A;
	s5 =	simm.s32 @!p2 $0x0  }
0x1d: {  	s5 =	simm.s32 @p1 $0x1;
	p0 =	seq.s32 s7, s2  }
0x1e: {  	s7 =	smul.u32 @!p0 $0xF7A, s2;
	p2 =	seq.s32 @!p0 s5, $0x0  }
0x1f: {  	s9 =	smul.u32 $0xF7A, s1;
	s8 =	simm.s32 @!p0 $0x1BF5;
	p2 =	por !p2, p0  }
0x20: {  	[sflag:s8] =	ssyncset.s32 @!p0 $0xFFFFF086;
	s6 =	sadd.s32 @!p0 s3, s7;
	s7 =	simm.s32 @!p0 $0x108  }
0x21: {  	s3 =	sadd.s32 s3, s9;
	s6 =	sadd.s32 @!p0 $0x88, s6;
	s7 =	simm.s32 @p2 $0x1082  }
0x22: {  	[simem:s7], [sflag:s8] =	dma.local @!p0 [hbm:s6], $0xF7A  }
0x23: {  	s9 =	sor.u32 $0xD0000000, s2;
	s6 =	simm.s32 $0x108;
	_ =	swait.ge @!p0 [sflag:s8], $0x0  }
0x24: {  	s3 =	sadd.s32 $0x88, s3;
	s6 =	simm.s32 @!p1 $0x1082;
	[sflag:s4] =	ssyncset.s32 $0xFFFFF086  }
0x25: {  	[simem:s6], [sflag:s4] =	dma.local [hbm:s3], $0xF7A  }
0x26: {  	[smem:$0x3F9F] =	sst s1;
	(tag) =	ssettag s2;
	_ =	strace s9  }
0x27: {  	s1 =	sld [smem:$0x3FAF]  }
0x28: {  	s2 =	sld [smem:$0x3FB0]  }
0x29: {  	s4 =	sld [smem:$0x3FB2]  }
0x2a: {  	p0 =	seq.s32 s5, $0x0;
	s5 =	sld [smem:$0x3FB3]  }
0x2b: {  	s6 =	sld [smem:$0x3FB4]  }
0x2c: {  	s7 =	sld [smem:$0x3FB5]  }
0x2d: {  	s3 =	simm.s32 $0x108;
	s8 =	sld [smem:$0x3FB6]  }
0x2e: {  	s3 =	simm.s32 @!p0 $0x1082;
	s9 =	sld [smem:$0x3FB7]  }
0x2f: {  	lr =	sadd.s32 s0, s3;
	s0 =	sld [smem:$0x3FAE]  }
0x30: {  	s3 =	sld [smem:$0x3FB1]  }
0x31: {  	[smem:$0x3FBA] =	sst s10  }
0x32: {  	s10 =	sld [smem:$0x3FB8];
	_ =	sdelay $0x3  }
0x33: {  	p0 =	seq.s32 s10, $0x1;
	s10 =	sld [smem:$0x3FBA];
	_ =	sdelay $0x3  }
0x34: {  	[smem:$0x3FBA] =	sst s10  }
0x35: {  	s10 =	sld [smem:$0x3FB9];
	_ =	sdelay $0x3  }
0x36: {  	p1 =	seq.s32 s10, $0x1;
	s10 =	sld [smem:$0x3FBA];
	_ =	sdelay $0x3  }
0x37: {  	[smem:$0x3FBA] =	sst s10  }
0x38: {  	s10 =	sld [smem:$0x3FBB]  }
0x39: {  	_ = 	snop;
	(pc) =	sbr.ind lr, $3  }
0x3a: {  	_ = 	snop  }
0x3b: {  	_ = 	snop  }
0x3c: {  	p2 =	seq.s32 s10, $0x1;
	s10 =	sld [smem:$0x3FBA]  }
0x3d: {  	_ =	shalt  }
0x3e: {  	_ =	shalt  }
0x3f: {  	_ =	shalt  }
0x40: {  	_ =	shalt  }
0x41: {  	_ =	shalt  }
0x42: {  	_ =	shalt  }
0x43: {  	_ =	shalt  }
0x44: {  	_ =	shalt  }
0x45: {  	_ =	shalt  }
0x46: {  	_ =	shalt  }
0x47: {  	_ =	shalt  }
0x48: {  	_ =	shalt  }
0x49: {  	_ =	shalt  }
0x4a: {  	_ =	shalt  }
0x4b: {  	_ =	shalt  }
0x4c: {  	_ =	shalt  }
0x4d: {  	_ =	shalt  }
0x4e: {  	_ =	shalt  }
0x4f: {  	_ =	shalt  }
0x50: {  	_ =	shalt  }
0x51: {  	_ =	shalt  }
0x52: {  	_ =	shalt  }
0x53: {  	_ =	shalt  }
0x54: {  	_ =	shalt  }
0x55: {  	_ =	shalt  }
0x56: {  	_ =	shalt  }
0x57: {  	_ =	shalt  }
0x58: {  	_ =	shalt  }
0x59: {  	_ =	shalt  }
0x5a: {  	_ =	shalt  }
0x5b: {  	_ =	shalt  }
0x5c: {  	_ =	shalt  }
0x5d: {  	_ =	shalt  }
0x5e: {  	_ =	shalt  }
0x5f: {  	_ =	shalt  }
0x60: {  	_ =	shalt  }
0x61: {  	_ =	shalt  }
0x62: {  	_ =	shalt  }
0x63: {  	_ =	shalt  }
0x64: {  	_ =	shalt  }
0x65: {  	_ =	shalt  }
0x66: {  	_ =	shalt  }
0x67: {  	_ =	shalt  }
0x68: {  	_ =	shalt  }
0x69: {  	_ =	shalt  }
0x6a: {  	_ =	shalt  }
0x6b: {  	_ =	shalt  }
0x6c: {  	_ =	shalt  }
0x6d: {  	_ =	shalt  }
0x6e: {  	_ =	shalt  }
0x6f: {  	_ =	shalt  }
0x70: {  	_ =	shalt  }
0x71: {  	_ =	shalt  }
0x72: {  	_ =	shalt  }
0x73: {  	_ =	shalt  }
0x74: {  	_ =	shalt  }
0x75: {  	_ =	shalt  }
0x76: {  	_ =	shalt  }
0x77: {  	_ =	shalt  }
0x78: {  	_ =	shalt  }
0x79: {  	_ =	shalt  }
0x7a: {  	_ =	shalt  }
0x7b: {  	_ =	shalt  }
0x7c: {  	_ =	shalt  }
0x7d: {  	_ =	shalt  }
0x7e: {  	_ =	shalt  }
0x7f: {  	_ =	shalt  }
0x80: {  	_ =	shalt  }
0x81: {  	_ =	shalt  }
0x82: {  	_ =	shalt  }
0x83: {  	_ =	shalt  }
0x84: {  	_ =	shalt  }
0x85: {  	_ =	shalt  }
0x86: {  	_ =	shalt  }
0x87: {  	_ =	shalt  }
.Lfunc_end0:
.L_simem_size_0:
called_computation_lowered:
.L_overlay_start_0:
0x88: {  	s2 =	sld [smem:$0x3FD9]  }
0x89: {  	s3 =	sld [smem:$0x3FFE];
	_ =	sdelay $0x1  }
0x8a: {  	s1 =	srdreg.scid  }
0x8b: {  	s0 =	sand.u32 $0x1, s1  }
0x8c: {  	s17 =	sshll.u32 s0, $0xA;
	s2 =	sadd.s32 s3, s2  }
0x8d: {  	s2 =	sadd.s32 s2, s17  }
0x8e: {  	[smem:$0x3FC6] =	sst s2  }
0x8f: {  	_ = 	snop  }
0x90: {  	s2 =	sld [smem:$0x3FC9];
	(tm) =	ssettm $0x1  }
0x91: {  	s18 =	sld [smem:$0x3FFB];
	_ =	sdelay $0x3  }
0x92: {  	_ =	strace s18  }
0x93: {  	s3 =	sld [smem:$0x3FFC];
	_ =	sdelay $0x3  }
0x94: {  	_ =	strace s3  }
0x95: {  	s3 =	sld [smem:$0x3FFD];
	_ =	sdelay $0x3  }
0x96: {  	_ =	strace s3  }
0x97: {  	_ =	strace $0x8FFFFFFF  }
0x98: {  	s19 =	sld [smem:$0x3FDB];
	_ =	sdelay $0x1  }
0x99: {  	s4 =	simm.s32 $_scs_section_size  }
0x9a: {  	s5 =	simm.s32 $_size__tile_overlayer_lowered;
	s6 =	simm.s32 $_tile_overlayer_lowered  }
0x9b: {  	s22 =	simm.s32 $0x1BFF;
	s21 =	sshll.u32 s6, $0x1;
	s3 =	sadd.s32 s4, s19  }
0x9c: {  	s7 =	simm.s32 $0x0;
	s20 =	sshll.u32 s5, $0x1;
	s5 =	sadd.s32 s21, s3  }
0x9d: {  	[timem:s7], [sflag:s22] =	dma.local [hbm:s5], s20  }
0x9e: {  	_ =	swait.ge [sflag:s22], s20  }
0x9f: {  	s4 =	ssub.s32 $0x0, s20;
	[sflag:s22] =	ssyncset.done $0x0  }
0xa0: {  	[sflag:s22] =	ssyncadd.s32 s4;
	_ =	sdelay $0x1  }
0xa1: {  	s23 =	simm.s32 $0x1B8B  }
0xa2: {  	_ =	swait.ge [sflag:s23], $0x1  }
0xa3: {  	[sflag:s23] =	ssyncset.done $0x0  }
0xa4: {  	s25 =	simm.s32 $0x1B8E;
	s24 =	sld [smem:$0x3FFE];
	[sflag:s23] =	ssyncadd.s32 $0xFFFFFFFF  }
0xa5: {  	s26 =	simm.s32 $execute0_lowered;
	[smem:$0x3FD2] =	sst s25  }
0xa6: {  	s5 =	sshll.u32 s26, $0x1;
	_ =	strace $0x80000046;
	[dreg:$0x1] =	wrdreg $0xFFFFFFFF  }
0xa7: {  	s28 =	simm.s32 $_size_execute0_lowered;
	s3 =	sadd.s32 s3, s5;
	[dreg:$0x0] =	wrdreg $0x0  }
0xa8: {  	s5 =	sshll.u32 s28, $0x1;
	[dreg:$0x2] =	wrdreg s3  }
0xa9: {  	[dreg:$0x3] =	wrdreg s5  }
0xaa: {  	[dreg:$0x4] =	wrdreg $0xC0  }
0xab: {  	_ =	task [dreg:s7], $0x5FFFF  }
0xac: {  	[dreg:$0x1] =	wrdreg $0xFFFFFFFF  }
0xad: {  	[dreg:$0x0] =	wrdreg $0x60  }
0xae: {  	[dreg:$0x2] =	wrdreg s2  }
0xaf: {  	[dreg:$0x3] =	wrdreg s24  }
0xb0: {  	[dreg:$0x4] =	wrdreg $0x9  }
0xb1: {  	_ =	task.clear_ibuf [dreg:s7], $0x5FFFF;
	_ =	strace $0x90000046  }
0xb2: {  	s29 =	simm.s32 $0x9;
	_ =	strace $0x80000048  }
0xb3: {  	_ =	swait.ge [sflag:s29], $0x1  }
0xb4: {  	[sflag:s29] =	ssyncadd.s32 $0xFFFFFFFF  }
0xb5: {  	_ =	strace $0x90000048  }
0xb6: {  	_ =	sfence  }
0xb7: {  	s30 =	sld [smem:$0x0];
	_ =	sdelay $0x2  }
0xb8: {  	s31 =	sshll.u32 s1, $0xD;
	s1 =	sshrl.u32 s1, $0x2  }
0xb9: {  	s3 =	sand.u32 $0x4000, s31;
	s1 =	sadd.s32 s1, s30  }
0xba: {  	s0 =	sor.u32 s3, s0;
	s1 =	sshll.u32 s1, $0x11  }
0xbb: {  	s0 =	sor.u32 s1, s0  }
0xbc: {  	s0 =	sadd.s32 $0x8F2B, s0  }
0xbd: {  	[sflag:s0] =	ssyncadd.remote.s32 $0x1  }
0xbe: {  	_ =	sfence.sel $0xFFFF  }
0xbf: {  	[dreg:$0x0] =	wrdreg $0xFFFFFFFF;
	(pc) =	sbr.abs _section_cstart, $3  }
0xc0: {  	[dreg:$0x1] =	wrdreg $0xFFFFFFFF  }
0xc1: {  	_ =	task.clear_ibuf [dreg:s7], $0x2FFFF;
	_ =	strace $0x9FFFFFFF  }
0xc2: {  	(tm) =	ssettm $0x7FFFFFFF  }
0xc3: {  	_ =	shalt  }
tec
execute0_lowered:
.L_overlay_start_1:
0x0: {  	(tag) =	ssettag $0x1  }
0x1: {  	s2 =	rddreg [dreg:$0x0]  }
0x2: {  	s0 =	rddreg [dreg:$0x1];
	s1 =	srdreg.scid  }
0x3: {  	s3 =	stileid.u32;
	s4 =	simm.s32 $0x0;
	s29 =	simm.s32 $0x14C00  }
0x4: {  	s30 =	simm.s32 $0x3;
	s1 =	sand.u32 $0x1, s1;
	s3 =	sshll.u32 s3, $0x1  }
0x5: {  	s31 =	simm.s32 $0x0;
	[smem:$0x7FF] =	sst s4;
	s3 =	sor.u32 s1, s3  }
0x6: {  	s5 =	sadd.s32 $0x400, s0;
	s6 =	sadd.s32 $0x200400, s0;
	s4 =	smul.u32 $0x64, s3  }
0x7: {  	_ =	strace $0x80000047;
	s10 =	ssub.s32 $0x2, s1;
	s7 =	smul.u32 $0x1900, s3  }
0x8: {  	s1 =	sshrl.u32 s10, $0x1;
	s9 =	smul.u32 $0x190000, s3;
	s12 =	sshll.u32 s3, $0xD  }
0x9: {  	s0 =	ssub.s32 s10, s1;
	s8 =	sor.u32 $0x1, s4;
	s10 =	sadd.s32 s2, s7  }
0xa: {  	s15 =	sand.u32 $0x3FC0000, s9;
	s19 =	sadd.s32 $0x5, s4;
	s20 =	sadd.s32 $0x6, s4  }
0xb: {  	s21 =	sadd.s32 $0x7, s4;
	s22 =	sadd.s32 $0x4, s4;
	[dreg:$0x3] =	wrdreg s10  }
0xc: {  	s23 =	sadd.s32 $0x62, s4;
	s25 =	sadd.s32 $0x63, s4;
	[dreg:$0xa] =	wrdreg s19  }
0xd: {  	s0 =	smax.u32 s0, $0x1;
	s11 =	sshll.u32 s8, $0x6;
	[dreg:$0xb] =	wrdreg s20  }
0xe: {  	s13 =	sadd.s32 $0x80, s10;
	s14 =	sshll.u32 s8, $0xB;
	[dreg:$0xc] =	wrdreg s21  }
0xf: {  	s16 =	sadd.s32 $0xC0, s10;
	s17 =	sadd.s32 $0x100, s10;
	[dreg:$0xd] =	wrdreg s22  }
0x10: {  	s24 =	sshll.u32 s23, $0xB;
	s26 =	sshll.u32 s25, $0x8;
	s7 =	sshll.u32 s25, $0xB  }
0x11: {  	[dreg:$0x10] =	wrdreg s0;
	s25 =	simm.s32 $0x800;
	s0 =	simm.s32 $0x4C00  }
0x12: {  	s19 =	simm.s32 $0x2;
	s20 =	simm.s32 $0x8000;
	[dreg:$0x5] =	wrdreg s13  }
0x13: {  	s21 =	simm.s32 $0x10C00;
	s1 =	sadd.s32 s2, s11;
	[dreg:$0x6] =	wrdreg s16  }
0x14: {  	s3 =	sand.u32 $0x6800, s14;
	[dreg:$0x4] =	wrdreg s1;
	s1 =	sor.u32 s12, s9  }
0x15: {  	[dreg:$0x8] =	wrdreg s17;
	s8 =	sand.u32 $0xF00, s26;
	s1 =	sand.u32 $0x3FC6000, s1  }
0x16: {  	v0 =	vlaneseq.u32;
	s7 =	sand.u32 $0xFF8000, s7;
	s3 =	sor.u32 s15, s3;
	s1 =	sshrl.u32 s1, $0x3  }
0x17: {  	v0 =	vmul.u32 $0x40, v0;
	s26 =	simm.s32 $0xC00;
	s18 =	sshrl.u32 s3, $0x3;
	s1 =	sadd.s32 s6, s1  }
0x18: {  	s11 =	simm.s32 $0x8C00;
	[dreg:$0x7] =	wrdreg s1;
	s1 =	sadd.s32 s6, s18  }
0x19: {  	v1 =	vor.u32 $0x400, v0;
	v2 =	vor.u32 $0x800, v0;
	v3 =	vor.u32 $0xC00, v0;
	s8 =	sadd.s32 s6, s8;
	[dreg:$0x9] =	wrdreg s1;
	s1 =	sshll.u32 s23, $0x8  }
0x1a: {  	v4 =	vor.u32 $0x1000, v0;
	v5 =	vor.u32 $0x1400, v0;
	v6 =	vor.u32 $0x1800, v0;
	s3 =	sand.u32 $0xFF8000, s24;
	s28 =	sadd.s32 s7, s8;
	s1 =	sand.u32 $0xE00, s1  }
0x1b: {  	v7 =	vor.u32 $0x1C00, v0;
	v8 =	vor.u32 $0x2000, v0;
	v9 =	vor.u32 $0x2400, v0;
	s24 =	simm.s32 $0x80;
	s7 =	simm.s32 $0x0;
	s1 =	sadd.s32 s6, s1  }
0x1c: {  	v10 =	vor.u32 $0x2800, v0;
	v11 =	vor.u32 $0x2C00, v0;
	v12 =	vor.u32 $0x3000, v0;
	[dreg:$0xf] =	wrdreg s28;
	s18 =	sadd.s32 $0x8, s4;
	s1 =	sadd.s32 s3, s1  }
0x1d: {  	v13 =	vor.u32 $0x3400, v0;
	v14 =	vor.u32 $0x3800, v0;
	v15 =	vor.u32 $0x3C00, v0;
	s23 =	simm.s32 $0x1;
	s3 =	simm.s32 $0xCC00;
	[dreg:$0xe] =	wrdreg s1  }
.LBB2_1:
0x1e: {  	[dreg:$0x11] =	wrdreg s7  }
0x1f: {  	s10 =	simm.s32 $0x0;
	s1 =	rddreg [dreg:$0x3]  }
0x20: {  	[tilespmem:s10], [sflag:$0x1] =	stream.linear.gather [hbm4b:s1+s10], $0x200, $0x38;
	[tilespmem:$0x18C00] =	vst v63  }
0x21: {  	s8 =	rddreg [dreg:$0x4];
	s9 =	simm.s32 $0x200  }
0x22: {  	[tilespmem:s9], [sflag:$0x1] =	stream.linear.gather [hbm4b:s8+s10], $0x200, $0x38;
	[tilespmem:$0x18C00] =	vst v63  }
0x23: {  	s12 =	simm.s32 $0x30;
	_ =	swait.ge [sflag:s23], $0x200  }
0x24: {  	s13 =	sand.u32 $0x100, s10;
	s1 =	sand.u32 $0x70, s12;
	[sflag:s23] =	ssyncset.done $0x0  }
0x25: {  	s1 =	sor.u32 s1, s13;
	s8 =	simm.s32 $0x10;
	[sflag:s23] =	ssyncadd.s32 $0xFFFFFE00  }
0x26: {  	s9 =	simm.s32 $0x20;
	s8 =	sand.u32 $0x50, s8;
	v16 =	vld [tilespmem:s1+$0x0]  }
0x27: {  	s9 =	sand.u32 $0x60, s9;
	s8 =	sor.u32 s8, s13;
	v17 =	vld [tilespmem:s1+$0x80]  }
0x28: {  	s9 =	sor.u32 s9, s13;
	v18 =	vld [tilespmem:s8+$0x0]  }
0x29: {  	v19 =	vld [tilespmem:s9+$0x0]  }
0x2a: {  	s14 =	sand.u32 $0x40, s10;
	v21 =	vld [tilespmem:s8+$0x80]  }
0x2b: {  	s1 =	sor.u32 s14, s13;
	v22 =	vld [tilespmem:s9+$0x80]  }
0x2c: {  	v20 =	vld [tilespmem:s1+$0x0]  }
0x2d: {  	s15 =	simm.s32 $0x70;
	v23 =	vld [tilespmem:s1+$0x80];
	s1 =	simm.s32 $0x80  }
0x2e: {  	s7 =	sand.u32 $0x70, s15;
	s16 =	sand.u32 $0x100, s1  }
0x2f: {  	s17 =	simm.s32 $0x50;
	s7 =	sor.u32 s7, s16;
	v16 =	vmul.f32 $5.000000000e-01, v16;
	v17 =	vmul.f32 $5.000000000e-01, v17  }
0x30: {  	s22 =	simm.s32 $0x60;
	s9 =	sand.u32 $0x50, s17;
	v24 =	vld [tilespmem:s7+$0x0];
	v18 =	vmul.f32 $5.000000000e-01, v18;
	v19 =	vmul.f32 $5.000000000e-01, v19  }
0x31: {  	s10 =	sand.u32 $0x60, s22;
	s9 =	sor.u32 s9, s16;
	v25 =	vld [tilespmem:s7+$0x80];
	v21 =	vmul.f32 $5.000000000e-01, v21;
	v22 =	vmul.f32 $5.000000000e-01, v22;
	v16 =	vadd.f32 $5.000000000e-01, v16  }
0x32: {  	s12 =	simm.s32 $0x40;
	s10 =	sor.u32 s10, s16;
	v28 =	vld [tilespmem:s9+$0x80];
	v20 =	vmul.f32 $5.000000000e-01, v20;
	v17 =	vadd.f32 $5.000000000e-01, v17;
	v18 =	vadd.f32 $5.000000000e-01, v18  }
0x33: {  	s28 =	sand.u32 $0x40, s12;
	v29 =	vld [tilespmem:s10+$0x80];
	v23 =	vmul.f32 $5.000000000e-01, v23;
	v19 =	vadd.f32 $5.000000000e-01, v19;
	v21 =	vadd.f32 $5.000000000e-01, v21  }
0x34: {  	s7 =	sor.u32 s28, s16;
	v22 =	vadd.f32 $5.000000000e-01, v22;
	v16 =	vmul.f32 $5.120000000e+02, v16;
	v17 =	vmul.f32 $5.120000000e+02, v17  }
0x35: {  	v27 =	vld [tilespmem:s7+$0x0];
	v18 =	vmul.f32 $5.120000000e+02, v18;
	v19 =	vmul.f32 $5.120000000e+02, v19  }
0x36: {  	v20 =	vadd.f32 $5.000000000e-01, v20;
	v21 =	vmul.f32 $5.120000000e+02, v21;
	v22 =	vmul.f32 $5.120000000e+02, v22  }
0x37: {  	v23 =	vadd.f32 $5.000000000e-01, v23;
	v24 =	vmul.f32 $5.000000000e-01, v24;
	v25 =	vmul.f32 $5.000000000e-01, v25  }
0x38: {  	v62 =	vmul.f32 $5.000000000e-01, v28;
	v63 =	vmul.f32 $5.000000000e-01, v29  }
0x39: {  	v20 =	vmul.f32 $5.120000000e+02, v20;
	v23 =	vmul.f32 $5.120000000e+02, v23  }
0x3a: {  	v61 =	vmul.f32 $5.000000000e-01, v27;
	v16 =	vclamp.gez.f32 v16, $5.110000000e+02  }
0x3b: {  	v17 =	vclamp.gez.f32 v17, $5.110000000e+02;
	v18 =	vclamp.gez.f32 v18, $5.110000000e+02  }
0x3c: {  	v19 =	vclamp.gez.f32 v19, $5.110000000e+02;
	v21 =	vclamp.gez.f32 v21, $5.110000000e+02  }
0x3d: {  	v22 =	vclamp.gez.f32 v22, $5.110000000e+02;
	v16 =	vtrunc.f32 v16  }
0x3e: {  	v17 =	vtrunc.f32 v17;
	v20 =	vclamp.gez.f32 v20, $5.110000000e+02  }
0x3f: {  	v18 =	vtrunc.f32 v18;
	v19 =	vtrunc.f32 v19  }
0x40: {  	v23 =	vclamp.gez.f32 v23, $5.110000000e+02;
	v21 =	vtrunc.f32 v21  }
0x41: {  	v24 =	vadd.f32 $5.000000000e-01, v24;
	v22 =	vtrunc.f32 v22;
	v16 =	vcvt.f32.s32 v16  }
0x42: {  	v25 =	vadd.f32 $5.000000000e-01, v25;
	v17 =	vcvt.f32.s32 v17;
	v20 =	vtrunc.f32 v20  }
0x43: {  	v27 =	vadd.f32 $5.000000000e-01, v62;
	v18 =	vcvt.f32.s32 v18;
	v19 =	vcvt.f32.s32 v19  }
0x44: {  	v26 =	vld [tilespmem:s9+$0x0];
	v28 =	vadd.f32 $5.000000000e-01, v63;
	v23 =	vtrunc.f32 v23;
	v21 =	vcvt.f32.s32 v21  }
0x45: {  	v24 =	vmul.f32 $5.120000000e+02, v24;
	v25 =	vmul.f32 $5.120000000e+02, v25;
	v16 =	vshll.u32 v16, $0x9  }
0x46: {  	v20 =	vcvt.f32.s32 v20;
	v18 =	vshll.u32 v18, $0x9;
	v16 =	vadd.s32 v17, v16;
	v17 =	vld [tilespmem:s10+$0x0]  }
0x47: {  	v23 =	vcvt.f32.s32 v23;
	v24 =	vclamp.gez.f32 v24, $5.110000000e+02;
	v18 =	vadd.s32 v21, v18;
	v21 =	vld [tilespmem:s7+$0x80]  }
0x48: {  	v25 =	vclamp.gez.f32 v25, $5.110000000e+02;
	v30 =	vshll.u32 v20, $0x9;
	v20 =	vcvt.f32.s32 v22  }
0x49: {  	v19 =	vshll.u32 v19, $0x9;
	v22 =	vmul.f32 $5.000000000e-01, v26;
	v24 =	vtrunc.f32 v24  }
0x4a: {  	s9 =	simm.s32 $0x820;
	v26 =	vadd.f32 $5.000000000e-01, v61;
	v25 =	vtrunc.f32 v25;
	v24 =	vcvt.f32.s32 v24  }
0x4b: {  	[tilespmem:s9+$0x10] =	vst v16;
	v22 =	vadd.f32 $5.000000000e-01, v22;
	v20 =	vadd.s32 v20, v19;
	v17 =	vmul.f32 $5.000000000e-01, v17  }
0x4c: {  	[tilespmem:s9+$0xFFFFFFF0] =	vst v18;
	v18 =	vshll.u32 v24, $0x9;
	v16 =	vmul.f32 $5.000000000e-01, v21;
	v21 =	vcvt.f32.s32 v25  }
0x4d: {  	[tilespmem:s9+$0x0] =	vst v20;
	v20 =	vmul.f32 $5.120000000e+02, v26;
	v19 =	vmul.f32 $5.120000000e+02, v22;
	v17 =	vadd.f32 $5.000000000e-01, v17  }
0x4e: {  	s8 =	simm.s32 $0x860;
	v22 =	vadd.f32 $5.000000000e-01, v16;
	v21 =	vadd.s32 v21, v18;
	v18 =	vmul.f32 $5.120000000e+02, v27  }
0x4f: {  	s7 =	simm.s32 $0x4;
	s10 =	simm.s32 $0x80;
	v16 =	vmul.f32 $5.120000000e+02, v28;
	[tilespmem:s8+$0x10] =	vst v21;
	v21 =	vadd.s32 v23, v30;
	v17 =	vmul.f32 $5.120000000e+02, v17  }
.LBB2_2:
0x50: {  	s12 =	sadd.s32 $0x30, s10;
	s7 =	sadd.s32 $0x4, s7;
	v22 =	vmul.f32 $5.120000000e+02, v22;
	v19 =	vclamp.gez.f32 v19, $5.110000000e+02;
	s1 =	sadd.s32 $0x80, s1;
	[tilespmem:s9+$0xFFFFFFE0] =	vst v21  }
0x51: {  	v20 =	vclamp.gez.f32 v20, $5.110000000e+02;
	v17 =	vclamp.gez.f32 v17, $5.110000000e+02;
	s9 =	sand.u32 $0x100, s1;
	s12 =	sand.u32 $0x70, s12;
	p0 =	slt.u32 s7, $0xC  }
0x52: {  	s13 =	sadd.s32 $0x10, s10;
	s14 =	sadd.s32 $0x20, s10;
	v19 =	vtrunc.f32 v19;
	v17 =	vtrunc.f32 v17;
	s12 =	sor.u32 s12, s9  }
0x53: {  	s15 =	sand.u32 $0x40, s10;
	s13 =	sand.u32 $0x50, s13;
	s14 =	sand.u32 $0x60, s14;
	v20 =	vtrunc.f32 v20;
	v18 =	vclamp.gez.f32 v18, $5.110000000e+02;
	v21 =	vld [tilespmem:s12+$0x0]  }
0x54: {  	v16 =	vclamp.gez.f32 v16, $5.110000000e+02;
	s15 =	sor.u32 s15, s9;
	s13 =	sor.u32 s13, s9;
	s14 =	sor.u32 s14, s9;
	v22 =	vclamp.gez.f32 v22, $5.110000000e+02;
	v23 =	vld [tilespmem:s12+$0x80]  }
0x55: {  	v19 =	vcvt.f32.s32 v19;
	v17 =	vcvt.f32.s32 v17;
	s9 =	smov.u32 s8;
	v24 =	vld [tilespmem:s13+$0x0]  }
0x56: {  	v20 =	vcvt.f32.s32 v20;
	v18 =	vtrunc.f32 v18;
	v25 =	vld [tilespmem:s14+$0x0]  }
0x57: {  	v16 =	vtrunc.f32 v16;
	v22 =	vtrunc.f32 v22;
	v19 =	vshll.u32 v19, $0x9;
	v26 =	vld [tilespmem:s15+$0x0]  }
0x58: {  	v18 =	vcvt.f32.s32 v18;
	v17 =	vshll.u32 v17, $0x9;
	v27 =	vld [tilespmem:s13+$0x80];
	v21 =	vmul.f32 $5.000000000e-01, v21  }
0x59: {  	v16 =	vcvt.f32.s32 v16;
	v29 =	vshll.u32 v20, $0x9;
	v28 =	vld [tilespmem:s14+$0x80];
	v23 =	vmul.f32 $5.000000000e-01, v23  }
0x5a: {  	v30 =	vcvt.f32.s32 v22;
	v20 =	vld [tilespmem:s15+$0x80];
	v24 =	vmul.f32 $5.000000000e-01, v24;
	v21 =	vadd.f32 $5.000000000e-01, v21  }
0x5b: {  	v18 =	vadd.s32 v18, v19;
	v22 =	vmul.f32 $5.000000000e-01, v25;
	v23 =	vadd.f32 $5.000000000e-01, v23  }
0x5c: {  	v19 =	vmul.f32 $5.000000000e-01, v26;
	v24 =	vadd.f32 $5.000000000e-01, v24;
	v21 =	vmul.f32 $5.120000000e+02, v21;
	[tilespmem:s8+$0xFFFFFFF0] =	vst v18  }
0x5d: {  	v18 =	vmul.f32 $5.000000000e-01, v27;
	v22 =	vadd.f32 $5.000000000e-01, v22;
	v23 =	vmul.f32 $5.120000000e+02, v23  }
0x5e: {  	v25 =	vadd.f32 $5.000000000e-01, v19;
	v19 =	vmul.f32 $5.000000000e-01, v28;
	v21 =	vclamp.gez.f32 v21, $5.110000000e+02  }
0x5f: {  	v18 =	vadd.f32 $5.000000000e-01, v18;
	v21 =	vtrunc.f32 v21;
	v23 =	vclamp.gez.f32 v23, $5.110000000e+02  }
.Ltmp0:
0x60: {  	v26 =	vadd.f32 $5.000000000e-01, v19;
	v21 =	vcvt.f32.s32 v21;
	v19 =	vtrunc.f32 v23;
	(pc) =	sbr.rel @p0 .LBB2_2-.Ltmp0, $4  }
0x61: {  	v16 =	vadd.s32 v16, v17;
	v23 =	vmul.f32 $5.000000000e-01, v20;
	v27 =	vcvt.f32.s32 v19  }
0x62: {  	v17 =	vmul.f32 $5.120000000e+02, v22;
	v19 =	vmul.f32 $5.120000000e+02, v24;
	v21 =	vshll.u32 v21, $0x9;
	[tilespmem:s8+$0x0] =	vst v16  }
0x63: {  	v20 =	vmul.f32 $5.120000000e+02, v25;
	v22 =	vadd.f32 $5.000000000e-01, v23;
	s8 =	sadd.s32 $0x40, s8;
	v21 =	vadd.s32 v27, v21  }
0x64: {  	s10 =	sadd.s32 $0x40, s10;
	v18 =	vmul.f32 $5.120000000e+02, v18;
	v16 =	vmul.f32 $5.120000000e+02, v26;
	[tilespmem:s8+$0x10] =	vst v21;
	v21 =	vadd.s32 v30, v29  }
0x65: {  	v22 =	vmul.f32 $5.120000000e+02, v22;
	v19 =	vclamp.gez.f32 v19, $5.110000000e+02  }
0x66: {  	v20 =	vclamp.gez.f32 v20, $5.110000000e+02;
	v17 =	vclamp.gez.f32 v17, $5.110000000e+02  }
0x67: {  	v19 =	vtrunc.f32 v19;
	v17 =	vtrunc.f32 v17  }
0x68: {  	v20 =	vtrunc.f32 v20;
	v18 =	vclamp.gez.f32 v18, $5.110000000e+02  }
0x69: {  	v16 =	vclamp.gez.f32 v16, $5.110000000e+02;
	v22 =	vclamp.gez.f32 v22, $5.110000000e+02  }
0x6a: {  	v19 =	vcvt.f32.s32 v19;
	v17 =	vcvt.f32.s32 v17  }
0x6b: {  	v20 =	vcvt.f32.s32 v20;
	v18 =	vtrunc.f32 v18  }
0x6c: {  	v16 =	vtrunc.f32 v16;
	v18 =	vcvt.f32.s32 v18  }
0x6d: {  	v22 =	vtrunc.f32 v22;
	v16 =	vcvt.f32.s32 v16;
	v19 =	vshll.u32 v19, $0x9  }
0x6e: {  	[tilespmem:s9+$0xFFFFFFE0] =	vst v21;
	v17 =	vshll.u32 v17, $0x9;
	v21 =	vcvt.f32.s32 v22;
	v18 =	vadd.s32 v18, v19  }
0x6f: {  	v19 =	vshll.u32 v20, $0x9;
	v16 =	vadd.s32 v16, v17;
	[tilespmem:s8+$0xFFFFFFF0] =	vst v18  }
0x70: {  	[tilespmem:s8+$0x0] =	vst v16;
	v16 =	vadd.s32 v21, v19  }
0x71: {  	[tilespmem:s8+$0xFFFFFFE0] =	vst v16  }
0x72: {  	[tilespmem:s26], [sflag:$0x2] =	stream.indirect.gather [hbm4b:s5+s24], $0x40, s25, s24, $0xb8;
	[tilespmem:$0x18C00] =	vst v63  }
0x73: {  	s1 =	simm.s32 $0x880;
	s7 =	simm.s32 $0x2C00  }
0x74: {  	[tilespmem:s7], [sflag:$0x2] =	stream.indirect.gather [hbm4b:s5+s24], $0x40, s1, s24, $0xb8;
	[tilespmem:$0x18C00] =	vst v63  }
0x75: {  	s17 =	simm.s32 $0x0;
	s28 =	simm.s32 $0x400;
	s22 =	rddreg [dreg:$0x5]  }
0x76: {  	[tilespmem:s28], [sflag:$0x1] =	stream.linear.gather [hbm4b:s22+s17], $0x200, $0x38;
	[tilespmem:$0x18C00] =	vst v63  }
0x77: {  	s10 =	simm.s32 $0x30;
	s9 =	sand.u32 $0x100, s17;
	_ =	swait.ge [sflag:s23], $0x200  }
0x78: {  	s8 =	sand.u32 $0x70, s10;
	s7 =	sor.u32 $0x200, s9;
	[sflag:s23] =	ssyncset.done $0x0  }
0x79: {  	s8 =	sor.u32 s8, s7;
	[sflag:s23] =	ssyncadd.s32 $0xFFFFFE00  }
0x7a: {  	s12 =	simm.s32 $0x10;
	s1 =	sand.u32 $0x40, s17;
	v16 =	vld [tilespmem:s8+$0x0]  }
0x7b: {  	s10 =	simm.s32 $0x20;
	s9 =	sand.u32 $0x50, s12;
	s1 =	sor.u32 s1, s7;
	v17 =	vld [tilespmem:s8+$0x80]  }
0x7c: {  	s13 =	sand.u32 $0x60, s10;
	s9 =	sor.u32 s9, s7;
	v18 =	vld [tilespmem:s1+$0x0]  }
0x7d: {  	s7 =	sor.u32 s13, s7;
	v19 =	vld [tilespmem:s9+$0x0]  }
0x7e: {  	s14 =	simm.s32 $0x80;
	v20 =	vld [tilespmem:s7+$0x0]  }
0x7f: {  	s15 =	simm.s32 $0x70;
	v21 =	vld [tilespmem:s1+$0x80];
	s1 =	sand.u32 $0x100, s14  }
0x80: {  	s16 =	simm.s32 $0x40;
	v23 =	vld [tilespmem:s7+$0x80];
	s7 =	sand.u32 $0x70, s15;
	s1 =	sor.u32 $0x200, s1  }
0x81: {  	s17 =	simm.s32 $0x50;
	s22 =	simm.s32 $0x60;
	v22 =	vld [tilespmem:s9+$0x80];
	s7 =	sor.u32 s7, s1  }
0x82: {  	s28 =	sand.u32 $0x60, s22;
	s8 =	sand.u32 $0x40, s16;
	s9 =	sand.u32 $0x50, s17;
	v24 =	vld [tilespmem:s7+$0x0]  }
0x83: {  	s8 =	sor.u32 s8, s1;
	s9 =	sor.u32 s9, s1;
	s1 =	sor.u32 s28, s1;
	v25 =	vld [tilespmem:s7+$0x80]  }
0x84: {  	v27 =	vld [tilespmem:s1+$0x0];
	v16 =	vmul.f32 $5.000000000e-01, v16  }
0x85: {  	v28 =	vld [tilespmem:s8+$0x80];
	v17 =	vmul.f32 $5.000000000e-01, v17;
	v18 =	vmul.f32 $5.000000000e-01, v18  }
0x86: {  	v29 =	vld [tilespmem:s9+$0x80];
	v19 =	vmul.f32 $5.000000000e-01, v19;
	v20 =	vmul.f32 $5.000000000e-01, v20  }
0x87: {  	v21 =	vmul.f32 $5.000000000e-01, v21;
	v22 =	vmul.f32 $5.000000000e-01, v22  }
0x88: {  	v23 =	vmul.f32 $5.000000000e-01, v23;
	v16 =	vadd.f32 $5.000000000e-01, v16;
	v17 =	vadd.f32 $5.000000000e-01, v17  }
0x89: {  	v18 =	vadd.f32 $5.000000000e-01, v18;
	v19 =	vadd.f32 $5.000000000e-01, v19;
	v24 =	vmul.f32 $5.000000000e-01, v24  }
0x8a: {  	v20 =	vadd.f32 $5.000000000e-01, v20;
	v25 =	vmul.f32 $5.000000000e-01, v25;
	v61 =	vmul.f32 $5.000000000e-01, v27  }
0x8b: {  	v21 =	vadd.f32 $5.000000000e-01, v21;
	v62 =	vmul.f32 $5.000000000e-01, v28;
	v63 =	vmul.f32 $5.000000000e-01, v29  }
0x8c: {  	v22 =	vadd.f32 $5.000000000e-01, v22;
	v16 =	vmul.f32 $5.120000000e+02, v16;
	v17 =	vmul.f32 $5.120000000e+02, v17  }
0x8d: {  	v23 =	vadd.f32 $5.000000000e-01, v23;
	v18 =	vmul.f32 $5.120000000e+02, v18;
	v19 =	vmul.f32 $5.120000000e+02, v19  }
0x8e: {  	v20 =	vmul.f32 $5.120000000e+02, v20;
	v21 =	vmul.f32 $5.120000000e+02, v21  }
0x8f: {  	v22 =	vmul.f32 $5.120000000e+02, v22;
	v23 =	vmul.f32 $5.120000000e+02, v23  }
0x90: {  	v16 =	vclamp.gez.f32 v16, $5.110000000e+02;
	v17 =	vclamp.gez.f32 v17, $5.110000000e+02  }
0x91: {  	v18 =	vclamp.gez.f32 v18, $5.110000000e+02;
	v19 =	vclamp.gez.f32 v19, $5.110000000e+02  }
0x92: {  	v20 =	vclamp.gez.f32 v20, $5.110000000e+02;
	v21 =	vclamp.gez.f32 v21, $5.110000000e+02  }
0x93: {  	v22 =	vclamp.gez.f32 v22, $5.110000000e+02;
	v23 =	vclamp.gez.f32 v23, $5.110000000e+02  }
0x94: {  	v16 =	vtrunc.f32 v16;
	v17 =	vtrunc.f32 v17  }
0x95: {  	v24 =	vadd.f32 $5.000000000e-01, v24;
	v18 =	vtrunc.f32 v18;
	v19 =	vtrunc.f32 v19  }
0x96: {  	v25 =	vadd.f32 $5.000000000e-01, v25;
	v20 =	vtrunc.f32 v20;
	v21 =	vtrunc.f32 v21  }
0x97: {  	v22 =	vtrunc.f32 v22;
	v23 =	vtrunc.f32 v23  }
0x98: {  	v24 =	vmul.f32 $5.120000000e+02, v24;
	v25 =	vmul.f32 $5.120000000e+02, v25  }
0x99: {  	v16 =	vcvt.f32.s32 v16;
	v17 =	vcvt.f32.s32 v17  }
0x9a: {  	v26 =	vld [tilespmem:s8+$0x0];
	v27 =	vadd.f32 $5.000000000e-01, v62;
	v18 =	vcvt.f32.s32 v18;
	v19 =	vcvt.f32.s32 v19  }
0x9b: {  	v20 =	vcvt.f32.s32 v20;
	v21 =	vcvt.f32.s32 v21;
	v16 =	vshll.u32 v16, $0x9  }
0x9c: {  	v22 =	vcvt.f32.s32 v22;
	v18 =	vshll.u32 v18, $0x9;
	v16 =	vadd.s32 v17, v16;
	v17 =	vld [tilespmem:s9+$0x0]  }
0x9d: {  	v23 =	vcvt.f32.s32 v23;
	v24 =	vclamp.gez.f32 v24, $5.110000000e+02;
	v18 =	vadd.s32 v21, v18;
	v21 =	vld [tilespmem:s1+$0x80]  }
0x9e: {  	v25 =	vclamp.gez.f32 v25, $5.110000000e+02;
	v19 =	vshll.u32 v19, $0x9;
	v30 =	vshll.u32 v20, $0x9  }
0x9f: {  	v20 =	vmul.f32 $5.000000000e-01, v26;
	v26 =	vadd.f32 $5.000000000e-01, v61;
	v24 =	vtrunc.f32 v24  }
0xa0: {  	s8 =	simm.s32 $0x920;
	v25 =	vtrunc.f32 v25;
	v24 =	vcvt.f32.s32 v24;
	v19 =	vadd.s32 v22, v19  }
0xa1: {  	v20 =	vadd.f32 $5.000000000e-01, v20;
	[tilespmem:s8+$0xFFFFFFF0] =	vst v19;
	v19 =	vmul.f32 $5.120000000e+02, v26;
	v17 =	vmul.f32 $5.000000000e-01, v17  }
0xa2: {  	v28 =	vadd.f32 $5.000000000e-01, v63;
	[tilespmem:s8+$0x10] =	vst v16;
	v16 =	vmul.f32 $5.000000000e-01, v21;
	v21 =	vcvt.f32.s32 v25  }
0xa3: {  	[tilespmem:s8+$0xFFFFFFE0] =	vst v18;
	v18 =	vshll.u32 v24, $0x9;
	v20 =	vmul.f32 $5.120000000e+02, v20;
	v17 =	vadd.f32 $5.000000000e-01, v17  }
0xa4: {  	s1 =	simm.s32 $0x960;
	v22 =	vadd.f32 $5.000000000e-01, v16;
	v21 =	vadd.s32 v21, v18;
	v18 =	vmul.f32 $5.120000000e+02, v27  }
0xa5: {  	s10 =	simm.s32 $0x100;
	s7 =	simm.s32 $0x80;
	s9 =	simm.s32 $0x4;
	v16 =	vmul.f32 $5.120000000e+02, v28;
	[tilespmem:s1+$0x10] =	vst v21;
	v21 =	vadd.s32 v23, v30;
	v17 =	vmul.f32 $5.120000000e+02, v17  }
.LBB2_4:
0xa6: {  	s12 =	sand.u32 $0x100, s10;
	s13 =	sadd.s32 $0x30, s7;
	s9 =	sadd.s32 $0x4, s9;
	v20 =	vclamp.gez.f32 v20, $5.110000000e+02;
	v22 =	vmul.f32 $5.120000000e+02, v22;
	[tilespmem:s8+$0x0] =	vst v21  }
0xa7: {  	v17 =	vclamp.gez.f32 v17, $5.110000000e+02;
	v19 =	vclamp.gez.f32 v19, $5.110000000e+02;
	s8 =	sor.u32 $0x200, s12;
	s12 =	sand.u32 $0x70, s13;
	p0 =	slt.u32 s9, $0xC  }
0xa8: {  	s14 =	sadd.s32 $0x20, s7;
	s13 =	sadd.s32 $0x10, s7;
	v20 =	vtrunc.f32 v20;
	v17 =	vtrunc.f32 v17;
	s12 =	sor.u32 s12, s8  }
0xa9: {  	s15 =	sand.u32 $0x40, s7;
	s14 =	sand.u32 $0x60, s14;
	v18 =	vclamp.gez.f32 v18, $5.110000000e+02;
	v19 =	vtrunc.f32 v19;
	s13 =	sand.u32 $0x50, s13;
	v21 =	vld [tilespmem:s12+$0x0]  }
0xaa: {  	v16 =	vclamp.gez.f32 v16, $5.110000000e+02;
	s15 =	sor.u32 s15, s8;
	s14 =	sor.u32 s14, s8;
	v22 =	vclamp.gez.f32 v22, $5.110000000e+02;
	s13 =	sor.u32 s13, s8;
	v23 =	vld [tilespmem:s12+$0x80]  }
0xab: {  	v20 =	vcvt.f32.s32 v20;
	v17 =	vcvt.f32.s32 v17;
	s8 =	smov.u32 s1;
	v24 =	vld [tilespmem:s15+$0x0]  }
0xac: {  	v18 =	vtrunc.f32 v18;
	v19 =	vcvt.f32.s32 v19;
	v25 =	vld [tilespmem:s13+$0x0]  }
0xad: {  	v16 =	vtrunc.f32 v16;
	v22 =	vtrunc.f32 v22;
	v20 =	vshll.u32 v20, $0x9;
	v26 =	vld [tilespmem:s14+$0x0]  }
0xae: {  	v18 =	vcvt.f32.s32 v18;
	v17 =	vshll.u32 v17, $0x9;
	v27 =	vld [tilespmem:s15+$0x80];
	v21 =	vmul.f32 $5.000000000e-01, v21  }
0xaf: {  	v16 =	vcvt.f32.s32 v16;
	v29 =	vshll.u32 v19, $0x9;
	v28 =	vld [tilespmem:s13+$0x80];
	v23 =	vmul.f32 $5.000000000e-01, v23  }
0xb0: {  	v30 =	vcvt.f32.s32 v22;
	v19 =	vmul.f32 $5.000000000e-01, v24;
	v24 =	vld [tilespmem:s14+$0x80];
	v21 =	vadd.f32 $5.000000000e-01, v21  }
0xb1: {  	v18 =	vadd.s32 v18, v20;
	v22 =	vmul.f32 $5.000000000e-01, v25;
	v23 =	vadd.f32 $5.000000000e-01, v23  }
0xb2: {  	v19 =	vadd.f32 $5.000000000e-01, v19;
	v20 =	vmul.f32 $5.000000000e-01, v26;
	v21 =	vmul.f32 $5.120000000e+02, v21;
	[tilespmem:s1+$0xFFFFFFE0] =	vst v18  }
0xb3: {  	v18 =	vmul.f32 $5.000000000e-01, v27;
	v22 =	vadd.f32 $5.000000000e-01, v22;
	v23 =	vmul.f32 $5.120000000e+02, v23  }
0xb4: {  	v25 =	vmul.f32 $5.000000000e-01, v28;
	v26 =	vadd.f32 $5.000000000e-01, v20;
	v20 =	vclamp.gez.f32 v21, $5.110000000e+02  }
0xb5: {  	v18 =	vadd.f32 $5.000000000e-01, v18;
	v20 =	vtrunc.f32 v20;
	v21 =	vclamp.gez.f32 v23, $5.110000000e+02  }
.Ltmp1:
0xb6: {  	v23 =	vadd.f32 $5.000000000e-01, v25;
	v25 =	vcvt.f32.s32 v20;
	v20 =	vtrunc.f32 v21;
	(pc) =	sbr.rel @p0 .LBB2_4-.Ltmp1, $4  }
0xb7: {  	v16 =	vadd.s32 v16, v17;
	v21 =	vmul.f32 $5.000000000e-01, v24;
	v24 =	vcvt.f32.s32 v20  }
0xb8: {  	v17 =	vmul.f32 $5.120000000e+02, v22;
	v20 =	vmul.f32 $5.120000000e+02, v19;
	v25 =	vshll.u32 v25, $0x9;
	[tilespmem:s1+$0xFFFFFFF0] =	vst v16  }
0xb9: {  	v19 =	vmul.f32 $5.120000000e+02, v26;
	v22 =	vadd.f32 $5.000000000e-01, v21;
	s1 =	sadd.s32 $0x40, s1;
	v21 =	vadd.s32 v24, v25  }
0xba: {  	s10 =	sadd.s32 $0x80, s10;
	s7 =	sadd.s32 $0x40, s7;
	v18 =	vmul.f32 $5.120000000e+02, v18;
	v16 =	vmul.f32 $5.120000000e+02, v23;
	[tilespmem:s1+$0x10] =	vst v21;
	v21 =	vadd.s32 v30, v29  }
0xbb: {  	v20 =	vclamp.gez.f32 v20, $5.110000000e+02;
	v22 =	vmul.f32 $5.120000000e+02, v22  }
0xbc: {  	v17 =	vclamp.gez.f32 v17, $5.110000000e+02;
	v19 =	vclamp.gez.f32 v19, $5.110000000e+02  }
0xbd: {  	v20 =	vtrunc.f32 v20;
	v17 =	vtrunc.f32 v17  }
0xbe: {  	v18 =	vclamp.gez.f32 v18, $5.110000000e+02;
	v19 =	vtrunc.f32 v19  }
0xbf: {  	v16 =	vclamp.gez.f32 v16, $5.110000000e+02;
	v22 =	vclamp.gez.f32 v22, $5.110000000e+02  }
0xc0: {  	v20 =	vcvt.f32.s32 v20;
	v17 =	vcvt.f32.s32 v17  }
0xc1: {  	v18 =	vtrunc.f32 v18;
	v19 =	vcvt.f32.s32 v19  }
0xc2: {  	v16 =	vtrunc.f32 v16;
	v18 =	vcvt.f32.s32 v18  }
0xc3: {  	v22 =	vtrunc.f32 v22;
	v16 =	vcvt.f32.s32 v16;
	v20 =	vshll.u32 v20, $0x9  }
0xc4: {  	[tilespmem:s8+$0x0] =	vst v21;
	v17 =	vshll.u32 v17, $0x9;
	v21 =	vcvt.f32.s32 v22;
	v18 =	vadd.s32 v18, v20  }
0xc5: {  	v19 =	vshll.u32 v19, $0x9;
	v16 =	vadd.s32 v16, v17;
	[tilespmem:s1+$0xFFFFFFE0] =	vst v18  }
0xc6: {  	[tilespmem:s1+$0xFFFFFFF0] =	vst v16;
	v16 =	vadd.s32 v21, v19  }
0xc7: {  	s17 =	simm.s32 $0x900;
	[tilespmem:s1+$0x0] =	vst v16  }
0xc8: {  	[tilespmem:s0], [sflag:$0x2] =	stream.indirect.gather [hbm4b:s5+s24], $0x40, s17, s24, $0xb8;
	[tilespmem:$0x18C00] =	vst v63  }
0xc9: {  	s22 =	simm.s32 $0x980;
	s7 =	simm.s32 $0x6C00  }
0xca: {  	[tilespmem:s7], [sflag:$0x2] =	stream.indirect.gather [hbm4b:s5+s24], $0x40, s22, s24, $0xb8;
	[tilespmem:$0x18C00] =	vst v63  }
0xcb: {  	s28 =	simm.s32 $0x0;
	s9 =	simm.s32 $0x600;
	s8 =	rddreg [dreg:$0x6]  }
0xcc: {  	[tilespmem:s9], [sflag:$0x1] =	stream.linear.gather [hbm4b:s8+s28], $0x200, $0x38;
	[tilespmem:$0x18C00] =	vst v63  }
0xcd: {  	s12 =	simm.s32 $0x30;
	s10 =	sand.u32 $0x100, s28;
	_ =	swait.ge [sflag:s23], $0x200  }
0xce: {  	s7 =	sor.u32 $0x400, s10;
	s8 =	sand.u32 $0x70, s12;
	[sflag:s23] =	ssyncset.done $0x0  }
0xcf: {  	s8 =	sor.u32 s8, s7;
	[sflag:s23] =	ssyncadd.s32 $0xFFFFFE00  }
0xd0: {  	s1 =	sand.u32 $0x40, s28;
	s9 =	simm.s32 $0x10;
	v16 =	vld [tilespmem:s8+$0x0]  }
0xd1: {  	s10 =	simm.s32 $0x20;
	s1 =	sor.u32 s1, s7;
	s9 =	sand.u32 $0x50, s9;
	v17 =	vld [tilespmem:s8+$0x80]  }
0xd2: {  	s13 =	sand.u32 $0x60, s10;
	s9 =	sor.u32 s9, s7;
	v18 =	vld [tilespmem:s1+$0x0]  }
0xd3: {  	s7 =	sor.u32 s13, s7;
	v19 =	vld [tilespmem:s9+$0x0]  }
0xd4: {  	s14 =	simm.s32 $0x80;
	v20 =	vld [tilespmem:s7+$0x0]  }
0xd5: {  	s15 =	simm.s32 $0x70;
	v21 =	vld [tilespmem:s1+$0x80];
	s1 =	sand.u32 $0x100, s14  }
0xd6: {  	s16 =	simm.s32 $0x40;
	v23 =	vld [tilespmem:s7+$0x80];
	s7 =	sand.u32 $0x70, s15;
	s1 =	sor.u32 $0x400, s1  }
0xd7: {  	s17 =	simm.s32 $0x50;
	s22 =	simm.s32 $0x60;
	v22 =	vld [tilespmem:s9+$0x80];
	s7 =	sor.u32 s7, s1  }
0xd8: {  	s28 =	sand.u32 $0x60, s22;
	s8 =	sand.u32 $0x40, s16;
	s9 =	sand.u32 $0x50, s17;
	v24 =	vld [tilespmem:s7+$0x0]  }
0xd9: {  	s8 =	sor.u32 s8, s1;
	s9 =	sor.u32 s9, s1;
	s1 =	sor.u32 s28, s1;
	v25 =	vld [tilespmem:s7+$0x80]  }
0xda: {  	v27 =	vld [tilespmem:s1+$0x0];
	v16 =	vmul.f32 $5.000000000e-01, v16  }
0xdb: {  	v28 =	vld [tilespmem:s8+$0x80];
	v17 =	vmul.f32 $5.000000000e-01, v17;
	v18 =	vmul.f32 $5.000000000e-01, v18  }
0xdc: {  	v29 =	vld [tilespmem:s9+$0x80];
	v19 =	vmul.f32 $5.000000000e-01, v19;
	v20 =	vmul.f32 $5.000000000e-01, v20  }
0xdd: {  	v21 =	vmul.f32 $5.000000000e-01, v21;
	v22 =	vmul.f32 $5.000000000e-01, v22  }
0xde: {  	v23 =	vmul.f32 $5.000000000e-01, v23;
	v16 =	vadd.f32 $5.000000000e-01, v16;
	v17 =	vadd.f32 $5.000000000e-01, v17  }
0xdf: {  	v18 =	vadd.f32 $5.000000000e-01, v18;
	v19 =	vadd.f32 $5.000000000e-01, v19;
	v24 =	vmul.f32 $5.000000000e-01, v24  }
0xe0: {  	v20 =	vadd.f32 $5.000000000e-01, v20;
	v25 =	vmul.f32 $5.000000000e-01, v25;
	v61 =	vmul.f32 $5.000000000e-01, v27  }
0xe1: {  	v21 =	vadd.f32 $5.000000000e-01, v21;
	v62 =	vmul.f32 $5.000000000e-01, v28;
	v63 =	vmul.f32 $5.000000000e-01, v29  }
0xe2: {  	v22 =	vadd.f32 $5.000000000e-01, v22;
	v16 =	vmul.f32 $5.120000000e+02, v16;
	v17 =	vmul.f32 $5.120000000e+02, v17  }
0xe3: {  	v23 =	vadd.f32 $5.000000000e-01, v23;
	v18 =	vmul.f32 $5.120000000e+02, v18;
	v19 =	vmul.f32 $5.120000000e+02, v19  }
0xe4: {  	v20 =	vmul.f32 $5.120000000e+02, v20;
	v21 =	vmul.f32 $5.120000000e+02, v21  }
0xe5: {  	v22 =	vmul.f32 $5.120000000e+02, v22;
	v23 =	vmul.f32 $5.120000000e+02, v23  }
0xe6: {  	v16 =	vclamp.gez.f32 v16, $5.110000000e+02;
	v17 =	vclamp.gez.f32 v17, $5.110000000e+02  }
0xe7: {  	v18 =	vclamp.gez.f32 v18, $5.110000000e+02;
	v19 =	vclamp.gez.f32 v19, $5.110000000e+02  }
0xe8: {  	v20 =	vclamp.gez.f32 v20, $5.110000000e+02;
	v21 =	vclamp.gez.f32 v21, $5.110000000e+02  }
0xe9: {  	v22 =	vclamp.gez.f32 v22, $5.110000000e+02;
	v23 =	vclamp.gez.f32 v23, $5.110000000e+02  }
0xea: {  	v16 =	vtrunc.f32 v16;
	v17 =	vtrunc.f32 v17  }
0xeb: {  	v24 =	vadd.f32 $5.000000000e-01, v24;
	v18 =	vtrunc.f32 v18;
	v19 =	vtrunc.f32 v19  }
0xec: {  	v25 =	vadd.f32 $5.000000000e-01, v25;
	v20 =	vtrunc.f32 v20;
	v21 =	vtrunc.f32 v21  }
0xed: {  	v22 =	vtrunc.f32 v22;
	v23 =	vtrunc.f32 v23  }
0xee: {  	v24 =	vmul.f32 $5.120000000e+02, v24;
	v25 =	vmul.f32 $5.120000000e+02, v25  }
0xef: {  	v16 =	vcvt.f32.s32 v16;
	v17 =	vcvt.f32.s32 v17  }
0xf0: {  	v26 =	vld [tilespmem:s8+$0x0];
	v27 =	vadd.f32 $5.000000000e-01, v62;
	v18 =	vcvt.f32.s32 v18;
	v19 =	vcvt.f32.s32 v19  }
0xf1: {  	v20 =	vcvt.f32.s32 v20;
	v21 =	vcvt.f32.s32 v21;
	v16 =	vshll.u32 v16, $0x9  }
0xf2: {  	v22 =	vcvt.f32.s32 v22;
	v18 =	vshll.u32 v18, $0x9;
	v16 =	vadd.s32 v17, v16;
	v17 =	vld [tilespmem:s9+$0x0]  }
0xf3: {  	v23 =	vcvt.f32.s32 v23;
	v24 =	vclamp.gez.f32 v24, $5.110000000e+02;
	v18 =	vadd.s32 v21, v18;
	v21 =	vld [tilespmem:s1+$0x80]  }
0xf4: {  	v25 =	vclamp.gez.f32 v25, $5.110000000e+02;
	v19 =	vshll.u32 v19, $0x9;
	v30 =	vshll.u32 v20, $0x9  }
0xf5: {  	v20 =	vmul.f32 $5.000000000e-01, v26;
	v26 =	vadd.f32 $5.000000000e-01, v61;
	v24 =	vtrunc.f32 v24  }
0xf6: {  	s8 =	simm.s32 $0xA20;
	v25 =	vtrunc.f32 v25;
	v24 =	vcvt.f32.s32 v24;
	v19 =	vadd.s32 v22, v19  }
0xf7: {  	v20 =	vadd.f32 $5.000000000e-01, v20;
	[tilespmem:s8+$0xFFFFFFF0] =	vst v19;
	v19 =	vmul.f32 $5.120000000e+02, v26;
	v17 =	vmul.f32 $5.000000000e-01, v17  }
0xf8: {  	v28 =	vadd.f32 $5.000000000e-01, v63;
	[tilespmem:s8+$0x10] =	vst v16;
	v16 =	vmul.f32 $5.000000000e-01, v21;
	v21 =	vcvt.f32.s32 v25  }
0xf9: {  	[tilespmem:s8+$0xFFFFFFE0] =	vst v18;
	v18 =	vshll.u32 v24, $0x9;
	v20 =	vmul.f32 $5.120000000e+02, v20;
	v17 =	vadd.f32 $5.000000000e-01, v17  }
0xfa: {  	s1 =	simm.s32 $0xA60;
	v22 =	vadd.f32 $5.000000000e-01, v16;
	v21 =	vadd.s32 v21, v18;
	v18 =	vmul.f32 $5.120000000e+02, v27  }
0xfb: {  	s10 =	simm.s32 $0x100;
	s7 =	simm.s32 $0x80;
	s9 =	simm.s32 $0x4;
	v16 =	vmul.f32 $5.120000000e+02, v28;
	[tilespmem:s1+$0x10] =	vst v21;
	v21 =	vadd.s32 v23, v30;
	v17 =	vmul.f32 $5.120000000e+02, v17  }
.LBB2_6:
0xfc: {  	s12 =	sand.u32 $0x100, s10;
	s13 =	sadd.s32 $0x30, s7;
	s9 =	sadd.s32 $0x4, s9;
	v20 =	vclamp.gez.f32 v20, $5.110000000e+02;
	v22 =	vmul.f32 $5.120000000e+02, v22;
	[tilespmem:s8+$0x0] =	vst v21  }
0xfd: {  	v17 =	vclamp.gez.f32 v17, $5.110000000e+02;
	v19 =	vclamp.gez.f32 v19, $5.110000000e+02;
	s8 =	sor.u32 $0x400, s12;
	s12 =	sand.u32 $0x70, s13;
	p0 =	slt.u32 s9, $0xC  }
0xfe: {  	s14 =	sadd.s32 $0x20, s7;
	s13 =	sadd.s32 $0x10, s7;
	v20 =	vtrunc.f32 v20;
	v17 =	vtrunc.f32 v17;
	s12 =	sor.u32 s12, s8  }
0xff: {  	s15 =	sand.u32 $0x40, s7;
	s14 =	sand.u32 $0x60, s14;
	v18 =	vclamp.gez.f32 v18, $5.110000000e+02;
	v19 =	vtrunc.f32 v19;
	s13 =	sand.u32 $0x50, s13;
	v21 =	vld [tilespmem:s12+$0x0]  }
0x100: {  	v16 =	vclamp.gez.f32 v16, $5.110000000e+02;
	s15 =	sor.u32 s15, s8;
	s14 =	sor.u32 s14, s8;
	v22 =	vclamp.gez.f32 v22, $5.110000000e+02;
	s13 =	sor.u32 s13, s8;
	v23 =	vld [tilespmem:s12+$0x80]  }
0x101: {  	v20 =	vcvt.f32.s32 v20;
	v17 =	vcvt.f32.s32 v17;
	s8 =	smov.u32 s1;
	v24 =	vld [tilespmem:s15+$0x0]  }
0x102: {  	v18 =	vtrunc.f32 v18;
	v19 =	vcvt.f32.s32 v19;
	v25 =	vld [tilespmem:s13+$0x0]  }
0x103: {  	v16 =	vtrunc.f32 v16;
	v22 =	vtrunc.f32 v22;
	v20 =	vshll.u32 v20, $0x9;
	v26 =	vld [tilespmem:s14+$0x0]  }
0x104: {  	v18 =	vcvt.f32.s32 v18;
	v17 =	vshll.u32 v17, $0x9;
	v27 =	vld [tilespmem:s15+$0x80];
	v21 =	vmul.f32 $5.000000000e-01, v21  }
0x105: {  	v16 =	vcvt.f32.s32 v16;
	v29 =	vshll.u32 v19, $0x9;
	v28 =	vld [tilespmem:s13+$0x80];
	v23 =	vmul.f32 $5.000000000e-01, v23  }
0x106: {  	v30 =	vcvt.f32.s32 v22;
	v19 =	vmul.f32 $5.000000000e-01, v24;
	v24 =	vld [tilespmem:s14+$0x80];
	v21 =	vadd.f32 $5.000000000e-01, v21  }
0x107: {  	v18 =	vadd.s32 v18, v20;
	v22 =	vmul.f32 $5.000000000e-01, v25;
	v23 =	vadd.f32 $5.000000000e-01, v23  }
0x108: {  	v19 =	vadd.f32 $5.000000000e-01, v19;
	v20 =	vmul.f32 $5.000000000e-01, v26;
	v21 =	vmul.f32 $5.120000000e+02, v21;
	[tilespmem:s1+$0xFFFFFFE0] =	vst v18  }
0x109: {  	v18 =	vmul.f32 $5.000000000e-01, v27;
	v22 =	vadd.f32 $5.000000000e-01, v22;
	v23 =	vmul.f32 $5.120000000e+02, v23  }
0x10a: {  	v25 =	vmul.f32 $5.000000000e-01, v28;
	v26 =	vadd.f32 $5.000000000e-01, v20;
	v20 =	vclamp.gez.f32 v21, $5.110000000e+02  }
0x10b: {  	v18 =	vadd.f32 $5.000000000e-01, v18;
	v20 =	vtrunc.f32 v20;
	v21 =	vclamp.gez.f32 v23, $5.110000000e+02  }
.Ltmp2:
0x10c: {  	v23 =	vadd.f32 $5.000000000e-01, v25;
	v25 =	vcvt.f32.s32 v20;
	v20 =	vtrunc.f32 v21;
	(pc) =	sbr.rel @p0 .LBB2_6-.Ltmp2, $4  }
0x10d: {  	v16 =	vadd.s32 v16, v17;
	v21 =	vmul.f32 $5.000000000e-01, v24;
	v24 =	vcvt.f32.s32 v20  }
0x10e: {  	v17 =	vmul.f32 $5.120000000e+02, v22;
	v20 =	vmul.f32 $5.120000000e+02, v19;
	v25 =	vshll.u32 v25, $0x9;
	[tilespmem:s1+$0xFFFFFFF0] =	vst v16  }
0x10f: {  	v19 =	vmul.f32 $5.120000000e+02, v26;
	v22 =	vadd.f32 $5.000000000e-01, v21;
	s1 =	sadd.s32 $0x40, s1;
	v21 =	vadd.s32 v24, v25  }
0x110: {  	s10 =	sadd.s32 $0x80, s10;
	s7 =	sadd.s32 $0x40, s7;
	v18 =	vmul.f32 $5.120000000e+02, v18;
	v16 =	vmul.f32 $5.120000000e+02, v23;
	[tilespmem:s1+$0x10] =	vst v21;
	v21 =	vadd.s32 v30, v29  }
0x111: {  	v20 =	vclamp.gez.f32 v20, $5.110000000e+02;
	v22 =	vmul.f32 $5.120000000e+02, v22  }
0x112: {  	v17 =	vclamp.gez.f32 v17, $5.110000000e+02;
	v19 =	vclamp.gez.f32 v19, $5.110000000e+02  }
0x113: {  	v20 =	vtrunc.f32 v20;
	v17 =	vtrunc.f32 v17  }
0x114: {  	v18 =	vclamp.gez.f32 v18, $5.110000000e+02;
	v19 =	vtrunc.f32 v19  }
0x115: {  	v16 =	vclamp.gez.f32 v16, $5.110000000e+02;
	v22 =	vclamp.gez.f32 v22, $5.110000000e+02  }
0x116: {  	v20 =	vcvt.f32.s32 v20;
	v17 =	vcvt.f32.s32 v17  }
0x117: {  	v18 =	vtrunc.f32 v18;
	v19 =	vcvt.f32.s32 v19  }
0x118: {  	v16 =	vtrunc.f32 v16;
	v18 =	vcvt.f32.s32 v18  }
0x119: {  	v22 =	vtrunc.f32 v22;
	v16 =	vcvt.f32.s32 v16;
	v20 =	vshll.u32 v20, $0x9  }
0x11a: {  	[tilespmem:s8+$0x0] =	vst v21;
	v17 =	vshll.u32 v17, $0x9;
	v21 =	vcvt.f32.s32 v22;
	v18 =	vadd.s32 v18, v20  }
0x11b: {  	v19 =	vshll.u32 v19, $0x9;
	v16 =	vadd.s32 v16, v17;
	[tilespmem:s1+$0xFFFFFFE0] =	vst v18  }
0x11c: {  	[tilespmem:s1+$0xFFFFFFF0] =	vst v16;
	v16 =	vadd.s32 v21, v19  }
0x11d: {  	s14 =	simm.s32 $0x0;
	s7 =	simm.s32 $0xA00;
	[tilespmem:s1+$0x0] =	vst v16  }
0x11e: {  	v16 =	vmov s14;
	[tilespmem:s11], [sflag:$0x2] =	stream.indirect.gather [hbm4b:s5+s24], $0x40, s7, s24, $0xb8;
	[tilespmem:$0x18C00] =	vst v63  }
0x11f: {  	s15 =	simm.s32 $0xA80;
	s16 =	simm.s32 $0xAC00;
	v16 =	vand.u32 $0x3F, v16  }
0x120: {  	v16 =	vbroadcast v16, $0x0;
	[tilespmem:s16], [sflag:$0x2] =	stream.indirect.gather [hbm4b:s5+s24], $0x40, s15, s24, $0xb8;
	[tilespmem:$0x18C00] =	vst v63  }
0x121: {  	_ =	swait.ge [sflag:s19], $0x2000  }
0x122: {  	v17 =	vor.u32 v15, v16;
	[sflag:s19] =	ssyncset.done $0x0  }
0x123: {  	v18 =	vor.u32 v14, v16;
	[sflag:s19] =	ssyncadd.s32 $0xFFFFE000  }
0x124: {  	v19 =	vor.u32 v13, v16;
	_ =	swait.ge [sflag:s19], $0x2000  }
0x125: {  	v20 =	vor.u32 v12, v16;
	[sflag:s19] =	ssyncset.done $0x0  }
0x126: {  	v21 =	vor.u32 v11, v16;
	[sflag:s19] =	ssyncadd.s32 $0xFFFFE000  }
0x127: {  	v22 =	vor.u32 v10, v16;
	v17 =	vld.idx.msk [tilespmem:v17+s26+$0x0], $0xffff  }
0x128: {  	v23 =	vor.u32 v9, v16;
	v18 =	vld.idx.msk [tilespmem:v18+s26+$0x0], $0xffff  }
0x129: {  	v24 =	vor.u32 v8, v16;
	v19 =	vld.idx.msk [tilespmem:v19+s26+$0x0], $0xffff  }
0x12a: {  	s17 =	sand.u32 $0xE000, s14;
	v25 =	vor.u32 v7, v16;
	v20 =	vld.idx.msk [tilespmem:v20+s26+$0x0], $0xffff  }
0x12b: {  	s1 =	sand.u32 $0x380, s14;
	s7 =	sshrl.u32 s17, $0x2;
	v26 =	vor.u32 v6, v16;
	v21 =	vld.idx.msk [tilespmem:v21+s26+$0x0], $0xffff  }
0x12c: {  	s22 =	sor.u32 s1, s7;
	v28 =	vor.u32 v4, v16;
	v22 =	vld.idx.msk [tilespmem:v22+s26+$0x0], $0xffff  }
0x12d: {  	s28 =	simm.s32 $0x1;
	s1 =	sadd.s32 $0x10C00, s22;
	v27 =	vor.u32 v5, v16;
	v23 =	vld.idx.msk [tilespmem:v23+s26+$0x0], $0xffff  }
0x12e: {  	v29 =	vor.u32 v1, v16;
	[tilespmem:s1+$0x470] =	vst v17;
	v17 =	vld.idx.msk [tilespmem:v24+s26+$0x0], $0xffff;
	v24 =	vmov s28  }
0x12f: {  	v30 =	vor.u32 v0, v16;
	[tilespmem:s1+$0x460] =	vst v18;
	v18 =	vld.idx.msk [tilespmem:v25+s26+$0x0], $0xffff;
	v24 =	vand.u32 $0x3F, v24  }
0x130: {  	v25 =	vor.u32 v3, v16;
	[tilespmem:s1+$0x450] =	vst v19;
	v19 =	vld.idx.msk [tilespmem:v26+s26+$0x0], $0xffff;
	v31 =	vbroadcast v24, $0x0  }
0x131: {  	v16 =	vor.u32 v2, v16;
	[tilespmem:s1+$0x440] =	vst v20;
	v26 =	vld.idx.msk [tilespmem:v28+s26+$0x0], $0xffff  }
0x132: {  	[tilespmem:s1+$0x430] =	vst v21;
	v24 =	vld.idx.msk [tilespmem:v27+s26+$0x0], $0xffff;
	v21 =	vor.u32 v15, v31  }
0x133: {  	[tilespmem:s1+$0x420] =	vst v22;
	v27 =	vld.idx.msk [tilespmem:v29+s26+$0x0], $0xffff;
	v22 =	vor.u32 v14, v31  }
0x134: {  	[tilespmem:s1+$0x410] =	vst v23;
	v29 =	vld.idx.msk [tilespmem:v30+s26+$0x0], $0xffff;
	v28 =	vor.u32 v13, v31  }
0x135: {  	v23 =	vor.u32 v12, v31;
	v25 =	vld.idx.msk [tilespmem:v25+s26+$0x0], $0xffff;
	[tilespmem:s1+$0x400] =	vst v17  }
0x136: {  	v30 =	vor.u32 v11, v31;
	v20 =	vld.idx.msk [tilespmem:v16+s26+$0x0], $0xffff;
	[tilespmem:s1+$0x70] =	vst v18  }
0x137: {  	v32 =	vor.u32 v10, v31;
	[tilespmem:s1+$0x40] =	vst v26;
	v33 =	vld.idx.msk [tilespmem:v21+s26+$0x0], $0xffff  }
0x138: {  	s9 =	simm.s32 $0x400;
	v34 =	vor.u32 v9, v31;
	[tilespmem:s1+$0x60] =	vst v19;
	v35 =	vld.idx.msk [tilespmem:v22+s26+$0x0], $0xffff  }
0x139: {  	s10 =	sand.u32 $0xE000, s9;
	s7 =	simm.s32 $0x80;
	v36 =	vor.u32 v8, v31;
	[tilespmem:s1+$0x50] =	vst v24;
	v22 =	vld.idx.msk [tilespmem:v28+s26+$0x0], $0xffff  }
0x13a: {  	s10 =	sshrl.u32 s10, $0x2;
	s12 =	sand.u32 $0x380, s7;
	[tilespmem:s22+$0x10C00] =	vst v29;
	v29 =	vor.u32 v7, v31;
	v21 =	vld.idx.msk [tilespmem:v23+s26+$0x0], $0xffff  }
0x13b: {  	s8 =	sor.u32 s12, s10;
	[tilespmem:s1+$0x10] =	vst v27;
	v27 =	vor.u32 v6, v31;
	v23 =	vld.idx.msk [tilespmem:v30+s26+$0x0], $0xffff  }
0x13c: {  	s13 =	sadd.s32 $0x10C00, s8;
	v17 =	vor.u32 v0, v31;
	v26 =	vld.idx.msk [tilespmem:v32+s26+$0x0], $0xffff;
	v28 =	vor.u32 v5, v31;
	[tilespmem:s1+$0x30] =	vst v25  }
0x13d: {  	v16 =	vor.u32 v3, v31;
	v24 =	vld.idx.msk [tilespmem:v34+s26+$0x0], $0xffff;
	v30 =	vor.u32 v4, v31;
	[tilespmem:s13+$0x470] =	vst v33  }
0x13e: {  	s10 =	simm.s32 $0x10;
	s12 =	simm.s32 $0x2;
	v19 =	vor.u32 v1, v31;
	v18 =	vor.u32 v2, v31;
	v25 =	vld.idx.msk [tilespmem:v36+s26+$0x0], $0xffff;
	[tilespmem:s13+$0x460] =	vst v35  }
.LBB2_8:
0x13f: {  	v31 =	vmov s12;
	s10 =	sadd.s32 $0x10, s10;
	v29 =	vld.idx.msk [tilespmem:v29+s26+$0x0], $0xffff;
	[tilespmem:s13+$0x450] =	vst v22;
	s7 =	sadd.s32 $0x80, s7;
	s9 =	sadd.s32 $0x400, s9  }
0x140: {  	v22 =	vand.u32 $0x3F, v31;
	p0 =	slt.u32 s10, $0x3F0;
	v27 =	vld.idx.msk [tilespmem:v27+s26+$0x0], $0xffff;
	[tilespmem:s1+$0x20] =	vst v20;
	s1 =	smov.u32 s13  }
0x141: {  	v31 =	vbroadcast v22, $0x0;
	v22 =	vld.idx.msk [tilespmem:v28+s26+$0x0], $0xffff;
	[tilespmem:s1+$0x440] =	vst v21  }
0x142: {  	v21 =	vld.idx.msk [tilespmem:v30+s26+$0x0], $0xffff;
	[tilespmem:s1+$0x430] =	vst v23  }
0x143: {  	v20 =	vor.u32 v0, v31;
	v23 =	vor.u32 v3, v31;
	v28 =	vor.u32 v15, v31;
	[tilespmem:s1+$0x420] =	vst v26  }
0x144: {  	v26 =	vor.u32 v2, v31;
	v30 =	vor.u32 v14, v31;
	v32 =	vld.idx.msk [tilespmem:v19+s26+$0x0], $0xffff;
	v19 =	vor.u32 v1, v31  }
0x145: {  	v33 =	vor.u32 v13, v31;
	v34 =	vld.idx.msk [tilespmem:v17+s26+$0x0], $0xffff;
	[tilespmem:s1+$0x410] =	vst v24;
	v17 =	vmov v20  }
0x146: {  	v24 =	vor.u32 v12, v31;
	v35 =	vld.idx.msk [tilespmem:v16+s26+$0x0], $0xffff;
	[tilespmem:s1+$0x400] =	vst v25;
	v16 =	vmov v23  }
0x147: {  	v23 =	vor.u32 v11, v31;
	v20 =	vld.idx.msk [tilespmem:v18+s26+$0x0], $0xffff;
	[tilespmem:s1+$0x70] =	vst v29;
	v18 =	vmov v26  }
0x148: {  	v25 =	vor.u32 v10, v31;
	v36 =	vld.idx.msk [tilespmem:v28+s26+$0x0], $0xffff;
	[tilespmem:s1+$0x40] =	vst v21  }
0x149: {  	v37 =	vor.u32 v9, v31;
	v38 =	vld.idx.msk [tilespmem:v30+s26+$0x0], $0xffff;
	[tilespmem:s1+$0x50] =	vst v22  }
0x14a: {  	s13 =	sand.u32 $0xE000, s9;
	v39 =	vor.u32 v8, v31;
	v22 =	vld.idx.msk [tilespmem:v33+s26+$0x0], $0xffff;
	[tilespmem:s1+$0x60] =	vst v27  }
.Ltmp3:
0x14b: {  	s14 =	sand.u32 $0x380, s7;
	s13 =	sshrl.u32 s13, $0x2;
	v29 =	vor.u32 v7, v31;
	v21 =	vld.idx.msk [tilespmem:v24+s26+$0x0], $0xffff;
	[tilespmem:s8+$0x10C00] =	vst v34;
	(pc) =	sbr.rel @p0 .LBB2_8-.Ltmp3, $4  }
0x14c: {  	v27 =	vor.u32 v6, v31;
	s8 =	sor.u32 s14, s13;
	v23 =	vld.idx.msk [tilespmem:v23+s26+$0x0], $0xffff;
	[tilespmem:s1+$0x30] =	vst v35  }
0x14d: {  	v28 =	vor.u32 v5, v31;
	s13 =	sadd.s32 $0x10C00, s8;
	v26 =	vld.idx.msk [tilespmem:v25+s26+$0x0], $0xffff;
	[tilespmem:s1+$0x10] =	vst v32  }
0x14e: {  	v30 =	vor.u32 v4, v31;
	v24 =	vld.idx.msk [tilespmem:v37+s26+$0x0], $0xffff;
	[tilespmem:s13+$0x470] =	vst v36  }
0x14f: {  	s12 =	sadd.s32 $0x1, s12;
	v25 =	vld.idx.msk [tilespmem:v39+s26+$0x0], $0xffff;
	[tilespmem:s13+$0x460] =	vst v38  }
0x150: {  	_ =	sdelay $0x1  }
0x151: {  	[tilespmem:s13+$0x450] =	vst v22  }
0x152: {  	[tilespmem:s1+$0x20] =	vst v20  }
0x153: {  	v20 =	vld.idx.msk [tilespmem:v29+s26+$0x0], $0xffff;
	[tilespmem:s13+$0x440] =	vst v21  }
0x154: {  	v21 =	vld.idx.msk [tilespmem:v30+s26+$0x0], $0xffff;
	[tilespmem:s13+$0x430] =	vst v23  }
0x155: {  	v22 =	vld.idx.msk [tilespmem:v28+s26+$0x0], $0xffff;
	[tilespmem:s13+$0x420] =	vst v26  }
0x156: {  	v17 =	vld.idx.msk [tilespmem:v17+s26+$0x0], $0xffff;
	[tilespmem:s13+$0x410] =	vst v24  }
0x157: {  	v16 =	vld.idx.msk [tilespmem:v16+s26+$0x0], $0xffff;
	[tilespmem:s13+$0x400] =	vst v25  }
0x158: {  	v19 =	vld.idx.msk [tilespmem:v19+s26+$0x0], $0xffff;
	[tilespmem:s13+$0x70] =	vst v20  }
0x159: {  	v18 =	vld.idx.msk [tilespmem:v18+s26+$0x0], $0xffff;
	[tilespmem:s13+$0x40] =	vst v21  }
0x15a: {  	v23 =	vld.idx.msk [tilespmem:v27+s26+$0x0], $0xffff;
	[tilespmem:s13+$0x50] =	vst v22  }
0x15b: {  	[tilespmem:s8+$0x10C00] =	vst v17  }
0x15c: {  	[tilespmem:s13+$0x30] =	vst v16  }
0x15d: {  	[tilespmem:s13+$0x10] =	vst v19  }
0x15e: {  	[tilespmem:s13+$0x20] =	vst v18  }
0x15f: {  	[tilespmem:s13+$0x60] =	vst v23  }
0x160: {  	s1 =	rddreg [dreg:$0x7]  }
0x161: {  	[hbm4b:s1+s25] =	stream.strided.scatter [tilespmem:s21], [sflag:$0x3], $0x4000, s20, s25, $0x38;
	[tilespmem:$0x18C00] =	vst v63  }
0x162: {  	s28 =	simm.s32 $0x0;
	s7 =	rddreg [dreg:$0x8]  }
0x163: {  	[tilespmem:s28], [sflag:$0x1] =	stream.linear.gather [hbm4b:s7+s28], $0x200, $0x38;
	[tilespmem:$0x18C00] =	vst v63  }
0x164: {  	s12 =	simm.s32 $0x30;
	s10 =	sand.u32 $0x100, s28;
	_ =	swait.ge [sflag:s23], $0x200  }
0x165: {  	s8 =	sand.u32 $0x70, s12;
	s7 =	sor.u32 $0x600, s10;
	[sflag:s23] =	ssyncset.done $0x0  }
0x166: {  	s8 =	sor.u32 s8, s7;
	[sflag:s23] =	ssyncadd.s32 $0xFFFFFE00  }
0x167: {  	s9 =	simm.s32 $0x10;
	s1 =	sand.u32 $0x40, s28;
	v16 =	vld [tilespmem:s8+$0x0]  }
0x168: {  	s9 =	sand.u32 $0x50, s9;
	s10 =	simm.s32 $0x20;
	s1 =	sor.u32 s1, s7;
	v17 =	vld [tilespmem:s8+$0x80]  }
0x169: {  	s13 =	sand.u32 $0x60, s10;
	s9 =	sor.u32 s9, s7;
	v18 =	vld [tilespmem:s1+$0x0]  }
0x16a: {  	s7 =	sor.u32 s13, s7;
	v19 =	vld [tilespmem:s9+$0x0]  }
0x16b: {  	s14 =	simm.s32 $0x80;
	v20 =	vld [tilespmem:s7+$0x0]  }
0x16c: {  	s15 =	simm.s32 $0x70;
	v21 =	vld [tilespmem:s1+$0x80];
	s1 =	sand.u32 $0x100, s14  }
0x16d: {  	s16 =	simm.s32 $0x40;
	v23 =	vld [tilespmem:s7+$0x80];
	s7 =	sand.u32 $0x70, s15;
	s1 =	sor.u32 $0x600, s1  }
0x16e: {  	s17 =	simm.s32 $0x50;
	s22 =	simm.s32 $0x60;
	v22 =	vld [tilespmem:s9+$0x80];
	s7 =	sor.u32 s7, s1  }
0x16f: {  	s28 =	sand.u32 $0x60, s22;
	s8 =	sand.u32 $0x40, s16;
	s9 =	sand.u32 $0x50, s17;
	v54 =	vld [tilespmem:s7+$0x0]  }
0x170: {  	s8 =	sor.u32 s8, s1;
	s9 =	sor.u32 s9, s1;
	s1 =	sor.u32 s28, s1;
	v55 =	vld [tilespmem:s7+$0x80]  }
0x171: {  	v57 =	vld [tilespmem:s1+$0x0];
	v16 =	vmul.f32 $5.000000000e-01, v16  }
0x172: {  	v58 =	vld [tilespmem:s8+$0x80];
	v17 =	vmul.f32 $5.000000000e-01, v17;
	v18 =	vmul.f32 $5.000000000e-01, v18  }
0x173: {  	v59 =	vld [tilespmem:s9+$0x80];
	v19 =	vmul.f32 $5.000000000e-01, v19;
	v20 =	vmul.f32 $5.000000000e-01, v20  }
0x174: {  	v21 =	vmul.f32 $5.000000000e-01, v21;
	v22 =	vmul.f32 $5.000000000e-01, v22;
	v16 =	vadd.f32 $5.000000000e-01, v16  }
0x175: {  	v23 =	vmul.f32 $5.000000000e-01, v23;
	v17 =	vadd.f32 $5.000000000e-01, v17;
	v18 =	vadd.f32 $5.000000000e-01, v18  }
0x176: {  	v19 =	vadd.f32 $5.000000000e-01, v19;
	v24 =	vmul.f32 $5.000000000e-01, v54;
	v25 =	vmul.f32 $5.000000000e-01, v55  }
0x177: {  	v20 =	vadd.f32 $5.000000000e-01, v20;
	v61 =	vmul.f32 $5.000000000e-01, v57;
	v62 =	vmul.f32 $5.000000000e-01, v58  }
0x178: {  	v21 =	vadd.f32 $5.000000000e-01, v21;
	v63 =	vmul.f32 $5.000000000e-01, v59;
	v16 =	vmul.f32 $5.120000000e+02, v16  }
0x179: {  	v22 =	vadd.f32 $5.000000000e-01, v22;
	v17 =	vmul.f32 $5.120000000e+02, v17;
	v18 =	vmul.f32 $5.120000000e+02, v18  }
0x17a: {  	v23 =	vadd.f32 $5.000000000e-01, v23;
	v19 =	vmul.f32 $5.120000000e+02, v19;
	v20 =	vmul.f32 $5.120000000e+02, v20  }
0x17b: {  	v21 =	vmul.f32 $5.120000000e+02, v21;
	v22 =	vmul.f32 $5.120000000e+02, v22  }
0x17c: {  	v23 =	vmul.f32 $5.120000000e+02, v23;
	v16 =	vclamp.gez.f32 v16, $5.110000000e+02  }
0x17d: {  	v17 =	vclamp.gez.f32 v17, $5.110000000e+02;
	v18 =	vclamp.gez.f32 v18, $5.110000000e+02  }
0x17e: {  	v19 =	vclamp.gez.f32 v19, $5.110000000e+02;
	v20 =	vclamp.gez.f32 v20, $5.110000000e+02  }
0x17f: {  	v21 =	vclamp.gez.f32 v21, $5.110000000e+02;
	v22 =	vclamp.gez.f32 v22, $5.110000000e+02  }
0x180: {  	v23 =	vclamp.gez.f32 v23, $5.110000000e+02;
	v16 =	vtrunc.f32 v16  }
0x181: {  	v17 =	vtrunc.f32 v17;
	v18 =	vtrunc.f32 v18  }
0x182: {  	v24 =	vadd.f32 $5.000000000e-01, v24;
	v19 =	vtrunc.f32 v19;
	v20 =	vtrunc.f32 v20  }
0x183: {  	v25 =	vadd.f32 $5.000000000e-01, v25;
	v21 =	vtrunc.f32 v21;
	v22 =	vtrunc.f32 v22  }
0x184: {  	v23 =	vtrunc.f32 v23;
	v24 =	vmul.f32 $5.120000000e+02, v24  }
0x185: {  	v26 =	vadd.f32 $5.000000000e-01, v61;
	v25 =	vmul.f32 $5.120000000e+02, v25;
	v16 =	vcvt.f32.s32 v16  }
0x186: {  	v56 =	vld [tilespmem:s8+$0x0];
	v27 =	vadd.f32 $5.000000000e-01, v62;
	v17 =	vcvt.f32.s32 v17;
	v18 =	vcvt.f32.s32 v18  }
0x187: {  	v19 =	vcvt.f32.s32 v19;
	v21 =	vcvt.f32.s32 v21;
	v16 =	vshll.u32 v16, $0x9  }
0x188: {  	v20 =	vcvt.f32.s32 v20;
	v18 =	vshll.u32 v18, $0x9;
	v16 =	vadd.s32 v17, v16;
	v17 =	vld [tilespmem:s9+$0x0]  }
0x189: {  	v22 =	vcvt.f32.s32 v22;
	v23 =	vcvt.f32.s32 v23;
	v18 =	vadd.s32 v21, v18;
	v21 =	vld [tilespmem:s1+$0x80]  }
0x18a: {  	v24 =	vclamp.gez.f32 v24, $5.110000000e+02;
	v25 =	vclamp.gez.f32 v25, $5.110000000e+02;
	v19 =	vshll.u32 v19, $0x9  }
0x18b: {  	v60 =	vshll.u32 v20, $0x9;
	v20 =	vmul.f32 $5.000000000e-01, v56;
	v24 =	vtrunc.f32 v24  }
0x18c: {  	s8 =	simm.s32 $0xB20;
	v25 =	vtrunc.f32 v25;
	v24 =	vcvt.f32.s32 v24;
	v19 =	vadd.s32 v22, v19  }
0x18d: {  	v20 =	vadd.f32 $5.000000000e-01, v20;
	[tilespmem:s8+$0xFFFFFFF0] =	vst v19;
	v19 =	vmul.f32 $5.120000000e+02, v26;
	v17 =	vmul.f32 $5.000000000e-01, v17  }
0x18e: {  	v28 =	vadd.f32 $5.000000000e-01, v63;
	[tilespmem:s8+$0x10] =	vst v16;
	v16 =	vmul.f32 $5.000000000e-01, v21;
	v21 =	vcvt.f32.s32 v25  }
0x18f: {  	[tilespmem:s8+$0xFFFFFFE0] =	vst v18;
	v18 =	vshll.u32 v24, $0x9;
	v20 =	vmul.f32 $5.120000000e+02, v20;
	v17 =	vadd.f32 $5.000000000e-01, v17  }
0x190: {  	s1 =	simm.s32 $0xB60;
	v22 =	vadd.f32 $5.000000000e-01, v16;
	v21 =	vadd.s32 v21, v18;
	v18 =	vmul.f32 $5.120000000e+02, v27  }
0x191: {  	s10 =	simm.s32 $0x100;
	s7 =	simm.s32 $0x80;
	s9 =	simm.s32 $0x4;
	v16 =	vmul.f32 $5.120000000e+02, v28;
	[tilespmem:s1+$0x10] =	vst v21;
	v21 =	vadd.s32 v23, v60;
	v17 =	vmul.f32 $5.120000000e+02, v17  }
.LBB2_10:
0x192: {  	s12 =	sand.u32 $0x100, s10;
	s13 =	sadd.s32 $0x30, s7;
	s9 =	sadd.s32 $0x4, s9;
	v20 =	vclamp.gez.f32 v20, $5.110000000e+02;
	v22 =	vmul.f32 $5.120000000e+02, v22;
	[tilespmem:s8+$0x0] =	vst v21  }
0x193: {  	v17 =	vclamp.gez.f32 v17, $5.110000000e+02;
	v19 =	vclamp.gez.f32 v19, $5.110000000e+02;
	s8 =	sor.u32 $0x600, s12;
	s12 =	sand.u32 $0x70, s13;
	p0 =	slt.u32 s9, $0xC  }
0x194: {  	s14 =	sadd.s32 $0x20, s7;
	s13 =	sadd.s32 $0x10, s7;
	v20 =	vtrunc.f32 v20;
	v17 =	vtrunc.f32 v17;
	s12 =	sor.u32 s12, s8  }
0x195: {  	s15 =	sand.u32 $0x40, s7;
	s14 =	sand.u32 $0x60, s14;
	v18 =	vclamp.gez.f32 v18, $5.110000000e+02;
	v19 =	vtrunc.f32 v19;
	s13 =	sand.u32 $0x50, s13;
	v21 =	vld [tilespmem:s12+$0x0]  }
0x196: {  	v16 =	vclamp.gez.f32 v16, $5.110000000e+02;
	s15 =	sor.u32 s15, s8;
	s14 =	sor.u32 s14, s8;
	v22 =	vclamp.gez.f32 v22, $5.110000000e+02;
	s13 =	sor.u32 s13, s8;
	v23 =	vld [tilespmem:s12+$0x80]  }
0x197: {  	v20 =	vcvt.f32.s32 v20;
	v17 =	vcvt.f32.s32 v17;
	s8 =	smov.u32 s1;
	v24 =	vld [tilespmem:s15+$0x0]  }
0x198: {  	v18 =	vtrunc.f32 v18;
	v19 =	vcvt.f32.s32 v19;
	v25 =	vld [tilespmem:s13+$0x0]  }
0x199: {  	v16 =	vtrunc.f32 v16;
	v22 =	vtrunc.f32 v22;
	v20 =	vshll.u32 v20, $0x9;
	v26 =	vld [tilespmem:s14+$0x0]  }
0x19a: {  	v18 =	vcvt.f32.s32 v18;
	v17 =	vshll.u32 v17, $0x9;
	v27 =	vld [tilespmem:s15+$0x80];
	v21 =	vmul.f32 $5.000000000e-01, v21  }
0x19b: {  	v16 =	vcvt.f32.s32 v16;
	v29 =	vshll.u32 v19, $0x9;
	v28 =	vld [tilespmem:s13+$0x80];
	v23 =	vmul.f32 $5.000000000e-01, v23  }
0x19c: {  	v30 =	vcvt.f32.s32 v22;
	v19 =	vmul.f32 $5.000000000e-01, v24;
	v24 =	vld [tilespmem:s14+$0x80];
	v21 =	vadd.f32 $5.000000000e-01, v21  }
0x19d: {  	v18 =	vadd.s32 v18, v20;
	v22 =	vmul.f32 $5.000000000e-01, v25;
	v23 =	vadd.f32 $5.000000000e-01, v23  }
0x19e: {  	v19 =	vadd.f32 $5.000000000e-01, v19;
	v20 =	vmul.f32 $5.000000000e-01, v26;
	v21 =	vmul.f32 $5.120000000e+02, v21;
	[tilespmem:s1+$0xFFFFFFE0] =	vst v18  }
0x19f: {  	v18 =	vmul.f32 $5.000000000e-01, v27;
	v22 =	vadd.f32 $5.000000000e-01, v22;
	v23 =	vmul.f32 $5.120000000e+02, v23  }
0x1a0: {  	v25 =	vmul.f32 $5.000000000e-01, v28;
	v26 =	vadd.f32 $5.000000000e-01, v20;
	v20 =	vclamp.gez.f32 v21, $5.110000000e+02  }
0x1a1: {  	v18 =	vadd.f32 $5.000000000e-01, v18;
	v20 =	vtrunc.f32 v20;
	v21 =	vclamp.gez.f32 v23, $5.110000000e+02  }
.Ltmp4:
0x1a2: {  	v23 =	vadd.f32 $5.000000000e-01, v25;
	v25 =	vcvt.f32.s32 v20;
	v20 =	vtrunc.f32 v21;
	(pc) =	sbr.rel @p0 .LBB2_10-.Ltmp4, $4  }
0x1a3: {  	v16 =	vadd.s32 v16, v17;
	v21 =	vmul.f32 $5.000000000e-01, v24;
	v24 =	vcvt.f32.s32 v20  }
0x1a4: {  	v17 =	vmul.f32 $5.120000000e+02, v22;
	v20 =	vmul.f32 $5.120000000e+02, v19;
	v25 =	vshll.u32 v25, $0x9;
	[tilespmem:s1+$0xFFFFFFF0] =	vst v16  }
0x1a5: {  	v19 =	vmul.f32 $5.120000000e+02, v26;
	v22 =	vadd.f32 $5.000000000e-01, v21;
	s1 =	sadd.s32 $0x40, s1;
	v21 =	vadd.s32 v24, v25  }
0x1a6: {  	s10 =	sadd.s32 $0x80, s10;
	s7 =	sadd.s32 $0x40, s7;
	v18 =	vmul.f32 $5.120000000e+02, v18;
	v16 =	vmul.f32 $5.120000000e+02, v23;
	[tilespmem:s1+$0x10] =	vst v21;
	v21 =	vadd.s32 v30, v29  }
0x1a7: {  	v20 =	vclamp.gez.f32 v20, $5.110000000e+02;
	v22 =	vmul.f32 $5.120000000e+02, v22  }
0x1a8: {  	v17 =	vclamp.gez.f32 v17, $5.110000000e+02;
	v19 =	vclamp.gez.f32 v19, $5.110000000e+02  }
0x1a9: {  	v20 =	vtrunc.f32 v20;
	v17 =	vtrunc.f32 v17  }
0x1aa: {  	v18 =	vclamp.gez.f32 v18, $5.110000000e+02;
	v19 =	vtrunc.f32 v19  }
0x1ab: {  	v16 =	vclamp.gez.f32 v16, $5.110000000e+02;
	v22 =	vclamp.gez.f32 v22, $5.110000000e+02  }
0x1ac: {  	v20 =	vcvt.f32.s32 v20;
	v17 =	vcvt.f32.s32 v17  }
0x1ad: {  	v18 =	vtrunc.f32 v18;
	v19 =	vcvt.f32.s32 v19  }
0x1ae: {  	v16 =	vtrunc.f32 v16;
	v18 =	vcvt.f32.s32 v18  }
0x1af: {  	v22 =	vtrunc.f32 v22;
	v16 =	vcvt.f32.s32 v16;
	v20 =	vshll.u32 v20, $0x9  }
0x1b0: {  	[tilespmem:s8+$0x0] =	vst v21;
	v17 =	vshll.u32 v17, $0x9;
	v21 =	vcvt.f32.s32 v22;
	v18 =	vadd.s32 v18, v20  }
0x1b1: {  	v19 =	vshll.u32 v19, $0x9;
	v16 =	vadd.s32 v16, v17;
	[tilespmem:s1+$0xFFFFFFE0] =	vst v18  }
0x1b2: {  	[tilespmem:s1+$0xFFFFFFF0] =	vst v16;
	v16 =	vadd.s32 v21, v19  }
0x1b3: {  	s14 =	simm.s32 $0x0;
	s7 =	simm.s32 $0xB00;
	[tilespmem:s1+$0x0] =	vst v16  }
0x1b4: {  	v16 =	vmov s14;
	[tilespmem:s3], [sflag:$0x2] =	stream.indirect.gather [hbm4b:s5+s24], $0x40, s7, s24, $0xb8;
	[tilespmem:$0x18C00] =	vst v63  }
0x1b5: {  	s15 =	simm.s32 $0xB80;
	s16 =	simm.s32 $0xEC00;
	v16 =	vand.u32 $0x3F, v16  }
0x1b6: {  	v16 =	vbroadcast v16, $0x0;
	[tilespmem:s16], [sflag:$0x2] =	stream.indirect.gather [hbm4b:s5+s24], $0x40, s15, s24, $0xb8;
	[tilespmem:$0x18C00] =	vst v63  }
0x1b7: {  	_ =	swait.ge [sflag:s19], $0x2000  }
0x1b8: {  	v17 =	vor.u32 v15, v16;
	[sflag:s19] =	ssyncset.done $0x0  }
0x1b9: {  	v18 =	vor.u32 v14, v16;
	[sflag:s19] =	ssyncadd.s32 $0xFFFFE000  }
0x1ba: {  	v19 =	vor.u32 v13, v16;
	_ =	swait.ge [sflag:s19], $0x2000  }
0x1bb: {  	v20 =	vor.u32 v12, v16;
	[sflag:s19] =	ssyncset.done $0x0  }
0x1bc: {  	v21 =	vor.u32 v11, v16;
	[sflag:s19] =	ssyncadd.s32 $0xFFFFE000  }
0x1bd: {  	v22 =	vor.u32 v10, v16;
	v17 =	vld.idx.msk [tilespmem:v17+s0+$0x0], $0xffff  }
0x1be: {  	v23 =	vor.u32 v9, v16;
	v18 =	vld.idx.msk [tilespmem:v18+s0+$0x0], $0xffff  }
0x1bf: {  	v24 =	vor.u32 v8, v16;
	v19 =	vld.idx.msk [tilespmem:v19+s0+$0x0], $0xffff  }
0x1c0: {  	s17 =	sand.u32 $0xE000, s14;
	v25 =	vor.u32 v7, v16;
	v20 =	vld.idx.msk [tilespmem:v20+s0+$0x0], $0xffff  }
0x1c1: {  	s1 =	sand.u32 $0x380, s14;
	s7 =	sshrl.u32 s17, $0x2;
	v26 =	vor.u32 v6, v16;
	v21 =	vld.idx.msk [tilespmem:v21+s0+$0x0], $0xffff  }
0x1c2: {  	s22 =	sor.u32 s1, s7;
	v28 =	vor.u32 v4, v16;
	v22 =	vld.idx.msk [tilespmem:v22+s0+$0x0], $0xffff  }
0x1c3: {  	s28 =	simm.s32 $0x1;
	s1 =	sadd.s32 $0x14C00, s22;
	v27 =	vor.u32 v5, v16;
	v23 =	vld.idx.msk [tilespmem:v23+s0+$0x0], $0xffff  }
0x1c4: {  	v29 =	vor.u32 v1, v16;
	[tilespmem:s1+$0x470] =	vst v17;
	v17 =	vld.idx.msk [tilespmem:v24+s0+$0x0], $0xffff;
	v24 =	vmov s28  }
0x1c5: {  	v30 =	vor.u32 v0, v16;
	[tilespmem:s1+$0x460] =	vst v18;
	v18 =	vld.idx.msk [tilespmem:v25+s0+$0x0], $0xffff;
	v24 =	vand.u32 $0x3F, v24  }
0x1c6: {  	v25 =	vor.u32 v3, v16;
	[tilespmem:s1+$0x450] =	vst v19;
	v19 =	vld.idx.msk [tilespmem:v26+s0+$0x0], $0xffff;
	v31 =	vbroadcast v24, $0x0  }
0x1c7: {  	v16 =	vor.u32 v2, v16;
	[tilespmem:s1+$0x440] =	vst v20;
	v26 =	vld.idx.msk [tilespmem:v28+s0+$0x0], $0xffff  }
0x1c8: {  	[tilespmem:s1+$0x430] =	vst v21;
	v24 =	vld.idx.msk [tilespmem:v27+s0+$0x0], $0xffff;
	v21 =	vor.u32 v15, v31  }
0x1c9: {  	[tilespmem:s1+$0x420] =	vst v22;
	v27 =	vld.idx.msk [tilespmem:v29+s0+$0x0], $0xffff;
	v22 =	vor.u32 v14, v31  }
0x1ca: {  	[tilespmem:s1+$0x410] =	vst v23;
	v29 =	vld.idx.msk [tilespmem:v30+s0+$0x0], $0xffff;
	v28 =	vor.u32 v13, v31  }
0x1cb: {  	v23 =	vor.u32 v12, v31;
	v25 =	vld.idx.msk [tilespmem:v25+s0+$0x0], $0xffff;
	[tilespmem:s1+$0x400] =	vst v17  }
0x1cc: {  	v30 =	vor.u32 v11, v31;
	v20 =	vld.idx.msk [tilespmem:v16+s0+$0x0], $0xffff;
	[tilespmem:s1+$0x70] =	vst v18  }
0x1cd: {  	v32 =	vor.u32 v10, v31;
	[tilespmem:s1+$0x40] =	vst v26;
	v33 =	vld.idx.msk [tilespmem:v21+s0+$0x0], $0xffff  }
0x1ce: {  	s9 =	simm.s32 $0x400;
	v34 =	vor.u32 v9, v31;
	[tilespmem:s1+$0x60] =	vst v19;
	v35 =	vld.idx.msk [tilespmem:v22+s0+$0x0], $0xffff  }
0x1cf: {  	s10 =	sand.u32 $0xE000, s9;
	s7 =	simm.s32 $0x80;
	v36 =	vor.u32 v8, v31;
	[tilespmem:s1+$0x50] =	vst v24;
	v22 =	vld.idx.msk [tilespmem:v28+s0+$0x0], $0xffff  }
0x1d0: {  	s10 =	sshrl.u32 s10, $0x2;
	s12 =	sand.u32 $0x380, s7;
	[tilespmem:s22+$0x14C00] =	vst v29;
	v29 =	vor.u32 v7, v31;
	v21 =	vld.idx.msk [tilespmem:v23+s0+$0x0], $0xffff  }
0x1d1: {  	s8 =	sor.u32 s12, s10;
	[tilespmem:s1+$0x10] =	vst v27;
	v27 =	vor.u32 v6, v31;
	v23 =	vld.idx.msk [tilespmem:v30+s0+$0x0], $0xffff  }
0x1d2: {  	s13 =	sadd.s32 $0x14C00, s8;
	v17 =	vor.u32 v0, v31;
	v26 =	vld.idx.msk [tilespmem:v32+s0+$0x0], $0xffff;
	v28 =	vor.u32 v5, v31;
	[tilespmem:s1+$0x30] =	vst v25  }
0x1d3: {  	v16 =	vor.u32 v3, v31;
	v24 =	vld.idx.msk [tilespmem:v34+s0+$0x0], $0xffff;
	v30 =	vor.u32 v4, v31;
	[tilespmem:s13+$0x470] =	vst v33  }
0x1d4: {  	s10 =	simm.s32 $0x10;
	s12 =	simm.s32 $0x2;
	v19 =	vor.u32 v1, v31;
	v18 =	vor.u32 v2, v31;
	v25 =	vld.idx.msk [tilespmem:v36+s0+$0x0], $0xffff;
	[tilespmem:s13+$0x460] =	vst v35  }
.LBB2_12:
0x1d5: {  	v31 =	vmov s12;
	s10 =	sadd.s32 $0x10, s10;
	v29 =	vld.idx.msk [tilespmem:v29+s0+$0x0], $0xffff;
	[tilespmem:s13+$0x450] =	vst v22;
	s7 =	sadd.s32 $0x80, s7;
	s9 =	sadd.s32 $0x400, s9  }
0x1d6: {  	v22 =	vand.u32 $0x3F, v31;
	p0 =	slt.u32 s10, $0x3F0;
	v27 =	vld.idx.msk [tilespmem:v27+s0+$0x0], $0xffff;
	[tilespmem:s1+$0x20] =	vst v20;
	s1 =	smov.u32 s13  }
0x1d7: {  	v31 =	vbroadcast v22, $0x0;
	v22 =	vld.idx.msk [tilespmem:v28+s0+$0x0], $0xffff;
	[tilespmem:s1+$0x440] =	vst v21  }
0x1d8: {  	v21 =	vld.idx.msk [tilespmem:v30+s0+$0x0], $0xffff;
	[tilespmem:s1+$0x430] =	vst v23  }
0x1d9: {  	v20 =	vor.u32 v0, v31;
	v23 =	vor.u32 v3, v31;
	v28 =	vor.u32 v15, v31;
	[tilespmem:s1+$0x420] =	vst v26  }
0x1da: {  	v26 =	vor.u32 v2, v31;
	v30 =	vor.u32 v14, v31;
	v32 =	vld.idx.msk [tilespmem:v19+s0+$0x0], $0xffff;
	v19 =	vor.u32 v1, v31  }
0x1db: {  	v33 =	vor.u32 v13, v31;
	v34 =	vld.idx.msk [tilespmem:v17+s0+$0x0], $0xffff;
	[tilespmem:s1+$0x410] =	vst v24;
	v17 =	vmov v20  }
0x1dc: {  	v24 =	vor.u32 v12, v31;
	v35 =	vld.idx.msk [tilespmem:v16+s0+$0x0], $0xffff;
	[tilespmem:s1+$0x400] =	vst v25;
	v16 =	vmov v23  }
0x1dd: {  	v23 =	vor.u32 v11, v31;
	v20 =	vld.idx.msk [tilespmem:v18+s0+$0x0], $0xffff;
	[tilespmem:s1+$0x70] =	vst v29;
	v18 =	vmov v26  }
0x1de: {  	v25 =	vor.u32 v10, v31;
	v36 =	vld.idx.msk [tilespmem:v28+s0+$0x0], $0xffff;
	[tilespmem:s1+$0x40] =	vst v21  }
0x1df: {  	v37 =	vor.u32 v9, v31;
	v38 =	vld.idx.msk [tilespmem:v30+s0+$0x0], $0xffff;
	[tilespmem:s1+$0x50] =	vst v22  }
0x1e0: {  	s13 =	sand.u32 $0xE000, s9;
	v39 =	vor.u32 v8, v31;
	v22 =	vld.idx.msk [tilespmem:v33+s0+$0x0], $0xffff;
	[tilespmem:s1+$0x60] =	vst v27  }
.Ltmp5:
0x1e1: {  	s14 =	sand.u32 $0x380, s7;
	s13 =	sshrl.u32 s13, $0x2;
	v29 =	vor.u32 v7, v31;
	v21 =	vld.idx.msk [tilespmem:v24+s0+$0x0], $0xffff;
	[tilespmem:s8+$0x14C00] =	vst v34;
	(pc) =	sbr.rel @p0 .LBB2_12-.Ltmp5, $4  }
0x1e2: {  	v27 =	vor.u32 v6, v31;
	s8 =	sor.u32 s14, s13;
	v23 =	vld.idx.msk [tilespmem:v23+s0+$0x0], $0xffff;
	[tilespmem:s1+$0x30] =	vst v35  }
0x1e3: {  	v28 =	vor.u32 v5, v31;
	s13 =	sadd.s32 $0x14C00, s8;
	v26 =	vld.idx.msk [tilespmem:v25+s0+$0x0], $0xffff;
	[tilespmem:s1+$0x10] =	vst v32  }
0x1e4: {  	v30 =	vor.u32 v4, v31;
	v24 =	vld.idx.msk [tilespmem:v37+s0+$0x0], $0xffff;
	[tilespmem:s13+$0x470] =	vst v36  }
0x1e5: {  	s12 =	sadd.s32 $0x1, s12;
	v25 =	vld.idx.msk [tilespmem:v39+s0+$0x0], $0xffff;
	[tilespmem:s13+$0x460] =	vst v38  }
0x1e6: {  	_ =	sdelay $0x1  }
0x1e7: {  	[tilespmem:s13+$0x450] =	vst v22  }
0x1e8: {  	[tilespmem:s1+$0x20] =	vst v20  }
0x1e9: {  	v60 =	vld.idx.msk [tilespmem:v29+s0+$0x0], $0xffff;
	[tilespmem:s13+$0x440] =	vst v21  }
0x1ea: {  	v61 =	vld.idx.msk [tilespmem:v30+s0+$0x0], $0xffff;
	[tilespmem:s13+$0x430] =	vst v23  }
0x1eb: {  	v62 =	vld.idx.msk [tilespmem:v28+s0+$0x0], $0xffff;
	[tilespmem:s13+$0x420] =	vst v26  }
0x1ec: {  	v63 =	vld.idx.msk [tilespmem:v27+s0+$0x0], $0xffff;
	[tilespmem:s13+$0x410] =	vst v24  }
0x1ed: {  	v17 =	vld.idx.msk [tilespmem:v17+s0+$0x0], $0xffff;
	[tilespmem:s13+$0x400] =	vst v25  }
0x1ee: {  	v16 =	vld.idx.msk [tilespmem:v16+s0+$0x0], $0xffff;
	[tilespmem:s13+$0x70] =	vst v60  }
0x1ef: {  	v19 =	vld.idx.msk [tilespmem:v19+s0+$0x0], $0xffff;
	[tilespmem:s13+$0x40] =	vst v61  }
0x1f0: {  	v18 =	vld.idx.msk [tilespmem:v18+s0+$0x0], $0xffff;
	[tilespmem:s13+$0x50] =	vst v62  }
0x1f1: {  	[tilespmem:s13+$0x60] =	vst v63  }
0x1f2: {  	[tilespmem:s8+$0x14C00] =	vst v17  }
0x1f3: {  	[tilespmem:s13+$0x30] =	vst v16  }
0x1f4: {  	[tilespmem:s13+$0x10] =	vst v19  }
0x1f5: {  	[tilespmem:s13+$0x20] =	vst v18  }
0x1f6: {  	s1 =	rddreg [dreg:$0x9]  }
0x1f7: {  	[hbm4b:s1+s25] =	stream.strided.scatter [tilespmem:s29], [sflag:$0x3], $0x4000, s20, s25, $0x38;
	[tilespmem:$0x18C00] =	vst v63  }
0x1f8: {  	s1 =	simm.s32 $0x0  }
.LBB2_14:
0x1f9: {  	s9 =	sshll.u32 s1, $0x2;
	s7 =	rddreg [dreg:$0xa]  }
0x1fa: {  	s8 =	sadd.s32 s9, s7  }
0x1fb: {  	s7 =	sshll.u32 s8, $0x6  }
0x1fc: {  	s10 =	simm.s32 $0x200;
	s7 =	sadd.s32 s2, s7  }
0x1fd: {  	[tilespmem:s10], [sflag:$0x1] =	stream.linear.gather [hbm4b:s7+s31], $0x200, $0x38;
	[tilespmem:$0x18C00] =	vst v63  }
0x1fe: {  	s13 =	simm.s32 $0x30;
	_ =	swait.ge [sflag:s23], $0x200  }
0x1ff: {  	s14 =	sand.u32 $0x100, s31;
	s7 =	sand.u32 $0x70, s13;
	[sflag:s23] =	ssyncset.done $0x0  }
0x200: {  	s12 =	simm.s32 $0x10;
	s7 =	sor.u32 s7, s14;
	[sflag:s23] =	ssyncadd.s32 $0xFFFFFE00  }
0x201: {  	s12 =	sand.u32 $0x50, s12;
	s13 =	simm.s32 $0x20;
	v16 =	vld [tilespmem:s7+$0x0]  }
0x202: {  	s12 =	sor.u32 s12, s14;
	s13 =	sand.u32 $0x60, s13;
	v17 =	vld [tilespmem:s7+$0x80]  }
0x203: {  	s13 =	sor.u32 s13, s14;
	v18 =	vld [tilespmem:s12+$0x0]  }
0x204: {  	v19 =	vld [tilespmem:s13+$0x0]  }
0x205: {  	s15 =	sand.u32 $0x40, s31;
	v21 =	vld [tilespmem:s12+$0x80]  }
0x206: {  	s22 =	simm.s32 $0x50;
	s10 =	simm.s32 $0x80;
	s7 =	sor.u32 s15, s14;
	v22 =	vld [tilespmem:s13+$0x80]  }
0x207: {  	s16 =	simm.s32 $0x70;
	s17 =	sand.u32 $0x100, s10;
	s13 =	sand.u32 $0x50, s22;
	v20 =	vld [tilespmem:s7+$0x0]  }
0x208: {  	v23 =	vld [tilespmem:s7+$0x80];
	s7 =	sand.u32 $0x70, s16;
	s13 =	sor.u32 s13, s17  }
0x209: {  	s14 =	simm.s32 $0x60;
	s7 =	sor.u32 s7, s17;
	v28 =	vld [tilespmem:s13+$0x80]  }
0x20a: {  	s14 =	sand.u32 $0x60, s14;
	v24 =	vld [tilespmem:s7+$0x0]  }
0x20b: {  	s14 =	sor.u32 s14, s17;
	v25 =	vld [tilespmem:s7+$0x80];
	v16 =	vmul.f32 $5.000000000e-01, v16  }
0x20c: {  	v29 =	vld [tilespmem:s14+$0x80];
	v17 =	vmul.f32 $5.000000000e-01, v17;
	v18 =	vmul.f32 $5.000000000e-01, v18  }
0x20d: {  	s15 =	simm.s32 $0x40;
	v19 =	vmul.f32 $5.000000000e-01, v19;
	v21 =	vmul.f32 $5.000000000e-01, v21  }
0x20e: {  	s28 =	sand.u32 $0x40, s15;
	v22 =	vmul.f32 $5.000000000e-01, v22;
	v20 =	vmul.f32 $5.000000000e-01, v20;
	v16 =	vadd.f32 $5.000000000e-01, v16  }
0x20f: {  	s7 =	sor.u32 s28, s17;
	v23 =	vmul.f32 $5.000000000e-01, v23;
	v17 =	vadd.f32 $5.000000000e-01, v17;
	v18 =	vadd.f32 $5.000000000e-01, v18  }
0x210: {  	v27 =	vld [tilespmem:s7+$0x0];
	v19 =	vadd.f32 $5.000000000e-01, v19;
	v62 =	vmul.f32 $5.000000000e-01, v28;
	v24 =	vmul.f32 $5.000000000e-01, v24  }
0x211: {  	v21 =	vadd.f32 $5.000000000e-01, v21;
	v25 =	vmul.f32 $5.000000000e-01, v25;
	v63 =	vmul.f32 $5.000000000e-01, v29  }
0x212: {  	v22 =	vadd.f32 $5.000000000e-01, v22;
	v16 =	vmul.f32 $5.120000000e+02, v16;
	v17 =	vmul.f32 $5.120000000e+02, v17  }
0x213: {  	v20 =	vadd.f32 $5.000000000e-01, v20;
	v18 =	vmul.f32 $5.120000000e+02, v18;
	v19 =	vmul.f32 $5.120000000e+02, v19  }
0x214: {  	v23 =	vadd.f32 $5.000000000e-01, v23;
	v21 =	vmul.f32 $5.120000000e+02, v21;
	v22 =	vmul.f32 $5.120000000e+02, v22  }
0x215: {  	v61 =	vmul.f32 $5.000000000e-01, v27;
	v20 =	vmul.f32 $5.120000000e+02, v20  }
0x216: {  	v23 =	vmul.f32 $5.120000000e+02, v23;
	v16 =	vclamp.gez.f32 v16, $5.110000000e+02  }
0x217: {  	v17 =	vclamp.gez.f32 v17, $5.110000000e+02;
	v18 =	vclamp.gez.f32 v18, $5.110000000e+02  }
0x218: {  	v19 =	vclamp.gez.f32 v19, $5.110000000e+02;
	v21 =	vclamp.gez.f32 v21, $5.110000000e+02  }
0x219: {  	v22 =	vclamp.gez.f32 v22, $5.110000000e+02;
	v16 =	vtrunc.f32 v16  }
0x21a: {  	v17 =	vtrunc.f32 v17;
	v20 =	vclamp.gez.f32 v20, $5.110000000e+02  }
0x21b: {  	v24 =	vadd.f32 $5.000000000e-01, v24;
	v18 =	vtrunc.f32 v18;
	v19 =	vtrunc.f32 v19  }
0x21c: {  	v25 =	vadd.f32 $5.000000000e-01, v25;
	v23 =	vclamp.gez.f32 v23, $5.110000000e+02;
	v21 =	vtrunc.f32 v21  }
0x21d: {  	v22 =	vtrunc.f32 v22;
	v24 =	vmul.f32 $5.120000000e+02, v24  }
0x21e: {  	v25 =	vmul.f32 $5.120000000e+02, v25;
	v16 =	vcvt.f32.s32 v16  }
0x21f: {  	v27 =	vadd.f32 $5.000000000e-01, v62;
	v17 =	vcvt.f32.s32 v17;
	v20 =	vtrunc.f32 v20  }
0x220: {  	v26 =	vld [tilespmem:s13+$0x0];
	v28 =	vadd.f32 $5.000000000e-01, v63;
	v18 =	vcvt.f32.s32 v18;
	v19 =	vcvt.f32.s32 v19  }
0x221: {  	v23 =	vtrunc.f32 v23;
	v21 =	vcvt.f32.s32 v21;
	v16 =	vshll.u32 v16, $0x9  }
0x222: {  	v20 =	vcvt.f32.s32 v20;
	v18 =	vshll.u32 v18, $0x9;
	v16 =	vadd.s32 v17, v16;
	v17 =	vld [tilespmem:s14+$0x0]  }
0x223: {  	v23 =	vcvt.f32.s32 v23;
	v24 =	vclamp.gez.f32 v24, $5.110000000e+02;
	v18 =	vadd.s32 v21, v18;
	v21 =	vld [tilespmem:s7+$0x80]  }
0x224: {  	v25 =	vclamp.gez.f32 v25, $5.110000000e+02;
	v19 =	vshll.u32 v19, $0x9;
	v24 =	vtrunc.f32 v24  }
0x225: {  	v30 =	vshll.u32 v20, $0x9;
	v20 =	vcvt.f32.s32 v22;
	v22 =	vmul.f32 $5.000000000e-01, v26  }
0x226: {  	s13 =	simm.s32 $0x820;
	v25 =	vtrunc.f32 v25;
	v26 =	vadd.f32 $5.000000000e-01, v61;
	v24 =	vcvt.f32.s32 v24  }
0x227: {  	[tilespmem:s13+$0x10] =	vst v16;
	v22 =	vadd.f32 $5.000000000e-01, v22;
	v20 =	vadd.s32 v20, v19;
	v17 =	vmul.f32 $5.000000000e-01, v17  }
0x228: {  	[tilespmem:s13+$0xFFFFFFF0] =	vst v18;
	v18 =	vshll.u32 v24, $0x9;
	v16 =	vmul.f32 $5.000000000e-01, v21;
	v21 =	vcvt.f32.s32 v25  }
0x229: {  	[tilespmem:s13+$0x0] =	vst v20;
	v20 =	vmul.f32 $5.120000000e+02, v26;
	v19 =	vmul.f32 $5.120000000e+02, v22;
	v17 =	vadd.f32 $5.000000000e-01, v17  }
0x22a: {  	s12 =	simm.s32 $0x860;
	v22 =	vadd.f32 $5.000000000e-01, v16;
	v21 =	vadd.s32 v21, v18;
	v18 =	vmul.f32 $5.120000000e+02, v27  }
0x22b: {  	s22 =	simm.s32 $0x80;
	s7 =	simm.s32 $0x4;
	v16 =	vmul.f32 $5.120000000e+02, v28;
	[tilespmem:s12+$0x10] =	vst v21;
	v21 =	vadd.s32 v23, v30;
	v17 =	vmul.f32 $5.120000000e+02, v17  }
.LBB2_15:
0x22c: {  	s14 =	sadd.s32 $0x30, s22;
	s7 =	sadd.s32 $0x4, s7;
	v22 =	vmul.f32 $5.120000000e+02, v22;
	v19 =	vclamp.gez.f32 v19, $5.110000000e+02;
	s10 =	sadd.s32 $0x80, s10;
	[tilespmem:s13+$0xFFFFFFE0] =	vst v21  }
0x22d: {  	v20 =	vclamp.gez.f32 v20, $5.110000000e+02;
	v17 =	vclamp.gez.f32 v17, $5.110000000e+02;
	s13 =	sand.u32 $0x100, s10;
	s14 =	sand.u32 $0x70, s14;
	p0 =	slt.u32 s7, $0xC  }
0x22e: {  	s15 =	sadd.s32 $0x10, s22;
	s28 =	sadd.s32 $0x20, s22;
	v19 =	vtrunc.f32 v19;
	v17 =	vtrunc.f32 v17;
	s14 =	sor.u32 s14, s13  }
0x22f: {  	s16 =	sand.u32 $0x40, s22;
	s15 =	sand.u32 $0x50, s15;
	s28 =	sand.u32 $0x60, s28;
	v20 =	vtrunc.f32 v20;
	v18 =	vclamp.gez.f32 v18, $5.110000000e+02;
	v21 =	vld [tilespmem:s14+$0x0]  }
0x230: {  	v16 =	vclamp.gez.f32 v16, $5.110000000e+02;
	s16 =	sor.u32 s16, s13;
	s15 =	sor.u32 s15, s13;
	s28 =	sor.u32 s28, s13;
	v22 =	vclamp.gez.f32 v22, $5.110000000e+02;
	v23 =	vld [tilespmem:s14+$0x80]  }
0x231: {  	v19 =	vcvt.f32.s32 v19;
	v17 =	vcvt.f32.s32 v17;
	s13 =	smov.u32 s12;
	v24 =	vld [tilespmem:s15+$0x0]  }
0x232: {  	v20 =	vcvt.f32.s32 v20;
	v18 =	vtrunc.f32 v18;
	v25 =	vld [tilespmem:s28+$0x0]  }
0x233: {  	v16 =	vtrunc.f32 v16;
	v22 =	vtrunc.f32 v22;
	v19 =	vshll.u32 v19, $0x9;
	v26 =	vld [tilespmem:s16+$0x0]  }
0x234: {  	v18 =	vcvt.f32.s32 v18;
	v17 =	vshll.u32 v17, $0x9;
	v27 =	vld [tilespmem:s15+$0x80];
	v21 =	vmul.f32 $5.000000000e-01, v21  }
0x235: {  	v16 =	vcvt.f32.s32 v16;
	v29 =	vshll.u32 v20, $0x9;
	v28 =	vld [tilespmem:s28+$0x80];
	v23 =	vmul.f32 $5.000000000e-01, v23  }
0x236: {  	v30 =	vcvt.f32.s32 v22;
	v20 =	vld [tilespmem:s16+$0x80];
	v24 =	vmul.f32 $5.000000000e-01, v24;
	v21 =	vadd.f32 $5.000000000e-01, v21  }
0x237: {  	v18 =	vadd.s32 v18, v19;
	v22 =	vmul.f32 $5.000000000e-01, v25;
	v23 =	vadd.f32 $5.000000000e-01, v23  }
0x238: {  	v19 =	vmul.f32 $5.000000000e-01, v26;
	v24 =	vadd.f32 $5.000000000e-01, v24;
	v21 =	vmul.f32 $5.120000000e+02, v21;
	[tilespmem:s12+$0xFFFFFFF0] =	vst v18  }
0x239: {  	v18 =	vmul.f32 $5.000000000e-01, v27;
	v22 =	vadd.f32 $5.000000000e-01, v22;
	v23 =	vmul.f32 $5.120000000e+02, v23  }
0x23a: {  	v25 =	vadd.f32 $5.000000000e-01, v19;
	v19 =	vmul.f32 $5.000000000e-01, v28;
	v21 =	vclamp.gez.f32 v21, $5.110000000e+02  }
0x23b: {  	v18 =	vadd.f32 $5.000000000e-01, v18;
	v21 =	vtrunc.f32 v21;
	v23 =	vclamp.gez.f32 v23, $5.110000000e+02  }
.Ltmp6:
0x23c: {  	v26 =	vadd.f32 $5.000000000e-01, v19;
	v21 =	vcvt.f32.s32 v21;
	v19 =	vtrunc.f32 v23;
	(pc) =	sbr.rel @p0 .LBB2_15-.Ltmp6, $4  }
0x23d: {  	v16 =	vadd.s32 v16, v17;
	v23 =	vmul.f32 $5.000000000e-01, v20;
	v27 =	vcvt.f32.s32 v19  }
0x23e: {  	v17 =	vmul.f32 $5.120000000e+02, v22;
	v19 =	vmul.f32 $5.120000000e+02, v24;
	v21 =	vshll.u32 v21, $0x9;
	[tilespmem:s12+$0x0] =	vst v16  }
0x23f: {  	v20 =	vmul.f32 $5.120000000e+02, v25;
	v22 =	vadd.f32 $5.000000000e-01, v23;
	s12 =	sadd.s32 $0x40, s12;
	v21 =	vadd.s32 v27, v21  }
0x240: {  	s22 =	sadd.s32 $0x40, s22;
	v18 =	vmul.f32 $5.120000000e+02, v18;
	v16 =	vmul.f32 $5.120000000e+02, v26;
	[tilespmem:s12+$0x10] =	vst v21;
	v21 =	vadd.s32 v30, v29  }
0x241: {  	v22 =	vmul.f32 $5.120000000e+02, v22;
	v19 =	vclamp.gez.f32 v19, $5.110000000e+02  }
0x242: {  	v20 =	vclamp.gez.f32 v20, $5.110000000e+02;
	v17 =	vclamp.gez.f32 v17, $5.110000000e+02  }
0x243: {  	v19 =	vtrunc.f32 v19;
	v17 =	vtrunc.f32 v17  }
0x244: {  	v20 =	vtrunc.f32 v20;
	v18 =	vclamp.gez.f32 v18, $5.110000000e+02  }
0x245: {  	v16 =	vclamp.gez.f32 v16, $5.110000000e+02;
	v22 =	vclamp.gez.f32 v22, $5.110000000e+02  }
0x246: {  	v19 =	vcvt.f32.s32 v19;
	v17 =	vcvt.f32.s32 v17  }
0x247: {  	v20 =	vcvt.f32.s32 v20;
	v18 =	vtrunc.f32 v18  }
0x248: {  	v16 =	vtrunc.f32 v16;
	v18 =	vcvt.f32.s32 v18  }
0x249: {  	v22 =	vtrunc.f32 v22;
	v16 =	vcvt.f32.s32 v16;
	v19 =	vshll.u32 v19, $0x9  }
0x24a: {  	[tilespmem:s13+$0xFFFFFFE0] =	vst v21;
	v17 =	vshll.u32 v17, $0x9;
	v21 =	vcvt.f32.s32 v22;
	v18 =	vadd.s32 v18, v19  }
0x24b: {  	v19 =	vshll.u32 v20, $0x9;
	v16 =	vadd.s32 v16, v17;
	[tilespmem:s12+$0xFFFFFFF0] =	vst v18  }
0x24c: {  	[tilespmem:s12+$0x0] =	vst v16;
	v16 =	vadd.s32 v21, v19  }
0x24d: {  	[tilespmem:s12+$0xFFFFFFE0] =	vst v16  }
0x24e: {  	[tilespmem:s26], [sflag:$0x2] =	stream.indirect.gather [hbm4b:s5+s24], $0x40, s25, s24, $0xb8;
	[tilespmem:$0x18C00] =	vst v63  }
0x24f: {  	s7 =	simm.s32 $0x880;
	s10 =	simm.s32 $0x2C00;
	s15 =	simm.s32 $0x0  }
0x250: {  	[tilespmem:s10], [sflag:$0x2] =	stream.indirect.gather [hbm4b:s5+s24], $0x40, s7, s24, $0xb8;
	[tilespmem:$0x18C00] =	vst v63  }
0x251: {  	v16 =	vmov s15;
	_ =	swait.ge [sflag:s19], $0x2000  }
0x252: {  	v16 =	vand.u32 $0x3F, v16;
	[sflag:s19] =	ssyncset.done $0x0  }
0x253: {  	v16 =	vbroadcast v16, $0x0;
	[sflag:s19] =	ssyncadd.s32 $0xFFFFE000  }
0x254: {  	_ =	swait.ge [sflag:s19], $0x2000  }
0x255: {  	v17 =	vor.u32 v15, v16;
	[sflag:s19] =	ssyncset.done $0x0  }
0x256: {  	v18 =	vor.u32 v14, v16;
	[sflag:s19] =	ssyncadd.s32 $0xFFFFE000  }
0x257: {  	v19 =	vor.u32 v13, v16;
	_ =	swait.ge [sflag:s30], $0x4000  }
0x258: {  	v20 =	vor.u32 v12, v16;
	[sflag:s30] =	ssyncset.done $0x0  }
0x259: {  	v21 =	vor.u32 v11, v16;
	[sflag:s30] =	ssyncadd.s32 $0xFFFFC000  }
0x25a: {  	v22 =	vor.u32 v10, v16;
	v17 =	vld.idx.msk [tilespmem:v17+s11+$0x0], $0xffff  }
0x25b: {  	v23 =	vor.u32 v9, v16;
	v18 =	vld.idx.msk [tilespmem:v18+s11+$0x0], $0xffff  }
0x25c: {  	v24 =	vor.u32 v8, v16;
	v19 =	vld.idx.msk [tilespmem:v19+s11+$0x0], $0xffff  }
0x25d: {  	s16 =	sand.u32 $0xE000, s15;
	v25 =	vor.u32 v7, v16;
	v20 =	vld.idx.msk [tilespmem:v20+s11+$0x0], $0xffff  }
0x25e: {  	s7 =	sand.u32 $0x380, s15;
	s10 =	sshrl.u32 s16, $0x2;
	v26 =	vor.u32 v6, v16;
	v21 =	vld.idx.msk [tilespmem:v21+s11+$0x0], $0xffff  }
0x25f: {  	s17 =	sor.u32 s7, s10;
	v28 =	vor.u32 v4, v16;
	v22 =	vld.idx.msk [tilespmem:v22+s11+$0x0], $0xffff  }
0x260: {  	s22 =	simm.s32 $0x1;
	v27 =	vor.u32 v5, v16;
	s10 =	sadd.s32 $0x10C00, s17;
	v23 =	vld.idx.msk [tilespmem:v23+s11+$0x0], $0xffff  }
0x261: {  	v29 =	vor.u32 v1, v16;
	[tilespmem:s10+$0x470] =	vst v17;
	v17 =	vld.idx.msk [tilespmem:v24+s11+$0x0], $0xffff;
	v24 =	vmov s22  }
0x262: {  	v30 =	vor.u32 v0, v16;
	[tilespmem:s10+$0x460] =	vst v18;
	v18 =	vld.idx.msk [tilespmem:v25+s11+$0x0], $0xffff;
	v24 =	vand.u32 $0x3F, v24  }
0x263: {  	v25 =	vor.u32 v3, v16;
	[tilespmem:s10+$0x450] =	vst v19;
	v19 =	vld.idx.msk [tilespmem:v26+s11+$0x0], $0xffff;
	v31 =	vbroadcast v24, $0x0  }
0x264: {  	v16 =	vor.u32 v2, v16;
	[tilespmem:s10+$0x440] =	vst v20;
	v26 =	vld.idx.msk [tilespmem:v28+s11+$0x0], $0xffff  }
0x265: {  	[tilespmem:s10+$0x430] =	vst v21;
	v24 =	vld.idx.msk [tilespmem:v27+s11+$0x0], $0xffff;
	v21 =	vor.u32 v15, v31  }
0x266: {  	[tilespmem:s10+$0x420] =	vst v22;
	v27 =	vld.idx.msk [tilespmem:v29+s11+$0x0], $0xffff;
	v22 =	vor.u32 v14, v31  }
0x267: {  	[tilespmem:s10+$0x410] =	vst v23;
	v29 =	vld.idx.msk [tilespmem:v30+s11+$0x0], $0xffff;
	v28 =	vor.u32 v13, v31  }
0x268: {  	v23 =	vor.u32 v12, v31;
	v25 =	vld.idx.msk [tilespmem:v25+s11+$0x0], $0xffff;
	[tilespmem:s10+$0x400] =	vst v17  }
0x269: {  	v30 =	vor.u32 v11, v31;
	v20 =	vld.idx.msk [tilespmem:v16+s11+$0x0], $0xffff;
	[tilespmem:s10+$0x70] =	vst v18  }
0x26a: {  	v32 =	vor.u32 v10, v31;
	[tilespmem:s10+$0x40] =	vst v26;
	v33 =	vld.idx.msk [tilespmem:v21+s11+$0x0], $0xffff  }
0x26b: {  	s13 =	simm.s32 $0x400;
	v34 =	vor.u32 v9, v31;
	[tilespmem:s10+$0x60] =	vst v19;
	v35 =	vld.idx.msk [tilespmem:v22+s11+$0x0], $0xffff  }
0x26c: {  	s14 =	sand.u32 $0xE000, s13;
	s7 =	simm.s32 $0x80;
	v36 =	vor.u32 v8, v31;
	[tilespmem:s10+$0x50] =	vst v24;
	v22 =	vld.idx.msk [tilespmem:v28+s11+$0x0], $0xffff  }
0x26d: {  	s14 =	sshrl.u32 s14, $0x2;
	s15 =	sand.u32 $0x380, s7;
	[tilespmem:s17+$0x10C00] =	vst v29;
	v29 =	vor.u32 v7, v31;
	v21 =	vld.idx.msk [tilespmem:v23+s11+$0x0], $0xffff  }
0x26e: {  	s12 =	sor.u32 s15, s14;
	[tilespmem:s10+$0x10] =	vst v27;
	v27 =	vor.u32 v6, v31;
	v23 =	vld.idx.msk [tilespmem:v30+s11+$0x0], $0xffff  }
0x26f: {  	s14 =	sadd.s32 $0x10C00, s12;
	v17 =	vor.u32 v0, v31;
	v26 =	vld.idx.msk [tilespmem:v32+s11+$0x0], $0xffff;
	v28 =	vor.u32 v5, v31;
	[tilespmem:s10+$0x30] =	vst v25  }
0x270: {  	v16 =	vor.u32 v3, v31;
	v24 =	vld.idx.msk [tilespmem:v34+s11+$0x0], $0xffff;
	v30 =	vor.u32 v4, v31;
	[tilespmem:s14+$0x470] =	vst v33  }
0x271: {  	s28 =	simm.s32 $0x2;
	s22 =	simm.s32 $0x10;
	v19 =	vor.u32 v1, v31;
	v18 =	vor.u32 v2, v31;
	v25 =	vld.idx.msk [tilespmem:v36+s11+$0x0], $0xffff;
	[tilespmem:s14+$0x460] =	vst v35  }
.LBB2_17:
0x272: {  	v31 =	vmov s28;
	s22 =	sadd.s32 $0x10, s22;
	v29 =	vld.idx.msk [tilespmem:v29+s11+$0x0], $0xffff;
	[tilespmem:s14+$0x450] =	vst v22;
	s7 =	sadd.s32 $0x80, s7;
	s13 =	sadd.s32 $0x400, s13  }
0x273: {  	v22 =	vand.u32 $0x3F, v31;
	p0 =	slt.u32 s22, $0x3F0;
	v27 =	vld.idx.msk [tilespmem:v27+s11+$0x0], $0xffff;
	[tilespmem:s10+$0x20] =	vst v20;
	s10 =	smov.u32 s14  }
0x274: {  	v31 =	vbroadcast v22, $0x0;
	v22 =	vld.idx.msk [tilespmem:v28+s11+$0x0], $0xffff;
	[tilespmem:s10+$0x440] =	vst v21  }
0x275: {  	v21 =	vld.idx.msk [tilespmem:v30+s11+$0x0], $0xffff;
	[tilespmem:s10+$0x430] =	vst v23  }
0x276: {  	v20 =	vor.u32 v0, v31;
	v23 =	vor.u32 v3, v31;
	v28 =	vor.u32 v15, v31;
	[tilespmem:s10+$0x420] =	vst v26  }
0x277: {  	v26 =	vor.u32 v2, v31;
	v30 =	vor.u32 v14, v31;
	v32 =	vld.idx.msk [tilespmem:v19+s11+$0x0], $0xffff;
	v19 =	vor.u32 v1, v31  }
0x278: {  	v33 =	vor.u32 v13, v31;
	v34 =	vld.idx.msk [tilespmem:v17+s11+$0x0], $0xffff;
	[tilespmem:s10+$0x410] =	vst v24;
	v17 =	vmov v20  }
0x279: {  	v24 =	vor.u32 v12, v31;
	v35 =	vld.idx.msk [tilespmem:v16+s11+$0x0], $0xffff;
	[tilespmem:s10+$0x400] =	vst v25;
	v16 =	vmov v23  }
0x27a: {  	v23 =	vor.u32 v11, v31;
	v20 =	vld.idx.msk [tilespmem:v18+s11+$0x0], $0xffff;
	[tilespmem:s10+$0x70] =	vst v29;
	v18 =	vmov v26  }
0x27b: {  	v25 =	vor.u32 v10, v31;
	v36 =	vld.idx.msk [tilespmem:v28+s11+$0x0], $0xffff;
	[tilespmem:s10+$0x40] =	vst v21  }
0x27c: {  	v37 =	vor.u32 v9, v31;
	v38 =	vld.idx.msk [tilespmem:v30+s11+$0x0], $0xffff;
	[tilespmem:s10+$0x50] =	vst v22  }
0x27d: {  	s14 =	sand.u32 $0xE000, s13;
	v39 =	vor.u32 v8, v31;
	v22 =	vld.idx.msk [tilespmem:v33+s11+$0x0], $0xffff;
	[tilespmem:s10+$0x60] =	vst v27  }
.Ltmp7:
0x27e: {  	s15 =	sand.u32 $0x380, s7;
	s14 =	sshrl.u32 s14, $0x2;
	v29 =	vor.u32 v7, v31;
	v21 =	vld.idx.msk [tilespmem:v24+s11+$0x0], $0xffff;
	[tilespmem:s12+$0x10C00] =	vst v34;
	(pc) =	sbr.rel @p0 .LBB2_17-.Ltmp7, $4  }
0x27f: {  	v27 =	vor.u32 v6, v31;
	s12 =	sor.u32 s15, s14;
	v23 =	vld.idx.msk [tilespmem:v23+s11+$0x0], $0xffff;
	[tilespmem:s10+$0x30] =	vst v35  }
0x280: {  	v28 =	vor.u32 v5, v31;
	s14 =	sadd.s32 $0x10C00, s12;
	v26 =	vld.idx.msk [tilespmem:v25+s11+$0x0], $0xffff;
	[tilespmem:s10+$0x10] =	vst v32  }
0x281: {  	v30 =	vor.u32 v4, v31;
	v24 =	vld.idx.msk [tilespmem:v37+s11+$0x0], $0xffff;
	[tilespmem:s14+$0x470] =	vst v36  }
0x282: {  	s28 =	sadd.s32 $0x1, s28;
	v25 =	vld.idx.msk [tilespmem:v39+s11+$0x0], $0xffff;
	[tilespmem:s14+$0x460] =	vst v38  }
0x283: {  	_ =	sdelay $0x1  }
0x284: {  	[tilespmem:s14+$0x450] =	vst v22  }
0x285: {  	[tilespmem:s10+$0x20] =	vst v20  }
0x286: {  	v20 =	vld.idx.msk [tilespmem:v29+s11+$0x0], $0xffff;
	[tilespmem:s14+$0x440] =	vst v21  }
0x287: {  	v21 =	vld.idx.msk [tilespmem:v30+s11+$0x0], $0xffff;
	[tilespmem:s14+$0x430] =	vst v23  }
0x288: {  	v22 =	vld.idx.msk [tilespmem:v28+s11+$0x0], $0xffff;
	[tilespmem:s14+$0x420] =	vst v26  }
0x289: {  	v17 =	vld.idx.msk [tilespmem:v17+s11+$0x0], $0xffff;
	[tilespmem:s14+$0x410] =	vst v24  }
0x28a: {  	v16 =	vld.idx.msk [tilespmem:v16+s11+$0x0], $0xffff;
	[tilespmem:s14+$0x400] =	vst v25  }
0x28b: {  	v19 =	vld.idx.msk [tilespmem:v19+s11+$0x0], $0xffff;
	[tilespmem:s14+$0x70] =	vst v20  }
0x28c: {  	v18 =	vld.idx.msk [tilespmem:v18+s11+$0x0], $0xffff;
	[tilespmem:s14+$0x40] =	vst v21  }
0x28d: {  	v23 =	vld.idx.msk [tilespmem:v27+s11+$0x0], $0xffff;
	[tilespmem:s14+$0x50] =	vst v22  }
0x28e: {  	s10 =	sadd.s32 s9, s4;
	[tilespmem:s12+$0x10C00] =	vst v17  }
0x28f: {  	s7 =	sadd.s32 $0x2, s10;
	[tilespmem:s14+$0x30] =	vst v16  }
0x290: {  	s22 =	sshll.u32 s7, $0x8;
	[tilespmem:s14+$0x10] =	vst v19  }
0x291: {  	s7 =	sshll.u32 s7, $0xB;
	s12 =	sand.u32 $0xE00, s22;
	[tilespmem:s14+$0x20] =	vst v18  }
0x292: {  	s7 =	sand.u32 $0xFFF8000, s7;
	[tilespmem:s14+$0x60] =	vst v23;
	s12 =	sadd.s32 s6, s12  }
0x293: {  	s7 =	sadd.s32 s7, s12;
	s13 =	rddreg [dreg:$0xb]  }
0x294: {  	[hbm4b:s7+s25] =	stream.strided.scatter [tilespmem:s21], [sflag:$0x3], $0x4000, s20, s25, $0x38;
	[tilespmem:$0x18C00] =	vst v63  }
0x295: {  	s7 =	sadd.s32 s9, s13  }
0x296: {  	s7 =	sshll.u32 s7, $0x6  }
0x297: {  	s14 =	simm.s32 $0x0;
	s13 =	simm.s32 $0x400;
	s7 =	sadd.s32 s2, s7  }
0x298: {  	[tilespmem:s13], [sflag:$0x1] =	stream.linear.gather [hbm4b:s7+s14], $0x200, $0x38;
	[tilespmem:$0x18C00] =	vst v63  }
0x299: {  	s16 =	simm.s32 $0x30;
	s15 =	sand.u32 $0x100, s14;
	_ =	swait.ge [sflag:s23], $0x200  }
0x29a: {  	s7 =	sor.u32 $0x200, s15;
	s13 =	sand.u32 $0x70, s16;
	[sflag:s23] =	ssyncset.done $0x0  }
0x29b: {  	s13 =	sor.u32 s13, s7;
	[sflag:s23] =	ssyncadd.s32 $0xFFFFFE00  }
0x29c: {  	s17 =	simm.s32 $0x10;
	s12 =	sand.u32 $0x40, s14;
	v16 =	vld [tilespmem:s13+$0x0]  }
0x29d: {  	s15 =	simm.s32 $0x20;
	s14 =	sand.u32 $0x50, s17;
	s12 =	sor.u32 s12, s7;
	v17 =	vld [tilespmem:s13+$0x80]  }
0x29e: {  	s22 =	sand.u32 $0x60, s15;
	s14 =	sor.u32 s14, s7;
	v18 =	vld [tilespmem:s12+$0x0]  }
0x29f: {  	s7 =	sor.u32 s22, s7;
	v19 =	vld [tilespmem:s14+$0x0]  }
0x2a0: {  	v20 =	vld [tilespmem:s7+$0x0]  }
0x2a1: {  	v21 =	vld [tilespmem:s12+$0x80]  }
0x2a2: {  	v22 =	vld [tilespmem:s14+$0x80];
	s13 =	simm.s32 $0x80  }
0x2a3: {  	v23 =	vld [tilespmem:s7+$0x80];
	s14 =	simm.s32 $0x70;
	s7 =	sand.u32 $0x100, s13;
	v16 =	vmul.f32 $5.000000000e-01, v16  }
0x2a4: {  	s16 =	simm.s32 $0x50;
	s12 =	sand.u32 $0x70, s14;
	s7 =	sor.u32 $0x200, s7;
	v17 =	vmul.f32 $5.000000000e-01, v17;
	v18 =	vmul.f32 $5.000000000e-01, v18  }
0x2a5: {  	s17 =	simm.s32 $0x60;
	s15 =	simm.s32 $0x40;
	s12 =	sor.u32 s12, s7;
	v19 =	vmul.f32 $5.000000000e-01, v19;
	v20 =	vmul.f32 $5.000000000e-01, v20  }
0x2a6: {  	s22 =	sand.u32 $0x60, s17;
	s13 =	sand.u32 $0x40, s15;
	s14 =	sand.u32 $0x50, s16;
	v54 =	vld [tilespmem:s12+$0x0];
	v21 =	vmul.f32 $5.000000000e-01, v21;
	v16 =	vadd.f32 $5.000000000e-01, v16;
	v17 =	vadd.f32 $5.000000000e-01, v17  }
0x2a7: {  	s13 =	sor.u32 s13, s7;
	s14 =	sor.u32 s14, s7;
	s7 =	sor.u32 s22, s7;
	v55 =	vld [tilespmem:s12+$0x80];
	v22 =	vmul.f32 $5.000000000e-01, v22;
	v18 =	vadd.f32 $5.000000000e-01, v18;
	v19 =	vadd.f32 $5.000000000e-01, v19  }
0x2a8: {  	v57 =	vld [tilespmem:s7+$0x0];
	v23 =	vmul.f32 $5.000000000e-01, v23;
	v20 =	vadd.f32 $5.000000000e-01, v20;
	v21 =	vadd.f32 $5.000000000e-01, v21  }
0x2a9: {  	v58 =	vld [tilespmem:s13+$0x80];
	v22 =	vadd.f32 $5.000000000e-01, v22;
	v16 =	vmul.f32 $5.120000000e+02, v16;
	v17 =	vmul.f32 $5.120000000e+02, v17  }
0x2aa: {  	v59 =	vld [tilespmem:s14+$0x80];
	v23 =	vadd.f32 $5.000000000e-01, v23;
	v18 =	vmul.f32 $5.120000000e+02, v18;
	v19 =	vmul.f32 $5.120000000e+02, v19  }
0x2ab: {  	v20 =	vmul.f32 $5.120000000e+02, v20;
	v21 =	vmul.f32 $5.120000000e+02, v21  }
0x2ac: {  	v22 =	vmul.f32 $5.120000000e+02, v22;
	v23 =	vmul.f32 $5.120000000e+02, v23  }
0x2ad: {  	v24 =	vmul.f32 $5.000000000e-01, v54;
	v25 =	vmul.f32 $5.000000000e-01, v55  }
0x2ae: {  	v61 =	vmul.f32 $5.000000000e-01, v57;
	v62 =	vmul.f32 $5.000000000e-01, v58  }
0x2af: {  	v63 =	vmul.f32 $5.000000000e-01, v59;
	v16 =	vclamp.gez.f32 v16, $5.110000000e+02  }
0x2b0: {  	v17 =	vclamp.gez.f32 v17, $5.110000000e+02;
	v18 =	vclamp.gez.f32 v18, $5.110000000e+02  }
0x2b1: {  	v19 =	vclamp.gez.f32 v19, $5.110000000e+02;
	v20 =	vclamp.gez.f32 v20, $5.110000000e+02  }
0x2b2: {  	v21 =	vclamp.gez.f32 v21, $5.110000000e+02;
	v22 =	vclamp.gez.f32 v22, $5.110000000e+02  }
0x2b3: {  	v23 =	vclamp.gez.f32 v23, $5.110000000e+02;
	v16 =	vtrunc.f32 v16  }
0x2b4: {  	v17 =	vtrunc.f32 v17;
	v18 =	vtrunc.f32 v18  }
0x2b5: {  	v19 =	vtrunc.f32 v19;
	v20 =	vtrunc.f32 v20  }
0x2b6: {  	v24 =	vadd.f32 $5.000000000e-01, v24;
	v21 =	vtrunc.f32 v21;
	v22 =	vtrunc.f32 v22  }
0x2b7: {  	v25 =	vadd.f32 $5.000000000e-01, v25;
	v23 =	vtrunc.f32 v23;
	v16 =	vcvt.f32.s32 v16  }
0x2b8: {  	v56 =	vld [tilespmem:s13+$0x0];
	v26 =	vadd.f32 $5.000000000e-01, v61;
	v17 =	vcvt.f32.s32 v17;
	v18 =	vcvt.f32.s32 v18  }
0x2b9: {  	v27 =	vadd.f32 $5.000000000e-01, v62;
	v19 =	vcvt.f32.s32 v19;
	v20 =	vcvt.f32.s32 v20  }
0x2ba: {  	v21 =	vcvt.f32.s32 v21;
	v22 =	vcvt.f32.s32 v22;
	v16 =	vshll.u32 v16, $0x9  }
0x2bb: {  	v24 =	vmul.f32 $5.120000000e+02, v24;
	v18 =	vshll.u32 v18, $0x9;
	v16 =	vadd.s32 v17, v16;
	v17 =	vld [tilespmem:s14+$0x0]  }
0x2bc: {  	v23 =	vcvt.f32.s32 v23;
	v25 =	vmul.f32 $5.120000000e+02, v25;
	v18 =	vadd.s32 v21, v18;
	v21 =	vld [tilespmem:s7+$0x80]  }
0x2bd: {  	v60 =	vshll.u32 v20, $0x9;
	v20 =	vmul.f32 $5.000000000e-01, v56;
	v24 =	vclamp.gez.f32 v24, $5.110000000e+02  }
0x2be: {  	v19 =	vshll.u32 v19, $0x9;
	v25 =	vclamp.gez.f32 v25, $5.110000000e+02;
	v24 =	vtrunc.f32 v24  }
0x2bf: {  	s13 =	simm.s32 $0x920;
	v25 =	vtrunc.f32 v25;
	v19 =	vadd.s32 v22, v19;
	v24 =	vcvt.f32.s32 v24  }
0x2c0: {  	v20 =	vadd.f32 $5.000000000e-01, v20;
	[tilespmem:s13+$0xFFFFFFF0] =	vst v19;
	v19 =	vmul.f32 $5.120000000e+02, v26;
	v17 =	vmul.f32 $5.000000000e-01, v17  }
0x2c1: {  	v28 =	vadd.f32 $5.000000000e-01, v63;
	[tilespmem:s13+$0x10] =	vst v16;
	v16 =	vmul.f32 $5.000000000e-01, v21;
	v21 =	vcvt.f32.s32 v25  }
0x2c2: {  	[tilespmem:s13+$0xFFFFFFE0] =	vst v18;
	v20 =	vmul.f32 $5.120000000e+02, v20;
	v18 =	vshll.u32 v24, $0x9;
	v17 =	vadd.f32 $5.000000000e-01, v17  }
0x2c3: {  	s12 =	simm.s32 $0x960;
	v22 =	vadd.f32 $5.000000000e-01, v16;
	v21 =	vadd.s32 v21, v18;
	v18 =	vmul.f32 $5.120000000e+02, v27  }
0x2c4: {  	s28 =	simm.s32 $0x100;
	s22 =	simm.s32 $0x80;
	s7 =	simm.s32 $0x4;
	v16 =	vmul.f32 $5.120000000e+02, v28;
	[tilespmem:s12+$0x10] =	vst v21;
	v21 =	vadd.s32 v23, v60;
	v17 =	vmul.f32 $5.120000000e+02, v17  }
.LBB2_19:
0x2c5: {  	s14 =	sand.u32 $0x100, s28;
	s15 =	sadd.s32 $0x30, s22;
	s7 =	sadd.s32 $0x4, s7;
	v20 =	vclamp.gez.f32 v20, $5.110000000e+02;
	v22 =	vmul.f32 $5.120000000e+02, v22;
	[tilespmem:s13+$0x0] =	vst v21  }
0x2c6: {  	v17 =	vclamp.gez.f32 v17, $5.110000000e+02;
	v19 =	vclamp.gez.f32 v19, $5.110000000e+02;
	s13 =	sor.u32 $0x200, s14;
	s14 =	sand.u32 $0x70, s15;
	p0 =	slt.u32 s7, $0xC  }
0x2c7: {  	s16 =	sadd.s32 $0x20, s22;
	s15 =	sadd.s32 $0x10, s22;
	v20 =	vtrunc.f32 v20;
	v17 =	vtrunc.f32 v17;
	s14 =	sor.u32 s14, s13  }
0x2c8: {  	s17 =	sand.u32 $0x40, s22;
	s16 =	sand.u32 $0x60, s16;
	v18 =	vclamp.gez.f32 v18, $5.110000000e+02;
	v19 =	vtrunc.f32 v19;
	s15 =	sand.u32 $0x50, s15;
	v21 =	vld [tilespmem:s14+$0x0]  }
0x2c9: {  	v16 =	vclamp.gez.f32 v16, $5.110000000e+02;
	s17 =	sor.u32 s17, s13;
	s16 =	sor.u32 s16, s13;
	v22 =	vclamp.gez.f32 v22, $5.110000000e+02;
	s15 =	sor.u32 s15, s13;
	v23 =	vld [tilespmem:s14+$0x80]  }
0x2ca: {  	v20 =	vcvt.f32.s32 v20;
	v17 =	vcvt.f32.s32 v17;
	s13 =	smov.u32 s12;
	v24 =	vld [tilespmem:s17+$0x0]  }
0x2cb: {  	v18 =	vtrunc.f32 v18;
	v19 =	vcvt.f32.s32 v19;
	v25 =	vld [tilespmem:s15+$0x0]  }
0x2cc: {  	v16 =	vtrunc.f32 v16;
	v22 =	vtrunc.f32 v22;
	v20 =	vshll.u32 v20, $0x9;
	v26 =	vld [tilespmem:s16+$0x0]  }
0x2cd: {  	v18 =	vcvt.f32.s32 v18;
	v17 =	vshll.u32 v17, $0x9;
	v27 =	vld [tilespmem:s17+$0x80];
	v21 =	vmul.f32 $5.000000000e-01, v21  }
0x2ce: {  	v16 =	vcvt.f32.s32 v16;
	v29 =	vshll.u32 v19, $0x9;
	v28 =	vld [tilespmem:s15+$0x80];
	v23 =	vmul.f32 $5.000000000e-01, v23  }
0x2cf: {  	v30 =	vcvt.f32.s32 v22;
	v19 =	vmul.f32 $5.000000000e-01, v24;
	v24 =	vld [tilespmem:s16+$0x80];
	v21 =	vadd.f32 $5.000000000e-01, v21  }
0x2d0: {  	v18 =	vadd.s32 v18, v20;
	v22 =	vmul.f32 $5.000000000e-01, v25;
	v23 =	vadd.f32 $5.000000000e-01, v23  }
0x2d1: {  	v19 =	vadd.f32 $5.000000000e-01, v19;
	v20 =	vmul.f32 $5.000000000e-01, v26;
	v21 =	vmul.f32 $5.120000000e+02, v21;
	[tilespmem:s12+$0xFFFFFFE0] =	vst v18  }
0x2d2: {  	v18 =	vmul.f32 $5.000000000e-01, v27;
	v22 =	vadd.f32 $5.000000000e-01, v22;
	v23 =	vmul.f32 $5.120000000e+02, v23  }
0x2d3: {  	v25 =	vmul.f32 $5.000000000e-01, v28;
	v26 =	vadd.f32 $5.000000000e-01, v20;
	v20 =	vclamp.gez.f32 v21, $5.110000000e+02  }
0x2d4: {  	v18 =	vadd.f32 $5.000000000e-01, v18;
	v20 =	vtrunc.f32 v20;
	v21 =	vclamp.gez.f32 v23, $5.110000000e+02  }
.Ltmp8:
0x2d5: {  	v23 =	vadd.f32 $5.000000000e-01, v25;
	v25 =	vcvt.f32.s32 v20;
	v20 =	vtrunc.f32 v21;
	(pc) =	sbr.rel @p0 .LBB2_19-.Ltmp8, $4  }
0x2d6: {  	v16 =	vadd.s32 v16, v17;
	v21 =	vmul.f32 $5.000000000e-01, v24;
	v24 =	vcvt.f32.s32 v20  }
0x2d7: {  	v17 =	vmul.f32 $5.120000000e+02, v22;
	v20 =	vmul.f32 $5.120000000e+02, v19;
	v25 =	vshll.u32 v25, $0x9;
	[tilespmem:s12+$0xFFFFFFF0] =	vst v16  }
0x2d8: {  	v19 =	vmul.f32 $5.120000000e+02, v26;
	v22 =	vadd.f32 $5.000000000e-01, v21;
	s12 =	sadd.s32 $0x40, s12;
	v21 =	vadd.s32 v24, v25  }
0x2d9: {  	s28 =	sadd.s32 $0x80, s28;
	s22 =	sadd.s32 $0x40, s22;
	v18 =	vmul.f32 $5.120000000e+02, v18;
	v16 =	vmul.f32 $5.120000000e+02, v23;
	[tilespmem:s12+$0x10] =	vst v21;
	v21 =	vadd.s32 v30, v29  }
0x2da: {  	v20 =	vclamp.gez.f32 v20, $5.110000000e+02;
	v22 =	vmul.f32 $5.120000000e+02, v22  }
0x2db: {  	v17 =	vclamp.gez.f32 v17, $5.110000000e+02;
	v19 =	vclamp.gez.f32 v19, $5.110000000e+02  }
0x2dc: {  	v20 =	vtrunc.f32 v20;
	v17 =	vtrunc.f32 v17  }
0x2dd: {  	v18 =	vclamp.gez.f32 v18, $5.110000000e+02;
	v19 =	vtrunc.f32 v19  }
0x2de: {  	v16 =	vclamp.gez.f32 v16, $5.110000000e+02;
	v22 =	vclamp.gez.f32 v22, $5.110000000e+02  }
0x2df: {  	v20 =	vcvt.f32.s32 v20;
	v17 =	vcvt.f32.s32 v17  }
0x2e0: {  	v18 =	vtrunc.f32 v18;
	v19 =	vcvt.f32.s32 v19  }
0x2e1: {  	v16 =	vtrunc.f32 v16;
	v18 =	vcvt.f32.s32 v18  }
0x2e2: {  	v22 =	vtrunc.f32 v22;
	v16 =	vcvt.f32.s32 v16;
	v20 =	vshll.u32 v20, $0x9  }
0x2e3: {  	[tilespmem:s13+$0x0] =	vst v21;
	v17 =	vshll.u32 v17, $0x9;
	v21 =	vcvt.f32.s32 v22;
	v18 =	vadd.s32 v18, v20  }
0x2e4: {  	v19 =	vshll.u32 v19, $0x9;
	v16 =	vadd.s32 v16, v17;
	[tilespmem:s12+$0xFFFFFFE0] =	vst v18  }
0x2e5: {  	[tilespmem:s12+$0xFFFFFFF0] =	vst v16;
	v16 =	vadd.s32 v21, v19  }
0x2e6: {  	s7 =	simm.s32 $0x900;
	[tilespmem:s12+$0x0] =	vst v16  }
0x2e7: {  	[tilespmem:s0], [sflag:$0x2] =	stream.indirect.gather [hbm4b:s5+s24], $0x40, s7, s24, $0xb8;
	[tilespmem:$0x18C00] =	vst v63  }
0x2e8: {  	s13 =	simm.s32 $0x980;
	s14 =	simm.s32 $0x6C00;
	s15 =	simm.s32 $0x0  }
0x2e9: {  	[tilespmem:s14], [sflag:$0x2] =	stream.indirect.gather [hbm4b:s5+s24], $0x40, s13, s24, $0xb8;
	[tilespmem:$0x18C00] =	vst v63  }
0x2ea: {  	v16 =	vmov s15;
	_ =	swait.ge [sflag:s19], $0x2000  }
0x2eb: {  	v16 =	vand.u32 $0x3F, v16;
	[sflag:s19] =	ssyncset.done $0x0  }
0x2ec: {  	v16 =	vbroadcast v16, $0x0;
	[sflag:s19] =	ssyncadd.s32 $0xFFFFE000  }
0x2ed: {  	_ =	swait.ge [sflag:s19], $0x2000  }
0x2ee: {  	v17 =	vor.u32 v15, v16;
	[sflag:s19] =	ssyncset.done $0x0  }
0x2ef: {  	v18 =	vor.u32 v14, v16;
	[sflag:s19] =	ssyncadd.s32 $0xFFFFE000  }
0x2f0: {  	v19 =	vor.u32 v13, v16;
	_ =	swait.ge [sflag:s30], $0x4000  }
0x2f1: {  	v20 =	vor.u32 v12, v16;
	[sflag:s30] =	ssyncset.done $0x0  }
0x2f2: {  	v21 =	vor.u32 v11, v16;
	[sflag:s30] =	ssyncadd.s32 $0xFFFFC000  }
0x2f3: {  	v22 =	vor.u32 v10, v16;
	v17 =	vld.idx.msk [tilespmem:v17+s3+$0x0], $0xffff  }
0x2f4: {  	v23 =	vor.u32 v9, v16;
	v18 =	vld.idx.msk [tilespmem:v18+s3+$0x0], $0xffff  }
0x2f5: {  	v24 =	vor.u32 v8, v16;
	v19 =	vld.idx.msk [tilespmem:v19+s3+$0x0], $0xffff  }
0x2f6: {  	s16 =	sand.u32 $0xE000, s15;
	v25 =	vor.u32 v7, v16;
	v20 =	vld.idx.msk [tilespmem:v20+s3+$0x0], $0xffff  }
0x2f7: {  	s12 =	sshrl.u32 s16, $0x2;
	s7 =	sand.u32 $0x380, s15;
	v26 =	vor.u32 v6, v16;
	v21 =	vld.idx.msk [tilespmem:v21+s3+$0x0], $0xffff  }
0x2f8: {  	s17 =	sor.u32 s7, s12;
	v28 =	vor.u32 v4, v16;
	v22 =	vld.idx.msk [tilespmem:v22+s3+$0x0], $0xffff  }
0x2f9: {  	s22 =	simm.s32 $0x1;
	s12 =	sadd.s32 $0x14C00, s17;
	v27 =	vor.u32 v5, v16;
	v23 =	vld.idx.msk [tilespmem:v23+s3+$0x0], $0xffff  }
0x2fa: {  	v29 =	vor.u32 v1, v16;
	[tilespmem:s12+$0x470] =	vst v17;
	v17 =	vld.idx.msk [tilespmem:v24+s3+$0x0], $0xffff;
	v24 =	vmov s22  }
0x2fb: {  	v30 =	vor.u32 v0, v16;
	[tilespmem:s12+$0x460] =	vst v18;
	v18 =	vld.idx.msk [tilespmem:v25+s3+$0x0], $0xffff;
	v24 =	vand.u32 $0x3F, v24  }
0x2fc: {  	v25 =	vor.u32 v3, v16;
	[tilespmem:s12+$0x450] =	vst v19;
	v19 =	vld.idx.msk [tilespmem:v26+s3+$0x0], $0xffff;
	v31 =	vbroadcast v24, $0x0  }
0x2fd: {  	v16 =	vor.u32 v2, v16;
	[tilespmem:s12+$0x440] =	vst v20;
	v26 =	vld.idx.msk [tilespmem:v28+s3+$0x0], $0xffff  }
0x2fe: {  	[tilespmem:s12+$0x430] =	vst v21;
	v24 =	vld.idx.msk [tilespmem:v27+s3+$0x0], $0xffff;
	v21 =	vor.u32 v15, v31  }
0x2ff: {  	[tilespmem:s12+$0x420] =	vst v22;
	v27 =	vld.idx.msk [tilespmem:v29+s3+$0x0], $0xffff;
	v22 =	vor.u32 v14, v31  }
0x300: {  	[tilespmem:s12+$0x410] =	vst v23;
	v29 =	vld.idx.msk [tilespmem:v30+s3+$0x0], $0xffff;
	v28 =	vor.u32 v13, v31  }
0x301: {  	v23 =	vor.u32 v12, v31;
	v25 =	vld.idx.msk [tilespmem:v25+s3+$0x0], $0xffff;
	[tilespmem:s12+$0x400] =	vst v17  }
0x302: {  	v30 =	vor.u32 v11, v31;
	v20 =	vld.idx.msk [tilespmem:v16+s3+$0x0], $0xffff;
	[tilespmem:s12+$0x70] =	vst v18  }
0x303: {  	v32 =	vor.u32 v10, v31;
	[tilespmem:s12+$0x40] =	vst v26;
	v33 =	vld.idx.msk [tilespmem:v21+s3+$0x0], $0xffff  }
0x304: {  	s7 =	simm.s32 $0x400;
	v34 =	vor.u32 v9, v31;
	[tilespmem:s12+$0x60] =	vst v19;
	v35 =	vld.idx.msk [tilespmem:v22+s3+$0x0], $0xffff  }
0x305: {  	s14 =	sand.u32 $0xE000, s7;
	s22 =	simm.s32 $0x80;
	v36 =	vor.u32 v8, v31;
	[tilespmem:s12+$0x50] =	vst v24;
	v22 =	vld.idx.msk [tilespmem:v28+s3+$0x0], $0xffff  }
0x306: {  	s14 =	sshrl.u32 s14, $0x2;
	s15 =	sand.u32 $0x380, s22;
	[tilespmem:s17+$0x14C00] =	vst v29;
	v29 =	vor.u32 v7, v31;
	v21 =	vld.idx.msk [tilespmem:v23+s3+$0x0], $0xffff  }
0x307: {  	s13 =	sor.u32 s15, s14;
	[tilespmem:s12+$0x10] =	vst v27;
	v27 =	vor.u32 v6, v31;
	v23 =	vld.idx.msk [tilespmem:v30+s3+$0x0], $0xffff  }
0x308: {  	s15 =	sadd.s32 $0x14C00, s13;
	v17 =	vor.u32 v0, v31;
	v26 =	vld.idx.msk [tilespmem:v32+s3+$0x0], $0xffff;
	v28 =	vor.u32 v5, v31;
	[tilespmem:s12+$0x30] =	vst v25  }
0x309: {  	v16 =	vor.u32 v3, v31;
	v24 =	vld.idx.msk [tilespmem:v34+s3+$0x0], $0xffff;
	v30 =	vor.u32 v4, v31;
	[tilespmem:s15+$0x470] =	vst v33  }
0x30a: {  	s28 =	simm.s32 $0x10;
	s14 =	simm.s32 $0x2;
	v19 =	vor.u32 v1, v31;
	v18 =	vor.u32 v2, v31;
	v25 =	vld.idx.msk [tilespmem:v36+s3+$0x0], $0xffff;
	[tilespmem:s15+$0x460] =	vst v35  }
.LBB2_21:
0x30b: {  	v31 =	vmov s14;
	s28 =	sadd.s32 $0x10, s28;
	v29 =	vld.idx.msk [tilespmem:v29+s3+$0x0], $0xffff;
	[tilespmem:s15+$0x450] =	vst v22;
	s22 =	sadd.s32 $0x80, s22;
	s7 =	sadd.s32 $0x400, s7  }
0x30c: {  	v22 =	vand.u32 $0x3F, v31;
	p0 =	slt.u32 s28, $0x3F0;
	v27 =	vld.idx.msk [tilespmem:v27+s3+$0x0], $0xffff;
	[tilespmem:s12+$0x20] =	vst v20;
	s12 =	smov.u32 s15  }
0x30d: {  	v31 =	vbroadcast v22, $0x0;
	v22 =	vld.idx.msk [tilespmem:v28+s3+$0x0], $0xffff;
	[tilespmem:s12+$0x440] =	vst v21  }
0x30e: {  	v21 =	vld.idx.msk [tilespmem:v30+s3+$0x0], $0xffff;
	[tilespmem:s12+$0x430] =	vst v23  }
0x30f: {  	v20 =	vor.u32 v0, v31;
	v23 =	vor.u32 v3, v31;
	v28 =	vor.u32 v15, v31;
	[tilespmem:s12+$0x420] =	vst v26  }
0x310: {  	v26 =	vor.u32 v2, v31;
	v30 =	vor.u32 v14, v31;
	v32 =	vld.idx.msk [tilespmem:v19+s3+$0x0], $0xffff;
	v19 =	vor.u32 v1, v31  }
0x311: {  	v33 =	vor.u32 v13, v31;
	v34 =	vld.idx.msk [tilespmem:v17+s3+$0x0], $0xffff;
	[tilespmem:s12+$0x410] =	vst v24;
	v17 =	vmov v20  }
0x312: {  	v24 =	vor.u32 v12, v31;
	v35 =	vld.idx.msk [tilespmem:v16+s3+$0x0], $0xffff;
	[tilespmem:s12+$0x400] =	vst v25;
	v16 =	vmov v23  }
0x313: {  	v23 =	vor.u32 v11, v31;
	v20 =	vld.idx.msk [tilespmem:v18+s3+$0x0], $0xffff;
	[tilespmem:s12+$0x70] =	vst v29;
	v18 =	vmov v26  }
0x314: {  	v25 =	vor.u32 v10, v31;
	v36 =	vld.idx.msk [tilespmem:v28+s3+$0x0], $0xffff;
	[tilespmem:s12+$0x40] =	vst v21  }
0x315: {  	v37 =	vor.u32 v9, v31;
	v38 =	vld.idx.msk [tilespmem:v30+s3+$0x0], $0xffff;
	[tilespmem:s12+$0x50] =	vst v22  }
0x316: {  	s15 =	sand.u32 $0xE000, s7;
	v39 =	vor.u32 v8, v31;
	v22 =	vld.idx.msk [tilespmem:v33+s3+$0x0], $0xffff;
	[tilespmem:s12+$0x60] =	vst v27  }
.Ltmp9:
0x317: {  	s16 =	sand.u32 $0x380, s22;
	s15 =	sshrl.u32 s15, $0x2;
	v29 =	vor.u32 v7, v31;
	v21 =	vld.idx.msk [tilespmem:v24+s3+$0x0], $0xffff;
	[tilespmem:s13+$0x14C00] =	vst v34;
	(pc) =	sbr.rel @p0 .LBB2_21-.Ltmp9, $4  }
0x318: {  	v27 =	vor.u32 v6, v31;
	s13 =	sor.u32 s16, s15;
	v23 =	vld.idx.msk [tilespmem:v23+s3+$0x0], $0xffff;
	[tilespmem:s12+$0x30] =	vst v35  }
0x319: {  	v28 =	vor.u32 v5, v31;
	s15 =	sadd.s32 $0x14C00, s13;
	v26 =	vld.idx.msk [tilespmem:v25+s3+$0x0], $0xffff;
	[tilespmem:s12+$0x10] =	vst v32  }
0x31a: {  	v30 =	vor.u32 v4, v31;
	v24 =	vld.idx.msk [tilespmem:v37+s3+$0x0], $0xffff;
	[tilespmem:s15+$0x470] =	vst v36  }
0x31b: {  	s14 =	sadd.s32 $0x1, s14;
	v25 =	vld.idx.msk [tilespmem:v39+s3+$0x0], $0xffff;
	[tilespmem:s15+$0x460] =	vst v38  }
0x31c: {  	_ =	sdelay $0x1  }
0x31d: {  	[tilespmem:s15+$0x450] =	vst v22  }
0x31e: {  	[tilespmem:s12+$0x20] =	vst v20  }
0x31f: {  	v20 =	vld.idx.msk [tilespmem:v29+s3+$0x0], $0xffff;
	[tilespmem:s15+$0x440] =	vst v21  }
0x320: {  	v21 =	vld.idx.msk [tilespmem:v30+s3+$0x0], $0xffff;
	[tilespmem:s15+$0x430] =	vst v23  }
0x321: {  	v22 =	vld.idx.msk [tilespmem:v28+s3+$0x0], $0xffff;
	[tilespmem:s15+$0x420] =	vst v26  }
0x322: {  	v17 =	vld.idx.msk [tilespmem:v17+s3+$0x0], $0xffff;
	[tilespmem:s15+$0x410] =	vst v24  }
0x323: {  	v16 =	vld.idx.msk [tilespmem:v16+s3+$0x0], $0xffff;
	[tilespmem:s15+$0x400] =	vst v25  }
0x324: {  	v19 =	vld.idx.msk [tilespmem:v19+s3+$0x0], $0xffff;
	[tilespmem:s15+$0x70] =	vst v20  }
0x325: {  	v18 =	vld.idx.msk [tilespmem:v18+s3+$0x0], $0xffff;
	[tilespmem:s15+$0x40] =	vst v21  }
0x326: {  	v23 =	vld.idx.msk [tilespmem:v27+s3+$0x0], $0xffff;
	[tilespmem:s15+$0x50] =	vst v22  }
0x327: {  	s7 =	sadd.s32 $0x3, s10;
	[tilespmem:s13+$0x14C00] =	vst v17  }
0x328: {  	s10 =	sshll.u32 s7, $0x8;
	[tilespmem:s15+$0x30] =	vst v16  }
0x329: {  	s7 =	sshll.u32 s7, $0xB;
	s10 =	sand.u32 $0xF00, s10;
	[tilespmem:s15+$0x10] =	vst v19  }
0x32a: {  	s7 =	sand.u32 $0xFFF8000, s7;
	s10 =	sadd.s32 s6, s10;
	[tilespmem:s15+$0x20] =	vst v18  }
0x32b: {  	s7 =	sadd.s32 s7, s10;
	[tilespmem:s15+$0x60] =	vst v23  }
0x32c: {  	[hbm4b:s7+s25] =	stream.strided.scatter [tilespmem:s29], [sflag:$0x3], $0x4000, s20, s25, $0x38;
	[tilespmem:$0x18C00] =	vst v63  }
0x32d: {  	s13 =	rddreg [dreg:$0xc]  }
0x32e: {  	s7 =	sadd.s32 s9, s13  }
0x32f: {  	s7 =	sshll.u32 s7, $0x6  }
0x330: {  	s14 =	simm.s32 $0x0;
	s15 =	simm.s32 $0x600;
	s7 =	sadd.s32 s2, s7  }
0x331: {  	[tilespmem:s15], [sflag:$0x1] =	stream.linear.gather [hbm4b:s7+s14], $0x200, $0x38;
	[tilespmem:$0x18C00] =	vst v63  }
0x332: {  	s17 =	simm.s32 $0x30;
	s16 =	sand.u32 $0x100, s14;
	_ =	swait.ge [sflag:s23], $0x200  }
0x333: {  	s12 =	sand.u32 $0x70, s17;
	s7 =	sor.u32 $0x400, s16;
	[sflag:s23] =	ssyncset.done $0x0  }
0x334: {  	s12 =	sor.u32 s12, s7;
	[sflag:s23] =	ssyncadd.s32 $0xFFFFFE00  }
0x335: {  	s22 =	simm.s32 $0x10;
	s10 =	sand.u32 $0x40, s14;
	v16 =	vld [tilespmem:s12+$0x0]  }
0x336: {  	s13 =	sand.u32 $0x50, s22;
	s14 =	simm.s32 $0x20;
	s10 =	sor.u32 s10, s7;
	v17 =	vld [tilespmem:s12+$0x80]  }
0x337: {  	s28 =	sand.u32 $0x60, s14;
	s13 =	sor.u32 s13, s7;
	v18 =	vld [tilespmem:s10+$0x0]  }
0x338: {  	s7 =	sor.u32 s28, s7;
	v19 =	vld [tilespmem:s13+$0x0]  }
0x339: {  	s14 =	simm.s32 $0x80;
	v20 =	vld [tilespmem:s7+$0x0]  }
0x33a: {  	s15 =	simm.s32 $0x70;
	v23 =	vld [tilespmem:s7+$0x80];
	s7 =	sand.u32 $0x100, s14  }
0x33b: {  	s17 =	simm.s32 $0x50;
	v21 =	vld [tilespmem:s10+$0x80];
	s10 =	sand.u32 $0x70, s15;
	s7 =	sor.u32 $0x400, s7  }
0x33c: {  	s22 =	simm.s32 $0x60;
	s16 =	simm.s32 $0x40;
	v22 =	vld [tilespmem:s13+$0x80];
	s10 =	sor.u32 s10, s7  }
0x33d: {  	s28 =	sand.u32 $0x60, s22;
	s12 =	sand.u32 $0x40, s16;
	s13 =	sand.u32 $0x50, s17;
	v54 =	vld [tilespmem:s10+$0x0]  }
0x33e: {  	s12 =	sor.u32 s12, s7;
	s13 =	sor.u32 s13, s7;
	s7 =	sor.u32 s28, s7;
	v55 =	vld [tilespmem:s10+$0x80]  }
0x33f: {  	v57 =	vld [tilespmem:s7+$0x0];
	v16 =	vmul.f32 $5.000000000e-01, v16  }
0x340: {  	v58 =	vld [tilespmem:s12+$0x80];
	v17 =	vmul.f32 $5.000000000e-01, v17;
	v18 =	vmul.f32 $5.000000000e-01, v18  }
0x341: {  	v59 =	vld [tilespmem:s13+$0x80];
	v19 =	vmul.f32 $5.000000000e-01, v19;
	v20 =	vmul.f32 $5.000000000e-01, v20  }
0x342: {  	v21 =	vmul.f32 $5.000000000e-01, v21;
	v22 =	vmul.f32 $5.000000000e-01, v22;
	v16 =	vadd.f32 $5.000000000e-01, v16  }
0x343: {  	v23 =	vmul.f32 $5.000000000e-01, v23;
	v17 =	vadd.f32 $5.000000000e-01, v17;
	v18 =	vadd.f32 $5.000000000e-01, v18  }
0x344: {  	v19 =	vadd.f32 $5.000000000e-01, v19;
	v24 =	vmul.f32 $5.000000000e-01, v54;
	v25 =	vmul.f32 $5.000000000e-01, v55  }
0x345: {  	v20 =	vadd.f32 $5.000000000e-01, v20;
	v61 =	vmul.f32 $5.000000000e-01, v57;
	v62 =	vmul.f32 $5.000000000e-01, v58  }
0x346: {  	v21 =	vadd.f32 $5.000000000e-01, v21;
	v63 =	vmul.f32 $5.000000000e-01, v59;
	v16 =	vmul.f32 $5.120000000e+02, v16  }
0x347: {  	v22 =	vadd.f32 $5.000000000e-01, v22;
	v17 =	vmul.f32 $5.120000000e+02, v17;
	v18 =	vmul.f32 $5.120000000e+02, v18  }
0x348: {  	v23 =	vadd.f32 $5.000000000e-01, v23;
	v19 =	vmul.f32 $5.120000000e+02, v19;
	v20 =	vmul.f32 $5.120000000e+02, v20  }
0x349: {  	v21 =	vmul.f32 $5.120000000e+02, v21;
	v22 =	vmul.f32 $5.120000000e+02, v22  }
0x34a: {  	v23 =	vmul.f32 $5.120000000e+02, v23;
	v16 =	vclamp.gez.f32 v16, $5.110000000e+02  }
0x34b: {  	v17 =	vclamp.gez.f32 v17, $5.110000000e+02;
	v18 =	vclamp.gez.f32 v18, $5.110000000e+02  }
0x34c: {  	v19 =	vclamp.gez.f32 v19, $5.110000000e+02;
	v20 =	vclamp.gez.f32 v20, $5.110000000e+02  }
0x34d: {  	v21 =	vclamp.gez.f32 v21, $5.110000000e+02;
	v22 =	vclamp.gez.f32 v22, $5.110000000e+02  }
0x34e: {  	v23 =	vclamp.gez.f32 v23, $5.110000000e+02;
	v16 =	vtrunc.f32 v16  }
0x34f: {  	v17 =	vtrunc.f32 v17;
	v18 =	vtrunc.f32 v18  }
0x350: {  	v24 =	vadd.f32 $5.000000000e-01, v24;
	v19 =	vtrunc.f32 v19;
	v20 =	vtrunc.f32 v20  }
0x351: {  	v25 =	vadd.f32 $5.000000000e-01, v25;
	v21 =	vtrunc.f32 v21;
	v22 =	vtrunc.f32 v22  }
0x352: {  	v23 =	vtrunc.f32 v23;
	v24 =	vmul.f32 $5.120000000e+02, v24  }
0x353: {  	v26 =	vadd.f32 $5.000000000e-01, v61;
	v25 =	vmul.f32 $5.120000000e+02, v25;
	v16 =	vcvt.f32.s32 v16  }
0x354: {  	v56 =	vld [tilespmem:s12+$0x0];
	v27 =	vadd.f32 $5.000000000e-01, v62;
	v17 =	vcvt.f32.s32 v17;
	v18 =	vcvt.f32.s32 v18  }
0x355: {  	v19 =	vcvt.f32.s32 v19;
	v21 =	vcvt.f32.s32 v21;
	v16 =	vshll.u32 v16, $0x9  }
0x356: {  	v20 =	vcvt.f32.s32 v20;
	v18 =	vshll.u32 v18, $0x9;
	v16 =	vadd.s32 v17, v16;
	v17 =	vld [tilespmem:s13+$0x0]  }
0x357: {  	v22 =	vcvt.f32.s32 v22;
	v23 =	vcvt.f32.s32 v23;
	v18 =	vadd.s32 v21, v18;
	v21 =	vld [tilespmem:s7+$0x80]  }
0x358: {  	v24 =	vclamp.gez.f32 v24, $5.110000000e+02;
	v25 =	vclamp.gez.f32 v25, $5.110000000e+02;
	v19 =	vshll.u32 v19, $0x9  }
0x359: {  	v60 =	vshll.u32 v20, $0x9;
	v20 =	vmul.f32 $5.000000000e-01, v56;
	v24 =	vtrunc.f32 v24  }
0x35a: {  	s12 =	simm.s32 $0xA20;
	v25 =	vtrunc.f32 v25;
	v24 =	vcvt.f32.s32 v24;
	v19 =	vadd.s32 v22, v19  }
0x35b: {  	v20 =	vadd.f32 $5.000000000e-01, v20;
	[tilespmem:s12+$0xFFFFFFF0] =	vst v19;
	v19 =	vmul.f32 $5.120000000e+02, v26;
	v17 =	vmul.f32 $5.000000000e-01, v17  }
0x35c: {  	v28 =	vadd.f32 $5.000000000e-01, v63;
	[tilespmem:s12+$0x10] =	vst v16;
	v16 =	vmul.f32 $5.000000000e-01, v21;
	v21 =	vcvt.f32.s32 v25  }
0x35d: {  	[tilespmem:s12+$0xFFFFFFE0] =	vst v18;
	v18 =	vshll.u32 v24, $0x9;
	v20 =	vmul.f32 $5.120000000e+02, v20;
	v17 =	vadd.f32 $5.000000000e-01, v17  }
0x35e: {  	s10 =	simm.s32 $0xA60;
	v22 =	vadd.f32 $5.000000000e-01, v16;
	v21 =	vadd.s32 v21, v18;
	v18 =	vmul.f32 $5.120000000e+02, v27  }
0x35f: {  	s22 =	simm.s32 $0x100;
	s7 =	simm.s32 $0x4;
	s13 =	simm.s32 $0x80;
	v16 =	vmul.f32 $5.120000000e+02, v28;
	[tilespmem:s10+$0x10] =	vst v21;
	v21 =	vadd.s32 v23, v60;
	v17 =	vmul.f32 $5.120000000e+02, v17  }
.LBB2_23:
0x360: {  	s14 =	sand.u32 $0x100, s22;
	s15 =	sadd.s32 $0x30, s13;
	s7 =	sadd.s32 $0x4, s7;
	v20 =	vclamp.gez.f32 v20, $5.110000000e+02;
	v22 =	vmul.f32 $5.120000000e+02, v22;
	[tilespmem:s12+$0x0] =	vst v21  }
0x361: {  	v17 =	vclamp.gez.f32 v17, $5.110000000e+02;
	v19 =	vclamp.gez.f32 v19, $5.110000000e+02;
	s12 =	sor.u32 $0x400, s14;
	s14 =	sand.u32 $0x70, s15;
	p0 =	slt.u32 s7, $0xC  }
0x362: {  	s16 =	sadd.s32 $0x20, s13;
	s15 =	sadd.s32 $0x10, s13;
	v20 =	vtrunc.f32 v20;
	v17 =	vtrunc.f32 v17;
	s14 =	sor.u32 s14, s12  }
0x363: {  	s17 =	sand.u32 $0x40, s13;
	s16 =	sand.u32 $0x60, s16;
	v18 =	vclamp.gez.f32 v18, $5.110000000e+02;
	v19 =	vtrunc.f32 v19;
	s15 =	sand.u32 $0x50, s15;
	v21 =	vld [tilespmem:s14+$0x0]  }
0x364: {  	v16 =	vclamp.gez.f32 v16, $5.110000000e+02;
	s17 =	sor.u32 s17, s12;
	s16 =	sor.u32 s16, s12;
	v22 =	vclamp.gez.f32 v22, $5.110000000e+02;
	s15 =	sor.u32 s15, s12;
	v23 =	vld [tilespmem:s14+$0x80]  }
0x365: {  	v20 =	vcvt.f32.s32 v20;
	v17 =	vcvt.f32.s32 v17;
	s12 =	smov.u32 s10;
	v24 =	vld [tilespmem:s17+$0x0]  }
0x366: {  	v18 =	vtrunc.f32 v18;
	v19 =	vcvt.f32.s32 v19;
	v25 =	vld [tilespmem:s15+$0x0]  }
0x367: {  	v16 =	vtrunc.f32 v16;
	v22 =	vtrunc.f32 v22;
	v20 =	vshll.u32 v20, $0x9;
	v26 =	vld [tilespmem:s16+$0x0]  }
0x368: {  	v18 =	vcvt.f32.s32 v18;
	v17 =	vshll.u32 v17, $0x9;
	v27 =	vld [tilespmem:s17+$0x80];
	v21 =	vmul.f32 $5.000000000e-01, v21  }
0x369: {  	v16 =	vcvt.f32.s32 v16;
	v29 =	vshll.u32 v19, $0x9;
	v28 =	vld [tilespmem:s15+$0x80];
	v23 =	vmul.f32 $5.000000000e-01, v23  }
0x36a: {  	v30 =	vcvt.f32.s32 v22;
	v19 =	vmul.f32 $5.000000000e-01, v24;
	v24 =	vld [tilespmem:s16+$0x80];
	v21 =	vadd.f32 $5.000000000e-01, v21  }
0x36b: {  	v18 =	vadd.s32 v18, v20;
	v22 =	vmul.f32 $5.000000000e-01, v25;
	v23 =	vadd.f32 $5.000000000e-01, v23  }
0x36c: {  	v19 =	vadd.f32 $5.000000000e-01, v19;
	v20 =	vmul.f32 $5.000000000e-01, v26;
	v21 =	vmul.f32 $5.120000000e+02, v21;
	[tilespmem:s10+$0xFFFFFFE0] =	vst v18  }
0x36d: {  	v18 =	vmul.f32 $5.000000000e-01, v27;
	v22 =	vadd.f32 $5.000000000e-01, v22;
	v23 =	vmul.f32 $5.120000000e+02, v23  }
0x36e: {  	v25 =	vmul.f32 $5.000000000e-01, v28;
	v26 =	vadd.f32 $5.000000000e-01, v20;
	v20 =	vclamp.gez.f32 v21, $5.110000000e+02  }
0x36f: {  	v18 =	vadd.f32 $5.000000000e-01, v18;
	v20 =	vtrunc.f32 v20;
	v21 =	vclamp.gez.f32 v23, $5.110000000e+02  }
.Ltmp10:
0x370: {  	v23 =	vadd.f32 $5.000000000e-01, v25;
	v25 =	vcvt.f32.s32 v20;
	v20 =	vtrunc.f32 v21;
	(pc) =	sbr.rel @p0 .LBB2_23-.Ltmp10, $4  }
0x371: {  	v16 =	vadd.s32 v16, v17;
	v21 =	vmul.f32 $5.000000000e-01, v24;
	v24 =	vcvt.f32.s32 v20  }
0x372: {  	v17 =	vmul.f32 $5.120000000e+02, v22;
	v20 =	vmul.f32 $5.120000000e+02, v19;
	v25 =	vshll.u32 v25, $0x9;
	[tilespmem:s10+$0xFFFFFFF0] =	vst v16  }
0x373: {  	v19 =	vmul.f32 $5.120000000e+02, v26;
	v22 =	vadd.f32 $5.000000000e-01, v21;
	s10 =	sadd.s32 $0x40, s10;
	v21 =	vadd.s32 v24, v25  }
0x374: {  	s22 =	sadd.s32 $0x80, s22;
	s13 =	sadd.s32 $0x40, s13;
	v18 =	vmul.f32 $5.120000000e+02, v18;
	v16 =	vmul.f32 $5.120000000e+02, v23;
	[tilespmem:s10+$0x10] =	vst v21;
	v21 =	vadd.s32 v30, v29  }
0x375: {  	v20 =	vclamp.gez.f32 v20, $5.110000000e+02;
	v22 =	vmul.f32 $5.120000000e+02, v22  }
0x376: {  	v17 =	vclamp.gez.f32 v17, $5.110000000e+02;
	v19 =	vclamp.gez.f32 v19, $5.110000000e+02  }
0x377: {  	v20 =	vtrunc.f32 v20;
	v17 =	vtrunc.f32 v17  }
0x378: {  	v18 =	vclamp.gez.f32 v18, $5.110000000e+02;
	v19 =	vtrunc.f32 v19  }
0x379: {  	v16 =	vclamp.gez.f32 v16, $5.110000000e+02;
	v22 =	vclamp.gez.f32 v22, $5.110000000e+02  }
0x37a: {  	v20 =	vcvt.f32.s32 v20;
	v17 =	vcvt.f32.s32 v17  }
0x37b: {  	v18 =	vtrunc.f32 v18;
	v19 =	vcvt.f32.s32 v19  }
0x37c: {  	v16 =	vtrunc.f32 v16;
	v18 =	vcvt.f32.s32 v18  }
0x37d: {  	v22 =	vtrunc.f32 v22;
	v16 =	vcvt.f32.s32 v16;
	v20 =	vshll.u32 v20, $0x9  }
0x37e: {  	[tilespmem:s12+$0x0] =	vst v21;
	v17 =	vshll.u32 v17, $0x9;
	v21 =	vcvt.f32.s32 v22;
	v18 =	vadd.s32 v18, v20  }
0x37f: {  	v19 =	vshll.u32 v19, $0x9;
	v16 =	vadd.s32 v16, v17;
	[tilespmem:s10+$0xFFFFFFE0] =	vst v18  }
0x380: {  	[tilespmem:s10+$0xFFFFFFF0] =	vst v16;
	v16 =	vadd.s32 v21, v19  }
0x381: {  	s7 =	simm.s32 $0xA00;
	[tilespmem:s10+$0x0] =	vst v16  }
0x382: {  	[tilespmem:s11], [sflag:$0x2] =	stream.indirect.gather [hbm4b:s5+s24], $0x40, s7, s24, $0xb8;
	[tilespmem:$0x18C00] =	vst v63  }
0x383: {  	s14 =	simm.s32 $0xA80;
	s15 =	simm.s32 $0xAC00;
	s16 =	simm.s32 $0x0  }
0x384: {  	[tilespmem:s15], [sflag:$0x2] =	stream.indirect.gather [hbm4b:s5+s24], $0x40, s14, s24, $0xb8;
	[tilespmem:$0x18C00] =	vst v63  }
0x385: {  	v16 =	vmov s16;
	_ =	swait.ge [sflag:s19], $0x2000  }
0x386: {  	v16 =	vand.u32 $0x3F, v16;
	[sflag:s19] =	ssyncset.done $0x0  }
0x387: {  	v16 =	vbroadcast v16, $0x0;
	[sflag:s19] =	ssyncadd.s32 $0xFFFFE000  }
0x388: {  	_ =	swait.ge [sflag:s19], $0x2000  }
0x389: {  	v17 =	vor.u32 v15, v16;
	[sflag:s19] =	ssyncset.done $0x0  }
0x38a: {  	v18 =	vor.u32 v14, v16;
	[sflag:s19] =	ssyncadd.s32 $0xFFFFE000  }
0x38b: {  	v19 =	vor.u32 v13, v16;
	_ =	swait.ge [sflag:s30], $0x4000  }
0x38c: {  	v20 =	vor.u32 v12, v16;
	[sflag:s30] =	ssyncset.done $0x0  }
0x38d: {  	v21 =	vor.u32 v11, v16;
	[sflag:s30] =	ssyncadd.s32 $0xFFFFC000  }
0x38e: {  	v22 =	vor.u32 v10, v16;
	v17 =	vld.idx.msk [tilespmem:v17+s26+$0x0], $0xffff  }
0x38f: {  	v23 =	vor.u32 v9, v16;
	v18 =	vld.idx.msk [tilespmem:v18+s26+$0x0], $0xffff  }
0x390: {  	v24 =	vor.u32 v8, v16;
	v19 =	vld.idx.msk [tilespmem:v19+s26+$0x0], $0xffff  }
0x391: {  	s17 =	sand.u32 $0xE000, s16;
	v25 =	vor.u32 v7, v16;
	v20 =	vld.idx.msk [tilespmem:v20+s26+$0x0], $0xffff  }
0x392: {  	s10 =	sshrl.u32 s17, $0x2;
	s7 =	sand.u32 $0x380, s16;
	v26 =	vor.u32 v6, v16;
	v21 =	vld.idx.msk [tilespmem:v21+s26+$0x0], $0xffff  }
0x393: {  	s22 =	sor.u32 s7, s10;
	v28 =	vor.u32 v4, v16;
	v22 =	vld.idx.msk [tilespmem:v22+s26+$0x0], $0xffff  }
0x394: {  	s28 =	simm.s32 $0x1;
	s10 =	sadd.s32 $0x10C00, s22;
	v27 =	vor.u32 v5, v16;
	v23 =	vld.idx.msk [tilespmem:v23+s26+$0x0], $0xffff  }
0x395: {  	v29 =	vor.u32 v1, v16;
	[tilespmem:s10+$0x470] =	vst v17;
	v17 =	vld.idx.msk [tilespmem:v24+s26+$0x0], $0xffff;
	v24 =	vmov s28  }
0x396: {  	v30 =	vor.u32 v0, v16;
	[tilespmem:s10+$0x460] =	vst v18;
	v18 =	vld.idx.msk [tilespmem:v25+s26+$0x0], $0xffff;
	v24 =	vand.u32 $0x3F, v24  }
0x397: {  	v25 =	vor.u32 v3, v16;
	[tilespmem:s10+$0x450] =	vst v19;
	v19 =	vld.idx.msk [tilespmem:v26+s26+$0x0], $0xffff;
	v31 =	vbroadcast v24, $0x0  }
0x398: {  	v16 =	vor.u32 v2, v16;
	[tilespmem:s10+$0x440] =	vst v20;
	v26 =	vld.idx.msk [tilespmem:v28+s26+$0x0], $0xffff  }
0x399: {  	[tilespmem:s10+$0x430] =	vst v21;
	v24 =	vld.idx.msk [tilespmem:v27+s26+$0x0], $0xffff;
	v21 =	vor.u32 v15, v31  }
0x39a: {  	[tilespmem:s10+$0x420] =	vst v22;
	v27 =	vld.idx.msk [tilespmem:v29+s26+$0x0], $0xffff;
	v22 =	vor.u32 v14, v31  }
0x39b: {  	[tilespmem:s10+$0x410] =	vst v23;
	v29 =	vld.idx.msk [tilespmem:v30+s26+$0x0], $0xffff;
	v28 =	vor.u32 v13, v31  }
0x39c: {  	v23 =	vor.u32 v12, v31;
	v25 =	vld.idx.msk [tilespmem:v25+s26+$0x0], $0xffff;
	[tilespmem:s10+$0x400] =	vst v17  }
0x39d: {  	v30 =	vor.u32 v11, v31;
	v20 =	vld.idx.msk [tilespmem:v16+s26+$0x0], $0xffff;
	[tilespmem:s10+$0x70] =	vst v18  }
0x39e: {  	v32 =	vor.u32 v10, v31;
	[tilespmem:s10+$0x40] =	vst v26;
	v33 =	vld.idx.msk [tilespmem:v21+s26+$0x0], $0xffff  }
0x39f: {  	s7 =	simm.s32 $0x400;
	v34 =	vor.u32 v9, v31;
	[tilespmem:s10+$0x60] =	vst v19;
	v35 =	vld.idx.msk [tilespmem:v22+s26+$0x0], $0xffff  }
0x3a0: {  	s13 =	simm.s32 $0x80;
	s14 =	sand.u32 $0xE000, s7;
	v36 =	vor.u32 v8, v31;
	[tilespmem:s10+$0x50] =	vst v24;
	v22 =	vld.idx.msk [tilespmem:v28+s26+$0x0], $0xffff  }
0x3a1: {  	s15 =	sand.u32 $0x380, s13;
	s14 =	sshrl.u32 s14, $0x2;
	[tilespmem:s22+$0x10C00] =	vst v29;
	v29 =	vor.u32 v7, v31;
	v21 =	vld.idx.msk [tilespmem:v23+s26+$0x0], $0xffff  }
0x3a2: {  	s12 =	sor.u32 s15, s14;
	[tilespmem:s10+$0x10] =	vst v27;
	v27 =	vor.u32 v6, v31;
	v23 =	vld.idx.msk [tilespmem:v30+s26+$0x0], $0xffff  }
0x3a3: {  	s15 =	sadd.s32 $0x10C00, s12;
	v17 =	vor.u32 v0, v31;
	v26 =	vld.idx.msk [tilespmem:v32+s26+$0x0], $0xffff;
	v28 =	vor.u32 v5, v31;
	[tilespmem:s10+$0x30] =	vst v25  }
0x3a4: {  	v16 =	vor.u32 v3, v31;
	v24 =	vld.idx.msk [tilespmem:v34+s26+$0x0], $0xffff;
	v30 =	vor.u32 v4, v31;
	[tilespmem:s15+$0x470] =	vst v33  }
0x3a5: {  	s14 =	simm.s32 $0x2;
	v19 =	vor.u32 v1, v31;
	v18 =	vor.u32 v2, v31;
	s22 =	simm.s32 $0x10;
	v25 =	vld.idx.msk [tilespmem:v36+s26+$0x0], $0xffff;
	[tilespmem:s15+$0x460] =	vst v35  }
.LBB2_25:
0x3a6: {  	v31 =	vmov s14;
	s22 =	sadd.s32 $0x10, s22;
	v29 =	vld.idx.msk [tilespmem:v29+s26+$0x0], $0xffff;
	[tilespmem:s15+$0x450] =	vst v22;
	s13 =	sadd.s32 $0x80, s13;
	s7 =	sadd.s32 $0x400, s7  }
0x3a7: {  	v22 =	vand.u32 $0x3F, v31;
	p0 =	slt.u32 s22, $0x3F0;
	v27 =	vld.idx.msk [tilespmem:v27+s26+$0x0], $0xffff;
	[tilespmem:s10+$0x20] =	vst v20;
	s10 =	smov.u32 s15  }
0x3a8: {  	v31 =	vbroadcast v22, $0x0;
	v22 =	vld.idx.msk [tilespmem:v28+s26+$0x0], $0xffff;
	[tilespmem:s10+$0x440] =	vst v21  }
0x3a9: {  	v21 =	vld.idx.msk [tilespmem:v30+s26+$0x0], $0xffff;
	[tilespmem:s10+$0x430] =	vst v23  }
0x3aa: {  	v20 =	vor.u32 v0, v31;
	v23 =	vor.u32 v3, v31;
	v28 =	vor.u32 v15, v31;
	[tilespmem:s10+$0x420] =	vst v26  }
0x3ab: {  	v26 =	vor.u32 v2, v31;
	v30 =	vor.u32 v14, v31;
	v32 =	vld.idx.msk [tilespmem:v19+s26+$0x0], $0xffff;
	v19 =	vor.u32 v1, v31  }
0x3ac: {  	v33 =	vor.u32 v13, v31;
	v34 =	vld.idx.msk [tilespmem:v17+s26+$0x0], $0xffff;
	[tilespmem:s10+$0x410] =	vst v24;
	v17 =	vmov v20  }
0x3ad: {  	v24 =	vor.u32 v12, v31;
	v35 =	vld.idx.msk [tilespmem:v16+s26+$0x0], $0xffff;
	[tilespmem:s10+$0x400] =	vst v25;
	v16 =	vmov v23  }
0x3ae: {  	v23 =	vor.u32 v11, v31;
	v20 =	vld.idx.msk [tilespmem:v18+s26+$0x0], $0xffff;
	[tilespmem:s10+$0x70] =	vst v29;
	v18 =	vmov v26  }
0x3af: {  	v25 =	vor.u32 v10, v31;
	v36 =	vld.idx.msk [tilespmem:v28+s26+$0x0], $0xffff;
	[tilespmem:s10+$0x40] =	vst v21  }
0x3b0: {  	v37 =	vor.u32 v9, v31;
	v38 =	vld.idx.msk [tilespmem:v30+s26+$0x0], $0xffff;
	[tilespmem:s10+$0x50] =	vst v22  }
0x3b1: {  	s15 =	sand.u32 $0xE000, s7;
	v39 =	vor.u32 v8, v31;
	v22 =	vld.idx.msk [tilespmem:v33+s26+$0x0], $0xffff;
	[tilespmem:s10+$0x60] =	vst v27  }
.Ltmp11:
0x3b2: {  	s16 =	sand.u32 $0x380, s13;
	s15 =	sshrl.u32 s15, $0x2;
	v29 =	vor.u32 v7, v31;
	v21 =	vld.idx.msk [tilespmem:v24+s26+$0x0], $0xffff;
	[tilespmem:s12+$0x10C00] =	vst v34;
	(pc) =	sbr.rel @p0 .LBB2_25-.Ltmp11, $4  }
0x3b3: {  	v27 =	vor.u32 v6, v31;
	s12 =	sor.u32 s16, s15;
	v23 =	vld.idx.msk [tilespmem:v23+s26+$0x0], $0xffff;
	[tilespmem:s10+$0x30] =	vst v35  }
0x3b4: {  	v28 =	vor.u32 v5, v31;
	s15 =	sadd.s32 $0x10C00, s12;
	v26 =	vld.idx.msk [tilespmem:v25+s26+$0x0], $0xffff;
	[tilespmem:s10+$0x10] =	vst v32  }
0x3b5: {  	v30 =	vor.u32 v4, v31;
	v24 =	vld.idx.msk [tilespmem:v37+s26+$0x0], $0xffff;
	[tilespmem:s15+$0x470] =	vst v36  }
0x3b6: {  	s14 =	sadd.s32 $0x1, s14;
	v25 =	vld.idx.msk [tilespmem:v39+s26+$0x0], $0xffff;
	[tilespmem:s15+$0x460] =	vst v38  }
0x3b7: {  	_ =	sdelay $0x1  }
0x3b8: {  	[tilespmem:s15+$0x450] =	vst v22  }
0x3b9: {  	[tilespmem:s10+$0x20] =	vst v20  }
0x3ba: {  	v20 =	vld.idx.msk [tilespmem:v29+s26+$0x0], $0xffff;
	[tilespmem:s15+$0x440] =	vst v21  }
0x3bb: {  	v21 =	vld.idx.msk [tilespmem:v30+s26+$0x0], $0xffff;
	[tilespmem:s15+$0x430] =	vst v23  }
0x3bc: {  	v22 =	vld.idx.msk [tilespmem:v28+s26+$0x0], $0xffff;
	[tilespmem:s15+$0x420] =	vst v26  }
0x3bd: {  	v23 =	vld.idx.msk [tilespmem:v27+s26+$0x0], $0xffff;
	[tilespmem:s15+$0x410] =	vst v24  }
0x3be: {  	[tilespmem:s15+$0x400] =	vst v25  }
0x3bf: {  	[tilespmem:s15+$0x70] =	vst v20  }
0x3c0: {  	v17 =	vld.idx.msk [tilespmem:v17+s26+$0x0], $0xffff;
	[tilespmem:s15+$0x40] =	vst v21  }
0x3c1: {  	v16 =	vld.idx.msk [tilespmem:v16+s26+$0x0], $0xffff;
	[tilespmem:s15+$0x50] =	vst v22  }
0x3c2: {  	v19 =	vld.idx.msk [tilespmem:v19+s26+$0x0], $0xffff;
	[tilespmem:s15+$0x60] =	vst v23  }
0x3c3: {  	v18 =	vld.idx.msk [tilespmem:v18+s26+$0x0], $0xffff;
	s7 =	rddreg [dreg:$0xd]  }
0x3c4: {  	s7 =	sadd.s32 s9, s7  }
0x3c5: {  	[tilespmem:s12+$0x10C00] =	vst v17;
	s14 =	sshll.u32 s7, $0x8  }
0x3c6: {  	[tilespmem:s15+$0x30] =	vst v16;
	s7 =	sshll.u32 s7, $0xB;
	s10 =	sand.u32 $0xC00, s14  }
0x3c7: {  	[tilespmem:s15+$0x10] =	vst v19;
	s7 =	sand.u32 $0xFFF8000, s7;
	s10 =	sadd.s32 s6, s10  }
0x3c8: {  	[tilespmem:s15+$0x20] =	vst v18;
	s15 =	sadd.s32 s9, s18;
	s7 =	sadd.s32 s7, s10  }
0x3c9: {  	[hbm4b:s7+s25] =	stream.strided.scatter [tilespmem:s21], [sflag:$0x3], $0x4000, s20, s25, $0x38;
	[tilespmem:$0x18C00] =	vst v63  }
0x3ca: {  	s7 =	smin.u32 s15, $0xC7F  }
0x3cb: {  	s7 =	sshll.u32 s7, $0x6  }
0x3cc: {  	s16 =	simm.s32 $0x0;
	s7 =	sadd.s32 s2, s7  }
0x3cd: {  	[tilespmem:s16], [sflag:$0x1] =	stream.linear.gather [hbm4b:s7+s16], $0x200, $0x38;
	[tilespmem:$0x18C00] =	vst v63  }
0x3ce: {  	s22 =	simm.s32 $0x30;
	s17 =	sand.u32 $0x100, s16;
	_ =	swait.ge [sflag:s23], $0x200  }
0x3cf: {  	s10 =	sand.u32 $0x70, s22;
	s7 =	sor.u32 $0x600, s17;
	[sflag:s23] =	ssyncset.done $0x0  }
0x3d0: {  	s10 =	sor.u32 s10, s7;
	[sflag:s23] =	ssyncadd.s32 $0xFFFFFE00  }
0x3d1: {  	s28 =	simm.s32 $0x10;
	s9 =	sand.u32 $0x40, s16;
	v16 =	vld [tilespmem:s10+$0x0]  }
0x3d2: {  	s13 =	simm.s32 $0x20;
	s12 =	sand.u32 $0x50, s28;
	s9 =	sor.u32 s9, s7;
	v17 =	vld [tilespmem:s10+$0x80]  }
0x3d3: {  	s13 =	sand.u32 $0x60, s13;
	s12 =	sor.u32 s12, s7;
	v18 =	vld [tilespmem:s9+$0x0]  }
0x3d4: {  	s7 =	sor.u32 s13, s7;
	v19 =	vld [tilespmem:s12+$0x0]  }
0x3d5: {  	s14 =	simm.s32 $0x80;
	v20 =	vld [tilespmem:s7+$0x0]  }
0x3d6: {  	s15 =	simm.s32 $0x70;
	v23 =	vld [tilespmem:s7+$0x80];
	s7 =	sand.u32 $0x100, s14  }
0x3d7: {  	s22 =	simm.s32 $0x60;
	v21 =	vld [tilespmem:s9+$0x80];
	s9 =	sand.u32 $0x70, s15;
	s7 =	sor.u32 $0x600, s7  }
0x3d8: {  	s16 =	simm.s32 $0x40;
	s17 =	simm.s32 $0x50;
	v22 =	vld [tilespmem:s12+$0x80];
	s9 =	sor.u32 s9, s7  }
0x3d9: {  	s28 =	sand.u32 $0x60, s22;
	s10 =	sand.u32 $0x40, s16;
	s12 =	sand.u32 $0x50, s17;
	v54 =	vld [tilespmem:s9+$0x0]  }
0x3da: {  	s10 =	sor.u32 s10, s7;
	s12 =	sor.u32 s12, s7;
	s7 =	sor.u32 s28, s7;
	v55 =	vld [tilespmem:s9+$0x80]  }
0x3db: {  	v57 =	vld [tilespmem:s7+$0x0];
	v16 =	vmul.f32 $5.000000000e-01, v16  }
0x3dc: {  	v58 =	vld [tilespmem:s10+$0x80];
	v17 =	vmul.f32 $5.000000000e-01, v17;
	v18 =	vmul.f32 $5.000000000e-01, v18  }
0x3dd: {  	v59 =	vld [tilespmem:s12+$0x80];
	v19 =	vmul.f32 $5.000000000e-01, v19;
	v20 =	vmul.f32 $5.000000000e-01, v20  }
0x3de: {  	v21 =	vmul.f32 $5.000000000e-01, v21;
	v22 =	vmul.f32 $5.000000000e-01, v22;
	v16 =	vadd.f32 $5.000000000e-01, v16  }
0x3df: {  	v23 =	vmul.f32 $5.000000000e-01, v23;
	v17 =	vadd.f32 $5.000000000e-01, v17;
	v18 =	vadd.f32 $5.000000000e-01, v18  }
0x3e0: {  	v19 =	vadd.f32 $5.000000000e-01, v19;
	v24 =	vmul.f32 $5.000000000e-01, v54;
	v25 =	vmul.f32 $5.000000000e-01, v55  }
0x3e1: {  	v20 =	vadd.f32 $5.000000000e-01, v20;
	v61 =	vmul.f32 $5.000000000e-01, v57;
	v62 =	vmul.f32 $5.000000000e-01, v58  }
0x3e2: {  	v21 =	vadd.f32 $5.000000000e-01, v21;
	v63 =	vmul.f32 $5.000000000e-01, v59;
	v16 =	vmul.f32 $5.120000000e+02, v16  }
0x3e3: {  	v22 =	vadd.f32 $5.000000000e-01, v22;
	v17 =	vmul.f32 $5.120000000e+02, v17;
	v18 =	vmul.f32 $5.120000000e+02, v18  }
0x3e4: {  	v23 =	vadd.f32 $5.000000000e-01, v23;
	v19 =	vmul.f32 $5.120000000e+02, v19;
	v20 =	vmul.f32 $5.120000000e+02, v20  }
0x3e5: {  	v21 =	vmul.f32 $5.120000000e+02, v21;
	v22 =	vmul.f32 $5.120000000e+02, v22  }
0x3e6: {  	v23 =	vmul.f32 $5.120000000e+02, v23;
	v16 =	vclamp.gez.f32 v16, $5.110000000e+02  }
0x3e7: {  	v17 =	vclamp.gez.f32 v17, $5.110000000e+02;
	v18 =	vclamp.gez.f32 v18, $5.110000000e+02  }
0x3e8: {  	v19 =	vclamp.gez.f32 v19, $5.110000000e+02;
	v20 =	vclamp.gez.f32 v20, $5.110000000e+02  }
0x3e9: {  	v21 =	vclamp.gez.f32 v21, $5.110000000e+02;
	v22 =	vclamp.gez.f32 v22, $5.110000000e+02  }
0x3ea: {  	v23 =	vclamp.gez.f32 v23, $5.110000000e+02;
	v16 =	vtrunc.f32 v16  }
0x3eb: {  	v17 =	vtrunc.f32 v17;
	v18 =	vtrunc.f32 v18  }
0x3ec: {  	v24 =	vadd.f32 $5.000000000e-01, v24;
	v19 =	vtrunc.f32 v19;
	v20 =	vtrunc.f32 v20  }
0x3ed: {  	v25 =	vadd.f32 $5.000000000e-01, v25;
	v21 =	vtrunc.f32 v21;
	v22 =	vtrunc.f32 v22  }
0x3ee: {  	v23 =	vtrunc.f32 v23;
	v24 =	vmul.f32 $5.120000000e+02, v24  }
0x3ef: {  	v26 =	vadd.f32 $5.000000000e-01, v61;
	v25 =	vmul.f32 $5.120000000e+02, v25;
	v16 =	vcvt.f32.s32 v16  }
0x3f0: {  	v56 =	vld [tilespmem:s10+$0x0];
	v27 =	vadd.f32 $5.000000000e-01, v62;
	v17 =	vcvt.f32.s32 v17;
	v18 =	vcvt.f32.s32 v18  }
0x3f1: {  	v19 =	vcvt.f32.s32 v19;
	v21 =	vcvt.f32.s32 v21;
	v16 =	vshll.u32 v16, $0x9  }
0x3f2: {  	v20 =	vcvt.f32.s32 v20;
	v18 =	vshll.u32 v18, $0x9;
	v16 =	vadd.s32 v17, v16;
	v17 =	vld [tilespmem:s12+$0x0]  }
0x3f3: {  	v22 =	vcvt.f32.s32 v22;
	v23 =	vcvt.f32.s32 v23;
	v18 =	vadd.s32 v21, v18;
	v21 =	vld [tilespmem:s7+$0x80]  }
0x3f4: {  	v24 =	vclamp.gez.f32 v24, $5.110000000e+02;
	v25 =	vclamp.gez.f32 v25, $5.110000000e+02;
	v19 =	vshll.u32 v19, $0x9  }
0x3f5: {  	v60 =	vshll.u32 v20, $0x9;
	v20 =	vmul.f32 $5.000000000e-01, v56;
	v24 =	vtrunc.f32 v24  }
0x3f6: {  	s10 =	simm.s32 $0xB20;
	v25 =	vtrunc.f32 v25;
	v24 =	vcvt.f32.s32 v24;
	v19 =	vadd.s32 v22, v19  }
0x3f7: {  	v20 =	vadd.f32 $5.000000000e-01, v20;
	[tilespmem:s10+$0xFFFFFFF0] =	vst v19;
	v19 =	vmul.f32 $5.120000000e+02, v26;
	v17 =	vmul.f32 $5.000000000e-01, v17  }
0x3f8: {  	v28 =	vadd.f32 $5.000000000e-01, v63;
	[tilespmem:s10+$0x10] =	vst v16;
	v16 =	vmul.f32 $5.000000000e-01, v21;
	v21 =	vcvt.f32.s32 v25  }
0x3f9: {  	[tilespmem:s10+$0xFFFFFFE0] =	vst v18;
	v18 =	vshll.u32 v24, $0x9;
	v20 =	vmul.f32 $5.120000000e+02, v20;
	v17 =	vadd.f32 $5.000000000e-01, v17  }
0x3fa: {  	s9 =	simm.s32 $0xB60;
	v22 =	vadd.f32 $5.000000000e-01, v16;
	v21 =	vadd.s32 v21, v18;
	v18 =	vmul.f32 $5.120000000e+02, v27  }
0x3fb: {  	s13 =	simm.s32 $0x100;
	s7 =	simm.s32 $0x4;
	s12 =	simm.s32 $0x80;
	v16 =	vmul.f32 $5.120000000e+02, v28;
	[tilespmem:s9+$0x10] =	vst v21;
	v21 =	vadd.s32 v23, v60;
	v17 =	vmul.f32 $5.120000000e+02, v17  }
.LBB2_27:
0x3fc: {  	s14 =	sand.u32 $0x100, s13;
	s15 =	sadd.s32 $0x30, s12;
	s7 =	sadd.s32 $0x4, s7;
	v20 =	vclamp.gez.f32 v20, $5.110000000e+02;
	v22 =	vmul.f32 $5.120000000e+02, v22;
	[tilespmem:s10+$0x0] =	vst v21  }
0x3fd: {  	v17 =	vclamp.gez.f32 v17, $5.110000000e+02;
	v19 =	vclamp.gez.f32 v19, $5.110000000e+02;
	s10 =	sor.u32 $0x600, s14;
	s14 =	sand.u32 $0x70, s15;
	p0 =	slt.u32 s7, $0xC  }
0x3fe: {  	s16 =	sadd.s32 $0x20, s12;
	s15 =	sadd.s32 $0x10, s12;
	v20 =	vtrunc.f32 v20;
	v17 =	vtrunc.f32 v17;
	s14 =	sor.u32 s14, s10  }
0x3ff: {  	s17 =	sand.u32 $0x40, s12;
	s16 =	sand.u32 $0x60, s16;
	v18 =	vclamp.gez.f32 v18, $5.110000000e+02;
	v19 =	vtrunc.f32 v19;
	s15 =	sand.u32 $0x50, s15;
	v21 =	vld [tilespmem:s14+$0x0]  }
0x400: {  	v16 =	vclamp.gez.f32 v16, $5.110000000e+02;
	s17 =	sor.u32 s17, s10;
	s16 =	sor.u32 s16, s10;
	v22 =	vclamp.gez.f32 v22, $5.110000000e+02;
	s15 =	sor.u32 s15, s10;
	v23 =	vld [tilespmem:s14+$0x80]  }
0x401: {  	v20 =	vcvt.f32.s32 v20;
	v17 =	vcvt.f32.s32 v17;
	s10 =	smov.u32 s9;
	v24 =	vld [tilespmem:s17+$0x0]  }
0x402: {  	v18 =	vtrunc.f32 v18;
	v19 =	vcvt.f32.s32 v19;
	v25 =	vld [tilespmem:s15+$0x0]  }
0x403: {  	v16 =	vtrunc.f32 v16;
	v22 =	vtrunc.f32 v22;
	v20 =	vshll.u32 v20, $0x9;
	v26 =	vld [tilespmem:s16+$0x0]  }
0x404: {  	v18 =	vcvt.f32.s32 v18;
	v17 =	vshll.u32 v17, $0x9;
	v27 =	vld [tilespmem:s17+$0x80];
	v21 =	vmul.f32 $5.000000000e-01, v21  }
0x405: {  	v16 =	vcvt.f32.s32 v16;
	v29 =	vshll.u32 v19, $0x9;
	v28 =	vld [tilespmem:s15+$0x80];
	v23 =	vmul.f32 $5.000000000e-01, v23  }
0x406: {  	v30 =	vcvt.f32.s32 v22;
	v19 =	vmul.f32 $5.000000000e-01, v24;
	v24 =	vld [tilespmem:s16+$0x80];
	v21 =	vadd.f32 $5.000000000e-01, v21  }
0x407: {  	v18 =	vadd.s32 v18, v20;
	v22 =	vmul.f32 $5.000000000e-01, v25;
	v23 =	vadd.f32 $5.000000000e-01, v23  }
0x408: {  	v19 =	vadd.f32 $5.000000000e-01, v19;
	v20 =	vmul.f32 $5.000000000e-01, v26;
	v21 =	vmul.f32 $5.120000000e+02, v21;
	[tilespmem:s9+$0xFFFFFFE0] =	vst v18  }
0x409: {  	v18 =	vmul.f32 $5.000000000e-01, v27;
	v22 =	vadd.f32 $5.000000000e-01, v22;
	v23 =	vmul.f32 $5.120000000e+02, v23  }
0x40a: {  	v25 =	vmul.f32 $5.000000000e-01, v28;
	v26 =	vadd.f32 $5.000000000e-01, v20;
	v20 =	vclamp.gez.f32 v21, $5.110000000e+02  }
0x40b: {  	v18 =	vadd.f32 $5.000000000e-01, v18;
	v20 =	vtrunc.f32 v20;
	v21 =	vclamp.gez.f32 v23, $5.110000000e+02  }
.Ltmp12:
0x40c: {  	v23 =	vadd.f32 $5.000000000e-01, v25;
	v25 =	vcvt.f32.s32 v20;
	v20 =	vtrunc.f32 v21;
	(pc) =	sbr.rel @p0 .LBB2_27-.Ltmp12, $4  }
0x40d: {  	v16 =	vadd.s32 v16, v17;
	v21 =	vmul.f32 $5.000000000e-01, v24;
	v24 =	vcvt.f32.s32 v20  }
0x40e: {  	v17 =	vmul.f32 $5.120000000e+02, v22;
	v20 =	vmul.f32 $5.120000000e+02, v19;
	v25 =	vshll.u32 v25, $0x9;
	[tilespmem:s9+$0xFFFFFFF0] =	vst v16  }
0x40f: {  	v19 =	vmul.f32 $5.120000000e+02, v26;
	v22 =	vadd.f32 $5.000000000e-01, v21;
	s9 =	sadd.s32 $0x40, s9;
	v21 =	vadd.s32 v24, v25  }
0x410: {  	s13 =	sadd.s32 $0x80, s13;
	s12 =	sadd.s32 $0x40, s12;
	v18 =	vmul.f32 $5.120000000e+02, v18;
	v16 =	vmul.f32 $5.120000000e+02, v23;
	[tilespmem:s9+$0x10] =	vst v21;
	v21 =	vadd.s32 v30, v29  }
0x411: {  	v20 =	vclamp.gez.f32 v20, $5.110000000e+02;
	v22 =	vmul.f32 $5.120000000e+02, v22  }
0x412: {  	v17 =	vclamp.gez.f32 v17, $5.110000000e+02;
	v19 =	vclamp.gez.f32 v19, $5.110000000e+02  }
0x413: {  	v20 =	vtrunc.f32 v20;
	v17 =	vtrunc.f32 v17  }
0x414: {  	v18 =	vclamp.gez.f32 v18, $5.110000000e+02;
	v19 =	vtrunc.f32 v19  }
0x415: {  	v16 =	vclamp.gez.f32 v16, $5.110000000e+02;
	v22 =	vclamp.gez.f32 v22, $5.110000000e+02  }
0x416: {  	v20 =	vcvt.f32.s32 v20;
	v17 =	vcvt.f32.s32 v17  }
0x417: {  	v18 =	vtrunc.f32 v18;
	v19 =	vcvt.f32.s32 v19  }
0x418: {  	v16 =	vtrunc.f32 v16;
	v18 =	vcvt.f32.s32 v18  }
0x419: {  	v22 =	vtrunc.f32 v22;
	v16 =	vcvt.f32.s32 v16;
	v20 =	vshll.u32 v20, $0x9  }
0x41a: {  	[tilespmem:s10+$0x0] =	vst v21;
	v17 =	vshll.u32 v17, $0x9;
	v21 =	vcvt.f32.s32 v22;
	v18 =	vadd.s32 v18, v20  }
0x41b: {  	v19 =	vshll.u32 v19, $0x9;
	v16 =	vadd.s32 v16, v17;
	[tilespmem:s9+$0xFFFFFFE0] =	vst v18  }
0x41c: {  	[tilespmem:s9+$0xFFFFFFF0] =	vst v16;
	v16 =	vadd.s32 v21, v19  }
0x41d: {  	s7 =	simm.s32 $0xB00;
	[tilespmem:s9+$0x0] =	vst v16  }
0x41e: {  	[tilespmem:s3], [sflag:$0x2] =	stream.indirect.gather [hbm4b:s5+s24], $0x40, s7, s24, $0xb8;
	[tilespmem:$0x18C00] =	vst v63  }
0x41f: {  	s14 =	simm.s32 $0xB80;
	s15 =	simm.s32 $0xEC00;
	s16 =	simm.s32 $0x0  }
0x420: {  	[tilespmem:s15], [sflag:$0x2] =	stream.indirect.gather [hbm4b:s5+s24], $0x40, s14, s24, $0xb8;
	[tilespmem:$0x18C00] =	vst v63  }
0x421: {  	v16 =	vmov s16;
	_ =	swait.ge [sflag:s19], $0x2000  }
0x422: {  	v16 =	vand.u32 $0x3F, v16;
	[sflag:s19] =	ssyncset.done $0x0  }
0x423: {  	v16 =	vbroadcast v16, $0x0;
	[sflag:s19] =	ssyncadd.s32 $0xFFFFE000  }
0x424: {  	_ =	swait.ge [sflag:s19], $0x2000  }
0x425: {  	v17 =	vor.u32 v15, v16;
	[sflag:s19] =	ssyncset.done $0x0  }
0x426: {  	v18 =	vor.u32 v14, v16;
	[sflag:s19] =	ssyncadd.s32 $0xFFFFE000  }
0x427: {  	v19 =	vor.u32 v13, v16;
	_ =	swait.ge [sflag:s30], $0x4000  }
0x428: {  	v20 =	vor.u32 v12, v16;
	[sflag:s30] =	ssyncset.done $0x0  }
0x429: {  	v21 =	vor.u32 v11, v16;
	[sflag:s30] =	ssyncadd.s32 $0xFFFFC000  }
0x42a: {  	v22 =	vor.u32 v10, v16;
	v17 =	vld.idx.msk [tilespmem:v17+s0+$0x0], $0xffff  }
0x42b: {  	v23 =	vor.u32 v9, v16;
	v18 =	vld.idx.msk [tilespmem:v18+s0+$0x0], $0xffff  }
0x42c: {  	v24 =	vor.u32 v8, v16;
	v19 =	vld.idx.msk [tilespmem:v19+s0+$0x0], $0xffff  }
0x42d: {  	s17 =	sand.u32 $0xE000, s16;
	v25 =	vor.u32 v7, v16;
	v20 =	vld.idx.msk [tilespmem:v20+s0+$0x0], $0xffff  }
0x42e: {  	s9 =	sshrl.u32 s17, $0x2;
	s7 =	sand.u32 $0x380, s16;
	v26 =	vor.u32 v6, v16;
	v21 =	vld.idx.msk [tilespmem:v21+s0+$0x0], $0xffff  }
0x42f: {  	s22 =	sor.u32 s7, s9;
	v28 =	vor.u32 v4, v16;
	v22 =	vld.idx.msk [tilespmem:v22+s0+$0x0], $0xffff  }
0x430: {  	s28 =	simm.s32 $0x1;
	s9 =	sadd.s32 $0x14C00, s22;
	v27 =	vor.u32 v5, v16;
	v23 =	vld.idx.msk [tilespmem:v23+s0+$0x0], $0xffff  }
0x431: {  	v29 =	vor.u32 v1, v16;
	[tilespmem:s9+$0x470] =	vst v17;
	v17 =	vld.idx.msk [tilespmem:v24+s0+$0x0], $0xffff;
	v24 =	vmov s28  }
0x432: {  	v30 =	vor.u32 v0, v16;
	[tilespmem:s9+$0x460] =	vst v18;
	v18 =	vld.idx.msk [tilespmem:v25+s0+$0x0], $0xffff;
	v24 =	vand.u32 $0x3F, v24  }
0x433: {  	v25 =	vor.u32 v3, v16;
	[tilespmem:s9+$0x450] =	vst v19;
	v19 =	vld.idx.msk [tilespmem:v26+s0+$0x0], $0xffff;
	v31 =	vbroadcast v24, $0x0  }
0x434: {  	v16 =	vor.u32 v2, v16;
	[tilespmem:s9+$0x440] =	vst v20;
	v26 =	vld.idx.msk [tilespmem:v28+s0+$0x0], $0xffff  }
0x435: {  	[tilespmem:s9+$0x430] =	vst v21;
	v24 =	vld.idx.msk [tilespmem:v27+s0+$0x0], $0xffff;
	v21 =	vor.u32 v15, v31  }
0x436: {  	[tilespmem:s9+$0x420] =	vst v22;
	v27 =	vld.idx.msk [tilespmem:v29+s0+$0x0], $0xffff;
	v22 =	vor.u32 v14, v31  }
0x437: {  	[tilespmem:s9+$0x410] =	vst v23;
	v29 =	vld.idx.msk [tilespmem:v30+s0+$0x0], $0xffff;
	v28 =	vor.u32 v13, v31  }
0x438: {  	v23 =	vor.u32 v12, v31;
	v25 =	vld.idx.msk [tilespmem:v25+s0+$0x0], $0xffff;
	[tilespmem:s9+$0x400] =	vst v17  }
0x439: {  	v30 =	vor.u32 v11, v31;
	v20 =	vld.idx.msk [tilespmem:v16+s0+$0x0], $0xffff;
	[tilespmem:s9+$0x70] =	vst v18  }
0x43a: {  	v32 =	vor.u32 v10, v31;
	[tilespmem:s9+$0x40] =	vst v26;
	v33 =	vld.idx.msk [tilespmem:v21+s0+$0x0], $0xffff  }
0x43b: {  	s7 =	simm.s32 $0x400;
	v34 =	vor.u32 v9, v31;
	[tilespmem:s9+$0x60] =	vst v19;
	v35 =	vld.idx.msk [tilespmem:v22+s0+$0x0], $0xffff  }
0x43c: {  	s12 =	simm.s32 $0x80;
	s13 =	sand.u32 $0xE000, s7;
	v36 =	vor.u32 v8, v31;
	[tilespmem:s9+$0x50] =	vst v24;
	v22 =	vld.idx.msk [tilespmem:v28+s0+$0x0], $0xffff  }
0x43d: {  	s14 =	sand.u32 $0x380, s12;
	s13 =	sshrl.u32 s13, $0x2;
	[tilespmem:s22+$0x14C00] =	vst v29;
	v29 =	vor.u32 v7, v31;
	v21 =	vld.idx.msk [tilespmem:v23+s0+$0x0], $0xffff  }
0x43e: {  	s10 =	sor.u32 s14, s13;
	[tilespmem:s9+$0x10] =	vst v27;
	v27 =	vor.u32 v6, v31;
	v23 =	vld.idx.msk [tilespmem:v30+s0+$0x0], $0xffff  }
0x43f: {  	s15 =	sadd.s32 $0x14C00, s10;
	v17 =	vor.u32 v0, v31;
	v26 =	vld.idx.msk [tilespmem:v32+s0+$0x0], $0xffff;
	v28 =	vor.u32 v5, v31;
	[tilespmem:s9+$0x30] =	vst v25  }
0x440: {  	v16 =	vor.u32 v3, v31;
	v24 =	vld.idx.msk [tilespmem:v34+s0+$0x0], $0xffff;
	v30 =	vor.u32 v4, v31;
	[tilespmem:s15+$0x470] =	vst v33  }
0x441: {  	s13 =	simm.s32 $0x10;
	s14 =	simm.s32 $0x2;
	v19 =	vor.u32 v1, v31;
	v18 =	vor.u32 v2, v31;
	v25 =	vld.idx.msk [tilespmem:v36+s0+$0x0], $0xffff;
	[tilespmem:s15+$0x460] =	vst v35  }
.LBB2_29:
0x442: {  	v31 =	vmov s14;
	s13 =	sadd.s32 $0x10, s13;
	v29 =	vld.idx.msk [tilespmem:v29+s0+$0x0], $0xffff;
	[tilespmem:s15+$0x450] =	vst v22;
	s12 =	sadd.s32 $0x80, s12;
	s7 =	sadd.s32 $0x400, s7  }
0x443: {  	v22 =	vand.u32 $0x3F, v31;
	p0 =	slt.u32 s13, $0x3F0;
	v27 =	vld.idx.msk [tilespmem:v27+s0+$0x0], $0xffff;
	[tilespmem:s9+$0x20] =	vst v20;
	s9 =	smov.u32 s15  }
0x444: {  	v31 =	vbroadcast v22, $0x0;
	v22 =	vld.idx.msk [tilespmem:v28+s0+$0x0], $0xffff;
	[tilespmem:s9+$0x440] =	vst v21  }
0x445: {  	v21 =	vld.idx.msk [tilespmem:v30+s0+$0x0], $0xffff;
	[tilespmem:s9+$0x430] =	vst v23  }
0x446: {  	v20 =	vor.u32 v0, v31;
	v23 =	vor.u32 v3, v31;
	v28 =	vor.u32 v15, v31;
	[tilespmem:s9+$0x420] =	vst v26  }
0x447: {  	v26 =	vor.u32 v2, v31;
	v30 =	vor.u32 v14, v31;
	v32 =	vld.idx.msk [tilespmem:v19+s0+$0x0], $0xffff;
	v19 =	vor.u32 v1, v31  }
0x448: {  	v33 =	vor.u32 v13, v31;
	v34 =	vld.idx.msk [tilespmem:v17+s0+$0x0], $0xffff;
	[tilespmem:s9+$0x410] =	vst v24;
	v17 =	vmov v20  }
0x449: {  	v24 =	vor.u32 v12, v31;
	v35 =	vld.idx.msk [tilespmem:v16+s0+$0x0], $0xffff;
	[tilespmem:s9+$0x400] =	vst v25;
	v16 =	vmov v23  }
0x44a: {  	v23 =	vor.u32 v11, v31;
	v20 =	vld.idx.msk [tilespmem:v18+s0+$0x0], $0xffff;
	[tilespmem:s9+$0x70] =	vst v29;
	v18 =	vmov v26  }
0x44b: {  	v25 =	vor.u32 v10, v31;
	v36 =	vld.idx.msk [tilespmem:v28+s0+$0x0], $0xffff;
	[tilespmem:s9+$0x40] =	vst v21  }
0x44c: {  	v37 =	vor.u32 v9, v31;
	v38 =	vld.idx.msk [tilespmem:v30+s0+$0x0], $0xffff;
	[tilespmem:s9+$0x50] =	vst v22  }
0x44d: {  	s15 =	sand.u32 $0xE000, s7;
	v39 =	vor.u32 v8, v31;
	v22 =	vld.idx.msk [tilespmem:v33+s0+$0x0], $0xffff;
	[tilespmem:s9+$0x60] =	vst v27  }
.Ltmp13:
0x44e: {  	s16 =	sand.u32 $0x380, s12;
	s15 =	sshrl.u32 s15, $0x2;
	v29 =	vor.u32 v7, v31;
	v21 =	vld.idx.msk [tilespmem:v24+s0+$0x0], $0xffff;
	[tilespmem:s10+$0x14C00] =	vst v34;
	(pc) =	sbr.rel @p0 .LBB2_29-.Ltmp13, $4  }
0x44f: {  	v27 =	vor.u32 v6, v31;
	s10 =	sor.u32 s16, s15;
	v23 =	vld.idx.msk [tilespmem:v23+s0+$0x0], $0xffff;
	[tilespmem:s9+$0x30] =	vst v35  }
0x450: {  	v28 =	vor.u32 v5, v31;
	s15 =	sadd.s32 $0x14C00, s10;
	v26 =	vld.idx.msk [tilespmem:v25+s0+$0x0], $0xffff;
	[tilespmem:s9+$0x10] =	vst v32  }
0x451: {  	v30 =	vor.u32 v4, v31;
	v24 =	vld.idx.msk [tilespmem:v37+s0+$0x0], $0xffff;
	[tilespmem:s15+$0x470] =	vst v36  }
0x452: {  	s14 =	sadd.s32 $0x1, s14;
	v25 =	vld.idx.msk [tilespmem:v39+s0+$0x0], $0xffff;
	[tilespmem:s15+$0x460] =	vst v38  }
0x453: {  	_ =	sdelay $0x1  }
0x454: {  	[tilespmem:s15+$0x450] =	vst v22  }
0x455: {  	[tilespmem:s9+$0x20] =	vst v20  }
0x456: {  	v60 =	vld.idx.msk [tilespmem:v29+s0+$0x0], $0xffff;
	[tilespmem:s15+$0x440] =	vst v21  }
0x457: {  	v61 =	vld.idx.msk [tilespmem:v30+s0+$0x0], $0xffff;
	[tilespmem:s15+$0x430] =	vst v23  }
0x458: {  	v62 =	vld.idx.msk [tilespmem:v28+s0+$0x0], $0xffff;
	[tilespmem:s15+$0x420] =	vst v26  }
0x459: {  	v63 =	vld.idx.msk [tilespmem:v27+s0+$0x0], $0xffff;
	[tilespmem:s15+$0x410] =	vst v24  }
0x45a: {  	v17 =	vld.idx.msk [tilespmem:v17+s0+$0x0], $0xffff;
	[tilespmem:s15+$0x400] =	vst v25  }
0x45b: {  	v16 =	vld.idx.msk [tilespmem:v16+s0+$0x0], $0xffff;
	[tilespmem:s15+$0x70] =	vst v60  }
0x45c: {  	v19 =	vld.idx.msk [tilespmem:v19+s0+$0x0], $0xffff;
	[tilespmem:s15+$0x40] =	vst v61  }
0x45d: {  	v18 =	vld.idx.msk [tilespmem:v18+s0+$0x0], $0xffff;
	s1 =	sadd.s32 $0x1, s1;
	[tilespmem:s15+$0x50] =	vst v62  }
0x45e: {  	p0 =	sne.s32 s1, $0x18;
	[tilespmem:s15+$0x60] =	vst v63  }
.Ltmp14:
0x45f: {  	s7 =	sshll.u32 s8, $0x8;
	[tilespmem:s10+$0x14C00] =	vst v17;
	(pc) =	sbr.rel @p0 .LBB2_14-.Ltmp14, $4  }
0x460: {  	s28 =	sshll.u32 s8, $0xB;
	s7 =	sand.u32 $0xD00, s7;
	[tilespmem:s15+$0x30] =	vst v16  }
0x461: {  	s8 =	sand.u32 $0xFFF8000, s28;
	s7 =	sadd.s32 s6, s7;
	[tilespmem:s15+$0x10] =	vst v19  }
0x462: {  	s7 =	sadd.s32 s8, s7;
	[tilespmem:s15+$0x20] =	vst v18  }
0x463: {  	[hbm4b:s7+s25] =	stream.strided.scatter [tilespmem:s29], [sflag:$0x3], $0x4000, s20, s25, $0x38;
	[tilespmem:$0x18C00] =	vst v63  }
0x464: {  	_ =	swait.ge [sflag:s23], $0x200  }
0x465: {  	[sflag:s23] =	ssyncset.done $0x0  }
0x466: {  	s1 =	simm.s32 $0x0;
	[sflag:s23] =	ssyncadd.s32 $0xFFFFFE00  }
0x467: {  	v16 =	vmov s1;
	_ =	swait.ge [sflag:s19], $0x2000  }
0x468: {  	v16 =	vand.u32 $0x3F, v16;
	[sflag:s19] =	ssyncset.done $0x0  }
0x469: {  	v16 =	vbroadcast v16, $0x0;
	[sflag:s19] =	ssyncadd.s32 $0xFFFFE000  }
0x46a: {  	_ =	swait.ge [sflag:s19], $0x2000  }
0x46b: {  	v17 =	vor.u32 v15, v16;
	[sflag:s19] =	ssyncset.done $0x0  }
0x46c: {  	v18 =	vor.u32 v14, v16;
	[sflag:s19] =	ssyncadd.s32 $0xFFFFE000  }
0x46d: {  	v19 =	vor.u32 v13, v16;
	_ =	swait.ge [sflag:s30], $0x4000  }
0x46e: {  	v20 =	vor.u32 v12, v16;
	[sflag:s30] =	ssyncset.done $0x0  }
0x46f: {  	v21 =	vor.u32 v11, v16;
	[sflag:s30] =	ssyncadd.s32 $0xFFFFC000  }
0x470: {  	v22 =	vor.u32 v10, v16;
	v17 =	vld.idx.msk [tilespmem:v17+s11+$0x0], $0xffff  }
0x471: {  	v23 =	vor.u32 v9, v16;
	v18 =	vld.idx.msk [tilespmem:v18+s11+$0x0], $0xffff  }
0x472: {  	v24 =	vor.u32 v8, v16;
	v19 =	vld.idx.msk [tilespmem:v19+s11+$0x0], $0xffff  }
0x473: {  	s7 =	sand.u32 $0xE000, s1;
	v25 =	vor.u32 v7, v16;
	v20 =	vld.idx.msk [tilespmem:v20+s11+$0x0], $0xffff  }
0x474: {  	s1 =	sand.u32 $0x380, s1;
	s7 =	sshrl.u32 s7, $0x2;
	v26 =	vor.u32 v6, v16;
	v21 =	vld.idx.msk [tilespmem:v21+s11+$0x0], $0xffff  }
0x475: {  	s8 =	sor.u32 s1, s7;
	v28 =	vor.u32 v4, v16;
	v22 =	vld.idx.msk [tilespmem:v22+s11+$0x0], $0xffff  }
0x476: {  	s28 =	simm.s32 $0x1;
	s1 =	sadd.s32 $0x10C00, s8;
	v27 =	vor.u32 v5, v16;
	v23 =	vld.idx.msk [tilespmem:v23+s11+$0x0], $0xffff  }
0x477: {  	v29 =	vor.u32 v1, v16;
	[tilespmem:s1+$0x470] =	vst v17;
	v17 =	vld.idx.msk [tilespmem:v24+s11+$0x0], $0xffff;
	v24 =	vmov s28  }
0x478: {  	v30 =	vor.u32 v0, v16;
	[tilespmem:s1+$0x460] =	vst v18;
	v18 =	vld.idx.msk [tilespmem:v25+s11+$0x0], $0xffff;
	v24 =	vand.u32 $0x3F, v24  }
0x479: {  	v25 =	vor.u32 v3, v16;
	[tilespmem:s1+$0x450] =	vst v19;
	v19 =	vld.idx.msk [tilespmem:v26+s11+$0x0], $0xffff;
	v31 =	vbroadcast v24, $0x0  }
0x47a: {  	v16 =	vor.u32 v2, v16;
	[tilespmem:s1+$0x440] =	vst v20;
	v26 =	vld.idx.msk [tilespmem:v28+s11+$0x0], $0xffff  }
0x47b: {  	[tilespmem:s1+$0x430] =	vst v21;
	v24 =	vld.idx.msk [tilespmem:v27+s11+$0x0], $0xffff;
	v21 =	vor.u32 v15, v31  }
0x47c: {  	[tilespmem:s1+$0x420] =	vst v22;
	v27 =	vld.idx.msk [tilespmem:v29+s11+$0x0], $0xffff;
	v22 =	vor.u32 v14, v31  }
0x47d: {  	[tilespmem:s1+$0x410] =	vst v23;
	v29 =	vld.idx.msk [tilespmem:v30+s11+$0x0], $0xffff;
	v28 =	vor.u32 v13, v31  }
0x47e: {  	v23 =	vor.u32 v12, v31;
	v25 =	vld.idx.msk [tilespmem:v25+s11+$0x0], $0xffff;
	[tilespmem:s1+$0x400] =	vst v17  }
0x47f: {  	v30 =	vor.u32 v11, v31;
	v20 =	vld.idx.msk [tilespmem:v16+s11+$0x0], $0xffff;
	[tilespmem:s1+$0x70] =	vst v18  }
0x480: {  	v32 =	vor.u32 v10, v31;
	[tilespmem:s1+$0x40] =	vst v26;
	v33 =	vld.idx.msk [tilespmem:v21+s11+$0x0], $0xffff  }
0x481: {  	s7 =	simm.s32 $0x400;
	v34 =	vor.u32 v9, v31;
	[tilespmem:s1+$0x60] =	vst v19;
	v35 =	vld.idx.msk [tilespmem:v22+s11+$0x0], $0xffff  }
0x482: {  	s9 =	simm.s32 $0x80;
	s10 =	sand.u32 $0xE000, s7;
	v36 =	vor.u32 v8, v31;
	[tilespmem:s1+$0x50] =	vst v24;
	v22 =	vld.idx.msk [tilespmem:v28+s11+$0x0], $0xffff  }
0x483: {  	s12 =	sand.u32 $0x380, s9;
	s10 =	sshrl.u32 s10, $0x2;
	[tilespmem:s8+$0x10C00] =	vst v29;
	v29 =	vor.u32 v7, v31;
	v21 =	vld.idx.msk [tilespmem:v23+s11+$0x0], $0xffff  }
0x484: {  	s8 =	sor.u32 s12, s10;
	[tilespmem:s1+$0x10] =	vst v27;
	v27 =	vor.u32 v6, v31;
	v23 =	vld.idx.msk [tilespmem:v30+s11+$0x0], $0xffff  }
0x485: {  	v17 =	vor.u32 v0, v31;
	s13 =	sadd.s32 $0x10C00, s8;
	v26 =	vld.idx.msk [tilespmem:v32+s11+$0x0], $0xffff;
	v28 =	vor.u32 v5, v31;
	[tilespmem:s1+$0x30] =	vst v25  }
0x486: {  	v16 =	vor.u32 v3, v31;
	v24 =	vld.idx.msk [tilespmem:v34+s11+$0x0], $0xffff;
	v30 =	vor.u32 v4, v31;
	[tilespmem:s13+$0x470] =	vst v33  }
0x487: {  	v19 =	vor.u32 v1, v31;
	v18 =	vor.u32 v2, v31;
	s10 =	simm.s32 $0x10;
	s12 =	simm.s32 $0x2;
	v25 =	vld.idx.msk [tilespmem:v36+s11+$0x0], $0xffff;
	[tilespmem:s13+$0x460] =	vst v35  }
.LBB2_32:
0x488: {  	v31 =	vmov s12;
	s10 =	sadd.s32 $0x10, s10;
	v29 =	vld.idx.msk [tilespmem:v29+s11+$0x0], $0xffff;
	[tilespmem:s13+$0x450] =	vst v22;
	s9 =	sadd.s32 $0x80, s9;
	s7 =	sadd.s32 $0x400, s7  }
0x489: {  	v22 =	vand.u32 $0x3F, v31;
	p0 =	slt.u32 s10, $0x3F0;
	v27 =	vld.idx.msk [tilespmem:v27+s11+$0x0], $0xffff;
	[tilespmem:s1+$0x20] =	vst v20;
	s1 =	smov.u32 s13  }
0x48a: {  	v31 =	vbroadcast v22, $0x0;
	v22 =	vld.idx.msk [tilespmem:v28+s11+$0x0], $0xffff;
	[tilespmem:s1+$0x440] =	vst v21  }
0x48b: {  	v21 =	vld.idx.msk [tilespmem:v30+s11+$0x0], $0xffff;
	[tilespmem:s1+$0x430] =	vst v23  }
0x48c: {  	v20 =	vor.u32 v0, v31;
	v23 =	vor.u32 v3, v31;
	v28 =	vor.u32 v15, v31;
	[tilespmem:s1+$0x420] =	vst v26  }
0x48d: {  	v26 =	vor.u32 v2, v31;
	v30 =	vor.u32 v14, v31;
	v32 =	vld.idx.msk [tilespmem:v19+s11+$0x0], $0xffff;
	v19 =	vor.u32 v1, v31  }
0x48e: {  	v33 =	vor.u32 v13, v31;
	v34 =	vld.idx.msk [tilespmem:v17+s11+$0x0], $0xffff;
	[tilespmem:s1+$0x410] =	vst v24;
	v17 =	vmov v20  }
0x48f: {  	v24 =	vor.u32 v12, v31;
	v35 =	vld.idx.msk [tilespmem:v16+s11+$0x0], $0xffff;
	[tilespmem:s1+$0x400] =	vst v25;
	v16 =	vmov v23  }
0x490: {  	v23 =	vor.u32 v11, v31;
	v20 =	vld.idx.msk [tilespmem:v18+s11+$0x0], $0xffff;
	[tilespmem:s1+$0x70] =	vst v29;
	v18 =	vmov v26  }
0x491: {  	v25 =	vor.u32 v10, v31;
	v36 =	vld.idx.msk [tilespmem:v28+s11+$0x0], $0xffff;
	[tilespmem:s1+$0x40] =	vst v21  }
0x492: {  	v37 =	vor.u32 v9, v31;
	v38 =	vld.idx.msk [tilespmem:v30+s11+$0x0], $0xffff;
	[tilespmem:s1+$0x50] =	vst v22  }
0x493: {  	s13 =	sand.u32 $0xE000, s7;
	v39 =	vor.u32 v8, v31;
	v22 =	vld.idx.msk [tilespmem:v33+s11+$0x0], $0xffff;
	[tilespmem:s1+$0x60] =	vst v27  }
.Ltmp15:
0x494: {  	s14 =	sand.u32 $0x380, s9;
	s13 =	sshrl.u32 s13, $0x2;
	v29 =	vor.u32 v7, v31;
	v21 =	vld.idx.msk [tilespmem:v24+s11+$0x0], $0xffff;
	[tilespmem:s8+$0x10C00] =	vst v34;
	(pc) =	sbr.rel @p0 .LBB2_32-.Ltmp15, $4  }
0x495: {  	v27 =	vor.u32 v6, v31;
	s8 =	sor.u32 s14, s13;
	v23 =	vld.idx.msk [tilespmem:v23+s11+$0x0], $0xffff;
	[tilespmem:s1+$0x30] =	vst v35  }
0x496: {  	v28 =	vor.u32 v5, v31;
	s13 =	sadd.s32 $0x10C00, s8;
	v26 =	vld.idx.msk [tilespmem:v25+s11+$0x0], $0xffff;
	[tilespmem:s1+$0x10] =	vst v32  }
0x497: {  	v30 =	vor.u32 v4, v31;
	v24 =	vld.idx.msk [tilespmem:v37+s11+$0x0], $0xffff;
	[tilespmem:s13+$0x470] =	vst v36  }
0x498: {  	s12 =	sadd.s32 $0x1, s12;
	v25 =	vld.idx.msk [tilespmem:v39+s11+$0x0], $0xffff;
	[tilespmem:s13+$0x460] =	vst v38  }
0x499: {  	_ =	sdelay $0x1  }
0x49a: {  	[tilespmem:s13+$0x450] =	vst v22  }
0x49b: {  	[tilespmem:s1+$0x20] =	vst v20  }
0x49c: {  	v20 =	vld.idx.msk [tilespmem:v29+s11+$0x0], $0xffff;
	[tilespmem:s13+$0x440] =	vst v21  }
0x49d: {  	v21 =	vld.idx.msk [tilespmem:v30+s11+$0x0], $0xffff;
	[tilespmem:s13+$0x430] =	vst v23  }
0x49e: {  	v22 =	vld.idx.msk [tilespmem:v28+s11+$0x0], $0xffff;
	[tilespmem:s13+$0x420] =	vst v26  }
0x49f: {  	v17 =	vld.idx.msk [tilespmem:v17+s11+$0x0], $0xffff;
	[tilespmem:s13+$0x410] =	vst v24  }
0x4a0: {  	v16 =	vld.idx.msk [tilespmem:v16+s11+$0x0], $0xffff;
	[tilespmem:s13+$0x400] =	vst v25  }
0x4a1: {  	v19 =	vld.idx.msk [tilespmem:v19+s11+$0x0], $0xffff;
	[tilespmem:s13+$0x70] =	vst v20  }
0x4a2: {  	v18 =	vld.idx.msk [tilespmem:v18+s11+$0x0], $0xffff;
	[tilespmem:s13+$0x40] =	vst v21  }
0x4a3: {  	v23 =	vld.idx.msk [tilespmem:v27+s11+$0x0], $0xffff;
	[tilespmem:s13+$0x50] =	vst v22  }
0x4a4: {  	[tilespmem:s8+$0x10C00] =	vst v17  }
0x4a5: {  	[tilespmem:s13+$0x30] =	vst v16  }
0x4a6: {  	[tilespmem:s13+$0x10] =	vst v19  }
0x4a7: {  	[tilespmem:s13+$0x20] =	vst v18  }
0x4a8: {  	[tilespmem:s13+$0x60] =	vst v23  }
0x4a9: {  	s17 =	simm.s32 $0x0;
	s1 =	rddreg [dreg:$0xe]  }
0x4aa: {  	[hbm4b:s1+s25] =	stream.strided.scatter [tilespmem:s21], [sflag:$0x3], $0x4000, s20, s25, $0x38;
	[tilespmem:$0x18C00] =	vst v63  }
0x4ab: {  	v16 =	vmov s17;
	_ =	swait.ge [sflag:s19], $0x2000  }
0x4ac: {  	v16 =	vand.u32 $0x3F, v16;
	[sflag:s19] =	ssyncset.done $0x0  }
0x4ad: {  	v16 =	vbroadcast v16, $0x0;
	[sflag:s19] =	ssyncadd.s32 $0xFFFFE000  }
0x4ae: {  	_ =	swait.ge [sflag:s19], $0x2000  }
0x4af: {  	v17 =	vor.u32 v15, v16;
	[sflag:s19] =	ssyncset.done $0x0  }
0x4b0: {  	v18 =	vor.u32 v14, v16;
	[sflag:s19] =	ssyncadd.s32 $0xFFFFE000  }
0x4b1: {  	v19 =	vor.u32 v13, v16;
	_ =	swait.ge [sflag:s30], $0x4000  }
0x4b2: {  	v20 =	vor.u32 v12, v16;
	[sflag:s30] =	ssyncset.done $0x0  }
0x4b3: {  	v21 =	vor.u32 v11, v16;
	[sflag:s30] =	ssyncadd.s32 $0xFFFFC000  }
0x4b4: {  	v22 =	vor.u32 v10, v16;
	v17 =	vld.idx.msk [tilespmem:v17+s3+$0x0], $0xffff  }
0x4b5: {  	v23 =	vor.u32 v9, v16;
	v18 =	vld.idx.msk [tilespmem:v18+s3+$0x0], $0xffff  }
0x4b6: {  	v24 =	vor.u32 v8, v16;
	v19 =	vld.idx.msk [tilespmem:v19+s3+$0x0], $0xffff  }
0x4b7: {  	s7 =	sand.u32 $0xE000, s17;
	v25 =	vor.u32 v7, v16;
	v20 =	vld.idx.msk [tilespmem:v20+s3+$0x0], $0xffff  }
0x4b8: {  	s7 =	sshrl.u32 s7, $0x2;
	s1 =	sand.u32 $0x380, s17;
	v26 =	vor.u32 v6, v16;
	v21 =	vld.idx.msk [tilespmem:v21+s3+$0x0], $0xffff  }
0x4b9: {  	s22 =	sor.u32 s1, s7;
	v28 =	vor.u32 v4, v16;
	v22 =	vld.idx.msk [tilespmem:v22+s3+$0x0], $0xffff  }
0x4ba: {  	s28 =	simm.s32 $0x1;
	v27 =	vor.u32 v5, v16;
	s1 =	sadd.s32 $0x14C00, s22;
	v23 =	vld.idx.msk [tilespmem:v23+s3+$0x0], $0xffff  }
0x4bb: {  	v29 =	vor.u32 v1, v16;
	[tilespmem:s1+$0x470] =	vst v17;
	v17 =	vld.idx.msk [tilespmem:v24+s3+$0x0], $0xffff;
	v24 =	vmov s28  }
0x4bc: {  	v30 =	vor.u32 v0, v16;
	[tilespmem:s1+$0x460] =	vst v18;
	v18 =	vld.idx.msk [tilespmem:v25+s3+$0x0], $0xffff;
	v24 =	vand.u32 $0x3F, v24  }
0x4bd: {  	v25 =	vor.u32 v3, v16;
	[tilespmem:s1+$0x450] =	vst v19;
	v19 =	vld.idx.msk [tilespmem:v26+s3+$0x0], $0xffff;
	v31 =	vbroadcast v24, $0x0  }
0x4be: {  	v16 =	vor.u32 v2, v16;
	[tilespmem:s1+$0x440] =	vst v20;
	v26 =	vld.idx.msk [tilespmem:v28+s3+$0x0], $0xffff  }
0x4bf: {  	[tilespmem:s1+$0x430] =	vst v21;
	v24 =	vld.idx.msk [tilespmem:v27+s3+$0x0], $0xffff;
	v21 =	vor.u32 v15, v31  }
0x4c0: {  	[tilespmem:s1+$0x420] =	vst v22;
	v27 =	vld.idx.msk [tilespmem:v29+s3+$0x0], $0xffff;
	v22 =	vor.u32 v14, v31  }
0x4c1: {  	[tilespmem:s1+$0x410] =	vst v23;
	v29 =	vld.idx.msk [tilespmem:v30+s3+$0x0], $0xffff;
	v28 =	vor.u32 v13, v31  }
0x4c2: {  	v23 =	vor.u32 v12, v31;
	v25 =	vld.idx.msk [tilespmem:v25+s3+$0x0], $0xffff;
	[tilespmem:s1+$0x400] =	vst v17  }
0x4c3: {  	v30 =	vor.u32 v11, v31;
	v20 =	vld.idx.msk [tilespmem:v16+s3+$0x0], $0xffff;
	[tilespmem:s1+$0x70] =	vst v18  }
0x4c4: {  	v32 =	vor.u32 v10, v31;
	[tilespmem:s1+$0x40] =	vst v26;
	v33 =	vld.idx.msk [tilespmem:v21+s3+$0x0], $0xffff  }
0x4c5: {  	s7 =	simm.s32 $0x400;
	v34 =	vor.u32 v9, v31;
	[tilespmem:s1+$0x60] =	vst v19;
	v35 =	vld.idx.msk [tilespmem:v22+s3+$0x0], $0xffff  }
0x4c6: {  	s9 =	simm.s32 $0x80;
	s10 =	sand.u32 $0xE000, s7;
	v36 =	vor.u32 v8, v31;
	[tilespmem:s1+$0x50] =	vst v24;
	v22 =	vld.idx.msk [tilespmem:v28+s3+$0x0], $0xffff  }
0x4c7: {  	s12 =	sand.u32 $0x380, s9;
	s10 =	sshrl.u32 s10, $0x2;
	[tilespmem:s22+$0x14C00] =	vst v29;
	v29 =	vor.u32 v7, v31;
	v21 =	vld.idx.msk [tilespmem:v23+s3+$0x0], $0xffff  }
0x4c8: {  	s8 =	sor.u32 s12, s10;
	[tilespmem:s1+$0x10] =	vst v27;
	v27 =	vor.u32 v6, v31;
	v23 =	vld.idx.msk [tilespmem:v30+s3+$0x0], $0xffff  }
0x4c9: {  	s13 =	sadd.s32 $0x14C00, s8;
	v17 =	vor.u32 v0, v31;
	v26 =	vld.idx.msk [tilespmem:v32+s3+$0x0], $0xffff;
	v28 =	vor.u32 v5, v31;
	[tilespmem:s1+$0x30] =	vst v25  }
0x4ca: {  	v16 =	vor.u32 v3, v31;
	v24 =	vld.idx.msk [tilespmem:v34+s3+$0x0], $0xffff;
	v30 =	vor.u32 v4, v31;
	[tilespmem:s13+$0x470] =	vst v33  }
0x4cb: {  	s10 =	simm.s32 $0x10;
	s12 =	simm.s32 $0x2;
	v19 =	vor.u32 v1, v31;
	v18 =	vor.u32 v2, v31;
	v25 =	vld.idx.msk [tilespmem:v36+s3+$0x0], $0xffff;
	[tilespmem:s13+$0x460] =	vst v35  }
.LBB2_34:
0x4cc: {  	v31 =	vmov s12;
	s10 =	sadd.s32 $0x10, s10;
	v29 =	vld.idx.msk [tilespmem:v29+s3+$0x0], $0xffff;
	[tilespmem:s13+$0x450] =	vst v22;
	s9 =	sadd.s32 $0x80, s9;
	s7 =	sadd.s32 $0x400, s7  }
0x4cd: {  	v22 =	vand.u32 $0x3F, v31;
	p0 =	slt.u32 s10, $0x3F0;
	v27 =	vld.idx.msk [tilespmem:v27+s3+$0x0], $0xffff;
	[tilespmem:s1+$0x20] =	vst v20;
	s1 =	smov.u32 s13  }
0x4ce: {  	v31 =	vbroadcast v22, $0x0;
	v22 =	vld.idx.msk [tilespmem:v28+s3+$0x0], $0xffff;
	[tilespmem:s1+$0x440] =	vst v21  }
0x4cf: {  	v21 =	vld.idx.msk [tilespmem:v30+s3+$0x0], $0xffff;
	[tilespmem:s1+$0x430] =	vst v23  }
0x4d0: {  	v20 =	vor.u32 v0, v31;
	v23 =	vor.u32 v3, v31;
	v28 =	vor.u32 v15, v31;
	[tilespmem:s1+$0x420] =	vst v26  }
0x4d1: {  	v26 =	vor.u32 v2, v31;
	v30 =	vor.u32 v14, v31;
	v32 =	vld.idx.msk [tilespmem:v19+s3+$0x0], $0xffff;
	v19 =	vor.u32 v1, v31  }
0x4d2: {  	v33 =	vor.u32 v13, v31;
	v34 =	vld.idx.msk [tilespmem:v17+s3+$0x0], $0xffff;
	[tilespmem:s1+$0x410] =	vst v24;
	v17 =	vmov v20  }
0x4d3: {  	v24 =	vor.u32 v12, v31;
	v35 =	vld.idx.msk [tilespmem:v16+s3+$0x0], $0xffff;
	[tilespmem:s1+$0x400] =	vst v25;
	v16 =	vmov v23  }
0x4d4: {  	v23 =	vor.u32 v11, v31;
	v20 =	vld.idx.msk [tilespmem:v18+s3+$0x0], $0xffff;
	[tilespmem:s1+$0x70] =	vst v29;
	v18 =	vmov v26  }
0x4d5: {  	v25 =	vor.u32 v10, v31;
	v36 =	vld.idx.msk [tilespmem:v28+s3+$0x0], $0xffff;
	[tilespmem:s1+$0x40] =	vst v21  }
0x4d6: {  	v37 =	vor.u32 v9, v31;
	v38 =	vld.idx.msk [tilespmem:v30+s3+$0x0], $0xffff;
	[tilespmem:s1+$0x50] =	vst v22  }
0x4d7: {  	s13 =	sand.u32 $0xE000, s7;
	v39 =	vor.u32 v8, v31;
	v22 =	vld.idx.msk [tilespmem:v33+s3+$0x0], $0xffff;
	[tilespmem:s1+$0x60] =	vst v27  }
.Ltmp16:
0x4d8: {  	s14 =	sand.u32 $0x380, s9;
	s13 =	sshrl.u32 s13, $0x2;
	v29 =	vor.u32 v7, v31;
	v21 =	vld.idx.msk [tilespmem:v24+s3+$0x0], $0xffff;
	[tilespmem:s8+$0x14C00] =	vst v34;
	(pc) =	sbr.rel @p0 .LBB2_34-.Ltmp16, $4  }
0x4d9: {  	v27 =	vor.u32 v6, v31;
	s8 =	sor.u32 s14, s13;
	v23 =	vld.idx.msk [tilespmem:v23+s3+$0x0], $0xffff;
	[tilespmem:s1+$0x30] =	vst v35  }
0x4da: {  	v28 =	vor.u32 v5, v31;
	s13 =	sadd.s32 $0x14C00, s8;
	v26 =	vld.idx.msk [tilespmem:v25+s3+$0x0], $0xffff;
	[tilespmem:s1+$0x10] =	vst v32  }
0x4db: {  	v30 =	vor.u32 v4, v31;
	v24 =	vld.idx.msk [tilespmem:v37+s3+$0x0], $0xffff;
	[tilespmem:s13+$0x470] =	vst v36  }
0x4dc: {  	s12 =	sadd.s32 $0x1, s12;
	v25 =	vld.idx.msk [tilespmem:v39+s3+$0x0], $0xffff;
	[tilespmem:s13+$0x460] =	vst v38  }
0x4dd: {  	_ =	sdelay $0x1  }
0x4de: {  	[tilespmem:s13+$0x450] =	vst v22  }
0x4df: {  	[tilespmem:s1+$0x20] =	vst v20  }
0x4e0: {  	v60 =	vld.idx.msk [tilespmem:v29+s3+$0x0], $0xffff;
	[tilespmem:s13+$0x440] =	vst v21  }
0x4e1: {  	v61 =	vld.idx.msk [tilespmem:v30+s3+$0x0], $0xffff;
	[tilespmem:s13+$0x430] =	vst v23  }
0x4e2: {  	v62 =	vld.idx.msk [tilespmem:v28+s3+$0x0], $0xffff;
	[tilespmem:s13+$0x420] =	vst v26  }
0x4e3: {  	v63 =	vld.idx.msk [tilespmem:v27+s3+$0x0], $0xffff;
	[tilespmem:s13+$0x410] =	vst v24  }
0x4e4: {  	v17 =	vld.idx.msk [tilespmem:v17+s3+$0x0], $0xffff;
	[tilespmem:s13+$0x400] =	vst v25  }
0x4e5: {  	v16 =	vld.idx.msk [tilespmem:v16+s3+$0x0], $0xffff;
	[tilespmem:s13+$0x70] =	vst v60  }
0x4e6: {  	v19 =	vld.idx.msk [tilespmem:v19+s3+$0x0], $0xffff;
	[tilespmem:s13+$0x40] =	vst v61  }
0x4e7: {  	v18 =	vld.idx.msk [tilespmem:v18+s3+$0x0], $0xffff;
	[tilespmem:s13+$0x50] =	vst v62  }
0x4e8: {  	[tilespmem:s13+$0x60] =	vst v63  }
0x4e9: {  	[tilespmem:s8+$0x14C00] =	vst v17  }
0x4ea: {  	[tilespmem:s13+$0x30] =	vst v16  }
0x4eb: {  	[tilespmem:s13+$0x10] =	vst v19  }
0x4ec: {  	[tilespmem:s13+$0x20] =	vst v18  }
0x4ed: {  	s1 =	rddreg [dreg:$0xf]  }
0x4ee: {  	[hbm4b:s1+s25] =	stream.strided.scatter [tilespmem:s29], [sflag:$0x3], $0x4000, s20, s25, $0x38;
	[tilespmem:$0x18C00] =	vst v63  }
0x4ef: {  	_ =	swait.ge [sflag:s30], $0x4000  }
0x4f0: {  	[sflag:s30] =	ssyncset.done $0x0  }
0x4f1: {  	[sflag:s30] =	ssyncadd.s32 $0xFFFFC000  }
0x4f2: {  	_ =	swait.ge [sflag:s30], $0x4000  }
0x4f3: {  	s7 =	rddreg [dreg:$0x11]  }
0x4f4: {  	s28 =	rddreg [dreg:$0x10];
	s7 =	sadd.s32 $0x1, s7  }
0x4f5: {  	p0 =	sne.s32 s7, s28  }
.Ltmp17:
0x4f6: {  	_ = 	snop;
	(pc) =	sbr.rel @p0 .LBB2_1-.Ltmp17, $3  }
0x4f7: {  	_ =	sdelay $0x1  }
0x4f8: {  	[sflag:s30] =	ssyncset.done $0x0  }
0x4f9: {  	[sflag:s30] =	ssyncadd.s32 $0xFFFFC000  }
0x4fa: {  	_ =	sfence.sel $0x180000  }
0x4fb: {  	[bflag:$0x0] =	sbarrier.arrive $0xFFFF  }
0x4fc: {  	_ =	strace $0x90000047  }
0x4fd: {  	s0 =	stileid.u32;
	[bflag:$0x2] =	sbarrier.arrive $0xFFFF  }
0x4fe: {  	p0 =	sne.s32 s0, $0x0;
	s0 =	rddreg [dreg:$0x2]  }
0x4ff: {  	s0 =	sadd.s32 @!p0 $0x100000, s0  }
0x500: {  	[sflag:s0] =	ssyncadd.tile.s32 @!p0 $0x1;
	_ =	shalt  }
.Lfunc_end2:
_tile_overlayer_lowered:
.L_overlay_start_2:
0x501: {  	(tag) =	ssettag $0x2  }
0x502: {  	s0 =	rddreg [dreg:$0x0];
	s2 =	stileid.u32  }
0x503: {  	s1 =	rddreg [dreg:$0x1];
	p0 =	sne.s32 s2, $0x0  }
0x504: {  	s3 =	rddreg [dreg:$0x2];
	[bflag:$0x3] =	sbarrier.arrive $0xFFFF;
	s2 =	simm.s32 @!p0 $0x1C04  }
0x505: {  	[timem:s3], [sflag:s2] =	dma.local @!p0 [hbm:s0], s1  }
0x506: {  	s0 =	simm.s32 @!p0 $0x4  }
0x507: {  	_ =	swait.ge @!p0 [sflag:s0], s1  }
0x508: {  	s1 =	ssub.s32 @!p0 $0x0, s1;
	[sflag:s0] =	ssyncset.done @!p0 $0x0  }
0x509: {  	[sflag:s0] =	ssyncadd.s32 @!p0 s1  }
0x50a: {  	[bflag:$0x3] =	sbarrier.arrive $0xFFFF  }
0x50b: {  	_ =	shalt  }

</sc_bundles>
